<compile_context>
chip_gen: v7x
topology: tpu7x:2x2x1
jax: 0.10.2.dev20260603
libtpu: 0.0.44.dev20260713+nightly
codegen_flags: <defaults>
</compile_context>

<pallas_src>
import jax
import jax.numpy as jnp
from jax import lax
from jax.experimental import pallas as pl
from jax.experimental.pallas import tpu as pltpu
from jax.experimental.pallas import tpu_sc as plsc

BATCH = 1024
SEQ = 200
D = 128
LANES = 16
NUM_WORKERS = 32
SEQ_PER_W = BATCH // NUM_WORKERS
SPLIT = 104
NBUF = 3
CHUNKS_LO = ((0, SPLIT),)
CHUNKS_HI = ((SPLIT, SEQ - SPLIT),)


def _issue_gather(tgt_hbm, idx_all, s, rows, sem_lo, sem_hi):
    pltpu.async_copy(
        tgt_hbm.at[idx_all.at[pl.ds(s * SEQ, SPLIT)]], rows.at[pl.ds(0, SPLIT)], sem_lo
    )
    pltpu.async_copy(
        tgt_hbm.at[idx_all.at[pl.ds(s * SEQ + SPLIT, SEQ - SPLIT)]],
        rows.at[pl.ds(SPLIT, SEQ - SPLIT)],
        sem_hi,
    )


def _emb_body(
    x_hbm, tgt_hbm, pos_hbm, out_hbm,
    idx_all, rows0, rows1, rows2, pos_v,
    glo0, glo1, glo2, ghi0, ghi1, ghi2, wsem0, wsem1, wsem2,
):
    info = plsc.get_sparse_core_info()
    wid = lax.axis_index("s") * info.num_cores + lax.axis_index("c")
    base = wid * SEQ_PER_W

    pltpu.sync_copy(pos_hbm, pos_v)
    pltpu.sync_copy(x_hbm.at[pl.ds(base * SEQ, SEQ_PER_W * SEQ)], idx_all)

    rows = (rows0, rows1, rows2)
    glo = (glo0, glo1, glo2)
    ghi = (ghi0, ghi1, ghi2)
    wsem = (wsem0, wsem1, wsem2)

    def drain(p, sem, n_rows):
        pltpu.make_async_copy(out_hbm.at[0].at[pl.ds(0, n_rows)],
                              rows[p].at[pl.ds(0, n_rows)], sem).wait()

    def drain_write(p):
        pltpu.make_async_copy(rows[p], out_hbm.at[0], wsem[p]).wait()

    def add_write_chunks(p, s_eff, chunks):
        for off, cnt in chunks:
            @plsc.parallel_loop(off, off + cnt, 1, unroll=8)
            def add_row(r):
                for c in range(D // LANES):
                    sl = pl.ds(c * LANES, LANES)
                    plsc.addupdate(rows[p].at[r, sl], pos_v[r, sl])

            pltpu.async_copy(
                rows[p].at[pl.ds(off, cnt)],
                out_hbm.at[base + s_eff].at[pl.ds(off, cnt)],
                wsem[p],
            )

    def process(p, s_eff):
        drain(p, glo[p], SPLIT)
        add_write_chunks(p, s_eff, CHUNKS_LO)
        drain(p, ghi[p], SEQ - SPLIT)
        add_write_chunks(p, s_eff, CHUNKS_HI)

    _issue_gather(tgt_hbm, idx_all, 0, rows[0], glo[0], ghi[0])

    @pl.loop(0, SEQ_PER_W - 2, step=NBUF)
    def per_triple(s):
        for p in range(NBUF):
            s_eff = s + p

            @pl.when(s_eff >= 1)
            def _():
                drain_write((p + 2) % NBUF)

            q = (p + 1) % NBUF
            _issue_gather(tgt_hbm, idx_all, s_eff + 1, rows[q], glo[q], ghi[q])
            process(p, s_eff)

    drain_write(2)
    _issue_gather(tgt_hbm, idx_all, SEQ_PER_W - 1, rows[1], glo[1], ghi[1])
    process(0, SEQ_PER_W - 2)
    process(1, SEQ_PER_W - 1)
    drain_write(0)
    drain_write(1)


def kernel(X_input, tgt_table, pos_table):
    mesh = plsc.VectorSubcoreMesh(core_axis_name="c", subcore_axis_name="s")
    run = pl.kernel(
        _emb_body,
        out_type=jax.ShapeDtypeStruct((BATCH, SEQ, D), jnp.float32),
        mesh=mesh,
        scratch_types=[
            pltpu.VMEM((SEQ_PER_W * SEQ,), jnp.int32),
            pltpu.VMEM((SEQ, D), jnp.float32),
            pltpu.VMEM((SEQ, D), jnp.float32),
            pltpu.VMEM((SEQ, D), jnp.float32),
            pltpu.VMEM((SEQ, D), jnp.float32),
            pltpu.SemaphoreType.DMA,
            pltpu.SemaphoreType.DMA,
            pltpu.SemaphoreType.DMA,
            pltpu.SemaphoreType.DMA,
            pltpu.SemaphoreType.DMA,
            pltpu.SemaphoreType.DMA,
            pltpu.SemaphoreType.DMA,
            pltpu.SemaphoreType.DMA,
            pltpu.SemaphoreType.DMA,
        ],
    )
    return run(X_input.reshape(-1), tgt_table, pos_table)

# --- scband reference (transcript-rebuilt; emitter-appended) ---
"""Pipeline reference for scband-embedding-61237643707043 (READ-ONLY COPY).

The authoritative reference and input builder live on the scoring server;
editing this copy changes nothing except your own understanding.
"""

import jax, jax.numpy as jnp
import numpy as np

VOCAB_SIZE = 100000
D_MODEL = 128
MAX_POS = 200
BATCH = 1024
SEQ_LEN = 200


def setup_inputs(seed: int = 0) -> dict:
    key = jax.random.key(seed)
    k1, k2, k3 = jax.random.split(key, 3)
    X_input = jax.random.randint(k1, (BATCH, SEQ_LEN), 0, VOCAB_SIZE, dtype=jnp.int64 if jax.config.jax_enable_x64 else jnp.int32)
    tgt_table = jax.random.normal(k2, (VOCAB_SIZE, D_MODEL), dtype=jnp.float32) * 0.02
    pos_table = jax.random.normal(k3, (MAX_POS, D_MODEL), dtype=jnp.float32) * 0.02
    return {"X_input": X_input, "tgt_table": tgt_table, "pos_table": pos_table}


def reference(X_input, tgt_table, pos_table):
    seq_len = X_input.shape[1]
    pos = jnp.arange(seq_len, dtype=X_input.dtype)
    pos = jnp.broadcast_to(pos[None, :], X_input.shape)
    tgt = jnp.take(tgt_table, X_input, axis=0)
    pos_emb = jnp.take(pos_table, pos, axis=0)
    emb = tgt + pos_emb
    return emb

if __name__ == "__main__":
    import jax
    _d = setup_inputs()
    print(jax.jit(kernel)(*tuple(_d.values())))

</pallas_src>

<mosaic_0001>
#map = affine_map<(d0, d1) -> (0)>
#map1 = affine_map<(d0, d1) -> (0, 0)>
#map2 = affine_map<(d0, d1) -> (0, 0, 0)>
module attributes {stable_mosaic.version = 14 : i64} {
  func.func @_emb_body(%arg0: i32, %arg1: i32, %arg2: memref<204800xi32, #tpu.memory_space<hbm>>, %arg3: memref<100000x128xf32, #tpu.memory_space<hbm>>, %arg4: memref<200x128xf32, #tpu.memory_space<hbm>>, %arg5: memref<1024x200x128xf32, #tpu.memory_space<hbm>>, %arg6: memref<6400xi32, #tpu.memory_space<vmem>>, %arg7: memref<200x128xf32, #tpu.memory_space<vmem>>, %arg8: memref<200x128xf32, #tpu.memory_space<vmem>>, %arg9: memref<200x128xf32, #tpu.memory_space<vmem>>, %arg10: memref<200x128xf32, #tpu.memory_space<vmem>>, %arg11: memref<!tpu.dma_semaphore, #tpu.memory_space<semaphore_mem>>, %arg12: memref<!tpu.dma_semaphore, #tpu.memory_space<semaphore_mem>>, %arg13: memref<!tpu.dma_semaphore, #tpu.memory_space<semaphore_mem>>, %arg14: memref<!tpu.dma_semaphore, #tpu.memory_space<semaphore_mem>>, %arg15: memref<!tpu.dma_semaphore, #tpu.memory_space<semaphore_mem>>, %arg16: memref<!tpu.dma_semaphore, #tpu.memory_space<semaphore_mem>>, %arg17: memref<!tpu.dma_semaphore, #tpu.memory_space<semaphore_mem>>, %arg18: memref<!tpu.dma_semaphore, #tpu.memory_space<semaphore_mem>>, %arg19: memref<!tpu.dma_semaphore, #tpu.memory_space<semaphore_mem>>) attributes {dimension_semantics = [#tpu.dimension_semantics<core_parallel>, #tpu.dimension_semantics<subcore_parallel>], iteration_bounds = array<i64: 2, 16>, scalar_prefetch = 0 : i64, scratch_operands = 14 : i64, tpu.core_type = #tpu.core_type<sc_vector_subcore>, window_params = [{transform_indices = #map}, {transform_indices = #map1}, {transform_indices = #map1}, {transform_indices = #map2}]} {
    %mul3A = arith.constant 2 : i32
    %mul3A_0 = arith.muli %arg1, %mul3A : i32
    %add3A = arith.addi %mul3A_0, %arg0 : i32
    %mul3A_1 = arith.constant 32 : i32
    %mul3A_2 = arith.muli %add3A, %mul3A_1 : i32
    "tpu.region"() ({
      %run_scoped3A = tpu.sem_alloc : memref<!tpu.dma_semaphore, #tpu.memory_space<semaphore_mem>>
      tpu.enqueue_dma source(%arg4 : memref<200x128xf32, #tpu.memory_space<hbm>>) target(%arg10 : memref<200x128xf32, #tpu.memory_space<vmem>>) target_semaphore(%run_scoped3A : memref<!tpu.dma_semaphore, #tpu.memory_space<semaphore_mem>>)
      tpu.wait_dma2 semaphore(%run_scoped3A : memref<!tpu.dma_semaphore, #tpu.memory_space<semaphore_mem>>) src(%arg4 : memref<200x128xf32, #tpu.memory_space<hbm>>) dst(%arg10 : memref<200x128xf32, #tpu.memory_space<vmem>>)
      tpu.yield
    }) : () -> ()
    %mul3A_3 = arith.constant 200 : i32
    %mul3A_4 = arith.muli %mul3A_2, %mul3A_3 : i32
    "tpu.region"() ({
      %run_scoped3A = tpu.sem_alloc : memref<!tpu.dma_semaphore, #tpu.memory_space<semaphore_mem>>
      %dma_start3A_249 = tpu.memref_slice %arg2[%mul3A_4] : memref<204800xi32, #tpu.memory_space<hbm>> -> memref<6400xi32, #tpu.memory_space<hbm>>
      %dma_start3A_250 = tpu.memref_slice %arg2[%mul3A_4] : memref<204800xi32, #tpu.memory_space<hbm>> -> memref<6400xi32, #tpu.memory_space<hbm>>
      tpu.enqueue_dma source(%dma_start3A_250 : memref<6400xi32, #tpu.memory_space<hbm>>) target(%arg6 : memref<6400xi32, #tpu.memory_space<vmem>>) target_semaphore(%run_scoped3A : memref<!tpu.dma_semaphore, #tpu.memory_space<semaphore_mem>>)
      %dma_wait3A_251 = tpu.memref_slice %arg2[%mul3A_4] : memref<204800xi32, #tpu.memory_space<hbm>> -> memref<6400xi32, #tpu.memory_space<hbm>>
      %dma_wait3A_252 = tpu.memref_slice %arg2[%mul3A_4] : memref<204800xi32, #tpu.memory_space<hbm>> -> memref<6400xi32, #tpu.memory_space<hbm>>
      tpu.wait_dma2 semaphore(%run_scoped3A : memref<!tpu.dma_semaphore, #tpu.memory_space<semaphore_mem>>) src(%dma_wait3A_252 : memref<6400xi32, #tpu.memory_space<hbm>>) dst(%arg6 : memref<6400xi32, #tpu.memory_space<vmem>>)
      tpu.yield
    }) : () -> ()
    %dma_start3A = arith.constant 0 : i32
    %dma_start3A_5 = arith.constant 0 : i32
    %dma_start3A_6 = tpu.memref_slice %arg7[%dma_start3A, %dma_start3A_5] : memref<200x128xf32, #tpu.memory_space<vmem>> -> memref<104x128xf32, #tpu.memory_space<vmem>>
    %dma_start3A_7 = arith.constant 0 : i32
    %dma_start3A_8 = tpu.memref_slice %arg6[%dma_start3A_7] : memref<6400xi32, #tpu.memory_space<vmem>> -> memref<104xi32, #tpu.memory_space<vmem>>
    %dma_start3A_9 = arith.constant 0 : i32
    %dma_start3A_10 = arith.constant 0 : i32
    %dma_start3A_11 = tpu.memref_slice %arg3[%dma_start3A_9, %dma_start3A_10] : memref<100000x128xf32, #tpu.memory_space<hbm>> -> memref<100000x128xf32, #tpu.memory_space<hbm>>
    tpu.enqueue_indirect_dma source(%dma_start3A_11 : memref<100000x128xf32, #tpu.memory_space<hbm>>) target(%dma_start3A_6 : memref<104x128xf32, #tpu.memory_space<vmem>>) offsets(%dma_start3A_8 : memref<104xi32, #tpu.memory_space<vmem>>) semaphore(%arg11 : memref<!tpu.dma_semaphore, #tpu.memory_space<semaphore_mem>>)
    %dma_start3A_12 = arith.constant 104 : i32
    %dma_start3A_13 = arith.constant 0 : i32
    %dma_start3A_14 = tpu.memref_slice %arg7[%dma_start3A_12, %dma_start3A_13] : memref<200x128xf32, #tpu.memory_space<vmem>> -> memref<96x128xf32, #tpu.memory_space<vmem>>
    %dma_start3A_15 = arith.constant 104 : i32
    %dma_start3A_16 = tpu.memref_slice %arg6[%dma_start3A_15] : memref<6400xi32, #tpu.memory_space<vmem>> -> memref<96xi32, #tpu.memory_space<vmem>>
    %dma_start3A_17 = arith.constant 0 : i32
    %dma_start3A_18 = arith.constant 0 : i32
    %dma_start3A_19 = tpu.memref_slice %arg3[%dma_start3A_17, %dma_start3A_18] : memref<100000x128xf32, #tpu.memory_space<hbm>> -> memref<100000x128xf32, #tpu.memory_space<hbm>>
    tpu.enqueue_indirect_dma source(%dma_start3A_19 : memref<100000x128xf32, #tpu.memory_space<hbm>>) target(%dma_start3A_14 : memref<96x128xf32, #tpu.memory_space<vmem>>) offsets(%dma_start3A_16 : memref<96xi32, #tpu.memory_space<vmem>>) semaphore(%arg14 : memref<!tpu.dma_semaphore, #tpu.memory_space<semaphore_mem>>)
    %scan3A = arith.constant 0 : i32
    %scan3A_20 = arith.constant 10 : i32
    %scan3A_21 = arith.addi %scan3A, %scan3A_20 : i32
    %scan3A_22 = arith.constant 1 : i32
    scf.for %scan3A_249 = %scan3A to %scan3A_21 step %scan3A_22  : i32 {
      %mul3A_250 = arith.constant 3 : i32
      %mul3A_251 = arith.muli %scan3A_249, %mul3A_250 : i32
      %add3A_252 = arith.constant 0 : i32
      %add3A_253 = arith.addi %add3A_252, %mul3A_251 : i32
      %add3A_254 = arith.constant 0 : i32
      %add3A_255 = arith.addi %add3A_253, %add3A_254 : i32
      %ge3A = arith.constant 1 : i32
      %ge3A_256 = arith.cmpi sge, %add3A_255, %ge3A : i32
      %convert_element_type3A = arith.extui %ge3A_256 : i1 to i32
      %cond3A = arith.constant 0 : i32
      %cond3A_257 = arith.cmpi ne, %convert_element_type3A, %cond3A : i32
      scf.if %cond3A_257 {
        %dma_wait3A_608 = arith.constant 0 : i32
        %dma_wait3A_609 = arith.constant 0 : i32
        %dma_wait3A_610 = arith.constant 0 : i32
        %dma_wait3A_611 = tpu.memref_slice %arg5[%dma_wait3A_608, %dma_wait3A_609, %dma_wait3A_610] : memref<1024x200x128xf32, #tpu.memory_space<hbm>> -> memref<1x200x128xf32, #tpu.memory_space<hbm>>
        %dma_wait3A_612 = tpu.memref_squeeze %dma_wait3A_611 : memref<1x200x128xf32, #tpu.memory_space<hbm>> -> memref<200x128xf32, #tpu.memory_space<hbm>>
        %dma_wait3A_613 = arith.constant 0 : i32
        %dma_wait3A_614 = arith.constant 0 : i32
        %dma_wait3A_615 = tpu.memref_slice %arg5[%dma_wait3A_608, %dma_wait3A_613, %dma_wait3A_614] : memref<1024x200x128xf32, #tpu.memory_space<hbm>> -> memref<1x200x128xf32, #tpu.memory_space<hbm>>
        %dma_wait3A_616 = tpu.memref_squeeze %dma_wait3A_615 : memref<1x200x128xf32, #tpu.memory_space<hbm>> -> memref<200x128xf32, #tpu.memory_space<hbm>>
        tpu.wait_dma2 semaphore(%arg19 : memref<!tpu.dma_semaphore, #tpu.memory_space<semaphore_mem>>) src(%arg9 : memref<200x128xf32, #tpu.memory_space<vmem>>) dst(%dma_wait3A_616 : memref<200x128xf32, #tpu.memory_space<hbm>>)
      } else {
      }
      %add3A_258 = arith.constant 1 : i32
      %add3A_259 = arith.addi %add3A_255, %add3A_258 : i32
      %mul3A_260 = arith.constant 200 : i32
      %mul3A_261 = arith.muli %add3A_259, %mul3A_260 : i32
      %dma_start3A_262 = arith.constant 0 : i32
      %dma_start3A_263 = arith.constant 0 : i32
      %dma_start3A_264 = tpu.memref_slice %arg8[%dma_start3A_262, %dma_start3A_263] : memref<200x128xf32, #tpu.memory_space<vmem>> -> memref<104x128xf32, #tpu.memory_space<vmem>>
      %dma_start3A_265 = tpu.memref_slice %arg6[%mul3A_261] : memref<6400xi32, #tpu.memory_space<vmem>> -> memref<104xi32, #tpu.memory_space<vmem>>
      %dma_start3A_266 = arith.constant 0 : i32
      %dma_start3A_267 = arith.constant 0 : i32
      %dma_start3A_268 = tpu.memref_slice %arg3[%dma_start3A_266, %dma_start3A_267] : memref<100000x128xf32, #tpu.memory_space<hbm>> -> memref<100000x128xf32, #tpu.memory_space<hbm>>
      tpu.enqueue_indirect_dma source(%dma_start3A_268 : memref<100000x128xf32, #tpu.memory_space<hbm>>) target(%dma_start3A_264 : memref<104x128xf32, #tpu.memory_space<vmem>>) offsets(%dma_start3A_265 : memref<104xi32, #tpu.memory_space<vmem>>) semaphore(%arg12 : memref<!tpu.dma_semaphore, #tpu.memory_space<semaphore_mem>>)
      %mul3A_269 = arith.constant 200 : i32
      %mul3A_270 = arith.muli %add3A_259, %mul3A_269 : i32
      %add3A_271 = arith.constant 104 : i32
      %add3A_272 = arith.addi %mul3A_270, %add3A_271 : i32
      %dma_start3A_273 = arith.constant 104 : i32
      %dma_start3A_274 = arith.constant 0 : i32
      %dma_start3A_275 = tpu.memref_slice %arg8[%dma_start3A_273, %dma_start3A_274] : memref<200x128xf32, #tpu.memory_space<vmem>> -> memref<96x128xf32, #tpu.memory_space<vmem>>
      %dma_start3A_276 = tpu.memref_slice %arg6[%add3A_272] : memref<6400xi32, #tpu.memory_space<vmem>> -> memref<96xi32, #tpu.memory_space<vmem>>
      %dma_start3A_277 = arith.constant 0 : i32
      %dma_start3A_278 = arith.constant 0 : i32
      %dma_start3A_279 = tpu.memref_slice %arg3[%dma_start3A_277, %dma_start3A_278] : memref<100000x128xf32, #tpu.memory_space<hbm>> -> memref<100000x128xf32, #tpu.memory_space<hbm>>
      tpu.enqueue_indirect_dma source(%dma_start3A_279 : memref<100000x128xf32, #tpu.memory_space<hbm>>) target(%dma_start3A_275 : memref<96x128xf32, #tpu.memory_space<vmem>>) offsets(%dma_start3A_276 : memref<96xi32, #tpu.memory_space<vmem>>) semaphore(%arg15 : memref<!tpu.dma_semaphore, #tpu.memory_space<semaphore_mem>>)
      %dma_wait3A_280 = arith.constant 0 : i32
      %dma_wait3A_281 = arith.constant 0 : i32
      %dma_wait3A_282 = arith.constant 0 : i32
      %dma_wait3A_283 = tpu.memref_slice %arg7[%dma_wait3A_281, %dma_wait3A_282] : memref<200x128xf32, #tpu.memory_space<vmem>> -> memref<104x128xf32, #tpu.memory_space<vmem>>
      %dma_wait3A_284 = arith.constant 0 : i32
      %dma_wait3A_285 = arith.constant 0 : i32
      %dma_wait3A_286 = tpu.memref_slice %arg5[%dma_wait3A_280, %dma_wait3A_284, %dma_wait3A_285] : memref<1024x200x128xf32, #tpu.memory_space<hbm>> -> memref<1x200x128xf32, #tpu.memory_space<hbm>>
      %dma_wait3A_287 = tpu.memref_squeeze %dma_wait3A_286 : memref<1x200x128xf32, #tpu.memory_space<hbm>> -> memref<200x128xf32, #tpu.memory_space<hbm>>
      %dma_wait3A_288 = arith.constant 0 : i32
      %dma_wait3A_289 = arith.constant 0 : i32
      %dma_wait3A_290 = tpu.memref_slice %dma_wait3A_287[%dma_wait3A_288, %dma_wait3A_289] : memref<200x128xf32, #tpu.memory_space<hbm>> -> memref<104x128xf32, #tpu.memory_space<hbm>>
      %dma_wait3A_291 = arith.constant 0 : i32
      %dma_wait3A_292 = arith.constant 0 : i32
      %dma_wait3A_293 = tpu.memref_slice %arg7[%dma_wait3A_291, %dma_wait3A_292] : memref<200x128xf32, #tpu.memory_space<vmem>> -> memref<104x128xf32, #tpu.memory_space<vmem>>
      %dma_wait3A_294 = arith.constant 0 : i32
      %dma_wait3A_295 = arith.constant 0 : i32
      %dma_wait3A_296 = tpu.memref_slice %arg5[%dma_wait3A_280, %dma_wait3A_294, %dma_wait3A_295] : memref<1024x200x128xf32, #tpu.memory_space<hbm>> -> memref<1x200x128xf32, #tpu.memory_space<hbm>>
      %dma_wait3A_297 = tpu.memref_squeeze %dma_wait3A_296 : memref<1x200x128xf32, #tpu.memory_space<hbm>> -> memref<200x128xf32, #tpu.memory_space<hbm>>
      %dma_wait3A_298 = arith.constant 0 : i32
      %dma_wait3A_299 = arith.constant 0 : i32
      %dma_wait3A_300 = tpu.memref_slice %dma_wait3A_297[%dma_wait3A_298, %dma_wait3A_299] : memref<200x128xf32, #tpu.memory_space<hbm>> -> memref<104x128xf32, #tpu.memory_space<hbm>>
      tpu.wait_dma2 semaphore(%arg11 : memref<!tpu.dma_semaphore, #tpu.memory_space<semaphore_mem>>) src(%dma_wait3A_300 : memref<104x128xf32, #tpu.memory_space<hbm>>) dst(%dma_wait3A_293 : memref<104x128xf32, #tpu.memory_space<vmem>>)
      %parallel_loop3A_301 = arith.constant 0 : i32
      %parallel_loop3A_302 = arith.constant 104 : i32
      %parallel_loop3A_303 = arith.constant 1 : i32
      scf.for %parallel_loop3A_608 = %parallel_loop3A_301 to %parallel_loop3A_302 step %parallel_loop3A_303  : i32 {
        %parallel_loop3A_609 = arith.index_cast %parallel_loop3A_608 : i32 to index
        %parallel_loop3A_610 = arith.constant 0 : index
        %parallel_loop3A_611 = tpu.vector_load %arg10[%parallel_loop3A_609, %parallel_loop3A_610] {strides = array<i32>} : memref<200x128xf32, #tpu.memory_space<vmem>>, vector<1x16xf32>,
        %parallel_loop3A_612 = vector.shape_cast %parallel_loop3A_611 : vector<1x16xf32> to vector<16xf32>
        %parallel_loop3A_613 = arith.index_cast %parallel_loop3A_608 : i32 to index
        %parallel_loop3A_614 = arith.constant 0 : index
        %parallel_loop3A_615 = tpu.vector_load %arg7[%parallel_loop3A_613, %parallel_loop3A_614] {strides = array<i32>} : memref<200x128xf32, #tpu.memory_space<vmem>>, vector<1x16xf32>,
        %parallel_loop3A_616 = vector.shape_cast %parallel_loop3A_615 : vector<1x16xf32> to vector<16xf32>
        %parallel_loop3A_617 = vector.shape_cast %parallel_loop3A_612 : vector<16xf32> to vector<1x16xf32>
        tpu.vector_store %arg7[%parallel_loop3A_613, %parallel_loop3A_614], %parallel_loop3A_617 {add = true, strides = array<i32>} : memref<200x128xf32, #tpu.memory_space<vmem>>, vector<1x16xf32>,
        %parallel_loop3A_618 = arith.index_cast %parallel_loop3A_608 : i32 to index
        %parallel_loop3A_619 = arith.constant 16 : index
        %parallel_loop3A_620 = tpu.vector_load %arg10[%parallel_loop3A_618, %parallel_loop3A_619] {strides = array<i32>} : memref<200x128xf32, #tpu.memory_space<vmem>>, vector<1x16xf32>,
        %parallel_loop3A_621 = vector.shape_cast %parallel_loop3A_620 : vector<1x16xf32> to vector<16xf32>
        %parallel_loop3A_622 = arith.index_cast %parallel_loop3A_608 : i32 to index
        %parallel_loop3A_623 = arith.constant 16 : index
        %parallel_loop3A_624 = tpu.vector_load %arg7[%parallel_loop3A_622, %parallel_loop3A_623] {strides = array<i32>} : memref<200x128xf32, #tpu.memory_space<vmem>>, vector<1x16xf32>,
        %parallel_loop3A_625 = vector.shape_cast %parallel_loop3A_624 : vector<1x16xf32> to vector<16xf32>
        %parallel_loop3A_626 = vector.shape_cast %parallel_loop3A_621 : vector<16xf32> to vector<1x16xf32>
        tpu.vector_store %arg7[%parallel_loop3A_622, %parallel_loop3A_623], %parallel_loop3A_626 {add = true, strides = array<i32>} : memref<200x128xf32, #tpu.memory_space<vmem>>, vector<1x16xf32>,
        %parallel_loop3A_627 = arith.index_cast %parallel_loop3A_608 : i32 to index
        %parallel_loop3A_628 = arith.constant 32 : index
        %parallel_loop3A_629 = tpu.vector_load %arg10[%parallel_loop3A_627, %parallel_loop3A_628] {strides = array<i32>} : memref<200x128xf32, #tpu.memory_space<vmem>>, vector<1x16xf32>,
        %parallel_loop3A_630 = vector.shape_cast %parallel_loop3A_629 : vector<1x16xf32> to vector<16xf32>
        %parallel_loop3A_631 = arith.index_cast %parallel_loop3A_608 : i32 to index
        %parallel_loop3A_632 = arith.constant 32 : index
        %parallel_loop3A_633 = tpu.vector_load %arg7[%parallel_loop3A_631, %parallel_loop3A_632] {strides = array<i32>} : memref<200x128xf32, #tpu.memory_space<vmem>>, vector<1x16xf32>,
        %parallel_loop3A_634 = vector.shape_cast %parallel_loop3A_633 : vector<1x16xf32> to vector<16xf32>
        %parallel_loop3A_635 = vector.shape_cast %parallel_loop3A_630 : vector<16xf32> to vector<1x16xf32>
        tpu.vector_store %arg7[%parallel_loop3A_631, %parallel_loop3A_632], %parallel_loop3A_635 {add = true, strides = array<i32>} : memref<200x128xf32, #tpu.memory_space<vmem>>, vector<1x16xf32>,
        %parallel_loop3A_636 = arith.index_cast %parallel_loop3A_608 : i32 to index
        %parallel_loop3A_637 = arith.constant 48 : index
        %parallel_loop3A_638 = tpu.vector_load %arg10[%parallel_loop3A_636, %parallel_loop3A_637] {strides = array<i32>} : memref<200x128xf32, #tpu.memory_space<vmem>>, vector<1x16xf32>,
        %parallel_loop3A_639 = vector.shape_cast %parallel_loop3A_638 : vector<1x16xf32> to vector<16xf32>
        %parallel_loop3A_640 = arith.index_cast %parallel_loop3A_608 : i32 to index
        %parallel_loop3A_641 = arith.constant 48 : index
        %parallel_loop3A_642 = tpu.vector_load %arg7[%parallel_loop3A_640, %parallel_loop3A_641] {strides = array<i32>} : memref<200x128xf32, #tpu.memory_space<vmem>>, vector<1x16xf32>,
        %parallel_loop3A_643 = vector.shape_cast %parallel_loop3A_642 : vector<1x16xf32> to vector<16xf32>
        %parallel_loop3A_644 = vector.shape_cast %parallel_loop3A_639 : vector<16xf32> to vector<1x16xf32>
        tpu.vector_store %arg7[%parallel_loop3A_640, %parallel_loop3A_641], %parallel_loop3A_644 {add = true, strides = array<i32>} : memref<200x128xf32, #tpu.memory_space<vmem>>, vector<1x16xf32>,
        %parallel_loop3A_645 = arith.index_cast %parallel_loop3A_608 : i32 to index
        %parallel_loop3A_646 = arith.constant 64 : index
        %parallel_loop3A_647 = tpu.vector_load %arg10[%parallel_loop3A_645, %parallel_loop3A_646] {strides = array<i32>} : memref<200x128xf32, #tpu.memory_space<vmem>>, vector<1x16xf32>,
        %parallel_loop3A_648 = vector.shape_cast %parallel_loop3A_647 : vector<1x16xf32> to vector<16xf32>
        %parallel_loop3A_649 = arith.index_cast %parallel_loop3A_608 : i32 to index
        %parallel_loop3A_650 = arith.constant 64 : index
        %parallel_loop3A_651 = tpu.vector_load %arg7[%parallel_loop3A_649, %parallel_loop3A_650] {strides = array<i32>} : memref<200x128xf32, #tpu.memory_space<vmem>>, vector<1x16xf32>,
        %parallel_loop3A_652 = vector.shape_cast %parallel_loop3A_651 : vector<1x16xf32> to vector<16xf32>
        %parallel_loop3A_653 = vector.shape_cast %parallel_loop3A_648 : vector<16xf32> to vector<1x16xf32>
        tpu.vector_store %arg7[%parallel_loop3A_649, %parallel_loop3A_650], %parallel_loop3A_653 {add = true, strides = array<i32>} : memref<200x128xf32, #tpu.memory_space<vmem>>, vector<1x16xf32>,
        %parallel_loop3A_654 = arith.index_cast %parallel_loop3A_608 : i32 to index
        %parallel_loop3A_655 = arith.constant 80 : index
        %parallel_loop3A_656 = tpu.vector_load %arg10[%parallel_loop3A_654, %parallel_loop3A_655] {strides = array<i32>} : memref<200x128xf32, #tpu.memory_space<vmem>>, vector<1x16xf32>,
        %parallel_loop3A_657 = vector.shape_cast %parallel_loop3A_656 : vector<1x16xf32> to vector<16xf32>
        %parallel_loop3A_658 = arith.index_cast %parallel_loop3A_608 : i32 to index
        %parallel_loop3A_659 = arith.constant 80 : index
        %parallel_loop3A_660 = tpu.vector_load %arg7[%parallel_loop3A_658, %parallel_loop3A_659] {strides = array<i32>} : memref<200x128xf32, #tpu.memory_space<vmem>>, vector<1x16xf32>,
        %parallel_loop3A_661 = vector.shape_cast %parallel_loop3A_660 : vector<1x16xf32> to vector<16xf32>
        %parallel_loop3A_662 = vector.shape_cast %parallel_loop3A_657 : vector<16xf32> to vector<1x16xf32>
        tpu.vector_store %arg7[%parallel_loop3A_658, %parallel_loop3A_659], %parallel_loop3A_662 {add = true, strides = array<i32>} : memref<200x128xf32, #tpu.memory_space<vmem>>, vector<1x16xf32>,
        %parallel_loop3A_663 = arith.index_cast %parallel_loop3A_608 : i32 to index
        %parallel_loop3A_664 = arith.constant 96 : index
        %parallel_loop3A_665 = tpu.vector_load %arg10[%parallel_loop3A_663, %parallel_loop3A_664] {strides = array<i32>} : memref<200x128xf32, #tpu.memory_space<vmem>>, vector<1x16xf32>,
        %parallel_loop3A_666 = vector.shape_cast %parallel_loop3A_665 : vector<1x16xf32> to vector<16xf32>
        %parallel_loop3A_667 = arith.index_cast %parallel_loop3A_608 : i32 to index
        %parallel_loop3A_668 = arith.constant 96 : index
        %parallel_loop3A_669 = tpu.vector_load %arg7[%parallel_loop3A_667, %parallel_loop3A_668] {strides = array<i32>} : memref<200x128xf32, #tpu.memory_space<vmem>>, vector<1x16xf32>,
        %parallel_loop3A_670 = vector.shape_cast %parallel_loop3A_669 : vector<1x16xf32> to vector<16xf32>
        %parallel_loop3A_671 = vector.shape_cast %parallel_loop3A_666 : vector<16xf32> to vector<1x16xf32>
        tpu.vector_store %arg7[%parallel_loop3A_667, %parallel_loop3A_668], %parallel_loop3A_671 {add = true, strides = array<i32>} : memref<200x128xf32, #tpu.memory_space<vmem>>, vector<1x16xf32>,
        %parallel_loop3A_672 = arith.index_cast %parallel_loop3A_608 : i32 to index
        %parallel_loop3A_673 = arith.constant 112 : index
        %parallel_loop3A_674 = tpu.vector_load %arg10[%parallel_loop3A_672, %parallel_loop3A_673] {strides = array<i32>} : memref<200x128xf32, #tpu.memory_space<vmem>>, vector<1x16xf32>,
        %parallel_loop3A_675 = vector.shape_cast %parallel_loop3A_674 : vector<1x16xf32> to vector<16xf32>
        %parallel_loop3A_676 = arith.index_cast %parallel_loop3A_608 : i32 to index
        %parallel_loop3A_677 = arith.constant 112 : index
        %parallel_loop3A_678 = tpu.vector_load %arg7[%parallel_loop3A_676, %parallel_loop3A_677] {strides = array<i32>} : memref<200x128xf32, #tpu.memory_space<vmem>>, vector<1x16xf32>,
        %parallel_loop3A_679 = vector.shape_cast %parallel_loop3A_678 : vector<1x16xf32> to vector<16xf32>
        %parallel_loop3A_680 = vector.shape_cast %parallel_loop3A_675 : vector<16xf32> to vector<1x16xf32>
        tpu.vector_store %arg7[%parallel_loop3A_676, %parallel_loop3A_677], %parallel_loop3A_680 {add = true, strides = array<i32>} : memref<200x128xf32, #tpu.memory_space<vmem>>, vector<1x16xf32>,
      } {sc.loop_unroll_factor = 8 : i64, sc.parallel_access}
      %add3A_304 = arith.addi %mul3A_2, %add3A_255 : i32
      %dma_start3A_305 = arith.constant 0 : i32
      %dma_start3A_306 = arith.constant 0 : i32
      %dma_start3A_307 = tpu.memref_slice %arg7[%dma_start3A_305, %dma_start3A_306] : memref<200x128xf32, #tpu.memory_space<vmem>> -> memref<104x128xf32, #tpu.memory_space<vmem>>
      %dma_start3A_308 = arith.constant 0 : i32
      %dma_start3A_309 = arith.constant 0 : i32
      %dma_start3A_310 = tpu.memref_slice %arg5[%add3A_304, %dma_start3A_308, %dma_start3A_309] : memref<1024x200x128xf32, #tpu.memory_space<hbm>> -> memref<1x200x128xf32, #tpu.memory_space<hbm>>
      %dma_start3A_311 = tpu.memref_squeeze %dma_start3A_310 : memref<1x200x128xf32, #tpu.memory_space<hbm>> -> memref<200x128xf32, #tpu.memory_space<hbm>>
      %dma_start3A_312 = arith.constant 0 : i32
      %dma_start3A_313 = arith.constant 0 : i32
      %dma_start3A_314 = tpu.memref_slice %dma_start3A_311[%dma_start3A_312, %dma_start3A_313] : memref<200x128xf32, #tpu.memory_space<hbm>> -> memref<104x128xf32, #tpu.memory_space<hbm>>
      %dma_start3A_315 = arith.constant 0 : i32
      %dma_start3A_316 = arith.constant 0 : i32
      %dma_start3A_317 = tpu.memref_slice %arg5[%add3A_304, %dma_start3A_315, %dma_start3A_316] : memref<1024x200x128xf32, #tpu.memory_space<hbm>> -> memref<1x200x128xf32, #tpu.memory_space<hbm>>
      %dma_start3A_318 = tpu.memref_squeeze %dma_start3A_317 : memref<1x200x128xf32, #tpu.memory_space<hbm>> -> memref<200x128xf32, #tpu.memory_space<hbm>>
      %dma_start3A_319 = arith.constant 0 : i32
      %dma_start3A_320 = arith.constant 0 : i32
      %dma_start3A_321 = tpu.memref_slice %dma_start3A_318[%dma_start3A_319, %dma_start3A_320] : memref<200x128xf32, #tpu.memory_space<hbm>> -> memref<104x128xf32, #tpu.memory_space<hbm>>
      %dma_start3A_322 = arith.constant 0 : i32
      %dma_start3A_323 = arith.constant 0 : i32
      %dma_start3A_324 = tpu.memref_slice %arg7[%dma_start3A_322, %dma_start3A_323] : memref<200x128xf32, #tpu.memory_space<vmem>> -> memref<104x128xf32, #tpu.memory_space<vmem>>
      tpu.enqueue_dma source(%dma_start3A_324 : memref<104x128xf32, #tpu.memory_space<vmem>>) target(%dma_start3A_321 : memref<104x128xf32, #tpu.memory_space<hbm>>) target_semaphore(%arg17 : memref<!tpu.dma_semaphore, #tpu.memory_space<semaphore_mem>>)
      %dma_wait3A_325 = arith.constant 0 : i32
      %dma_wait3A_326 = arith.constant 0 : i32
      %dma_wait3A_327 = arith.constant 0 : i32
      %dma_wait3A_328 = tpu.memref_slice %arg7[%dma_wait3A_326, %dma_wait3A_327] : memref<200x128xf32, #tpu.memory_space<vmem>> -> memref<96x128xf32, #tpu.memory_space<vmem>>
      %dma_wait3A_329 = arith.constant 0 : i32
      %dma_wait3A_330 = arith.constant 0 : i32
      %dma_wait3A_331 = tpu.memref_slice %arg5[%dma_wait3A_325, %dma_wait3A_329, %dma_wait3A_330] : memref<1024x200x128xf32, #tpu.memory_space<hbm>> -> memref<1x200x128xf32, #tpu.memory_space<hbm>>
      %dma_wait3A_332 = tpu.memref_squeeze %dma_wait3A_331 : memref<1x200x128xf32, #tpu.memory_space<hbm>> -> memref<200x128xf32, #tpu.memory_space<hbm>>
      %dma_wait3A_333 = arith.constant 0 : i32
      %dma_wait3A_334 = arith.constant 0 : i32
      %dma_wait3A_335 = tpu.memref_slice %dma_wait3A_332[%dma_wait3A_333, %dma_wait3A_334] : memref<200x128xf32, #tpu.memory_space<hbm>> -> memref<96x128xf32, #tpu.memory_space<hbm>>
      %dma_wait3A_336 = arith.constant 0 : i32
      %dma_wait3A_337 = arith.constant 0 : i32
      %dma_wait3A_338 = tpu.memref_slice %arg7[%dma_wait3A_336, %dma_wait3A_337] : memref<200x128xf32, #tpu.memory_space<vmem>> -> memref<96x128xf32, #tpu.memory_space<vmem>>
      %dma_wait3A_339 = arith.constant 0 : i32
      %dma_wait3A_340 = arith.constant 0 : i32
      %dma_wait3A_341 = tpu.memref_slice %arg5[%dma_wait3A_325, %dma_wait3A_339, %dma_wait3A_340] : memref<1024x200x128xf32, #tpu.memory_space<hbm>> -> memref<1x200x128xf32, #tpu.memory_space<hbm>>
      %dma_wait3A_342 = tpu.memref_squeeze %dma_wait3A_341 : memref<1x200x128xf32, #tpu.memory_space<hbm>> -> memref<200x128xf32, #tpu.memory_space<hbm>>
      %dma_wait3A_343 = arith.constant 0 : i32
      %dma_wait3A_344 = arith.constant 0 : i32
      %dma_wait3A_345 = tpu.memref_slice %dma_wait3A_342[%dma_wait3A_343, %dma_wait3A_344] : memref<200x128xf32, #tpu.memory_space<hbm>> -> memref<96x128xf32, #tpu.memory_space<hbm>>
      tpu.wait_dma2 semaphore(%arg14 : memref<!tpu.dma_semaphore, #tpu.memory_space<semaphore_mem>>) src(%dma_wait3A_345 : memref<96x128xf32, #tpu.memory_space<hbm>>) dst(%dma_wait3A_338 : memref<96x128xf32, #tpu.memory_space<vmem>>)
      %parallel_loop3A_346 = arith.constant 104 : i32
      %parallel_loop3A_347 = arith.constant 200 : i32
      %parallel_loop3A_348 = arith.constant 1 : i32
      scf.for %parallel_loop3A_608 = %parallel_loop3A_346 to %parallel_loop3A_347 step %parallel_loop3A_348  : i32 {
        %parallel_loop3A_609 = arith.index_cast %parallel_loop3A_608 : i32 to index
        %parallel_loop3A_610 = arith.constant 0 : index
        %parallel_loop3A_611 = tpu.vector_load %arg10[%parallel_loop3A_609, %parallel_loop3A_610] {strides = array<i32>} : memref<200x128xf32, #tpu.memory_space<vmem>>, vector<1x16xf32>,
        %parallel_loop3A_612 = vector.shape_cast %parallel_loop3A_611 : vector<1x16xf32> to vector<16xf32>
        %parallel_loop3A_613 = arith.index_cast %parallel_loop3A_608 : i32 to index
        %parallel_loop3A_614 = arith.constant 0 : index
        %parallel_loop3A_615 = tpu.vector_load %arg7[%parallel_loop3A_613, %parallel_loop3A_614] {strides = array<i32>} : memref<200x128xf32, #tpu.memory_space<vmem>>, vector<1x16xf32>,
        %parallel_loop3A_616 = vector.shape_cast %parallel_loop3A_615 : vector<1x16xf32> to vector<16xf32>
        %parallel_loop3A_617 = vector.shape_cast %parallel_loop3A_612 : vector<16xf32> to vector<1x16xf32>
        tpu.vector_store %arg7[%parallel_loop3A_613, %parallel_loop3A_614], %parallel_loop3A_617 {add = true, strides = array<i32>} : memref<200x128xf32, #tpu.memory_space<vmem>>, vector<1x16xf32>,
        %parallel_loop3A_618 = arith.index_cast %parallel_loop3A_608 : i32 to index
        %parallel_loop3A_619 = arith.constant 16 : index
        %parallel_loop3A_620 = tpu.vector_load %arg10[%parallel_loop3A_618, %parallel_loop3A_619] {strides = array<i32>} : memref<200x128xf32, #tpu.memory_space<vmem>>, vector<1x16xf32>,
        %parallel_loop3A_621 = vector.shape_cast %parallel_loop3A_620 : vector<1x16xf32> to vector<16xf32>
        %parallel_loop3A_622 = arith.index_cast %parallel_loop3A_608 : i32 to index
        %parallel_loop3A_623 = arith.constant 16 : index
        %parallel_loop3A_624 = tpu.vector_load %arg7[%parallel_loop3A_622, %parallel_loop3A_623] {strides = array<i32>} : memref<200x128xf32, #tpu.memory_space<vmem>>, vector<1x16xf32>,
        %parallel_loop3A_625 = vector.shape_cast %parallel_loop3A_624 : vector<1x16xf32> to vector<16xf32>
        %parallel_loop3A_626 = vector.shape_cast %parallel_loop3A_621 : vector<16xf32> to vector<1x16xf32>
        tpu.vector_store %arg7[%parallel_loop3A_622, %parallel_loop3A_623], %parallel_loop3A_626 {add = true, strides = array<i32>} : memref<200x128xf32, #tpu.memory_space<vmem>>, vector<1x16xf32>,
        %parallel_loop3A_627 = arith.index_cast %parallel_loop3A_608 : i32 to index
        %parallel_loop3A_628 = arith.constant 32 : index
        %parallel_loop3A_629 = tpu.vector_load %arg10[%parallel_loop3A_627, %parallel_loop3A_628] {strides = array<i32>} : memref<200x128xf32, #tpu.memory_space<vmem>>, vector<1x16xf32>,
        %parallel_loop3A_630 = vector.shape_cast %parallel_loop3A_629 : vector<1x16xf32> to vector<16xf32>
        %parallel_loop3A_631 = arith.index_cast %parallel_loop3A_608 : i32 to index
        %parallel_loop3A_632 = arith.constant 32 : index
        %parallel_loop3A_633 = tpu.vector_load %arg7[%parallel_loop3A_631, %parallel_loop3A_632] {strides = array<i32>} : memref<200x128xf32, #tpu.memory_space<vmem>>, vector<1x16xf32>,
        %parallel_loop3A_634 = vector.shape_cast %parallel_loop3A_633 : vector<1x16xf32> to vector<16xf32>
        %parallel_loop3A_635 = vector.shape_cast %parallel_loop3A_630 : vector<16xf32> to vector<1x16xf32>
        tpu.vector_store %arg7[%parallel_loop3A_631, %parallel_loop3A_632], %parallel_loop3A_635 {add = true, strides = array<i32>} : memref<200x128xf32, #tpu.memory_space<vmem>>, vector<1x16xf32>,
        %parallel_loop3A_636 = arith.index_cast %parallel_loop3A_608 : i32 to index
        %parallel_loop3A_637 = arith.constant 48 : index
        %parallel_loop3A_638 = tpu.vector_load %arg10[%parallel_loop3A_636, %parallel_loop3A_637] {strides = array<i32>} : memref<200x128xf32, #tpu.memory_space<vmem>>, vector<1x16xf32>,
        %parallel_loop3A_639 = vector.shape_cast %parallel_loop3A_638 : vector<1x16xf32> to vector<16xf32>
        %parallel_loop3A_640 = arith.index_cast %parallel_loop3A_608 : i32 to index
        %parallel_loop3A_641 = arith.constant 48 : index
        %parallel_loop3A_642 = tpu.vector_load %arg7[%parallel_loop3A_640, %parallel_loop3A_641] {strides = array<i32>} : memref<200x128xf32, #tpu.memory_space<vmem>>, vector<1x16xf32>,
        %parallel_loop3A_643 = vector.shape_cast %parallel_loop3A_642 : vector<1x16xf32> to vector<16xf32>
        %parallel_loop3A_644 = vector.shape_cast %parallel_loop3A_639 : vector<16xf32> to vector<1x16xf32>
        tpu.vector_store %arg7[%parallel_loop3A_640, %parallel_loop3A_641], %parallel_loop3A_644 {add = true, strides = array<i32>} : memref<200x128xf32, #tpu.memory_space<vmem>>, vector<1x16xf32>,
        %parallel_loop3A_645 = arith.index_cast %parallel_loop3A_608 : i32 to index
        %parallel_loop3A_646 = arith.constant 64 : index
        %parallel_loop3A_647 = tpu.vector_load %arg10[%parallel_loop3A_645, %parallel_loop3A_646] {strides = array<i32>} : memref<200x128xf32, #tpu.memory_space<vmem>>, vector<1x16xf32>,
        %parallel_loop3A_648 = vector.shape_cast %parallel_loop3A_647 : vector<1x16xf32> to vector<16xf32>
        %parallel_loop3A_649 = arith.index_cast %parallel_loop3A_608 : i32 to index
        %parallel_loop3A_650 = arith.constant 64 : index
        %parallel_loop3A_651 = tpu.vector_load %arg7[%parallel_loop3A_649, %parallel_loop3A_650] {strides = array<i32>} : memref<200x128xf32, #tpu.memory_space<vmem>>, vector<1x16xf32>,
        %parallel_loop3A_652 = vector.shape_cast %parallel_loop3A_651 : vector<1x16xf32> to vector<16xf32>
        %parallel_loop3A_653 = vector.shape_cast %parallel_loop3A_648 : vector<16xf32> to vector<1x16xf32>
        tpu.vector_store %arg7[%parallel_loop3A_649, %parallel_loop3A_650], %parallel_loop3A_653 {add = true, strides = array<i32>} : memref<200x128xf32, #tpu.memory_space<vmem>>, vector<1x16xf32>,
        %parallel_loop3A_654 = arith.index_cast %parallel_loop3A_608 : i32 to index
        %parallel_loop3A_655 = arith.constant 80 : index
        %parallel_loop3A_656 = tpu.vector_load %arg10[%parallel_loop3A_654, %parallel_loop3A_655] {strides = array<i32>} : memref<200x128xf32, #tpu.memory_space<vmem>>, vector<1x16xf32>,
        %parallel_loop3A_657 = vector.shape_cast %parallel_loop3A_656 : vector<1x16xf32> to vector<16xf32>
        %parallel_loop3A_658 = arith.index_cast %parallel_loop3A_608 : i32 to index
        %parallel_loop3A_659 = arith.constant 80 : index
        %parallel_loop3A_660 = tpu.vector_load %arg7[%parallel_loop3A_658, %parallel_loop3A_659] {strides = array<i32>} : memref<200x128xf32, #tpu.memory_space<vmem>>, vector<1x16xf32>,
        %parallel_loop3A_661 = vector.shape_cast %parallel_loop3A_660 : vector<1x16xf32> to vector<16xf32>
        %parallel_loop3A_662 = vector.shape_cast %parallel_loop3A_657 : vector<16xf32> to vector<1x16xf32>
        tpu.vector_store %arg7[%parallel_loop3A_658, %parallel_loop3A_659], %parallel_loop3A_662 {add = true, strides = array<i32>} : memref<200x128xf32, #tpu.memory_space<vmem>>, vector<1x16xf32>,
        %parallel_loop3A_663 = arith.index_cast %parallel_loop3A_608 : i32 to index
        %parallel_loop3A_664 = arith.constant 96 : index
        %parallel_loop3A_665 = tpu.vector_load %arg10[%parallel_loop3A_663, %parallel_loop3A_664] {strides = array<i32>} : memref<200x128xf32, #tpu.memory_space<vmem>>, vector<1x16xf32>,
        %parallel_loop3A_666 = vector.shape_cast %parallel_loop3A_665 : vector<1x16xf32> to vector<16xf32>
        %parallel_loop3A_667 = arith.index_cast %parallel_loop3A_608 : i32 to index
        %parallel_loop3A_668 = arith.constant 96 : index
        %parallel_loop3A_669 = tpu.vector_load %arg7[%parallel_loop3A_667, %parallel_loop3A_668] {strides = array<i32>} : memref<200x128xf32, #tpu.memory_space<vmem>>, vector<1x16xf32>,
        %parallel_loop3A_670 = vector.shape_cast %parallel_loop3A_669 : vector<1x16xf32> to vector<16xf32>
        %parallel_loop3A_671 = vector.shape_cast %parallel_loop3A_666 : vector<16xf32> to vector<1x16xf32>
        tpu.vector_store %arg7[%parallel_loop3A_667, %parallel_loop3A_668], %parallel_loop3A_671 {add = true, strides = array<i32>} : memref<200x128xf32, #tpu.memory_space<vmem>>, vector<1x16xf32>,
        %parallel_loop3A_672 = arith.index_cast %parallel_loop3A_608 : i32 to index
        %parallel_loop3A_673 = arith.constant 112 : index
        %parallel_loop3A_674 = tpu.vector_load %arg10[%parallel_loop3A_672, %parallel_loop3A_673] {strides = array<i32>} : memref<200x128xf32, #tpu.memory_space<vmem>>, vector<1x16xf32>,
        %parallel_loop3A_675 = vector.shape_cast %parallel_loop3A_674 : vector<1x16xf32> to vector<16xf32>
        %parallel_loop3A_676 = arith.index_cast %parallel_loop3A_608 : i32 to index
        %parallel_loop3A_677 = arith.constant 112 : index
        %parallel_loop3A_678 = tpu.vector_load %arg7[%parallel_loop3A_676, %parallel_loop3A_677] {strides = array<i32>} : memref<200x128xf32, #tpu.memory_space<vmem>>, vector<1x16xf32>,
        %parallel_loop3A_679 = vector.shape_cast %parallel_loop3A_678 : vector<1x16xf32> to vector<16xf32>
        %parallel_loop3A_680 = vector.shape_cast %parallel_loop3A_675 : vector<16xf32> to vector<1x16xf32>
        tpu.vector_store %arg7[%parallel_loop3A_676, %parallel_loop3A_677], %parallel_loop3A_680 {add = true, strides = array<i32>} : memref<200x128xf32, #tpu.memory_space<vmem>>, vector<1x16xf32>,
      } {sc.loop_unroll_factor = 8 : i64, sc.parallel_access}
      %add3A_349 = arith.addi %mul3A_2, %add3A_255 : i32
      %dma_start3A_350 = arith.constant 104 : i32
      %dma_start3A_351 = arith.constant 0 : i32
      %dma_start3A_352 = tpu.memref_slice %arg7[%dma_start3A_350, %dma_start3A_351] : memref<200x128xf32, #tpu.memory_space<vmem>> -> memref<96x128xf32, #tpu.memory_space<vmem>>
      %dma_start3A_353 = arith.constant 0 : i32
      %dma_start3A_354 = arith.constant 0 : i32
      %dma_start3A_355 = tpu.memref_slice %arg5[%add3A_349, %dma_start3A_353, %dma_start3A_354] : memref<1024x200x128xf32, #tpu.memory_space<hbm>> -> memref<1x200x128xf32, #tpu.memory_space<hbm>>
      %dma_start3A_356 = tpu.memref_squeeze %dma_start3A_355 : memref<1x200x128xf32, #tpu.memory_space<hbm>> -> memref<200x128xf32, #tpu.memory_space<hbm>>
      %dma_start3A_357 = arith.constant 104 : i32
      %dma_start3A_358 = arith.constant 0 : i32
      %dma_start3A_359 = tpu.memref_slice %dma_start3A_356[%dma_start3A_357, %dma_start3A_358] : memref<200x128xf32, #tpu.memory_space<hbm>> -> memref<96x128xf32, #tpu.memory_space<hbm>>
      %dma_start3A_360 = arith.constant 0 : i32
      %dma_start3A_361 = arith.constant 0 : i32
      %dma_start3A_362 = tpu.memref_slice %arg5[%add3A_349, %dma_start3A_360, %dma_start3A_361] : memref<1024x200x128xf32, #tpu.memory_space<hbm>> -> memref<1x200x128xf32, #tpu.memory_space<hbm>>
      %dma_start3A_363 = tpu.memref_squeeze %dma_start3A_362 : memref<1x200x128xf32, #tpu.memory_space<hbm>> -> memref<200x128xf32, #tpu.memory_space<hbm>>
      %dma_start3A_364 = arith.constant 104 : i32
      %dma_start3A_365 = arith.constant 0 : i32
      %dma_start3A_366 = tpu.memref_slice %dma_start3A_363[%dma_start3A_364, %dma_start3A_365] : memref<200x128xf32, #tpu.memory_space<hbm>> -> memref<96x128xf32, #tpu.memory_space<hbm>>
      %dma_start3A_367 = arith.constant 104 : i32
      %dma_start3A_368 = arith.constant 0 : i32
      %dma_start3A_369 = tpu.memref_slice %arg7[%dma_start3A_367, %dma_start3A_368] : memref<200x128xf32, #tpu.memory_space<vmem>> -> memref<96x128xf32, #tpu.memory_space<vmem>>
      tpu.enqueue_dma source(%dma_start3A_369 : memref<96x128xf32, #tpu.memory_space<vmem>>) target(%dma_start3A_366 : memref<96x128xf32, #tpu.memory_space<hbm>>) target_semaphore(%arg17 : memref<!tpu.dma_semaphore, #tpu.memory_space<semaphore_mem>>)
      %add3A_370 = arith.constant 1 : i32
      %add3A_371 = arith.addi %add3A_253, %add3A_370 : i32
      %ge3A_372 = arith.constant 1 : i32
      %ge3A_373 = arith.cmpi sge, %add3A_371, %ge3A_372 : i32
      %convert_element_type3A_374 = arith.extui %ge3A_373 : i1 to i32
      %cond3A_375 = arith.constant 0 : i32
      %cond3A_376 = arith.cmpi ne, %convert_element_type3A_374, %cond3A_375 : i32
      scf.if %cond3A_376 {
        %dma_wait3A_608 = arith.constant 0 : i32
        %dma_wait3A_609 = arith.constant 0 : i32
        %dma_wait3A_610 = arith.constant 0 : i32
        %dma_wait3A_611 = tpu.memref_slice %arg5[%dma_wait3A_608, %dma_wait3A_609, %dma_wait3A_610] : memref<1024x200x128xf32, #tpu.memory_space<hbm>> -> memref<1x200x128xf32, #tpu.memory_space<hbm>>
        %dma_wait3A_612 = tpu.memref_squeeze %dma_wait3A_611 : memref<1x200x128xf32, #tpu.memory_space<hbm>> -> memref<200x128xf32, #tpu.memory_space<hbm>>
        %dma_wait3A_613 = arith.constant 0 : i32
        %dma_wait3A_614 = arith.constant 0 : i32
        %dma_wait3A_615 = tpu.memref_slice %arg5[%dma_wait3A_608, %dma_wait3A_613, %dma_wait3A_614] : memref<1024x200x128xf32, #tpu.memory_space<hbm>> -> memref<1x200x128xf32, #tpu.memory_space<hbm>>
        %dma_wait3A_616 = tpu.memref_squeeze %dma_wait3A_615 : memref<1x200x128xf32, #tpu.memory_space<hbm>> -> memref<200x128xf32, #tpu.memory_space<hbm>>
        tpu.wait_dma2 semaphore(%arg17 : memref<!tpu.dma_semaphore, #tpu.memory_space<semaphore_mem>>) src(%arg7 : memref<200x128xf32, #tpu.memory_space<vmem>>) dst(%dma_wait3A_616 : memref<200x128xf32, #tpu.memory_space<hbm>>)
      } else {
      }
      %add3A_377 = arith.constant 1 : i32
      %add3A_378 = arith.addi %add3A_371, %add3A_377 : i32
      %mul3A_379 = arith.constant 200 : i32
      %mul3A_380 = arith.muli %add3A_378, %mul3A_379 : i32
      %dma_start3A_381 = arith.constant 0 : i32
      %dma_start3A_382 = arith.constant 0 : i32
      %dma_start3A_383 = tpu.memref_slice %arg9[%dma_start3A_381, %dma_start3A_382] : memref<200x128xf32, #tpu.memory_space<vmem>> -> memref<104x128xf32, #tpu.memory_space<vmem>>
      %dma_start3A_384 = tpu.memref_slice %arg6[%mul3A_380] : memref<6400xi32, #tpu.memory_space<vmem>> -> memref<104xi32, #tpu.memory_space<vmem>>
      %dma_start3A_385 = arith.constant 0 : i32
      %dma_start3A_386 = arith.constant 0 : i32
      %dma_start3A_387 = tpu.memref_slice %arg3[%dma_start3A_385, %dma_start3A_386] : memref<100000x128xf32, #tpu.memory_space<hbm>> -> memref<100000x128xf32, #tpu.memory_space<hbm>>
      tpu.enqueue_indirect_dma source(%dma_start3A_387 : memref<100000x128xf32, #tpu.memory_space<hbm>>) target(%dma_start3A_383 : memref<104x128xf32, #tpu.memory_space<vmem>>) offsets(%dma_start3A_384 : memref<104xi32, #tpu.memory_space<vmem>>) semaphore(%arg13 : memref<!tpu.dma_semaphore, #tpu.memory_space<semaphore_mem>>)
      %mul3A_388 = arith.constant 200 : i32
      %mul3A_389 = arith.muli %add3A_378, %mul3A_388 : i32
      %add3A_390 = arith.constant 104 : i32
      %add3A_391 = arith.addi %mul3A_389, %add3A_390 : i32
      %dma_start3A_392 = arith.constant 104 : i32
      %dma_start3A_393 = arith.constant 0 : i32
      %dma_start3A_394 = tpu.memref_slice %arg9[%dma_start3A_392, %dma_start3A_393] : memref<200x128xf32, #tpu.memory_space<vmem>> -> memref<96x128xf32, #tpu.memory_space<vmem>>
      %dma_start3A_395 = tpu.memref_slice %arg6[%add3A_391] : memref<6400xi32, #tpu.memory_space<vmem>> -> memref<96xi32, #tpu.memory_space<vmem>>
      %dma_start3A_396 = arith.constant 0 : i32
      %dma_start3A_397 = arith.constant 0 : i32
      %dma_start3A_398 = tpu.memref_slice %arg3[%dma_start3A_396, %dma_start3A_397] : memref<100000x128xf32, #tpu.memory_space<hbm>> -> memref<100000x128xf32, #tpu.memory_space<hbm>>
      tpu.enqueue_indirect_dma source(%dma_start3A_398 : memref<100000x128xf32, #tpu.memory_space<hbm>>) target(%dma_start3A_394 : memref<96x128xf32, #tpu.memory_space<vmem>>) offsets(%dma_start3A_395 : memref<96xi32, #tpu.memory_space<vmem>>) semaphore(%arg16 : memref<!tpu.dma_semaphore, #tpu.memory_space<semaphore_mem>>)
      %dma_wait3A_399 = arith.constant 0 : i32
      %dma_wait3A_400 = arith.constant 0 : i32
      %dma_wait3A_401 = arith.constant 0 : i32
      %dma_wait3A_402 = tpu.memref_slice %arg8[%dma_wait3A_400, %dma_wait3A_401] : memref<200x128xf32, #tpu.memory_space<vmem>> -> memref<104x128xf32, #tpu.memory_space<vmem>>
      %dma_wait3A_403 = arith.constant 0 : i32
      %dma_wait3A_404 = arith.constant 0 : i32
      %dma_wait3A_405 = tpu.memref_slice %arg5[%dma_wait3A_399, %dma_wait3A_403, %dma_wait3A_404] : memref<1024x200x128xf32, #tpu.memory_space<hbm>> -> memref<1x200x128xf32, #tpu.memory_space<hbm>>
      %dma_wait3A_406 = tpu.memref_squeeze %dma_wait3A_405 : memref<1x200x128xf32, #tpu.memory_space<hbm>> -> memref<200x128xf32, #tpu.memory_space<hbm>>
      %dma_wait3A_407 = arith.constant 0 : i32
      %dma_wait3A_408 = arith.constant 0 : i32
      %dma_wait3A_409 = tpu.memref_slice %dma_wait3A_406[%dma_wait3A_407, %dma_wait3A_408] : memref<200x128xf32, #tpu.memory_space<hbm>> -> memref<104x128xf32, #tpu.memory_space<hbm>>
      %dma_wait3A_410 = arith.constant 0 : i32
      %dma_wait3A_411 = arith.constant 0 : i32
      %dma_wait3A_412 = tpu.memref_slice %arg8[%dma_wait3A_410, %dma_wait3A_411] : memref<200x128xf32, #tpu.memory_space<vmem>> -> memref<104x128xf32, #tpu.memory_space<vmem>>
      %dma_wait3A_413 = arith.constant 0 : i32
      %dma_wait3A_414 = arith.constant 0 : i32
      %dma_wait3A_415 = tpu.memref_slice %arg5[%dma_wait3A_399, %dma_wait3A_413, %dma_wait3A_414] : memref<1024x200x128xf32, #tpu.memory_space<hbm>> -> memref<1x200x128xf32, #tpu.memory_space<hbm>>
      %dma_wait3A_416 = tpu.memref_squeeze %dma_wait3A_415 : memref<1x200x128xf32, #tpu.memory_space<hbm>> -> memref<200x128xf32, #tpu.memory_space<hbm>>
      %dma_wait3A_417 = arith.constant 0 : i32
      %dma_wait3A_418 = arith.constant 0 : i32
      %dma_wait3A_419 = tpu.memref_slice %dma_wait3A_416[%dma_wait3A_417, %dma_wait3A_418] : memref<200x128xf32, #tpu.memory_space<hbm>> -> memref<104x128xf32, #tpu.memory_space<hbm>>
      tpu.wait_dma2 semaphore(%arg12 : memref<!tpu.dma_semaphore, #tpu.memory_space<semaphore_mem>>) src(%dma_wait3A_419 : memref<104x128xf32, #tpu.memory_space<hbm>>) dst(%dma_wait3A_412 : memref<104x128xf32, #tpu.memory_space<vmem>>)
      %parallel_loop3A_420 = arith.constant 0 : i32
      %parallel_loop3A_421 = arith.constant 104 : i32
      %parallel_loop3A_422 = arith.constant 1 : i32
      scf.for %parallel_loop3A_608 = %parallel_loop3A_420 to %parallel_loop3A_421 step %parallel_loop3A_422  : i32 {
        %parallel_loop3A_609 = arith.index_cast %parallel_loop3A_608 : i32 to index
        %parallel_loop3A_610 = arith.constant 0 : index
        %parallel_loop3A_611 = tpu.vector_load %arg10[%parallel_loop3A_609, %parallel_loop3A_610] {strides = array<i32>} : memref<200x128xf32, #tpu.memory_space<vmem>>, vector<1x16xf32>,
        %parallel_loop3A_612 = vector.shape_cast %parallel_loop3A_611 : vector<1x16xf32> to vector<16xf32>
        %parallel_loop3A_613 = arith.index_cast %parallel_loop3A_608 : i32 to index
        %parallel_loop3A_614 = arith.constant 0 : index
        %parallel_loop3A_615 = tpu.vector_load %arg8[%parallel_loop3A_613, %parallel_loop3A_614] {strides = array<i32>} : memref<200x128xf32, #tpu.memory_space<vmem>>, vector<1x16xf32>,
        %parallel_loop3A_616 = vector.shape_cast %parallel_loop3A_615 : vector<1x16xf32> to vector<16xf32>
        %parallel_loop3A_617 = vector.shape_cast %parallel_loop3A_612 : vector<16xf32> to vector<1x16xf32>
        tpu.vector_store %arg8[%parallel_loop3A_613, %parallel_loop3A_614], %parallel_loop3A_617 {add = true, strides = array<i32>} : memref<200x128xf32, #tpu.memory_space<vmem>>, vector<1x16xf32>,
        %parallel_loop3A_618 = arith.index_cast %parallel_loop3A_608 : i32 to index
        %parallel_loop3A_619 = arith.constant 16 : index
        %parallel_loop3A_620 = tpu.vector_load %arg10[%parallel_loop3A_618, %parallel_loop3A_619] {strides = array<i32>} : memref<200x128xf32, #tpu.memory_space<vmem>>, vector<1x16xf32>,
        %parallel_loop3A_621 = vector.shape_cast %parallel_loop3A_620 : vector<1x16xf32> to vector<16xf32>
        %parallel_loop3A_622 = arith.index_cast %parallel_loop3A_608 : i32 to index
        %parallel_loop3A_623 = arith.constant 16 : index
        %parallel_loop3A_624 = tpu.vector_load %arg8[%parallel_loop3A_622, %parallel_loop3A_623] {strides = array<i32>} : memref<200x128xf32, #tpu.memory_space<vmem>>, vector<1x16xf32>,
        %parallel_loop3A_625 = vector.shape_cast %parallel_loop3A_624 : vector<1x16xf32> to vector<16xf32>
        %parallel_loop3A_626 = vector.shape_cast %parallel_loop3A_621 : vector<16xf32> to vector<1x16xf32>
        tpu.vector_store %arg8[%parallel_loop3A_622, %parallel_loop3A_623], %parallel_loop3A_626 {add = true, strides = array<i32>} : memref<200x128xf32, #tpu.memory_space<vmem>>, vector<1x16xf32>,
        %parallel_loop3A_627 = arith.index_cast %parallel_loop3A_608 : i32 to index
        %parallel_loop3A_628 = arith.constant 32 : index
        %parallel_loop3A_629 = tpu.vector_load %arg10[%parallel_loop3A_627, %parallel_loop3A_628] {strides = array<i32>} : memref<200x128xf32, #tpu.memory_space<vmem>>, vector<1x16xf32>,
        %parallel_loop3A_630 = vector.shape_cast %parallel_loop3A_629 : vector<1x16xf32> to vector<16xf32>
        %parallel_loop3A_631 = arith.index_cast %parallel_loop3A_608 : i32 to index
        %parallel_loop3A_632 = arith.constant 32 : index
        %parallel_loop3A_633 = tpu.vector_load %arg8[%parallel_loop3A_631, %parallel_loop3A_632] {strides = array<i32>} : memref<200x128xf32, #tpu.memory_space<vmem>>, vector<1x16xf32>,
        %parallel_loop3A_634 = vector.shape_cast %parallel_loop3A_633 : vector<1x16xf32> to vector<16xf32>
        %parallel_loop3A_635 = vector.shape_cast %parallel_loop3A_630 : vector<16xf32> to vector<1x16xf32>
        tpu.vector_store %arg8[%parallel_loop3A_631, %parallel_loop3A_632], %parallel_loop3A_635 {add = true, strides = array<i32>} : memref<200x128xf32, #tpu.memory_space<vmem>>, vector<1x16xf32>,
        %parallel_loop3A_636 = arith.index_cast %parallel_loop3A_608 : i32 to index
        %parallel_loop3A_637 = arith.constant 48 : index
        %parallel_loop3A_638 = tpu.vector_load %arg10[%parallel_loop3A_636, %parallel_loop3A_637] {strides = array<i32>} : memref<200x128xf32, #tpu.memory_space<vmem>>, vector<1x16xf32>,
        %parallel_loop3A_639 = vector.shape_cast %parallel_loop3A_638 : vector<1x16xf32> to vector<16xf32>
        %parallel_loop3A_640 = arith.index_cast %parallel_loop3A_608 : i32 to index
        %parallel_loop3A_641 = arith.constant 48 : index
        %parallel_loop3A_642 = tpu.vector_load %arg8[%parallel_loop3A_640, %parallel_loop3A_641] {strides = array<i32>} : memref<200x128xf32, #tpu.memory_space<vmem>>, vector<1x16xf32>,
        %parallel_loop3A_643 = vector.shape_cast %parallel_loop3A_642 : vector<1x16xf32> to vector<16xf32>
        %parallel_loop3A_644 = vector.shape_cast %parallel_loop3A_639 : vector<16xf32> to vector<1x16xf32>
        tpu.vector_store %arg8[%parallel_loop3A_640, %parallel_loop3A_641], %parallel_loop3A_644 {add = true, strides = array<i32>} : memref<200x128xf32, #tpu.memory_space<vmem>>, vector<1x16xf32>,
        %parallel_loop3A_645 = arith.index_cast %parallel_loop3A_608 : i32 to index
        %parallel_loop3A_646 = arith.constant 64 : index
        %parallel_loop3A_647 = tpu.vector_load %arg10[%parallel_loop3A_645, %parallel_loop3A_646] {strides = array<i32>} : memref<200x128xf32, #tpu.memory_space<vmem>>, vector<1x16xf32>,
        %parallel_loop3A_648 = vector.shape_cast %parallel_loop3A_647 : vector<1x16xf32> to vector<16xf32>
        %parallel_loop3A_649 = arith.index_cast %parallel_loop3A_608 : i32 to index
        %parallel_loop3A_650 = arith.constant 64 : index
        %parallel_loop3A_651 = tpu.vector_load %arg8[%parallel_loop3A_649, %parallel_loop3A_650] {strides = array<i32>} : memref<200x128xf32, #tpu.memory_space<vmem>>, vector<1x16xf32>,
        %parallel_loop3A_652 = vector.shape_cast %parallel_loop3A_651 : vector<1x16xf32> to vector<16xf32>
        %parallel_loop3A_653 = vector.shape_cast %parallel_loop3A_648 : vector<16xf32> to vector<1x16xf32>
        tpu.vector_store %arg8[%parallel_loop3A_649, %parallel_loop3A_650], %parallel_loop3A_653 {add = true, strides = array<i32>} : memref<200x128xf32, #tpu.memory_space<vmem>>, vector<1x16xf32>,
        %parallel_loop3A_654 = arith.index_cast %parallel_loop3A_608 : i32 to index
        %parallel_loop3A_655 = arith.constant 80 : index
        %parallel_loop3A_656 = tpu.vector_load %arg10[%parallel_loop3A_654, %parallel_loop3A_655] {strides = array<i32>} : memref<200x128xf32, #tpu.memory_space<vmem>>, vector<1x16xf32>,
        %parallel_loop3A_657 = vector.shape_cast %parallel_loop3A_656 : vector<1x16xf32> to vector<16xf32>
        %parallel_loop3A_658 = arith.index_cast %parallel_loop3A_608 : i32 to index
        %parallel_loop3A_659 = arith.constant 80 : index
        %parallel_loop3A_660 = tpu.vector_load %arg8[%parallel_loop3A_658, %parallel_loop3A_659] {strides = array<i32>} : memref<200x128xf32, #tpu.memory_space<vmem>>, vector<1x16xf32>,
        %parallel_loop3A_661 = vector.shape_cast %parallel_loop3A_660 : vector<1x16xf32> to vector<16xf32>
        %parallel_loop3A_662 = vector.shape_cast %parallel_loop3A_657 : vector<16xf32> to vector<1x16xf32>
        tpu.vector_store %arg8[%parallel_loop3A_658, %parallel_loop3A_659], %parallel_loop3A_662 {add = true, strides = array<i32>} : memref<200x128xf32, #tpu.memory_space<vmem>>, vector<1x16xf32>,
        %parallel_loop3A_663 = arith.index_cast %parallel_loop3A_608 : i32 to index
        %parallel_loop3A_664 = arith.constant 96 : index
        %parallel_loop3A_665 = tpu.vector_load %arg10[%parallel_loop3A_663, %parallel_loop3A_664] {strides = array<i32>} : memref<200x128xf32, #tpu.memory_space<vmem>>, vector<1x16xf32>,
        %parallel_loop3A_666 = vector.shape_cast %parallel_loop3A_665 : vector<1x16xf32> to vector<16xf32>
        %parallel_loop3A_667 = arith.index_cast %parallel_loop3A_608 : i32 to index
        %parallel_loop3A_668 = arith.constant 96 : index
        %parallel_loop3A_669 = tpu.vector_load %arg8[%parallel_loop3A_667, %parallel_loop3A_668] {strides = array<i32>} : memref<200x128xf32, #tpu.memory_space<vmem>>, vector<1x16xf32>,
        %parallel_loop3A_670 = vector.shape_cast %parallel_loop3A_669 : vector<1x16xf32> to vector<16xf32>
        %parallel_loop3A_671 = vector.shape_cast %parallel_loop3A_666 : vector<16xf32> to vector<1x16xf32>
        tpu.vector_store %arg8[%parallel_loop3A_667, %parallel_loop3A_668], %parallel_loop3A_671 {add = true, strides = array<i32>} : memref<200x128xf32, #tpu.memory_space<vmem>>, vector<1x16xf32>,
        %parallel_loop3A_672 = arith.index_cast %parallel_loop3A_608 : i32 to index
        %parallel_loop3A_673 = arith.constant 112 : index
        %parallel_loop3A_674 = tpu.vector_load %arg10[%parallel_loop3A_672, %parallel_loop3A_673] {strides = array<i32>} : memref<200x128xf32, #tpu.memory_space<vmem>>, vector<1x16xf32>,
        %parallel_loop3A_675 = vector.shape_cast %parallel_loop3A_674 : vector<1x16xf32> to vector<16xf32>
        %parallel_loop3A_676 = arith.index_cast %parallel_loop3A_608 : i32 to index
        %parallel_loop3A_677 = arith.constant 112 : index
        %parallel_loop3A_678 = tpu.vector_load %arg8[%parallel_loop3A_676, %parallel_loop3A_677] {strides = array<i32>} : memref<200x128xf32, #tpu.memory_space<vmem>>, vector<1x16xf32>,
        %parallel_loop3A_679 = vector.shape_cast %parallel_loop3A_678 : vector<1x16xf32> to vector<16xf32>
        %parallel_loop3A_680 = vector.shape_cast %parallel_loop3A_675 : vector<16xf32> to vector<1x16xf32>
        tpu.vector_store %arg8[%parallel_loop3A_676, %parallel_loop3A_677], %parallel_loop3A_680 {add = true, strides = array<i32>} : memref<200x128xf32, #tpu.memory_space<vmem>>, vector<1x16xf32>,
      } {sc.loop_unroll_factor = 8 : i64, sc.parallel_access}
      %add3A_423 = arith.addi %mul3A_2, %add3A_371 : i32
      %dma_start3A_424 = arith.constant 0 : i32
      %dma_start3A_425 = arith.constant 0 : i32
      %dma_start3A_426 = tpu.memref_slice %arg8[%dma_start3A_424, %dma_start3A_425] : memref<200x128xf32, #tpu.memory_space<vmem>> -> memref<104x128xf32, #tpu.memory_space<vmem>>
      %dma_start3A_427 = arith.constant 0 : i32
      %dma_start3A_428 = arith.constant 0 : i32
      %dma_start3A_429 = tpu.memref_slice %arg5[%add3A_423, %dma_start3A_427, %dma_start3A_428] : memref<1024x200x128xf32, #tpu.memory_space<hbm>> -> memref<1x200x128xf32, #tpu.memory_space<hbm>>
      %dma_start3A_430 = tpu.memref_squeeze %dma_start3A_429 : memref<1x200x128xf32, #tpu.memory_space<hbm>> -> memref<200x128xf32, #tpu.memory_space<hbm>>
      %dma_start3A_431 = arith.constant 0 : i32
      %dma_start3A_432 = arith.constant 0 : i32
      %dma_start3A_433 = tpu.memref_slice %dma_start3A_430[%dma_start3A_431, %dma_start3A_432] : memref<200x128xf32, #tpu.memory_space<hbm>> -> memref<104x128xf32, #tpu.memory_space<hbm>>
      %dma_start3A_434 = arith.constant 0 : i32
      %dma_start3A_435 = arith.constant 0 : i32
      %dma_start3A_436 = tpu.memref_slice %arg5[%add3A_423, %dma_start3A_434, %dma_start3A_435] : memref<1024x200x128xf32, #tpu.memory_space<hbm>> -> memref<1x200x128xf32, #tpu.memory_space<hbm>>
      %dma_start3A_437 = tpu.memref_squeeze %dma_start3A_436 : memref<1x200x128xf32, #tpu.memory_space<hbm>> -> memref<200x128xf32, #tpu.memory_space<hbm>>
      %dma_start3A_438 = arith.constant 0 : i32
      %dma_start3A_439 = arith.constant 0 : i32
      %dma_start3A_440 = tpu.memref_slice %dma_start3A_437[%dma_start3A_438, %dma_start3A_439] : memref<200x128xf32, #tpu.memory_space<hbm>> -> memref<104x128xf32, #tpu.memory_space<hbm>>
      %dma_start3A_441 = arith.constant 0 : i32
      %dma_start3A_442 = arith.constant 0 : i32
      %dma_start3A_443 = tpu.memref_slice %arg8[%dma_start3A_441, %dma_start3A_442] : memref<200x128xf32, #tpu.memory_space<vmem>> -> memref<104x128xf32, #tpu.memory_space<vmem>>
      tpu.enqueue_dma source(%dma_start3A_443 : memref<104x128xf32, #tpu.memory_space<vmem>>) target(%dma_start3A_440 : memref<104x128xf32, #tpu.memory_space<hbm>>) target_semaphore(%arg18 : memref<!tpu.dma_semaphore, #tpu.memory_space<semaphore_mem>>)
      %dma_wait3A_444 = arith.constant 0 : i32
      %dma_wait3A_445 = arith.constant 0 : i32
      %dma_wait3A_446 = arith.constant 0 : i32
      %dma_wait3A_447 = tpu.memref_slice %arg8[%dma_wait3A_445, %dma_wait3A_446] : memref<200x128xf32, #tpu.memory_space<vmem>> -> memref<96x128xf32, #tpu.memory_space<vmem>>
      %dma_wait3A_448 = arith.constant 0 : i32
      %dma_wait3A_449 = arith.constant 0 : i32
      %dma_wait3A_450 = tpu.memref_slice %arg5[%dma_wait3A_444, %dma_wait3A_448, %dma_wait3A_449] : memref<1024x200x128xf32, #tpu.memory_space<hbm>> -> memref<1x200x128xf32, #tpu.memory_space<hbm>>
      %dma_wait3A_451 = tpu.memref_squeeze %dma_wait3A_450 : memref<1x200x128xf32, #tpu.memory_space<hbm>> -> memref<200x128xf32, #tpu.memory_space<hbm>>
      %dma_wait3A_452 = arith.constant 0 : i32
      %dma_wait3A_453 = arith.constant 0 : i32
      %dma_wait3A_454 = tpu.memref_slice %dma_wait3A_451[%dma_wait3A_452, %dma_wait3A_453] : memref<200x128xf32, #tpu.memory_space<hbm>> -> memref<96x128xf32, #tpu.memory_space<hbm>>
      %dma_wait3A_455 = arith.constant 0 : i32
      %dma_wait3A_456 = arith.constant 0 : i32
      %dma_wait3A_457 = tpu.memref_slice %arg8[%dma_wait3A_455, %dma_wait3A_456] : memref<200x128xf32, #tpu.memory_space<vmem>> -> memref<96x128xf32, #tpu.memory_space<vmem>>
      %dma_wait3A_458 = arith.constant 0 : i32
      %dma_wait3A_459 = arith.constant 0 : i32
      %dma_wait3A_460 = tpu.memref_slice %arg5[%dma_wait3A_444, %dma_wait3A_458, %dma_wait3A_459] : memref<1024x200x128xf32, #tpu.memory_space<hbm>> -> memref<1x200x128xf32, #tpu.memory_space<hbm>>
      %dma_wait3A_461 = tpu.memref_squeeze %dma_wait3A_460 : memref<1x200x128xf32, #tpu.memory_space<hbm>> -> memref<200x128xf32, #tpu.memory_space<hbm>>
      %dma_wait3A_462 = arith.constant 0 : i32
      %dma_wait3A_463 = arith.constant 0 : i32
      %dma_wait3A_464 = tpu.memref_slice %dma_wait3A_461[%dma_wait3A_462, %dma_wait3A_463] : memref<200x128xf32, #tpu.memory_space<hbm>> -> memref<96x128xf32, #tpu.memory_space<hbm>>
      tpu.wait_dma2 semaphore(%arg15 : memref<!tpu.dma_semaphore, #tpu.memory_space<semaphore_mem>>) src(%dma_wait3A_464 : memref<96x128xf32, #tpu.memory_space<hbm>>) dst(%dma_wait3A_457 : memref<96x128xf32, #tpu.memory_space<vmem>>)
      %parallel_loop3A_465 = arith.constant 104 : i32
      %parallel_loop3A_466 = arith.constant 200 : i32
      %parallel_loop3A_467 = arith.constant 1 : i32
      scf.for %parallel_loop3A_608 = %parallel_loop3A_465 to %parallel_loop3A_466 step %parallel_loop3A_467  : i32 {
        %parallel_loop3A_609 = arith.index_cast %parallel_loop3A_608 : i32 to index
        %parallel_loop3A_610 = arith.constant 0 : index
        %parallel_loop3A_611 = tpu.vector_load %arg10[%parallel_loop3A_609, %parallel_loop3A_610] {strides = array<i32>} : memref<200x128xf32, #tpu.memory_space<vmem>>, vector<1x16xf32>,
        %parallel_loop3A_612 = vector.shape_cast %parallel_loop3A_611 : vector<1x16xf32> to vector<16xf32>
        %parallel_loop3A_613 = arith.index_cast %parallel_loop3A_608 : i32 to index
        %parallel_loop3A_614 = arith.constant 0 : index
        %parallel_loop3A_615 = tpu.vector_load %arg8[%parallel_loop3A_613, %parallel_loop3A_614] {strides = array<i32>} : memref<200x128xf32, #tpu.memory_space<vmem>>, vector<1x16xf32>,
        %parallel_loop3A_616 = vector.shape_cast %parallel_loop3A_615 : vector<1x16xf32> to vector<16xf32>
        %parallel_loop3A_617 = vector.shape_cast %parallel_loop3A_612 : vector<16xf32> to vector<1x16xf32>
        tpu.vector_store %arg8[%parallel_loop3A_613, %parallel_loop3A_614], %parallel_loop3A_617 {add = true, strides = array<i32>} : memref<200x128xf32, #tpu.memory_space<vmem>>, vector<1x16xf32>,
        %parallel_loop3A_618 = arith.index_cast %parallel_loop3A_608 : i32 to index
        %parallel_loop3A_619 = arith.constant 16 : index
        %parallel_loop3A_620 = tpu.vector_load %arg10[%parallel_loop3A_618, %parallel_loop3A_619] {strides = array<i32>} : memref<200x128xf32, #tpu.memory_space<vmem>>, vector<1x16xf32>,
        %parallel_loop3A_621 = vector.shape_cast %parallel_loop3A_620 : vector<1x16xf32> to vector<16xf32>
        %parallel_loop3A_622 = arith.index_cast %parallel_loop3A_608 : i32 to index
        %parallel_loop3A_623 = arith.constant 16 : index
        %parallel_loop3A_624 = tpu.vector_load %arg8[%parallel_loop3A_622, %parallel_loop3A_623] {strides = array<i32>} : memref<200x128xf32, #tpu.memory_space<vmem>>, vector<1x16xf32>,
        %parallel_loop3A_625 = vector.shape_cast %parallel_loop3A_624 : vector<1x16xf32> to vector<16xf32>
        %parallel_loop3A_626 = vector.shape_cast %parallel_loop3A_621 : vector<16xf32> to vector<1x16xf32>
        tpu.vector_store %arg8[%parallel_loop3A_622, %parallel_loop3A_623], %parallel_loop3A_626 {add = true, strides = array<i32>} : memref<200x128xf32, #tpu.memory_space<vmem>>, vector<1x16xf32>,
        %parallel_loop3A_627 = arith.index_cast %parallel_loop3A_608 : i32 to index
        %parallel_loop3A_628 = arith.constant 32 : index
        %parallel_loop3A_629 = tpu.vector_load %arg10[%parallel_loop3A_627, %parallel_loop3A_628] {strides = array<i32>} : memref<200x128xf32, #tpu.memory_space<vmem>>, vector<1x16xf32>,
        %parallel_loop3A_630 = vector.shape_cast %parallel_loop3A_629 : vector<1x16xf32> to vector<16xf32>
        %parallel_loop3A_631 = arith.index_cast %parallel_loop3A_608 : i32 to index
        %parallel_loop3A_632 = arith.constant 32 : index
        %parallel_loop3A_633 = tpu.vector_load %arg8[%parallel_loop3A_631, %parallel_loop3A_632] {strides = array<i32>} : memref<200x128xf32, #tpu.memory_space<vmem>>, vector<1x16xf32>,
        %parallel_loop3A_634 = vector.shape_cast %parallel_loop3A_633 : vector<1x16xf32> to vector<16xf32>
        %parallel_loop3A_635 = vector.shape_cast %parallel_loop3A_630 : vector<16xf32> to vector<1x16xf32>
        tpu.vector_store %arg8[%parallel_loop3A_631, %parallel_loop3A_632], %parallel_loop3A_635 {add = true, strides = array<i32>} : memref<200x128xf32, #tpu.memory_space<vmem>>, vector<1x16xf32>,
        %parallel_loop3A_636 = arith.index_cast %parallel_loop3A_608 : i32 to index
        %parallel_loop3A_637 = arith.constant 48 : index
        %parallel_loop3A_638 = tpu.vector_load %arg10[%parallel_loop3A_636, %parallel_loop3A_637] {strides = array<i32>} : memref<200x128xf32, #tpu.memory_space<vmem>>, vector<1x16xf32>,
        %parallel_loop3A_639 = vector.shape_cast %parallel_loop3A_638 : vector<1x16xf32> to vector<16xf32>
        %parallel_loop3A_640 = arith.index_cast %parallel_loop3A_608 : i32 to index
        %parallel_loop3A_641 = arith.constant 48 : index
        %parallel_loop3A_642 = tpu.vector_load %arg8[%parallel_loop3A_640, %parallel_loop3A_641] {strides = array<i32>} : memref<200x128xf32, #tpu.memory_space<vmem>>, vector<1x16xf32>,
        %parallel_loop3A_643 = vector.shape_cast %parallel_loop3A_642 : vector<1x16xf32> to vector<16xf32>
        %parallel_loop3A_644 = vector.shape_cast %parallel_loop3A_639 : vector<16xf32> to vector<1x16xf32>
        tpu.vector_store %arg8[%parallel_loop3A_640, %parallel_loop3A_641], %parallel_loop3A_644 {add = true, strides = array<i32>} : memref<200x128xf32, #tpu.memory_space<vmem>>, vector<1x16xf32>,
        %parallel_loop3A_645 = arith.index_cast %parallel_loop3A_608 : i32 to index
        %parallel_loop3A_646 = arith.constant 64 : index
        %parallel_loop3A_647 = tpu.vector_load %arg10[%parallel_loop3A_645, %parallel_loop3A_646] {strides = array<i32>} : memref<200x128xf32, #tpu.memory_space<vmem>>, vector<1x16xf32>,
        %parallel_loop3A_648 = vector.shape_cast %parallel_loop3A_647 : vector<1x16xf32> to vector<16xf32>
        %parallel_loop3A_649 = arith.index_cast %parallel_loop3A_608 : i32 to index
        %parallel_loop3A_650 = arith.constant 64 : index
        %parallel_loop3A_651 = tpu.vector_load %arg8[%parallel_loop3A_649, %parallel_loop3A_650] {strides = array<i32>} : memref<200x128xf32, #tpu.memory_space<vmem>>, vector<1x16xf32>,
        %parallel_loop3A_652 = vector.shape_cast %parallel_loop3A_651 : vector<1x16xf32> to vector<16xf32>
        %parallel_loop3A_653 = vector.shape_cast %parallel_loop3A_648 : vector<16xf32> to vector<1x16xf32>
        tpu.vector_store %arg8[%parallel_loop3A_649, %parallel_loop3A_650], %parallel_loop3A_653 {add = true, strides = array<i32>} : memref<200x128xf32, #tpu.memory_space<vmem>>, vector<1x16xf32>,
        %parallel_loop3A_654 = arith.index_cast %parallel_loop3A_608 : i32 to index
        %parallel_loop3A_655 = arith.constant 80 : index
        %parallel_loop3A_656 = tpu.vector_load %arg10[%parallel_loop3A_654, %parallel_loop3A_655] {strides = array<i32>} : memref<200x128xf32, #tpu.memory_space<vmem>>, vector<1x16xf32>,
        %parallel_loop3A_657 = vector.shape_cast %parallel_loop3A_656 : vector<1x16xf32> to vector<16xf32>
        %parallel_loop3A_658 = arith.index_cast %parallel_loop3A_608 : i32 to index
        %parallel_loop3A_659 = arith.constant 80 : index
        %parallel_loop3A_660 = tpu.vector_load %arg8[%parallel_loop3A_658, %parallel_loop3A_659] {strides = array<i32>} : memref<200x128xf32, #tpu.memory_space<vmem>>, vector<1x16xf32>,
        %parallel_loop3A_661 = vector.shape_cast %parallel_loop3A_660 : vector<1x16xf32> to vector<16xf32>
        %parallel_loop3A_662 = vector.shape_cast %parallel_loop3A_657 : vector<16xf32> to vector<1x16xf32>
        tpu.vector_store %arg8[%parallel_loop3A_658, %parallel_loop3A_659], %parallel_loop3A_662 {add = true, strides = array<i32>} : memref<200x128xf32, #tpu.memory_space<vmem>>, vector<1x16xf32>,
        %parallel_loop3A_663 = arith.index_cast %parallel_loop3A_608 : i32 to index
        %parallel_loop3A_664 = arith.constant 96 : index
        %parallel_loop3A_665 = tpu.vector_load %arg10[%parallel_loop3A_663, %parallel_loop3A_664] {strides = array<i32>} : memref<200x128xf32, #tpu.memory_space<vmem>>, vector<1x16xf32>,
        %parallel_loop3A_666 = vector.shape_cast %parallel_loop3A_665 : vector<1x16xf32> to vector<16xf32>
        %parallel_loop3A_667 = arith.index_cast %parallel_loop3A_608 : i32 to index
        %parallel_loop3A_668 = arith.constant 96 : index
        %parallel_loop3A_669 = tpu.vector_load %arg8[%parallel_loop3A_667, %parallel_loop3A_668] {strides = array<i32>} : memref<200x128xf32, #tpu.memory_space<vmem>>, vector<1x16xf32>,
        %parallel_loop3A_670 = vector.shape_cast %parallel_loop3A_669 : vector<1x16xf32> to vector<16xf32>
        %parallel_loop3A_671 = vector.shape_cast %parallel_loop3A_666 : vector<16xf32> to vector<1x16xf32>
        tpu.vector_store %arg8[%parallel_loop3A_667, %parallel_loop3A_668], %parallel_loop3A_671 {add = true, strides = array<i32>} : memref<200x128xf32, #tpu.memory_space<vmem>>, vector<1x16xf32>,
        %parallel_loop3A_672 = arith.index_cast %parallel_loop3A_608 : i32 to index
        %parallel_loop3A_673 = arith.constant 112 : index
        %parallel_loop3A_674 = tpu.vector_load %arg10[%parallel_loop3A_672, %parallel_loop3A_673] {strides = array<i32>} : memref<200x128xf32, #tpu.memory_space<vmem>>, vector<1x16xf32>,
        %parallel_loop3A_675 = vector.shape_cast %parallel_loop3A_674 : vector<1x16xf32> to vector<16xf32>
        %parallel_loop3A_676 = arith.index_cast %parallel_loop3A_608 : i32 to index
        %parallel_loop3A_677 = arith.constant 112 : index
        %parallel_loop3A_678 = tpu.vector_load %arg8[%parallel_loop3A_676, %parallel_loop3A_677] {strides = array<i32>} : memref<200x128xf32, #tpu.memory_space<vmem>>, vector<1x16xf32>,
        %parallel_loop3A_679 = vector.shape_cast %parallel_loop3A_678 : vector<1x16xf32> to vector<16xf32>
        %parallel_loop3A_680 = vector.shape_cast %parallel_loop3A_675 : vector<16xf32> to vector<1x16xf32>
        tpu.vector_store %arg8[%parallel_loop3A_676, %parallel_loop3A_677], %parallel_loop3A_680 {add = true, strides = array<i32>} : memref<200x128xf32, #tpu.memory_space<vmem>>, vector<1x16xf32>,
      } {sc.loop_unroll_factor = 8 : i64, sc.parallel_access}
      %add3A_468 = arith.addi %mul3A_2, %add3A_371 : i32
      %dma_start3A_469 = arith.constant 104 : i32
      %dma_start3A_470 = arith.constant 0 : i32
      %dma_start3A_471 = tpu.memref_slice %arg8[%dma_start3A_469, %dma_start3A_470] : memref<200x128xf32, #tpu.memory_space<vmem>> -> memref<96x128xf32, #tpu.memory_space<vmem>>
      %dma_start3A_472 = arith.constant 0 : i32
      %dma_start3A_473 = arith.constant 0 : i32
      %dma_start3A_474 = tpu.memref_slice %arg5[%add3A_468, %dma_start3A_472, %dma_start3A_473] : memref<1024x200x128xf32, #tpu.memory_space<hbm>> -> memref<1x200x128xf32, #tpu.memory_space<hbm>>
      %dma_start3A_475 = tpu.memref_squeeze %dma_start3A_474 : memref<1x200x128xf32, #tpu.memory_space<hbm>> -> memref<200x128xf32, #tpu.memory_space<hbm>>
      %dma_start3A_476 = arith.constant 104 : i32
      %dma_start3A_477 = arith.constant 0 : i32
      %dma_start3A_478 = tpu.memref_slice %dma_start3A_475[%dma_start3A_476, %dma_start3A_477] : memref<200x128xf32, #tpu.memory_space<hbm>> -> memref<96x128xf32, #tpu.memory_space<hbm>>
      %dma_start3A_479 = arith.constant 0 : i32
      %dma_start3A_480 = arith.constant 0 : i32
      %dma_start3A_481 = tpu.memref_slice %arg5[%add3A_468, %dma_start3A_479, %dma_start3A_480] : memref<1024x200x128xf32, #tpu.memory_space<hbm>> -> memref<1x200x128xf32, #tpu.memory_space<hbm>>
      %dma_start3A_482 = tpu.memref_squeeze %dma_start3A_481 : memref<1x200x128xf32, #tpu.memory_space<hbm>> -> memref<200x128xf32, #tpu.memory_space<hbm>>
      %dma_start3A_483 = arith.constant 104 : i32
      %dma_start3A_484 = arith.constant 0 : i32
      %dma_start3A_485 = tpu.memref_slice %dma_start3A_482[%dma_start3A_483, %dma_start3A_484] : memref<200x128xf32, #tpu.memory_space<hbm>> -> memref<96x128xf32, #tpu.memory_space<hbm>>
      %dma_start3A_486 = arith.constant 104 : i32
      %dma_start3A_487 = arith.constant 0 : i32
      %dma_start3A_488 = tpu.memref_slice %arg8[%dma_start3A_486, %dma_start3A_487] : memref<200x128xf32, #tpu.memory_space<vmem>> -> memref<96x128xf32, #tpu.memory_space<vmem>>
      tpu.enqueue_dma source(%dma_start3A_488 : memref<96x128xf32, #tpu.memory_space<vmem>>) target(%dma_start3A_485 : memref<96x128xf32, #tpu.memory_space<hbm>>) target_semaphore(%arg18 : memref<!tpu.dma_semaphore, #tpu.memory_space<semaphore_mem>>)
      %add3A_489 = arith.constant 2 : i32
      %add3A_490 = arith.addi %add3A_253, %add3A_489 : i32
      %ge3A_491 = arith.constant 1 : i32
      %ge3A_492 = arith.cmpi sge, %add3A_490, %ge3A_491 : i32
      %convert_element_type3A_493 = arith.extui %ge3A_492 : i1 to i32
      %cond3A_494 = arith.constant 0 : i32
      %cond3A_495 = arith.cmpi ne, %convert_element_type3A_493, %cond3A_494 : i32
      scf.if %cond3A_495 {
        %dma_wait3A_608 = arith.constant 0 : i32
        %dma_wait3A_609 = arith.constant 0 : i32
        %dma_wait3A_610 = arith.constant 0 : i32
        %dma_wait3A_611 = tpu.memref_slice %arg5[%dma_wait3A_608, %dma_wait3A_609, %dma_wait3A_610] : memref<1024x200x128xf32, #tpu.memory_space<hbm>> -> memref<1x200x128xf32, #tpu.memory_space<hbm>>
        %dma_wait3A_612 = tpu.memref_squeeze %dma_wait3A_611 : memref<1x200x128xf32, #tpu.memory_space<hbm>> -> memref<200x128xf32, #tpu.memory_space<hbm>>
        %dma_wait3A_613 = arith.constant 0 : i32
        %dma_wait3A_614 = arith.constant 0 : i32
        %dma_wait3A_615 = tpu.memref_slice %arg5[%dma_wait3A_608, %dma_wait3A_613, %dma_wait3A_614] : memref<1024x200x128xf32, #tpu.memory_space<hbm>> -> memref<1x200x128xf32, #tpu.memory_space<hbm>>
        %dma_wait3A_616 = tpu.memref_squeeze %dma_wait3A_615 : memref<1x200x128xf32, #tpu.memory_space<hbm>> -> memref<200x128xf32, #tpu.memory_space<hbm>>
        tpu.wait_dma2 semaphore(%arg18 : memref<!tpu.dma_semaphore, #tpu.memory_space<semaphore_mem>>) src(%arg8 : memref<200x128xf32, #tpu.memory_space<vmem>>) dst(%dma_wait3A_616 : memref<200x128xf32, #tpu.memory_space<hbm>>)
      } else {
      }
      %add3A_496 = arith.constant 1 : i32
      %add3A_497 = arith.addi %add3A_490, %add3A_496 : i32
      %mul3A_498 = arith.constant 200 : i32
      %mul3A_499 = arith.muli %add3A_497, %mul3A_498 : i32
      %dma_start3A_500 = arith.constant 0 : i32
      %dma_start3A_501 = arith.constant 0 : i32
      %dma_start3A_502 = tpu.memref_slice %arg7[%dma_start3A_500, %dma_start3A_501] : memref<200x128xf32, #tpu.memory_space<vmem>> -> memref<104x128xf32, #tpu.memory_space<vmem>>
      %dma_start3A_503 = tpu.memref_slice %arg6[%mul3A_499] : memref<6400xi32, #tpu.memory_space<vmem>> -> memref<104xi32, #tpu.memory_space<vmem>>
      %dma_start3A_504 = arith.constant 0 : i32
      %dma_start3A_505 = arith.constant 0 : i32
      %dma_start3A_506 = tpu.memref_slice %arg3[%dma_start3A_504, %dma_start3A_505] : memref<100000x128xf32, #tpu.memory_space<hbm>> -> memref<100000x128xf32, #tpu.memory_space<hbm>>
      tpu.enqueue_indirect_dma source(%dma_start3A_506 : memref<100000x128xf32, #tpu.memory_space<hbm>>) target(%dma_start3A_502 : memref<104x128xf32, #tpu.memory_space<vmem>>) offsets(%dma_start3A_503 : memref<104xi32, #tpu.memory_space<vmem>>) semaphore(%arg11 : memref<!tpu.dma_semaphore, #tpu.memory_space<semaphore_mem>>)
      %mul3A_507 = arith.constant 200 : i32
      %mul3A_508 = arith.muli %add3A_497, %mul3A_507 : i32
      %add3A_509 = arith.constant 104 : i32
      %add3A_510 = arith.addi %mul3A_508, %add3A_509 : i32
      %dma_start3A_511 = arith.constant 104 : i32
      %dma_start3A_512 = arith.constant 0 : i32
      %dma_start3A_513 = tpu.memref_slice %arg7[%dma_start3A_511, %dma_start3A_512] : memref<200x128xf32, #tpu.memory_space<vmem>> -> memref<96x128xf32, #tpu.memory_space<vmem>>
      %dma_start3A_514 = tpu.memref_slice %arg6[%add3A_510] : memref<6400xi32, #tpu.memory_space<vmem>> -> memref<96xi32, #tpu.memory_space<vmem>>
      %dma_start3A_515 = arith.constant 0 : i32
      %dma_start3A_516 = arith.constant 0 : i32
      %dma_start3A_517 = tpu.memref_slice %arg3[%dma_start3A_515, %dma_start3A_516] : memref<100000x128xf32, #tpu.memory_space<hbm>> -> memref<100000x128xf32, #tpu.memory_space<hbm>>
      tpu.enqueue_indirect_dma source(%dma_start3A_517 : memref<100000x128xf32, #tpu.memory_space<hbm>>) target(%dma_start3A_513 : memref<96x128xf32, #tpu.memory_space<vmem>>) offsets(%dma_start3A_514 : memref<96xi32, #tpu.memory_space<vmem>>) semaphore(%arg14 : memref<!tpu.dma_semaphore, #tpu.memory_space<semaphore_mem>>)
      %dma_wait3A_518 = arith.constant 0 : i32
      %dma_wait3A_519 = arith.constant 0 : i32
      %dma_wait3A_520 = arith.constant 0 : i32
      %dma_wait3A_521 = tpu.memref_slice %arg9[%dma_wait3A_519, %dma_wait3A_520] : memref<200x128xf32, #tpu.memory_space<vmem>> -> memref<104x128xf32, #tpu.memory_space<vmem>>
      %dma_wait3A_522 = arith.constant 0 : i32
      %dma_wait3A_523 = arith.constant 0 : i32
      %dma_wait3A_524 = tpu.memref_slice %arg5[%dma_wait3A_518, %dma_wait3A_522, %dma_wait3A_523] : memref<1024x200x128xf32, #tpu.memory_space<hbm>> -> memref<1x200x128xf32, #tpu.memory_space<hbm>>
      %dma_wait3A_525 = tpu.memref_squeeze %dma_wait3A_524 : memref<1x200x128xf32, #tpu.memory_space<hbm>> -> memref<200x128xf32, #tpu.memory_space<hbm>>
      %dma_wait3A_526 = arith.constant 0 : i32
      %dma_wait3A_527 = arith.constant 0 : i32
      %dma_wait3A_528 = tpu.memref_slice %dma_wait3A_525[%dma_wait3A_526, %dma_wait3A_527] : memref<200x128xf32, #tpu.memory_space<hbm>> -> memref<104x128xf32, #tpu.memory_space<hbm>>
      %dma_wait3A_529 = arith.constant 0 : i32
      %dma_wait3A_530 = arith.constant 0 : i32
      %dma_wait3A_531 = tpu.memref_slice %arg9[%dma_wait3A_529, %dma_wait3A_530] : memref<200x128xf32, #tpu.memory_space<vmem>> -> memref<104x128xf32, #tpu.memory_space<vmem>>
      %dma_wait3A_532 = arith.constant 0 : i32
      %dma_wait3A_533 = arith.constant 0 : i32
      %dma_wait3A_534 = tpu.memref_slice %arg5[%dma_wait3A_518, %dma_wait3A_532, %dma_wait3A_533] : memref<1024x200x128xf32, #tpu.memory_space<hbm>> -> memref<1x200x128xf32, #tpu.memory_space<hbm>>
      %dma_wait3A_535 = tpu.memref_squeeze %dma_wait3A_534 : memref<1x200x128xf32, #tpu.memory_space<hbm>> -> memref<200x128xf32, #tpu.memory_space<hbm>>
      %dma_wait3A_536 = arith.constant 0 : i32
      %dma_wait3A_537 = arith.constant 0 : i32
      %dma_wait3A_538 = tpu.memref_slice %dma_wait3A_535[%dma_wait3A_536, %dma_wait3A_537] : memref<200x128xf32, #tpu.memory_space<hbm>> -> memref<104x128xf32, #tpu.memory_space<hbm>>
      tpu.wait_dma2 semaphore(%arg13 : memref<!tpu.dma_semaphore, #tpu.memory_space<semaphore_mem>>) src(%dma_wait3A_538 : memref<104x128xf32, #tpu.memory_space<hbm>>) dst(%dma_wait3A_531 : memref<104x128xf32, #tpu.memory_space<vmem>>)
      %parallel_loop3A_539 = arith.constant 0 : i32
      %parallel_loop3A_540 = arith.constant 104 : i32
      %parallel_loop3A_541 = arith.constant 1 : i32
      scf.for %parallel_loop3A_608 = %parallel_loop3A_539 to %parallel_loop3A_540 step %parallel_loop3A_541  : i32 {
        %parallel_loop3A_609 = arith.index_cast %parallel_loop3A_608 : i32 to index
        %parallel_loop3A_610 = arith.constant 0 : index
        %parallel_loop3A_611 = tpu.vector_load %arg10[%parallel_loop3A_609, %parallel_loop3A_610] {strides = array<i32>} : memref<200x128xf32, #tpu.memory_space<vmem>>, vector<1x16xf32>,
        %parallel_loop3A_612 = vector.shape_cast %parallel_loop3A_611 : vector<1x16xf32> to vector<16xf32>
        %parallel_loop3A_613 = arith.index_cast %parallel_loop3A_608 : i32 to index
        %parallel_loop3A_614 = arith.constant 0 : index
        %parallel_loop3A_615 = tpu.vector_load %arg9[%parallel_loop3A_613, %parallel_loop3A_614] {strides = array<i32>} : memref<200x128xf32, #tpu.memory_space<vmem>>, vector<1x16xf32>,
        %parallel_loop3A_616 = vector.shape_cast %parallel_loop3A_615 : vector<1x16xf32> to vector<16xf32>
        %parallel_loop3A_617 = vector.shape_cast %parallel_loop3A_612 : vector<16xf32> to vector<1x16xf32>
        tpu.vector_store %arg9[%parallel_loop3A_613, %parallel_loop3A_614], %parallel_loop3A_617 {add = true, strides = array<i32>} : memref<200x128xf32, #tpu.memory_space<vmem>>, vector<1x16xf32>,
        %parallel_loop3A_618 = arith.index_cast %parallel_loop3A_608 : i32 to index
        %parallel_loop3A_619 = arith.constant 16 : index
        %parallel_loop3A_620 = tpu.vector_load %arg10[%parallel_loop3A_618, %parallel_loop3A_619] {strides = array<i32>} : memref<200x128xf32, #tpu.memory_space<vmem>>, vector<1x16xf32>,
        %parallel_loop3A_621 = vector.shape_cast %parallel_loop3A_620 : vector<1x16xf32> to vector<16xf32>
        %parallel_loop3A_622 = arith.index_cast %parallel_loop3A_608 : i32 to index
        %parallel_loop3A_623 = arith.constant 16 : index
        %parallel_loop3A_624 = tpu.vector_load %arg9[%parallel_loop3A_622, %parallel_loop3A_623] {strides = array<i32>} : memref<200x128xf32, #tpu.memory_space<vmem>>, vector<1x16xf32>,
        %parallel_loop3A_625 = vector.shape_cast %parallel_loop3A_624 : vector<1x16xf32> to vector<16xf32>
        %parallel_loop3A_626 = vector.shape_cast %parallel_loop3A_621 : vector<16xf32> to vector<1x16xf32>
        tpu.vector_store %arg9[%parallel_loop3A_622, %parallel_loop3A_623], %parallel_loop3A_626 {add = true, strides = array<i32>} : memref<200x128xf32, #tpu.memory_space<vmem>>, vector<1x16xf32>,
        %parallel_loop3A_627 = arith.index_cast %parallel_loop3A_608 : i32 to index
        %parallel_loop3A_628 = arith.constant 32 : index
        %parallel_loop3A_629 = tpu.vector_load %arg10[%parallel_loop3A_627, %parallel_loop3A_628] {strides = array<i32>} : memref<200x128xf32, #tpu.memory_space<vmem>>, vector<1x16xf32>,
        %parallel_loop3A_630 = vector.shape_cast %parallel_loop3A_629 : vector<1x16xf32> to vector<16xf32>
        %parallel_loop3A_631 = arith.index_cast %parallel_loop3A_608 : i32 to index
        %parallel_loop3A_632 = arith.constant 32 : index
        %parallel_loop3A_633 = tpu.vector_load %arg9[%parallel_loop3A_631, %parallel_loop3A_632] {strides = array<i32>} : memref<200x128xf32, #tpu.memory_space<vmem>>, vector<1x16xf32>,
        %parallel_loop3A_634 = vector.shape_cast %parallel_loop3A_633 : vector<1x16xf32> to vector<16xf32>
        %parallel_loop3A_635 = vector.shape_cast %parallel_loop3A_630 : vector<16xf32> to vector<1x16xf32>
        tpu.vector_store %arg9[%parallel_loop3A_631, %parallel_loop3A_632], %parallel_loop3A_635 {add = true, strides = array<i32>} : memref<200x128xf32, #tpu.memory_space<vmem>>, vector<1x16xf32>,
        %parallel_loop3A_636 = arith.index_cast %parallel_loop3A_608 : i32 to index
        %parallel_loop3A_637 = arith.constant 48 : index
        %parallel_loop3A_638 = tpu.vector_load %arg10[%parallel_loop3A_636, %parallel_loop3A_637] {strides = array<i32>} : memref<200x128xf32, #tpu.memory_space<vmem>>, vector<1x16xf32>,
        %parallel_loop3A_639 = vector.shape_cast %parallel_loop3A_638 : vector<1x16xf32> to vector<16xf32>
        %parallel_loop3A_640 = arith.index_cast %parallel_loop3A_608 : i32 to index
        %parallel_loop3A_641 = arith.constant 48 : index
        %parallel_loop3A_642 = tpu.vector_load %arg9[%parallel_loop3A_640, %parallel_loop3A_641] {strides = array<i32>} : memref<200x128xf32, #tpu.memory_space<vmem>>, vector<1x16xf32>,
        %parallel_loop3A_643 = vector.shape_cast %parallel_loop3A_642 : vector<1x16xf32> to vector<16xf32>
        %parallel_loop3A_644 = vector.shape_cast %parallel_loop3A_639 : vector<16xf32> to vector<1x16xf32>
        tpu.vector_store %arg9[%parallel_loop3A_640, %parallel_loop3A_641], %parallel_loop3A_644 {add = true, strides = array<i32>} : memref<200x128xf32, #tpu.memory_space<vmem>>, vector<1x16xf32>,
        %parallel_loop3A_645 = arith.index_cast %parallel_loop3A_608 : i32 to index
        %parallel_loop3A_646 = arith.constant 64 : index
        %parallel_loop3A_647 = tpu.vector_load %arg10[%parallel_loop3A_645, %parallel_loop3A_646] {strides = array<i32>} : memref<200x128xf32, #tpu.memory_space<vmem>>, vector<1x16xf32>,
        %parallel_loop3A_648 = vector.shape_cast %parallel_loop3A_647 : vector<1x16xf32> to vector<16xf32>
        %parallel_loop3A_649 = arith.index_cast %parallel_loop3A_608 : i32 to index
        %parallel_loop3A_650 = arith.constant 64 : index
        %parallel_loop3A_651 = tpu.vector_load %arg9[%parallel_loop3A_649, %parallel_loop3A_650] {strides = array<i32>} : memref<200x128xf32, #tpu.memory_space<vmem>>, vector<1x16xf32>,
        %parallel_loop3A_652 = vector.shape_cast %parallel_loop3A_651 : vector<1x16xf32> to vector<16xf32>
        %parallel_loop3A_653 = vector.shape_cast %parallel_loop3A_648 : vector<16xf32> to vector<1x16xf32>
        tpu.vector_store %arg9[%parallel_loop3A_649, %parallel_loop3A_650], %parallel_loop3A_653 {add = true, strides = array<i32>} : memref<200x128xf32, #tpu.memory_space<vmem>>, vector<1x16xf32>,
        %parallel_loop3A_654 = arith.index_cast %parallel_loop3A_608 : i32 to index
        %parallel_loop3A_655 = arith.constant 80 : index
        %parallel_loop3A_656 = tpu.vector_load %arg10[%parallel_loop3A_654, %parallel_loop3A_655] {strides = array<i32>} : memref<200x128xf32, #tpu.memory_space<vmem>>, vector<1x16xf32>,
        %parallel_loop3A_657 = vector.shape_cast %parallel_loop3A_656 : vector<1x16xf32> to vector<16xf32>
        %parallel_loop3A_658 = arith.index_cast %parallel_loop3A_608 : i32 to index
        %parallel_loop3A_659 = arith.constant 80 : index
        %parallel_loop3A_660 = tpu.vector_load %arg9[%parallel_loop3A_658, %parallel_loop3A_659] {strides = array<i32>} : memref<200x128xf32, #tpu.memory_space<vmem>>, vector<1x16xf32>,
        %parallel_loop3A_661 = vector.shape_cast %parallel_loop3A_660 : vector<1x16xf32> to vector<16xf32>
        %parallel_loop3A_662 = vector.shape_cast %parallel_loop3A_657 : vector<16xf32> to vector<1x16xf32>
        tpu.vector_store %arg9[%parallel_loop3A_658, %parallel_loop3A_659], %parallel_loop3A_662 {add = true, strides = array<i32>} : memref<200x128xf32, #tpu.memory_space<vmem>>, vector<1x16xf32>,
        %parallel_loop3A_663 = arith.index_cast %parallel_loop3A_608 : i32 to index
        %parallel_loop3A_664 = arith.constant 96 : index
        %parallel_loop3A_665 = tpu.vector_load %arg10[%parallel_loop3A_663, %parallel_loop3A_664] {strides = array<i32>} : memref<200x128xf32, #tpu.memory_space<vmem>>, vector<1x16xf32>,
        %parallel_loop3A_666 = vector.shape_cast %parallel_loop3A_665 : vector<1x16xf32> to vector<16xf32>
        %parallel_loop3A_667 = arith.index_cast %parallel_loop3A_608 : i32 to index
        %parallel_loop3A_668 = arith.constant 96 : index
        %parallel_loop3A_669 = tpu.vector_load %arg9[%parallel_loop3A_667, %parallel_loop3A_668] {strides = array<i32>} : memref<200x128xf32, #tpu.memory_space<vmem>>, vector<1x16xf32>,
        %parallel_loop3A_670 = vector.shape_cast %parallel_loop3A_669 : vector<1x16xf32> to vector<16xf32>
        %parallel_loop3A_671 = vector.shape_cast %parallel_loop3A_666 : vector<16xf32> to vector<1x16xf32>
        tpu.vector_store %arg9[%parallel_loop3A_667, %parallel_loop3A_668], %parallel_loop3A_671 {add = true, strides = array<i32>} : memref<200x128xf32, #tpu.memory_space<vmem>>, vector<1x16xf32>,
        %parallel_loop3A_672 = arith.index_cast %parallel_loop3A_608 : i32 to index
        %parallel_loop3A_673 = arith.constant 112 : index
        %parallel_loop3A_674 = tpu.vector_load %arg10[%parallel_loop3A_672, %parallel_loop3A_673] {strides = array<i32>} : memref<200x128xf32, #tpu.memory_space<vmem>>, vector<1x16xf32>,
        %parallel_loop3A_675 = vector.shape_cast %parallel_loop3A_674 : vector<1x16xf32> to vector<16xf32>
        %parallel_loop3A_676 = arith.index_cast %parallel_loop3A_608 : i32 to index
        %parallel_loop3A_677 = arith.constant 112 : index
        %parallel_loop3A_678 = tpu.vector_load %arg9[%parallel_loop3A_676, %parallel_loop3A_677] {strides = array<i32>} : memref<200x128xf32, #tpu.memory_space<vmem>>, vector<1x16xf32>,
        %parallel_loop3A_679 = vector.shape_cast %parallel_loop3A_678 : vector<1x16xf32> to vector<16xf32>
        %parallel_loop3A_680 = vector.shape_cast %parallel_loop3A_675 : vector<16xf32> to vector<1x16xf32>
        tpu.vector_store %arg9[%parallel_loop3A_676, %parallel_loop3A_677], %parallel_loop3A_680 {add = true, strides = array<i32>} : memref<200x128xf32, #tpu.memory_space<vmem>>, vector<1x16xf32>,
      } {sc.loop_unroll_factor = 8 : i64, sc.parallel_access}
      %add3A_542 = arith.addi %mul3A_2, %add3A_490 : i32
      %dma_start3A_543 = arith.constant 0 : i32
      %dma_start3A_544 = arith.constant 0 : i32
      %dma_start3A_545 = tpu.memref_slice %arg9[%dma_start3A_543, %dma_start3A_544] : memref<200x128xf32, #tpu.memory_space<vmem>> -> memref<104x128xf32, #tpu.memory_space<vmem>>
      %dma_start3A_546 = arith.constant 0 : i32
      %dma_start3A_547 = arith.constant 0 : i32
      %dma_start3A_548 = tpu.memref_slice %arg5[%add3A_542, %dma_start3A_546, %dma_start3A_547] : memref<1024x200x128xf32, #tpu.memory_space<hbm>> -> memref<1x200x128xf32, #tpu.memory_space<hbm>>
      %dma_start3A_549 = tpu.memref_squeeze %dma_start3A_548 : memref<1x200x128xf32, #tpu.memory_space<hbm>> -> memref<200x128xf32, #tpu.memory_space<hbm>>
      %dma_start3A_550 = arith.constant 0 : i32
      %dma_start3A_551 = arith.constant 0 : i32
      %dma_start3A_552 = tpu.memref_slice %dma_start3A_549[%dma_start3A_550, %dma_start3A_551] : memref<200x128xf32, #tpu.memory_space<hbm>> -> memref<104x128xf32, #tpu.memory_space<hbm>>
      %dma_start3A_553 = arith.constant 0 : i32
      %dma_start3A_554 = arith.constant 0 : i32
      %dma_start3A_555 = tpu.memref_slice %arg5[%add3A_542, %dma_start3A_553, %dma_start3A_554] : memref<1024x200x128xf32, #tpu.memory_space<hbm>> -> memref<1x200x128xf32, #tpu.memory_space<hbm>>
      %dma_start3A_556 = tpu.memref_squeeze %dma_start3A_555 : memref<1x200x128xf32, #tpu.memory_space<hbm>> -> memref<200x128xf32, #tpu.memory_space<hbm>>
      %dma_start3A_557 = arith.constant 0 : i32
      %dma_start3A_558 = arith.constant 0 : i32
      %dma_start3A_559 = tpu.memref_slice %dma_start3A_556[%dma_start3A_557, %dma_start3A_558] : memref<200x128xf32, #tpu.memory_space<hbm>> -> memref<104x128xf32, #tpu.memory_space<hbm>>
      %dma_start3A_560 = arith.constant 0 : i32
      %dma_start3A_561 = arith.constant 0 : i32
      %dma_start3A_562 = tpu.memref_slice %arg9[%dma_start3A_560, %dma_start3A_561] : memref<200x128xf32, #tpu.memory_space<vmem>> -> memref<104x128xf32, #tpu.memory_space<vmem>>
      tpu.enqueue_dma source(%dma_start3A_562 : memref<104x128xf32, #tpu.memory_space<vmem>>) target(%dma_start3A_559 : memref<104x128xf32, #tpu.memory_space<hbm>>) target_semaphore(%arg19 : memref<!tpu.dma_semaphore, #tpu.memory_space<semaphore_mem>>)
      %dma_wait3A_563 = arith.constant 0 : i32
      %dma_wait3A_564 = arith.constant 0 : i32
      %dma_wait3A_565 = arith.constant 0 : i32
      %dma_wait3A_566 = tpu.memref_slice %arg9[%dma_wait3A_564, %dma_wait3A_565] : memref<200x128xf32, #tpu.memory_space<vmem>> -> memref<96x128xf32, #tpu.memory_space<vmem>>
      %dma_wait3A_567 = arith.constant 0 : i32
      %dma_wait3A_568 = arith.constant 0 : i32
      %dma_wait3A_569 = tpu.memref_slice %arg5[%dma_wait3A_563, %dma_wait3A_567, %dma_wait3A_568] : memref<1024x200x128xf32, #tpu.memory_space<hbm>> -> memref<1x200x128xf32, #tpu.memory_space<hbm>>
      %dma_wait3A_570 = tpu.memref_squeeze %dma_wait3A_569 : memref<1x200x128xf32, #tpu.memory_space<hbm>> -> memref<200x128xf32, #tpu.memory_space<hbm>>
      %dma_wait3A_571 = arith.constant 0 : i32
      %dma_wait3A_572 = arith.constant 0 : i32
      %dma_wait3A_573 = tpu.memref_slice %dma_wait3A_570[%dma_wait3A_571, %dma_wait3A_572] : memref<200x128xf32, #tpu.memory_space<hbm>> -> memref<96x128xf32, #tpu.memory_space<hbm>>
      %dma_wait3A_574 = arith.constant 0 : i32
      %dma_wait3A_575 = arith.constant 0 : i32
      %dma_wait3A_576 = tpu.memref_slice %arg9[%dma_wait3A_574, %dma_wait3A_575] : memref<200x128xf32, #tpu.memory_space<vmem>> -> memref<96x128xf32, #tpu.memory_space<vmem>>
      %dma_wait3A_577 = arith.constant 0 : i32
      %dma_wait3A_578 = arith.constant 0 : i32
      %dma_wait3A_579 = tpu.memref_slice %arg5[%dma_wait3A_563, %dma_wait3A_577, %dma_wait3A_578] : memref<1024x200x128xf32, #tpu.memory_space<hbm>> -> memref<1x200x128xf32, #tpu.memory_space<hbm>>
      %dma_wait3A_580 = tpu.memref_squeeze %dma_wait3A_579 : memref<1x200x128xf32, #tpu.memory_space<hbm>> -> memref<200x128xf32, #tpu.memory_space<hbm>>
      %dma_wait3A_581 = arith.constant 0 : i32
      %dma_wait3A_582 = arith.constant 0 : i32
      %dma_wait3A_583 = tpu.memref_slice %dma_wait3A_580[%dma_wait3A_581, %dma_wait3A_582] : memref<200x128xf32, #tpu.memory_space<hbm>> -> memref<96x128xf32, #tpu.memory_space<hbm>>
      tpu.wait_dma2 semaphore(%arg16 : memref<!tpu.dma_semaphore, #tpu.memory_space<semaphore_mem>>) src(%dma_wait3A_583 : memref<96x128xf32, #tpu.memory_space<hbm>>) dst(%dma_wait3A_576 : memref<96x128xf32, #tpu.memory_space<vmem>>)
      %parallel_loop3A_584 = arith.constant 104 : i32
      %parallel_loop3A_585 = arith.constant 200 : i32
      %parallel_loop3A_586 = arith.constant 1 : i32
      scf.for %parallel_loop3A_608 = %parallel_loop3A_584 to %parallel_loop3A_585 step %parallel_loop3A_586  : i32 {
        %parallel_loop3A_609 = arith.index_cast %parallel_loop3A_608 : i32 to index
        %parallel_loop3A_610 = arith.constant 0 : index
        %parallel_loop3A_611 = tpu.vector_load %arg10[%parallel_loop3A_609, %parallel_loop3A_610] {strides = array<i32>} : memref<200x128xf32, #tpu.memory_space<vmem>>, vector<1x16xf32>,
        %parallel_loop3A_612 = vector.shape_cast %parallel_loop3A_611 : vector<1x16xf32> to vector<16xf32>
        %parallel_loop3A_613 = arith.index_cast %parallel_loop3A_608 : i32 to index
        %parallel_loop3A_614 = arith.constant 0 : index
        %parallel_loop3A_615 = tpu.vector_load %arg9[%parallel_loop3A_613, %parallel_loop3A_614] {strides = array<i32>} : memref<200x128xf32, #tpu.memory_space<vmem>>, vector<1x16xf32>,
        %parallel_loop3A_616 = vector.shape_cast %parallel_loop3A_615 : vector<1x16xf32> to vector<16xf32>
        %parallel_loop3A_617 = vector.shape_cast %parallel_loop3A_612 : vector<16xf32> to vector<1x16xf32>
        tpu.vector_store %arg9[%parallel_loop3A_613, %parallel_loop3A_614], %parallel_loop3A_617 {add = true, strides = array<i32>} : memref<200x128xf32, #tpu.memory_space<vmem>>, vector<1x16xf32>,
        %parallel_loop3A_618 = arith.index_cast %parallel_loop3A_608 : i32 to index
        %parallel_loop3A_619 = arith.constant 16 : index
        %parallel_loop3A_620 = tpu.vector_load %arg10[%parallel_loop3A_618, %parallel_loop3A_619] {strides = array<i32>} : memref<200x128xf32, #tpu.memory_space<vmem>>, vector<1x16xf32>,
        %parallel_loop3A_621 = vector.shape_cast %parallel_loop3A_620 : vector<1x16xf32> to vector<16xf32>
        %parallel_loop3A_622 = arith.index_cast %parallel_loop3A_608 : i32 to index
        %parallel_loop3A_623 = arith.constant 16 : index
        %parallel_loop3A_624 = tpu.vector_load %arg9[%parallel_loop3A_622, %parallel_loop3A_623] {strides = array<i32>} : memref<200x128xf32, #tpu.memory_space<vmem>>, vector<1x16xf32>,
        %parallel_loop3A_625 = vector.shape_cast %parallel_loop3A_624 : vector<1x16xf32> to vector<16xf32>
        %parallel_loop3A_626 = vector.shape_cast %parallel_loop3A_621 : vector<16xf32> to vector<1x16xf32>
        tpu.vector_store %arg9[%parallel_loop3A_622, %parallel_loop3A_623], %parallel_loop3A_626 {add = true, strides = array<i32>} : memref<200x128xf32, #tpu.memory_space<vmem>>, vector<1x16xf32>,
        %parallel_loop3A_627 = arith.index_cast %parallel_loop3A_608 : i32 to index
        %parallel_loop3A_628 = arith.constant 32 : index
        %parallel_loop3A_629 = tpu.vector_load %arg10[%parallel_loop3A_627, %parallel_loop3A_628] {strides = array<i32>} : memref<200x128xf32, #tpu.memory_space<vmem>>, vector<1x16xf32>,
        %parallel_loop3A_630 = vector.shape_cast %parallel_loop3A_629 : vector<1x16xf32> to vector<16xf32>
        %parallel_loop3A_631 = arith.index_cast %parallel_loop3A_608 : i32 to index
        %parallel_loop3A_632 = arith.constant 32 : index
        %parallel_loop3A_633 = tpu.vector_load %arg9[%parallel_loop3A_631, %parallel_loop3A_632] {strides = array<i32>} : memref<200x128xf32, #tpu.memory_space<vmem>>, vector<1x16xf32>,
        %parallel_loop3A_634 = vector.shape_cast %parallel_loop3A_633 : vector<1x16xf32> to vector<16xf32>
        %parallel_loop3A_635 = vector.shape_cast %parallel_loop3A_630 : vector<16xf32> to vector<1x16xf32>
        tpu.vector_store %arg9[%parallel_loop3A_631, %parallel_loop3A_632], %parallel_loop3A_635 {add = true, strides = array<i32>} : memref<200x128xf32, #tpu.memory_space<vmem>>, vector<1x16xf32>,
        %parallel_loop3A_636 = arith.index_cast %parallel_loop3A_608 : i32 to index
        %parallel_loop3A_637 = arith.constant 48 : index
        %parallel_loop3A_638 = tpu.vector_load %arg10[%parallel_loop3A_636, %parallel_loop3A_637] {strides = array<i32>} : memref<200x128xf32, #tpu.memory_space<vmem>>, vector<1x16xf32>,
        %parallel_loop3A_639 = vector.shape_cast %parallel_loop3A_638 : vector<1x16xf32> to vector<16xf32>
        %parallel_loop3A_640 = arith.index_cast %parallel_loop3A_608 : i32 to index
        %parallel_loop3A_641 = arith.constant 48 : index
        %parallel_loop3A_642 = tpu.vector_load %arg9[%parallel_loop3A_640, %parallel_loop3A_641] {strides = array<i32>} : memref<200x128xf32, #tpu.memory_space<vmem>>, vector<1x16xf32>,
        %parallel_loop3A_643 = vector.shape_cast %parallel_loop3A_642 : vector<1x16xf32> to vector<16xf32>
        %parallel_loop3A_644 = vector.shape_cast %parallel_loop3A_639 : vector<16xf32> to vector<1x16xf32>
        tpu.vector_store %arg9[%parallel_loop3A_640, %parallel_loop3A_641], %parallel_loop3A_644 {add = true, strides = array<i32>} : memref<200x128xf32, #tpu.memory_space<vmem>>, vector<1x16xf32>,
        %parallel_loop3A_645 = arith.index_cast %parallel_loop3A_608 : i32 to index
        %parallel_loop3A_646 = arith.constant 64 : index
        %parallel_loop3A_647 = tpu.vector_load %arg10[%parallel_loop3A_645, %parallel_loop3A_646] {strides = array<i32>} : memref<200x128xf32, #tpu.memory_space<vmem>>, vector<1x16xf32>,
        %parallel_loop3A_648 = vector.shape_cast %parallel_loop3A_647 : vector<1x16xf32> to vector<16xf32>
        %parallel_loop3A_649 = arith.index_cast %parallel_loop3A_608 : i32 to index
        %parallel_loop3A_650 = arith.constant 64 : index
        %parallel_loop3A_651 = tpu.vector_load %arg9[%parallel_loop3A_649, %parallel_loop3A_650] {strides = array<i32>} : memref<200x128xf32, #tpu.memory_space<vmem>>, vector<1x16xf32>,
        %parallel_loop3A_652 = vector.shape_cast %parallel_loop3A_651 : vector<1x16xf32> to vector<16xf32>
        %parallel_loop3A_653 = vector.shape_cast %parallel_loop3A_648 : vector<16xf32> to vector<1x16xf32>
        tpu.vector_store %arg9[%parallel_loop3A_649, %parallel_loop3A_650], %parallel_loop3A_653 {add = true, strides = array<i32>} : memref<200x128xf32, #tpu.memory_space<vmem>>, vector<1x16xf32>,
        %parallel_loop3A_654 = arith.index_cast %parallel_loop3A_608 : i32 to index
        %parallel_loop3A_655 = arith.constant 80 : index
        %parallel_loop3A_656 = tpu.vector_load %arg10[%parallel_loop3A_654, %parallel_loop3A_655] {strides = array<i32>} : memref<200x128xf32, #tpu.memory_space<vmem>>, vector<1x16xf32>,
        %parallel_loop3A_657 = vector.shape_cast %parallel_loop3A_656 : vector<1x16xf32> to vector<16xf32>
        %parallel_loop3A_658 = arith.index_cast %parallel_loop3A_608 : i32 to index
        %parallel_loop3A_659 = arith.constant 80 : index
        %parallel_loop3A_660 = tpu.vector_load %arg9[%parallel_loop3A_658, %parallel_loop3A_659] {strides = array<i32>} : memref<200x128xf32, #tpu.memory_space<vmem>>, vector<1x16xf32>,
        %parallel_loop3A_661 = vector.shape_cast %parallel_loop3A_660 : vector<1x16xf32> to vector<16xf32>
        %parallel_loop3A_662 = vector.shape_cast %parallel_loop3A_657 : vector<16xf32> to vector<1x16xf32>
        tpu.vector_store %arg9[%parallel_loop3A_658, %parallel_loop3A_659], %parallel_loop3A_662 {add = true, strides = array<i32>} : memref<200x128xf32, #tpu.memory_space<vmem>>, vector<1x16xf32>,
        %parallel_loop3A_663 = arith.index_cast %parallel_loop3A_608 : i32 to index
        %parallel_loop3A_664 = arith.constant 96 : index
        %parallel_loop3A_665 = tpu.vector_load %arg10[%parallel_loop3A_663, %parallel_loop3A_664] {strides = array<i32>} : memref<200x128xf32, #tpu.memory_space<vmem>>, vector<1x16xf32>,
        %parallel_loop3A_666 = vector.shape_cast %parallel_loop3A_665 : vector<1x16xf32> to vector<16xf32>
        %parallel_loop3A_667 = arith.index_cast %parallel_loop3A_608 : i32 to index
        %parallel_loop3A_668 = arith.constant 96 : index
        %parallel_loop3A_669 = tpu.vector_load %arg9[%parallel_loop3A_667, %parallel_loop3A_668] {strides = array<i32>} : memref<200x128xf32, #tpu.memory_space<vmem>>, vector<1x16xf32>,
        %parallel_loop3A_670 = vector.shape_cast %parallel_loop3A_669 : vector<1x16xf32> to vector<16xf32>
        %parallel_loop3A_671 = vector.shape_cast %parallel_loop3A_666 : vector<16xf32> to vector<1x16xf32>
        tpu.vector_store %arg9[%parallel_loop3A_667, %parallel_loop3A_668], %parallel_loop3A_671 {add = true, strides = array<i32>} : memref<200x128xf32, #tpu.memory_space<vmem>>, vector<1x16xf32>,
        %parallel_loop3A_672 = arith.index_cast %parallel_loop3A_608 : i32 to index
        %parallel_loop3A_673 = arith.constant 112 : index
        %parallel_loop3A_674 = tpu.vector_load %arg10[%parallel_loop3A_672, %parallel_loop3A_673] {strides = array<i32>} : memref<200x128xf32, #tpu.memory_space<vmem>>, vector<1x16xf32>,
        %parallel_loop3A_675 = vector.shape_cast %parallel_loop3A_674 : vector<1x16xf32> to vector<16xf32>
        %parallel_loop3A_676 = arith.index_cast %parallel_loop3A_608 : i32 to index
        %parallel_loop3A_677 = arith.constant 112 : index
        %parallel_loop3A_678 = tpu.vector_load %arg9[%parallel_loop3A_676, %parallel_loop3A_677] {strides = array<i32>} : memref<200x128xf32, #tpu.memory_space<vmem>>, vector<1x16xf32>,
        %parallel_loop3A_679 = vector.shape_cast %parallel_loop3A_678 : vector<1x16xf32> to vector<16xf32>
        %parallel_loop3A_680 = vector.shape_cast %parallel_loop3A_675 : vector<16xf32> to vector<1x16xf32>
        tpu.vector_store %arg9[%parallel_loop3A_676, %parallel_loop3A_677], %parallel_loop3A_680 {add = true, strides = array<i32>} : memref<200x128xf32, #tpu.memory_space<vmem>>, vector<1x16xf32>,
      } {sc.loop_unroll_factor = 8 : i64, sc.parallel_access}
      %add3A_587 = arith.addi %mul3A_2, %add3A_490 : i32
      %dma_start3A_588 = arith.constant 104 : i32
      %dma_start3A_589 = arith.constant 0 : i32
      %dma_start3A_590 = tpu.memref_slice %arg9[%dma_start3A_588, %dma_start3A_589] : memref<200x128xf32, #tpu.memory_space<vmem>> -> memref<96x128xf32, #tpu.memory_space<vmem>>
      %dma_start3A_591 = arith.constant 0 : i32
      %dma_start3A_592 = arith.constant 0 : i32
      %dma_start3A_593 = tpu.memref_slice %arg5[%add3A_587, %dma_start3A_591, %dma_start3A_592] : memref<1024x200x128xf32, #tpu.memory_space<hbm>> -> memref<1x200x128xf32, #tpu.memory_space<hbm>>
      %dma_start3A_594 = tpu.memref_squeeze %dma_start3A_593 : memref<1x200x128xf32, #tpu.memory_space<hbm>> -> memref<200x128xf32, #tpu.memory_space<hbm>>
      %dma_start3A_595 = arith.constant 104 : i32
      %dma_start3A_596 = arith.constant 0 : i32
      %dma_start3A_597 = tpu.memref_slice %dma_start3A_594[%dma_start3A_595, %dma_start3A_596] : memref<200x128xf32, #tpu.memory_space<hbm>> -> memref<96x128xf32, #tpu.memory_space<hbm>>
      %dma_start3A_598 = arith.constant 0 : i32
      %dma_start3A_599 = arith.constant 0 : i32
      %dma_start3A_600 = tpu.memref_slice %arg5[%add3A_587, %dma_start3A_598, %dma_start3A_599] : memref<1024x200x128xf32, #tpu.memory_space<hbm>> -> memref<1x200x128xf32, #tpu.memory_space<hbm>>
      %dma_start3A_601 = tpu.memref_squeeze %dma_start3A_600 : memref<1x200x128xf32, #tpu.memory_space<hbm>> -> memref<200x128xf32, #tpu.memory_space<hbm>>
      %dma_start3A_602 = arith.constant 104 : i32
      %dma_start3A_603 = arith.constant 0 : i32
      %dma_start3A_604 = tpu.memref_slice %dma_start3A_601[%dma_start3A_602, %dma_start3A_603] : memref<200x128xf32, #tpu.memory_space<hbm>> -> memref<96x128xf32, #tpu.memory_space<hbm>>
      %dma_start3A_605 = arith.constant 104 : i32
      %dma_start3A_606 = arith.constant 0 : i32
      %dma_start3A_607 = tpu.memref_slice %arg9[%dma_start3A_605, %dma_start3A_606] : memref<200x128xf32, #tpu.memory_space<vmem>> -> memref<96x128xf32, #tpu.memory_space<vmem>>
      tpu.enqueue_dma source(%dma_start3A_607 : memref<96x128xf32, #tpu.memory_space<vmem>>) target(%dma_start3A_604 : memref<96x128xf32, #tpu.memory_space<hbm>>) target_semaphore(%arg19 : memref<!tpu.dma_semaphore, #tpu.memory_space<semaphore_mem>>)
    }
    %scan3A_23 = arith.constant 10 : i32
    %dma_wait3A = arith.constant 0 : i32
    %dma_wait3A_24 = arith.constant 0 : i32
    %dma_wait3A_25 = arith.constant 0 : i32
    %dma_wait3A_26 = tpu.memref_slice %arg5[%dma_wait3A, %dma_wait3A_24, %dma_wait3A_25] : memref<1024x200x128xf32, #tpu.memory_space<hbm>> -> memref<1x200x128xf32, #tpu.memory_space<hbm>>
    %dma_wait3A_27 = tpu.memref_squeeze %dma_wait3A_26 : memref<1x200x128xf32, #tpu.memory_space<hbm>> -> memref<200x128xf32, #tpu.memory_space<hbm>>
    %dma_wait3A_28 = arith.constant 0 : i32
    %dma_wait3A_29 = arith.constant 0 : i32
    %dma_wait3A_30 = tpu.memref_slice %arg5[%dma_wait3A, %dma_wait3A_28, %dma_wait3A_29] : memref<1024x200x128xf32, #tpu.memory_space<hbm>> -> memref<1x200x128xf32, #tpu.memory_space<hbm>>
    %dma_wait3A_31 = tpu.memref_squeeze %dma_wait3A_30 : memref<1x200x128xf32, #tpu.memory_space<hbm>> -> memref<200x128xf32, #tpu.memory_space<hbm>>
    tpu.wait_dma2 semaphore(%arg19 : memref<!tpu.dma_semaphore, #tpu.memory_space<semaphore_mem>>) src(%arg9 : memref<200x128xf32, #tpu.memory_space<vmem>>) dst(%dma_wait3A_31 : memref<200x128xf32, #tpu.memory_space<hbm>>)
    %dma_start3A_32 = arith.constant 0 : i32
    %dma_start3A_33 = arith.constant 0 : i32
    %dma_start3A_34 = tpu.memref_slice %arg8[%dma_start3A_32, %dma_start3A_33] : memref<200x128xf32, #tpu.memory_space<vmem>> -> memref<104x128xf32, #tpu.memory_space<vmem>>
    %dma_start3A_35 = arith.constant 6200 : i32
    %dma_start3A_36 = tpu.memref_slice %arg6[%dma_start3A_35] : memref<6400xi32, #tpu.memory_space<vmem>> -> memref<104xi32, #tpu.memory_space<vmem>>
    %dma_start3A_37 = arith.constant 0 : i32
    %dma_start3A_38 = arith.constant 0 : i32
    %dma_start3A_39 = tpu.memref_slice %arg3[%dma_start3A_37, %dma_start3A_38] : memref<100000x128xf32, #tpu.memory_space<hbm>> -> memref<100000x128xf32, #tpu.memory_space<hbm>>
    tpu.enqueue_indirect_dma source(%dma_start3A_39 : memref<100000x128xf32, #tpu.memory_space<hbm>>) target(%dma_start3A_34 : memref<104x128xf32, #tpu.memory_space<vmem>>) offsets(%dma_start3A_36 : memref<104xi32, #tpu.memory_space<vmem>>) semaphore(%arg12 : memref<!tpu.dma_semaphore, #tpu.memory_space<semaphore_mem>>)
    %dma_start3A_40 = arith.constant 104 : i32
    %dma_start3A_41 = arith.constant 0 : i32
    %dma_start3A_42 = tpu.memref_slice %arg8[%dma_start3A_40, %dma_start3A_41] : memref<200x128xf32, #tpu.memory_space<vmem>> -> memref<96x128xf32, #tpu.memory_space<vmem>>
    %dma_start3A_43 = arith.constant 6304 : i32
    %dma_start3A_44 = tpu.memref_slice %arg6[%dma_start3A_43] : memref<6400xi32, #tpu.memory_space<vmem>> -> memref<96xi32, #tpu.memory_space<vmem>>
    %dma_start3A_45 = arith.constant 0 : i32
    %dma_start3A_46 = arith.constant 0 : i32
    %dma_start3A_47 = tpu.memref_slice %arg3[%dma_start3A_45, %dma_start3A_46] : memref<100000x128xf32, #tpu.memory_space<hbm>> -> memref<100000x128xf32, #tpu.memory_space<hbm>>
    tpu.enqueue_indirect_dma source(%dma_start3A_47 : memref<100000x128xf32, #tpu.memory_space<hbm>>) target(%dma_start3A_42 : memref<96x128xf32, #tpu.memory_space<vmem>>) offsets(%dma_start3A_44 : memref<96xi32, #tpu.memory_space<vmem>>) semaphore(%arg15 : memref<!tpu.dma_semaphore, #tpu.memory_space<semaphore_mem>>)
    %dma_wait3A_48 = arith.constant 0 : i32
    %dma_wait3A_49 = arith.constant 0 : i32
    %dma_wait3A_50 = arith.constant 0 : i32
    %dma_wait3A_51 = tpu.memref_slice %arg7[%dma_wait3A_49, %dma_wait3A_50] : memref<200x128xf32, #tpu.memory_space<vmem>> -> memref<104x128xf32, #tpu.memory_space<vmem>>
    %dma_wait3A_52 = arith.constant 0 : i32
    %dma_wait3A_53 = arith.constant 0 : i32
    %dma_wait3A_54 = tpu.memref_slice %arg5[%dma_wait3A_48, %dma_wait3A_52, %dma_wait3A_53] : memref<1024x200x128xf32, #tpu.memory_space<hbm>> -> memref<1x200x128xf32, #tpu.memory_space<hbm>>
    %dma_wait3A_55 = tpu.memref_squeeze %dma_wait3A_54 : memref<1x200x128xf32, #tpu.memory_space<hbm>> -> memref<200x128xf32, #tpu.memory_space<hbm>>
    %dma_wait3A_56 = arith.constant 0 : i32
    %dma_wait3A_57 = arith.constant 0 : i32
    %dma_wait3A_58 = tpu.memref_slice %dma_wait3A_55[%dma_wait3A_56, %dma_wait3A_57] : memref<200x128xf32, #tpu.memory_space<hbm>> -> memref<104x128xf32, #tpu.memory_space<hbm>>
    %dma_wait3A_59 = arith.constant 0 : i32
    %dma_wait3A_60 = arith.constant 0 : i32
    %dma_wait3A_61 = tpu.memref_slice %arg7[%dma_wait3A_59, %dma_wait3A_60] : memref<200x128xf32, #tpu.memory_space<vmem>> -> memref<104x128xf32, #tpu.memory_space<vmem>>
    %dma_wait3A_62 = arith.constant 0 : i32
    %dma_wait3A_63 = arith.constant 0 : i32
    %dma_wait3A_64 = tpu.memref_slice %arg5[%dma_wait3A_48, %dma_wait3A_62, %dma_wait3A_63] : memref<1024x200x128xf32, #tpu.memory_space<hbm>> -> memref<1x200x128xf32, #tpu.memory_space<hbm>>
    %dma_wait3A_65 = tpu.memref_squeeze %dma_wait3A_64 : memref<1x200x128xf32, #tpu.memory_space<hbm>> -> memref<200x128xf32, #tpu.memory_space<hbm>>
    %dma_wait3A_66 = arith.constant 0 : i32
    %dma_wait3A_67 = arith.constant 0 : i32
    %dma_wait3A_68 = tpu.memref_slice %dma_wait3A_65[%dma_wait3A_66, %dma_wait3A_67] : memref<200x128xf32, #tpu.memory_space<hbm>> -> memref<104x128xf32, #tpu.memory_space<hbm>>
    tpu.wait_dma2 semaphore(%arg11 : memref<!tpu.dma_semaphore, #tpu.memory_space<semaphore_mem>>) src(%dma_wait3A_68 : memref<104x128xf32, #tpu.memory_space<hbm>>) dst(%dma_wait3A_61 : memref<104x128xf32, #tpu.memory_space<vmem>>)
    %parallel_loop3A = arith.constant 0 : i32
    %parallel_loop3A_69 = arith.constant 104 : i32
    %parallel_loop3A_70 = arith.constant 1 : i32
    scf.for %parallel_loop3A_249 = %parallel_loop3A to %parallel_loop3A_69 step %parallel_loop3A_70  : i32 {
      %parallel_loop3A_250 = arith.index_cast %parallel_loop3A_249 : i32 to index
      %parallel_loop3A_251 = arith.constant 0 : index
      %parallel_loop3A_252 = tpu.vector_load %arg10[%parallel_loop3A_250, %parallel_loop3A_251] {strides = array<i32>} : memref<200x128xf32, #tpu.memory_space<vmem>>, vector<1x16xf32>,
      %parallel_loop3A_253 = vector.shape_cast %parallel_loop3A_252 : vector<1x16xf32> to vector<16xf32>
      %parallel_loop3A_254 = arith.index_cast %parallel_loop3A_249 : i32 to index
      %parallel_loop3A_255 = arith.constant 0 : index
      %parallel_loop3A_256 = tpu.vector_load %arg7[%parallel_loop3A_254, %parallel_loop3A_255] {strides = array<i32>} : memref<200x128xf32, #tpu.memory_space<vmem>>, vector<1x16xf32>,
      %parallel_loop3A_257 = vector.shape_cast %parallel_loop3A_256 : vector<1x16xf32> to vector<16xf32>
      %parallel_loop3A_258 = vector.shape_cast %parallel_loop3A_253 : vector<16xf32> to vector<1x16xf32>
      tpu.vector_store %arg7[%parallel_loop3A_254, %parallel_loop3A_255], %parallel_loop3A_258 {add = true, strides = array<i32>} : memref<200x128xf32, #tpu.memory_space<vmem>>, vector<1x16xf32>,
      %parallel_loop3A_259 = arith.index_cast %parallel_loop3A_249 : i32 to index
      %parallel_loop3A_260 = arith.constant 16 : index
      %parallel_loop3A_261 = tpu.vector_load %arg10[%parallel_loop3A_259, %parallel_loop3A_260] {strides = array<i32>} : memref<200x128xf32, #tpu.memory_space<vmem>>, vector<1x16xf32>,
      %parallel_loop3A_262 = vector.shape_cast %parallel_loop3A_261 : vector<1x16xf32> to vector<16xf32>
      %parallel_loop3A_263 = arith.index_cast %parallel_loop3A_249 : i32 to index
      %parallel_loop3A_264 = arith.constant 16 : index
      %parallel_loop3A_265 = tpu.vector_load %arg7[%parallel_loop3A_263, %parallel_loop3A_264] {strides = array<i32>} : memref<200x128xf32, #tpu.memory_space<vmem>>, vector<1x16xf32>,
      %parallel_loop3A_266 = vector.shape_cast %parallel_loop3A_265 : vector<1x16xf32> to vector<16xf32>
      %parallel_loop3A_267 = vector.shape_cast %parallel_loop3A_262 : vector<16xf32> to vector<1x16xf32>
      tpu.vector_store %arg7[%parallel_loop3A_263, %parallel_loop3A_264], %parallel_loop3A_267 {add = true, strides = array<i32>} : memref<200x128xf32, #tpu.memory_space<vmem>>, vector<1x16xf32>,
      %parallel_loop3A_268 = arith.index_cast %parallel_loop3A_249 : i32 to index
      %parallel_loop3A_269 = arith.constant 32 : index
      %parallel_loop3A_270 = tpu.vector_load %arg10[%parallel_loop3A_268, %parallel_loop3A_269] {strides = array<i32>} : memref<200x128xf32, #tpu.memory_space<vmem>>, vector<1x16xf32>,
      %parallel_loop3A_271 = vector.shape_cast %parallel_loop3A_270 : vector<1x16xf32> to vector<16xf32>
      %parallel_loop3A_272 = arith.index_cast %parallel_loop3A_249 : i32 to index
      %parallel_loop3A_273 = arith.constant 32 : index
      %parallel_loop3A_274 = tpu.vector_load %arg7[%parallel_loop3A_272, %parallel_loop3A_273] {strides = array<i32>} : memref<200x128xf32, #tpu.memory_space<vmem>>, vector<1x16xf32>,
      %parallel_loop3A_275 = vector.shape_cast %parallel_loop3A_274 : vector<1x16xf32> to vector<16xf32>
      %parallel_loop3A_276 = vector.shape_cast %parallel_loop3A_271 : vector<16xf32> to vector<1x16xf32>
      tpu.vector_store %arg7[%parallel_loop3A_272, %parallel_loop3A_273], %parallel_loop3A_276 {add = true, strides = array<i32>} : memref<200x128xf32, #tpu.memory_space<vmem>>, vector<1x16xf32>,
      %parallel_loop3A_277 = arith.index_cast %parallel_loop3A_249 : i32 to index
      %parallel_loop3A_278 = arith.constant 48 : index
      %parallel_loop3A_279 = tpu.vector_load %arg10[%parallel_loop3A_277, %parallel_loop3A_278] {strides = array<i32>} : memref<200x128xf32, #tpu.memory_space<vmem>>, vector<1x16xf32>,
      %parallel_loop3A_280 = vector.shape_cast %parallel_loop3A_279 : vector<1x16xf32> to vector<16xf32>
      %parallel_loop3A_281 = arith.index_cast %parallel_loop3A_249 : i32 to index
      %parallel_loop3A_282 = arith.constant 48 : index
      %parallel_loop3A_283 = tpu.vector_load %arg7[%parallel_loop3A_281, %parallel_loop3A_282] {strides = array<i32>} : memref<200x128xf32, #tpu.memory_space<vmem>>, vector<1x16xf32>,
      %parallel_loop3A_284 = vector.shape_cast %parallel_loop3A_283 : vector<1x16xf32> to vector<16xf32>
      %parallel_loop3A_285 = vector.shape_cast %parallel_loop3A_280 : vector<16xf32> to vector<1x16xf32>
      tpu.vector_store %arg7[%parallel_loop3A_281, %parallel_loop3A_282], %parallel_loop3A_285 {add = true, strides = array<i32>} : memref<200x128xf32, #tpu.memory_space<vmem>>, vector<1x16xf32>,
      %parallel_loop3A_286 = arith.index_cast %parallel_loop3A_249 : i32 to index
      %parallel_loop3A_287 = arith.constant 64 : index
      %parallel_loop3A_288 = tpu.vector_load %arg10[%parallel_loop3A_286, %parallel_loop3A_287] {strides = array<i32>} : memref<200x128xf32, #tpu.memory_space<vmem>>, vector<1x16xf32>,
      %parallel_loop3A_289 = vector.shape_cast %parallel_loop3A_288 : vector<1x16xf32> to vector<16xf32>
      %parallel_loop3A_290 = arith.index_cast %parallel_loop3A_249 : i32 to index
      %parallel_loop3A_291 = arith.constant 64 : index
      %parallel_loop3A_292 = tpu.vector_load %arg7[%parallel_loop3A_290, %parallel_loop3A_291] {strides = array<i32>} : memref<200x128xf32, #tpu.memory_space<vmem>>, vector<1x16xf32>,
      %parallel_loop3A_293 = vector.shape_cast %parallel_loop3A_292 : vector<1x16xf32> to vector<16xf32>
      %parallel_loop3A_294 = vector.shape_cast %parallel_loop3A_289 : vector<16xf32> to vector<1x16xf32>
      tpu.vector_store %arg7[%parallel_loop3A_290, %parallel_loop3A_291], %parallel_loop3A_294 {add = true, strides = array<i32>} : memref<200x128xf32, #tpu.memory_space<vmem>>, vector<1x16xf32>,
      %parallel_loop3A_295 = arith.index_cast %parallel_loop3A_249 : i32 to index
      %parallel_loop3A_296 = arith.constant 80 : index
      %parallel_loop3A_297 = tpu.vector_load %arg10[%parallel_loop3A_295, %parallel_loop3A_296] {strides = array<i32>} : memref<200x128xf32, #tpu.memory_space<vmem>>, vector<1x16xf32>,
      %parallel_loop3A_298 = vector.shape_cast %parallel_loop3A_297 : vector<1x16xf32> to vector<16xf32>
      %parallel_loop3A_299 = arith.index_cast %parallel_loop3A_249 : i32 to index
      %parallel_loop3A_300 = arith.constant 80 : index
      %parallel_loop3A_301 = tpu.vector_load %arg7[%parallel_loop3A_299, %parallel_loop3A_300] {strides = array<i32>} : memref<200x128xf32, #tpu.memory_space<vmem>>, vector<1x16xf32>,
      %parallel_loop3A_302 = vector.shape_cast %parallel_loop3A_301 : vector<1x16xf32> to vector<16xf32>
      %parallel_loop3A_303 = vector.shape_cast %parallel_loop3A_298 : vector<16xf32> to vector<1x16xf32>
      tpu.vector_store %arg7[%parallel_loop3A_299, %parallel_loop3A_300], %parallel_loop3A_303 {add = true, strides = array<i32>} : memref<200x128xf32, #tpu.memory_space<vmem>>, vector<1x16xf32>,
      %parallel_loop3A_304 = arith.index_cast %parallel_loop3A_249 : i32 to index
      %parallel_loop3A_305 = arith.constant 96 : index
      %parallel_loop3A_306 = tpu.vector_load %arg10[%parallel_loop3A_304, %parallel_loop3A_305] {strides = array<i32>} : memref<200x128xf32, #tpu.memory_space<vmem>>, vector<1x16xf32>,
      %parallel_loop3A_307 = vector.shape_cast %parallel_loop3A_306 : vector<1x16xf32> to vector<16xf32>
      %parallel_loop3A_308 = arith.index_cast %parallel_loop3A_249 : i32 to index
      %parallel_loop3A_309 = arith.constant 96 : index
      %parallel_loop3A_310 = tpu.vector_load %arg7[%parallel_loop3A_308, %parallel_loop3A_309] {strides = array<i32>} : memref<200x128xf32, #tpu.memory_space<vmem>>, vector<1x16xf32>,
      %parallel_loop3A_311 = vector.shape_cast %parallel_loop3A_310 : vector<1x16xf32> to vector<16xf32>
      %parallel_loop3A_312 = vector.shape_cast %parallel_loop3A_307 : vector<16xf32> to vector<1x16xf32>
      tpu.vector_store %arg7[%parallel_loop3A_308, %parallel_loop3A_309], %parallel_loop3A_312 {add = true, strides = array<i32>} : memref<200x128xf32, #tpu.memory_space<vmem>>, vector<1x16xf32>,
      %parallel_loop3A_313 = arith.index_cast %parallel_loop3A_249 : i32 to index
      %parallel_loop3A_314 = arith.constant 112 : index
      %parallel_loop3A_315 = tpu.vector_load %arg10[%parallel_loop3A_313, %parallel_loop3A_314] {strides = array<i32>} : memref<200x128xf32, #tpu.memory_space<vmem>>, vector<1x16xf32>,
      %parallel_loop3A_316 = vector.shape_cast %parallel_loop3A_315 : vector<1x16xf32> to vector<16xf32>
      %parallel_loop3A_317 = arith.index_cast %parallel_loop3A_249 : i32 to index
      %parallel_loop3A_318 = arith.constant 112 : index
      %parallel_loop3A_319 = tpu.vector_load %arg7[%parallel_loop3A_317, %parallel_loop3A_318] {strides = array<i32>} : memref<200x128xf32, #tpu.memory_space<vmem>>, vector<1x16xf32>,
      %parallel_loop3A_320 = vector.shape_cast %parallel_loop3A_319 : vector<1x16xf32> to vector<16xf32>
      %parallel_loop3A_321 = vector.shape_cast %parallel_loop3A_316 : vector<16xf32> to vector<1x16xf32>
      tpu.vector_store %arg7[%parallel_loop3A_317, %parallel_loop3A_318], %parallel_loop3A_321 {add = true, strides = array<i32>} : memref<200x128xf32, #tpu.memory_space<vmem>>, vector<1x16xf32>,
    } {sc.loop_unroll_factor = 8 : i64, sc.parallel_access}
    %add3A_71 = arith.constant 30 : i32
    %add3A_72 = arith.addi %mul3A_2, %add3A_71 : i32
    %dma_start3A_73 = arith.constant 0 : i32
    %dma_start3A_74 = arith.constant 0 : i32
    %dma_start3A_75 = tpu.memref_slice %arg7[%dma_start3A_73, %dma_start3A_74] : memref<200x128xf32, #tpu.memory_space<vmem>> -> memref<104x128xf32, #tpu.memory_space<vmem>>
    %dma_start3A_76 = arith.constant 0 : i32
    %dma_start3A_77 = arith.constant 0 : i32
    %dma_start3A_78 = tpu.memref_slice %arg5[%add3A_72, %dma_start3A_76, %dma_start3A_77] : memref<1024x200x128xf32, #tpu.memory_space<hbm>> -> memref<1x200x128xf32, #tpu.memory_space<hbm>>
    %dma_start3A_79 = tpu.memref_squeeze %dma_start3A_78 : memref<1x200x128xf32, #tpu.memory_space<hbm>> -> memref<200x128xf32, #tpu.memory_space<hbm>>
    %dma_start3A_80 = arith.constant 0 : i32
    %dma_start3A_81 = arith.constant 0 : i32
    %dma_start3A_82 = tpu.memref_slice %dma_start3A_79[%dma_start3A_80, %dma_start3A_81] : memref<200x128xf32, #tpu.memory_space<hbm>> -> memref<104x128xf32, #tpu.memory_space<hbm>>
    %dma_start3A_83 = arith.constant 0 : i32
    %dma_start3A_84 = arith.constant 0 : i32
    %dma_start3A_85 = tpu.memref_slice %arg5[%add3A_72, %dma_start3A_83, %dma_start3A_84] : memref<1024x200x128xf32, #tpu.memory_space<hbm>> -> memref<1x200x128xf32, #tpu.memory_space<hbm>>
    %dma_start3A_86 = tpu.memref_squeeze %dma_start3A_85 : memref<1x200x128xf32, #tpu.memory_space<hbm>> -> memref<200x128xf32, #tpu.memory_space<hbm>>
    %dma_start3A_87 = arith.constant 0 : i32
    %dma_start3A_88 = arith.constant 0 : i32
    %dma_start3A_89 = tpu.memref_slice %dma_start3A_86[%dma_start3A_87, %dma_start3A_88] : memref<200x128xf32, #tpu.memory_space<hbm>> -> memref<104x128xf32, #tpu.memory_space<hbm>>
    %dma_start3A_90 = arith.constant 0 : i32
    %dma_start3A_91 = arith.constant 0 : i32
    %dma_start3A_92 = tpu.memref_slice %arg7[%dma_start3A_90, %dma_start3A_91] : memref<200x128xf32, #tpu.memory_space<vmem>> -> memref<104x128xf32, #tpu.memory_space<vmem>>
    tpu.enqueue_dma source(%dma_start3A_92 : memref<104x128xf32, #tpu.memory_space<vmem>>) target(%dma_start3A_89 : memref<104x128xf32, #tpu.memory_space<hbm>>) target_semaphore(%arg17 : memref<!tpu.dma_semaphore, #tpu.memory_space<semaphore_mem>>)
    %dma_wait3A_93 = arith.constant 0 : i32
    %dma_wait3A_94 = arith.constant 0 : i32
    %dma_wait3A_95 = arith.constant 0 : i32
    %dma_wait3A_96 = tpu.memref_slice %arg7[%dma_wait3A_94, %dma_wait3A_95] : memref<200x128xf32, #tpu.memory_space<vmem>> -> memref<96x128xf32, #tpu.memory_space<vmem>>
    %dma_wait3A_97 = arith.constant 0 : i32
    %dma_wait3A_98 = arith.constant 0 : i32
    %dma_wait3A_99 = tpu.memref_slice %arg5[%dma_wait3A_93, %dma_wait3A_97, %dma_wait3A_98] : memref<1024x200x128xf32, #tpu.memory_space<hbm>> -> memref<1x200x128xf32, #tpu.memory_space<hbm>>
    %dma_wait3A_100 = tpu.memref_squeeze %dma_wait3A_99 : memref<1x200x128xf32, #tpu.memory_space<hbm>> -> memref<200x128xf32, #tpu.memory_space<hbm>>
    %dma_wait3A_101 = arith.constant 0 : i32
    %dma_wait3A_102 = arith.constant 0 : i32
    %dma_wait3A_103 = tpu.memref_slice %dma_wait3A_100[%dma_wait3A_101, %dma_wait3A_102] : memref<200x128xf32, #tpu.memory_space<hbm>> -> memref<96x128xf32, #tpu.memory_space<hbm>>
    %dma_wait3A_104 = arith.constant 0 : i32
    %dma_wait3A_105 = arith.constant 0 : i32
    %dma_wait3A_106 = tpu.memref_slice %arg7[%dma_wait3A_104, %dma_wait3A_105] : memref<200x128xf32, #tpu.memory_space<vmem>> -> memref<96x128xf32, #tpu.memory_space<vmem>>
    %dma_wait3A_107 = arith.constant 0 : i32
    %dma_wait3A_108 = arith.constant 0 : i32
    %dma_wait3A_109 = tpu.memref_slice %arg5[%dma_wait3A_93, %dma_wait3A_107, %dma_wait3A_108] : memref<1024x200x128xf32, #tpu.memory_space<hbm>> -> memref<1x200x128xf32, #tpu.memory_space<hbm>>
    %dma_wait3A_110 = tpu.memref_squeeze %dma_wait3A_109 : memref<1x200x128xf32, #tpu.memory_space<hbm>> -> memref<200x128xf32, #tpu.memory_space<hbm>>
    %dma_wait3A_111 = arith.constant 0 : i32
    %dma_wait3A_112 = arith.constant 0 : i32
    %dma_wait3A_113 = tpu.memref_slice %dma_wait3A_110[%dma_wait3A_111, %dma_wait3A_112] : memref<200x128xf32, #tpu.memory_space<hbm>> -> memref<96x128xf32, #tpu.memory_space<hbm>>
    tpu.wait_dma2 semaphore(%arg14 : memref<!tpu.dma_semaphore, #tpu.memory_space<semaphore_mem>>) src(%dma_wait3A_113 : memref<96x128xf32, #tpu.memory_space<hbm>>) dst(%dma_wait3A_106 : memref<96x128xf32, #tpu.memory_space<vmem>>)
    %parallel_loop3A_114 = arith.constant 104 : i32
    %parallel_loop3A_115 = arith.constant 200 : i32
    %parallel_loop3A_116 = arith.constant 1 : i32
    scf.for %parallel_loop3A_249 = %parallel_loop3A_114 to %parallel_loop3A_115 step %parallel_loop3A_116  : i32 {
      %parallel_loop3A_250 = arith.index_cast %parallel_loop3A_249 : i32 to index
      %parallel_loop3A_251 = arith.constant 0 : index
      %parallel_loop3A_252 = tpu.vector_load %arg10[%parallel_loop3A_250, %parallel_loop3A_251] {strides = array<i32>} : memref<200x128xf32, #tpu.memory_space<vmem>>, vector<1x16xf32>,
      %parallel_loop3A_253 = vector.shape_cast %parallel_loop3A_252 : vector<1x16xf32> to vector<16xf32>
      %parallel_loop3A_254 = arith.index_cast %parallel_loop3A_249 : i32 to index
      %parallel_loop3A_255 = arith.constant 0 : index
      %parallel_loop3A_256 = tpu.vector_load %arg7[%parallel_loop3A_254, %parallel_loop3A_255] {strides = array<i32>} : memref<200x128xf32, #tpu.memory_space<vmem>>, vector<1x16xf32>,
      %parallel_loop3A_257 = vector.shape_cast %parallel_loop3A_256 : vector<1x16xf32> to vector<16xf32>
      %parallel_loop3A_258 = vector.shape_cast %parallel_loop3A_253 : vector<16xf32> to vector<1x16xf32>
      tpu.vector_store %arg7[%parallel_loop3A_254, %parallel_loop3A_255], %parallel_loop3A_258 {add = true, strides = array<i32>} : memref<200x128xf32, #tpu.memory_space<vmem>>, vector<1x16xf32>,
      %parallel_loop3A_259 = arith.index_cast %parallel_loop3A_249 : i32 to index
      %parallel_loop3A_260 = arith.constant 16 : index
      %parallel_loop3A_261 = tpu.vector_load %arg10[%parallel_loop3A_259, %parallel_loop3A_260] {strides = array<i32>} : memref<200x128xf32, #tpu.memory_space<vmem>>, vector<1x16xf32>,
      %parallel_loop3A_262 = vector.shape_cast %parallel_loop3A_261 : vector<1x16xf32> to vector<16xf32>
      %parallel_loop3A_263 = arith.index_cast %parallel_loop3A_249 : i32 to index
      %parallel_loop3A_264 = arith.constant 16 : index
      %parallel_loop3A_265 = tpu.vector_load %arg7[%parallel_loop3A_263, %parallel_loop3A_264] {strides = array<i32>} : memref<200x128xf32, #tpu.memory_space<vmem>>, vector<1x16xf32>,
      %parallel_loop3A_266 = vector.shape_cast %parallel_loop3A_265 : vector<1x16xf32> to vector<16xf32>
      %parallel_loop3A_267 = vector.shape_cast %parallel_loop3A_262 : vector<16xf32> to vector<1x16xf32>
      tpu.vector_store %arg7[%parallel_loop3A_263, %parallel_loop3A_264], %parallel_loop3A_267 {add = true, strides = array<i32>} : memref<200x128xf32, #tpu.memory_space<vmem>>, vector<1x16xf32>,
      %parallel_loop3A_268 = arith.index_cast %parallel_loop3A_249 : i32 to index
      %parallel_loop3A_269 = arith.constant 32 : index
      %parallel_loop3A_270 = tpu.vector_load %arg10[%parallel_loop3A_268, %parallel_loop3A_269] {strides = array<i32>} : memref<200x128xf32, #tpu.memory_space<vmem>>, vector<1x16xf32>,
      %parallel_loop3A_271 = vector.shape_cast %parallel_loop3A_270 : vector<1x16xf32> to vector<16xf32>
      %parallel_loop3A_272 = arith.index_cast %parallel_loop3A_249 : i32 to index
      %parallel_loop3A_273 = arith.constant 32 : index
      %parallel_loop3A_274 = tpu.vector_load %arg7[%parallel_loop3A_272, %parallel_loop3A_273] {strides = array<i32>} : memref<200x128xf32, #tpu.memory_space<vmem>>, vector<1x16xf32>,
      %parallel_loop3A_275 = vector.shape_cast %parallel_loop3A_274 : vector<1x16xf32> to vector<16xf32>
      %parallel_loop3A_276 = vector.shape_cast %parallel_loop3A_271 : vector<16xf32> to vector<1x16xf32>
      tpu.vector_store %arg7[%parallel_loop3A_272, %parallel_loop3A_273], %parallel_loop3A_276 {add = true, strides = array<i32>} : memref<200x128xf32, #tpu.memory_space<vmem>>, vector<1x16xf32>,
      %parallel_loop3A_277 = arith.index_cast %parallel_loop3A_249 : i32 to index
      %parallel_loop3A_278 = arith.constant 48 : index
      %parallel_loop3A_279 = tpu.vector_load %arg10[%parallel_loop3A_277, %parallel_loop3A_278] {strides = array<i32>} : memref<200x128xf32, #tpu.memory_space<vmem>>, vector<1x16xf32>,
      %parallel_loop3A_280 = vector.shape_cast %parallel_loop3A_279 : vector<1x16xf32> to vector<16xf32>
      %parallel_loop3A_281 = arith.index_cast %parallel_loop3A_249 : i32 to index
      %parallel_loop3A_282 = arith.constant 48 : index
      %parallel_loop3A_283 = tpu.vector_load %arg7[%parallel_loop3A_281, %parallel_loop3A_282] {strides = array<i32>} : memref<200x128xf32, #tpu.memory_space<vmem>>, vector<1x16xf32>,
      %parallel_loop3A_284 = vector.shape_cast %parallel_loop3A_283 : vector<1x16xf32> to vector<16xf32>
      %parallel_loop3A_285 = vector.shape_cast %parallel_loop3A_280 : vector<16xf32> to vector<1x16xf32>
      tpu.vector_store %arg7[%parallel_loop3A_281, %parallel_loop3A_282], %parallel_loop3A_285 {add = true, strides = array<i32>} : memref<200x128xf32, #tpu.memory_space<vmem>>, vector<1x16xf32>,
      %parallel_loop3A_286 = arith.index_cast %parallel_loop3A_249 : i32 to index
      %parallel_loop3A_287 = arith.constant 64 : index
      %parallel_loop3A_288 = tpu.vector_load %arg10[%parallel_loop3A_286, %parallel_loop3A_287] {strides = array<i32>} : memref<200x128xf32, #tpu.memory_space<vmem>>, vector<1x16xf32>,
      %parallel_loop3A_289 = vector.shape_cast %parallel_loop3A_288 : vector<1x16xf32> to vector<16xf32>
      %parallel_loop3A_290 = arith.index_cast %parallel_loop3A_249 : i32 to index
      %parallel_loop3A_291 = arith.constant 64 : index
      %parallel_loop3A_292 = tpu.vector_load %arg7[%parallel_loop3A_290, %parallel_loop3A_291] {strides = array<i32>} : memref<200x128xf32, #tpu.memory_space<vmem>>, vector<1x16xf32>,
      %parallel_loop3A_293 = vector.shape_cast %parallel_loop3A_292 : vector<1x16xf32> to vector<16xf32>
      %parallel_loop3A_294 = vector.shape_cast %parallel_loop3A_289 : vector<16xf32> to vector<1x16xf32>
      tpu.vector_store %arg7[%parallel_loop3A_290, %parallel_loop3A_291], %parallel_loop3A_294 {add = true, strides = array<i32>} : memref<200x128xf32, #tpu.memory_space<vmem>>, vector<1x16xf32>,
      %parallel_loop3A_295 = arith.index_cast %parallel_loop3A_249 : i32 to index
      %parallel_loop3A_296 = arith.constant 80 : index
      %parallel_loop3A_297 = tpu.vector_load %arg10[%parallel_loop3A_295, %parallel_loop3A_296] {strides = array<i32>} : memref<200x128xf32, #tpu.memory_space<vmem>>, vector<1x16xf32>,
      %parallel_loop3A_298 = vector.shape_cast %parallel_loop3A_297 : vector<1x16xf32> to vector<16xf32>
      %parallel_loop3A_299 = arith.index_cast %parallel_loop3A_249 : i32 to index
      %parallel_loop3A_300 = arith.constant 80 : index
      %parallel_loop3A_301 = tpu.vector_load %arg7[%parallel_loop3A_299, %parallel_loop3A_300] {strides = array<i32>} : memref<200x128xf32, #tpu.memory_space<vmem>>, vector<1x16xf32>,
      %parallel_loop3A_302 = vector.shape_cast %parallel_loop3A_301 : vector<1x16xf32> to vector<16xf32>
      %parallel_loop3A_303 = vector.shape_cast %parallel_loop3A_298 : vector<16xf32> to vector<1x16xf32>
      tpu.vector_store %arg7[%parallel_loop3A_299, %parallel_loop3A_300], %parallel_loop3A_303 {add = true, strides = array<i32>} : memref<200x128xf32, #tpu.memory_space<vmem>>, vector<1x16xf32>,
      %parallel_loop3A_304 = arith.index_cast %parallel_loop3A_249 : i32 to index
      %parallel_loop3A_305 = arith.constant 96 : index
      %parallel_loop3A_306 = tpu.vector_load %arg10[%parallel_loop3A_304, %parallel_loop3A_305] {strides = array<i32>} : memref<200x128xf32, #tpu.memory_space<vmem>>, vector<1x16xf32>,
      %parallel_loop3A_307 = vector.shape_cast %parallel_loop3A_306 : vector<1x16xf32> to vector<16xf32>
      %parallel_loop3A_308 = arith.index_cast %parallel_loop3A_249 : i32 to index
      %parallel_loop3A_309 = arith.constant 96 : index
      %parallel_loop3A_310 = tpu.vector_load %arg7[%parallel_loop3A_308, %parallel_loop3A_309] {strides = array<i32>} : memref<200x128xf32, #tpu.memory_space<vmem>>, vector<1x16xf32>,
      %parallel_loop3A_311 = vector.shape_cast %parallel_loop3A_310 : vector<1x16xf32> to vector<16xf32>
      %parallel_loop3A_312 = vector.shape_cast %parallel_loop3A_307 : vector<16xf32> to vector<1x16xf32>
      tpu.vector_store %arg7[%parallel_loop3A_308, %parallel_loop3A_309], %parallel_loop3A_312 {add = true, strides = array<i32>} : memref<200x128xf32, #tpu.memory_space<vmem>>, vector<1x16xf32>,
      %parallel_loop3A_313 = arith.index_cast %parallel_loop3A_249 : i32 to index
      %parallel_loop3A_314 = arith.constant 112 : index
      %parallel_loop3A_315 = tpu.vector_load %arg10[%parallel_loop3A_313, %parallel_loop3A_314] {strides = array<i32>} : memref<200x128xf32, #tpu.memory_space<vmem>>, vector<1x16xf32>,
      %parallel_loop3A_316 = vector.shape_cast %parallel_loop3A_315 : vector<1x16xf32> to vector<16xf32>
      %parallel_loop3A_317 = arith.index_cast %parallel_loop3A_249 : i32 to index
      %parallel_loop3A_318 = arith.constant 112 : index
      %parallel_loop3A_319 = tpu.vector_load %arg7[%parallel_loop3A_317, %parallel_loop3A_318] {strides = array<i32>} : memref<200x128xf32, #tpu.memory_space<vmem>>, vector<1x16xf32>,
      %parallel_loop3A_320 = vector.shape_cast %parallel_loop3A_319 : vector<1x16xf32> to vector<16xf32>
      %parallel_loop3A_321 = vector.shape_cast %parallel_loop3A_316 : vector<16xf32> to vector<1x16xf32>
      tpu.vector_store %arg7[%parallel_loop3A_317, %parallel_loop3A_318], %parallel_loop3A_321 {add = true, strides = array<i32>} : memref<200x128xf32, #tpu.memory_space<vmem>>, vector<1x16xf32>,
    } {sc.loop_unroll_factor = 8 : i64, sc.parallel_access}
    %add3A_117 = arith.constant 30 : i32
    %add3A_118 = arith.addi %mul3A_2, %add3A_117 : i32
    %dma_start3A_119 = arith.constant 104 : i32
    %dma_start3A_120 = arith.constant 0 : i32
    %dma_start3A_121 = tpu.memref_slice %arg7[%dma_start3A_119, %dma_start3A_120] : memref<200x128xf32, #tpu.memory_space<vmem>> -> memref<96x128xf32, #tpu.memory_space<vmem>>
    %dma_start3A_122 = arith.constant 0 : i32
    %dma_start3A_123 = arith.constant 0 : i32
    %dma_start3A_124 = tpu.memref_slice %arg5[%add3A_118, %dma_start3A_122, %dma_start3A_123] : memref<1024x200x128xf32, #tpu.memory_space<hbm>> -> memref<1x200x128xf32, #tpu.memory_space<hbm>>
    %dma_start3A_125 = tpu.memref_squeeze %dma_start3A_124 : memref<1x200x128xf32, #tpu.memory_space<hbm>> -> memref<200x128xf32, #tpu.memory_space<hbm>>
    %dma_start3A_126 = arith.constant 104 : i32
    %dma_start3A_127 = arith.constant 0 : i32
    %dma_start3A_128 = tpu.memref_slice %dma_start3A_125[%dma_start3A_126, %dma_start3A_127] : memref<200x128xf32, #tpu.memory_space<hbm>> -> memref<96x128xf32, #tpu.memory_space<hbm>>
    %dma_start3A_129 = arith.constant 0 : i32
    %dma_start3A_130 = arith.constant 0 : i32
    %dma_start3A_131 = tpu.memref_slice %arg5[%add3A_118, %dma_start3A_129, %dma_start3A_130] : memref<1024x200x128xf32, #tpu.memory_space<hbm>> -> memref<1x200x128xf32, #tpu.memory_space<hbm>>
    %dma_start3A_132 = tpu.memref_squeeze %dma_start3A_131 : memref<1x200x128xf32, #tpu.memory_space<hbm>> -> memref<200x128xf32, #tpu.memory_space<hbm>>
    %dma_start3A_133 = arith.constant 104 : i32
    %dma_start3A_134 = arith.constant 0 : i32
    %dma_start3A_135 = tpu.memref_slice %dma_start3A_132[%dma_start3A_133, %dma_start3A_134] : memref<200x128xf32, #tpu.memory_space<hbm>> -> memref<96x128xf32, #tpu.memory_space<hbm>>
    %dma_start3A_136 = arith.constant 104 : i32
    %dma_start3A_137 = arith.constant 0 : i32
    %dma_start3A_138 = tpu.memref_slice %arg7[%dma_start3A_136, %dma_start3A_137] : memref<200x128xf32, #tpu.memory_space<vmem>> -> memref<96x128xf32, #tpu.memory_space<vmem>>
    tpu.enqueue_dma source(%dma_start3A_138 : memref<96x128xf32, #tpu.memory_space<vmem>>) target(%dma_start3A_135 : memref<96x128xf32, #tpu.memory_space<hbm>>) target_semaphore(%arg17 : memref<!tpu.dma_semaphore, #tpu.memory_space<semaphore_mem>>)
    %dma_wait3A_139 = arith.constant 0 : i32
    %dma_wait3A_140 = arith.constant 0 : i32
    %dma_wait3A_141 = arith.constant 0 : i32
    %dma_wait3A_142 = tpu.memref_slice %arg8[%dma_wait3A_140, %dma_wait3A_141] : memref<200x128xf32, #tpu.memory_space<vmem>> -> memref<104x128xf32, #tpu.memory_space<vmem>>
    %dma_wait3A_143 = arith.constant 0 : i32
    %dma_wait3A_144 = arith.constant 0 : i32
    %dma_wait3A_145 = tpu.memref_slice %arg5[%dma_wait3A_139, %dma_wait3A_143, %dma_wait3A_144] : memref<1024x200x128xf32, #tpu.memory_space<hbm>> -> memref<1x200x128xf32, #tpu.memory_space<hbm>>
    %dma_wait3A_146 = tpu.memref_squeeze %dma_wait3A_145 : memref<1x200x128xf32, #tpu.memory_space<hbm>> -> memref<200x128xf32, #tpu.memory_space<hbm>>
    %dma_wait3A_147 = arith.constant 0 : i32
    %dma_wait3A_148 = arith.constant 0 : i32
    %dma_wait3A_149 = tpu.memref_slice %dma_wait3A_146[%dma_wait3A_147, %dma_wait3A_148] : memref<200x128xf32, #tpu.memory_space<hbm>> -> memref<104x128xf32, #tpu.memory_space<hbm>>
    %dma_wait3A_150 = arith.constant 0 : i32
    %dma_wait3A_151 = arith.constant 0 : i32
    %dma_wait3A_152 = tpu.memref_slice %arg8[%dma_wait3A_150, %dma_wait3A_151] : memref<200x128xf32, #tpu.memory_space<vmem>> -> memref<104x128xf32, #tpu.memory_space<vmem>>
    %dma_wait3A_153 = arith.constant 0 : i32
    %dma_wait3A_154 = arith.constant 0 : i32
    %dma_wait3A_155 = tpu.memref_slice %arg5[%dma_wait3A_139, %dma_wait3A_153, %dma_wait3A_154] : memref<1024x200x128xf32, #tpu.memory_space<hbm>> -> memref<1x200x128xf32, #tpu.memory_space<hbm>>
    %dma_wait3A_156 = tpu.memref_squeeze %dma_wait3A_155 : memref<1x200x128xf32, #tpu.memory_space<hbm>> -> memref<200x128xf32, #tpu.memory_space<hbm>>
    %dma_wait3A_157 = arith.constant 0 : i32
    %dma_wait3A_158 = arith.constant 0 : i32
    %dma_wait3A_159 = tpu.memref_slice %dma_wait3A_156[%dma_wait3A_157, %dma_wait3A_158] : memref<200x128xf32, #tpu.memory_space<hbm>> -> memref<104x128xf32, #tpu.memory_space<hbm>>
    tpu.wait_dma2 semaphore(%arg12 : memref<!tpu.dma_semaphore, #tpu.memory_space<semaphore_mem>>) src(%dma_wait3A_159 : memref<104x128xf32, #tpu.memory_space<hbm>>) dst(%dma_wait3A_152 : memref<104x128xf32, #tpu.memory_space<vmem>>)
    %parallel_loop3A_160 = arith.constant 0 : i32
    %parallel_loop3A_161 = arith.constant 104 : i32
    %parallel_loop3A_162 = arith.constant 1 : i32
    scf.for %parallel_loop3A_249 = %parallel_loop3A_160 to %parallel_loop3A_161 step %parallel_loop3A_162  : i32 {
      %parallel_loop3A_250 = arith.index_cast %parallel_loop3A_249 : i32 to index
      %parallel_loop3A_251 = arith.constant 0 : index
      %parallel_loop3A_252 = tpu.vector_load %arg10[%parallel_loop3A_250, %parallel_loop3A_251] {strides = array<i32>} : memref<200x128xf32, #tpu.memory_space<vmem>>, vector<1x16xf32>,
      %parallel_loop3A_253 = vector.shape_cast %parallel_loop3A_252 : vector<1x16xf32> to vector<16xf32>
      %parallel_loop3A_254 = arith.index_cast %parallel_loop3A_249 : i32 to index
      %parallel_loop3A_255 = arith.constant 0 : index
      %parallel_loop3A_256 = tpu.vector_load %arg8[%parallel_loop3A_254, %parallel_loop3A_255] {strides = array<i32>} : memref<200x128xf32, #tpu.memory_space<vmem>>, vector<1x16xf32>,
      %parallel_loop3A_257 = vector.shape_cast %parallel_loop3A_256 : vector<1x16xf32> to vector<16xf32>
      %parallel_loop3A_258 = vector.shape_cast %parallel_loop3A_253 : vector<16xf32> to vector<1x16xf32>
      tpu.vector_store %arg8[%parallel_loop3A_254, %parallel_loop3A_255], %parallel_loop3A_258 {add = true, strides = array<i32>} : memref<200x128xf32, #tpu.memory_space<vmem>>, vector<1x16xf32>,
      %parallel_loop3A_259 = arith.index_cast %parallel_loop3A_249 : i32 to index
      %parallel_loop3A_260 = arith.constant 16 : index
      %parallel_loop3A_261 = tpu.vector_load %arg10[%parallel_loop3A_259, %parallel_loop3A_260] {strides = array<i32>} : memref<200x128xf32, #tpu.memory_space<vmem>>, vector<1x16xf32>,
      %parallel_loop3A_262 = vector.shape_cast %parallel_loop3A_261 : vector<1x16xf32> to vector<16xf32>
      %parallel_loop3A_263 = arith.index_cast %parallel_loop3A_249 : i32 to index
      %parallel_loop3A_264 = arith.constant 16 : index
      %parallel_loop3A_265 = tpu.vector_load %arg8[%parallel_loop3A_263, %parallel_loop3A_264] {strides = array<i32>} : memref<200x128xf32, #tpu.memory_space<vmem>>, vector<1x16xf32>,
      %parallel_loop3A_266 = vector.shape_cast %parallel_loop3A_265 : vector<1x16xf32> to vector<16xf32>
      %parallel_loop3A_267 = vector.shape_cast %parallel_loop3A_262 : vector<16xf32> to vector<1x16xf32>
      tpu.vector_store %arg8[%parallel_loop3A_263, %parallel_loop3A_264], %parallel_loop3A_267 {add = true, strides = array<i32>} : memref<200x128xf32, #tpu.memory_space<vmem>>, vector<1x16xf32>,
      %parallel_loop3A_268 = arith.index_cast %parallel_loop3A_249 : i32 to index
      %parallel_loop3A_269 = arith.constant 32 : index
      %parallel_loop3A_270 = tpu.vector_load %arg10[%parallel_loop3A_268, %parallel_loop3A_269] {strides = array<i32>} : memref<200x128xf32, #tpu.memory_space<vmem>>, vector<1x16xf32>,
      %parallel_loop3A_271 = vector.shape_cast %parallel_loop3A_270 : vector<1x16xf32> to vector<16xf32>
      %parallel_loop3A_272 = arith.index_cast %parallel_loop3A_249 : i32 to index
      %parallel_loop3A_273 = arith.constant 32 : index
      %parallel_loop3A_274 = tpu.vector_load %arg8[%parallel_loop3A_272, %parallel_loop3A_273] {strides = array<i32>} : memref<200x128xf32, #tpu.memory_space<vmem>>, vector<1x16xf32>,
      %parallel_loop3A_275 = vector.shape_cast %parallel_loop3A_274 : vector<1x16xf32> to vector<16xf32>
      %parallel_loop3A_276 = vector.shape_cast %parallel_loop3A_271 : vector<16xf32> to vector<1x16xf32>
      tpu.vector_store %arg8[%parallel_loop3A_272, %parallel_loop3A_273], %parallel_loop3A_276 {add = true, strides = array<i32>} : memref<200x128xf32, #tpu.memory_space<vmem>>, vector<1x16xf32>,
      %parallel_loop3A_277 = arith.index_cast %parallel_loop3A_249 : i32 to index
      %parallel_loop3A_278 = arith.constant 48 : index
      %parallel_loop3A_279 = tpu.vector_load %arg10[%parallel_loop3A_277, %parallel_loop3A_278] {strides = array<i32>} : memref<200x128xf32, #tpu.memory_space<vmem>>, vector<1x16xf32>,
      %parallel_loop3A_280 = vector.shape_cast %parallel_loop3A_279 : vector<1x16xf32> to vector<16xf32>
      %parallel_loop3A_281 = arith.index_cast %parallel_loop3A_249 : i32 to index
      %parallel_loop3A_282 = arith.constant 48 : index
      %parallel_loop3A_283 = tpu.vector_load %arg8[%parallel_loop3A_281, %parallel_loop3A_282] {strides = array<i32>} : memref<200x128xf32, #tpu.memory_space<vmem>>, vector<1x16xf32>,
      %parallel_loop3A_284 = vector.shape_cast %parallel_loop3A_283 : vector<1x16xf32> to vector<16xf32>
      %parallel_loop3A_285 = vector.shape_cast %parallel_loop3A_280 : vector<16xf32> to vector<1x16xf32>
      tpu.vector_store %arg8[%parallel_loop3A_281, %parallel_loop3A_282], %parallel_loop3A_285 {add = true, strides = array<i32>} : memref<200x128xf32, #tpu.memory_space<vmem>>, vector<1x16xf32>,
      %parallel_loop3A_286 = arith.index_cast %parallel_loop3A_249 : i32 to index
      %parallel_loop3A_287 = arith.constant 64 : index
      %parallel_loop3A_288 = tpu.vector_load %arg10[%parallel_loop3A_286, %parallel_loop3A_287] {strides = array<i32>} : memref<200x128xf32, #tpu.memory_space<vmem>>, vector<1x16xf32>,
      %parallel_loop3A_289 = vector.shape_cast %parallel_loop3A_288 : vector<1x16xf32> to vector<16xf32>
      %parallel_loop3A_290 = arith.index_cast %parallel_loop3A_249 : i32 to index
      %parallel_loop3A_291 = arith.constant 64 : index
      %parallel_loop3A_292 = tpu.vector_load %arg8[%parallel_loop3A_290, %parallel_loop3A_291] {strides = array<i32>} : memref<200x128xf32, #tpu.memory_space<vmem>>, vector<1x16xf32>,
      %parallel_loop3A_293 = vector.shape_cast %parallel_loop3A_292 : vector<1x16xf32> to vector<16xf32>
      %parallel_loop3A_294 = vector.shape_cast %parallel_loop3A_289 : vector<16xf32> to vector<1x16xf32>
      tpu.vector_store %arg8[%parallel_loop3A_290, %parallel_loop3A_291], %parallel_loop3A_294 {add = true, strides = array<i32>} : memref<200x128xf32, #tpu.memory_space<vmem>>, vector<1x16xf32>,
      %parallel_loop3A_295 = arith.index_cast %parallel_loop3A_249 : i32 to index
      %parallel_loop3A_296 = arith.constant 80 : index
      %parallel_loop3A_297 = tpu.vector_load %arg10[%parallel_loop3A_295, %parallel_loop3A_296] {strides = array<i32>} : memref<200x128xf32, #tpu.memory_space<vmem>>, vector<1x16xf32>,
      %parallel_loop3A_298 = vector.shape_cast %parallel_loop3A_297 : vector<1x16xf32> to vector<16xf32>
      %parallel_loop3A_299 = arith.index_cast %parallel_loop3A_249 : i32 to index
      %parallel_loop3A_300 = arith.constant 80 : index
      %parallel_loop3A_301 = tpu.vector_load %arg8[%parallel_loop3A_299, %parallel_loop3A_300] {strides = array<i32>} : memref<200x128xf32, #tpu.memory_space<vmem>>, vector<1x16xf32>,
      %parallel_loop3A_302 = vector.shape_cast %parallel_loop3A_301 : vector<1x16xf32> to vector<16xf32>
      %parallel_loop3A_303 = vector.shape_cast %parallel_loop3A_298 : vector<16xf32> to vector<1x16xf32>
      tpu.vector_store %arg8[%parallel_loop3A_299, %parallel_loop3A_300], %parallel_loop3A_303 {add = true, strides = array<i32>} : memref<200x128xf32, #tpu.memory_space<vmem>>, vector<1x16xf32>,
      %parallel_loop3A_304 = arith.index_cast %parallel_loop3A_249 : i32 to index
      %parallel_loop3A_305 = arith.constant 96 : index
      %parallel_loop3A_306 = tpu.vector_load %arg10[%parallel_loop3A_304, %parallel_loop3A_305] {strides = array<i32>} : memref<200x128xf32, #tpu.memory_space<vmem>>, vector<1x16xf32>,
      %parallel_loop3A_307 = vector.shape_cast %parallel_loop3A_306 : vector<1x16xf32> to vector<16xf32>
      %parallel_loop3A_308 = arith.index_cast %parallel_loop3A_249 : i32 to index
      %parallel_loop3A_309 = arith.constant 96 : index
      %parallel_loop3A_310 = tpu.vector_load %arg8[%parallel_loop3A_308, %parallel_loop3A_309] {strides = array<i32>} : memref<200x128xf32, #tpu.memory_space<vmem>>, vector<1x16xf32>,
      %parallel_loop3A_311 = vector.shape_cast %parallel_loop3A_310 : vector<1x16xf32> to vector<16xf32>
      %parallel_loop3A_312 = vector.shape_cast %parallel_loop3A_307 : vector<16xf32> to vector<1x16xf32>
      tpu.vector_store %arg8[%parallel_loop3A_308, %parallel_loop3A_309], %parallel_loop3A_312 {add = true, strides = array<i32>} : memref<200x128xf32, #tpu.memory_space<vmem>>, vector<1x16xf32>,
      %parallel_loop3A_313 = arith.index_cast %parallel_loop3A_249 : i32 to index
      %parallel_loop3A_314 = arith.constant 112 : index
      %parallel_loop3A_315 = tpu.vector_load %arg10[%parallel_loop3A_313, %parallel_loop3A_314] {strides = array<i32>} : memref<200x128xf32, #tpu.memory_space<vmem>>, vector<1x16xf32>,
      %parallel_loop3A_316 = vector.shape_cast %parallel_loop3A_315 : vector<1x16xf32> to vector<16xf32>
      %parallel_loop3A_317 = arith.index_cast %parallel_loop3A_249 : i32 to index
      %parallel_loop3A_318 = arith.constant 112 : index
      %parallel_loop3A_319 = tpu.vector_load %arg8[%parallel_loop3A_317, %parallel_loop3A_318] {strides = array<i32>} : memref<200x128xf32, #tpu.memory_space<vmem>>, vector<1x16xf32>,
      %parallel_loop3A_320 = vector.shape_cast %parallel_loop3A_319 : vector<1x16xf32> to vector<16xf32>
      %parallel_loop3A_321 = vector.shape_cast %parallel_loop3A_316 : vector<16xf32> to vector<1x16xf32>
      tpu.vector_store %arg8[%parallel_loop3A_317, %parallel_loop3A_318], %parallel_loop3A_321 {add = true, strides = array<i32>} : memref<200x128xf32, #tpu.memory_space<vmem>>, vector<1x16xf32>,
    } {sc.loop_unroll_factor = 8 : i64, sc.parallel_access}
    %add3A_163 = arith.constant 31 : i32
    %add3A_164 = arith.addi %mul3A_2, %add3A_163 : i32
    %dma_start3A_165 = arith.constant 0 : i32
    %dma_start3A_166 = arith.constant 0 : i32
    %dma_start3A_167 = tpu.memref_slice %arg8[%dma_start3A_165, %dma_start3A_166] : memref<200x128xf32, #tpu.memory_space<vmem>> -> memref<104x128xf32, #tpu.memory_space<vmem>>
    %dma_start3A_168 = arith.constant 0 : i32
    %dma_start3A_169 = arith.constant 0 : i32
    %dma_start3A_170 = tpu.memref_slice %arg5[%add3A_164, %dma_start3A_168, %dma_start3A_169] : memref<1024x200x128xf32, #tpu.memory_space<hbm>> -> memref<1x200x128xf32, #tpu.memory_space<hbm>>
    %dma_start3A_171 = tpu.memref_squeeze %dma_start3A_170 : memref<1x200x128xf32, #tpu.memory_space<hbm>> -> memref<200x128xf32, #tpu.memory_space<hbm>>
    %dma_start3A_172 = arith.constant 0 : i32
    %dma_start3A_173 = arith.constant 0 : i32
    %dma_start3A_174 = tpu.memref_slice %dma_start3A_171[%dma_start3A_172, %dma_start3A_173] : memref<200x128xf32, #tpu.memory_space<hbm>> -> memref<104x128xf32, #tpu.memory_space<hbm>>
    %dma_start3A_175 = arith.constant 0 : i32
    %dma_start3A_176 = arith.constant 0 : i32
    %dma_start3A_177 = tpu.memref_slice %arg5[%add3A_164, %dma_start3A_175, %dma_start3A_176] : memref<1024x200x128xf32, #tpu.memory_space<hbm>> -> memref<1x200x128xf32, #tpu.memory_space<hbm>>
    %dma_start3A_178 = tpu.memref_squeeze %dma_start3A_177 : memref<1x200x128xf32, #tpu.memory_space<hbm>> -> memref<200x128xf32, #tpu.memory_space<hbm>>
    %dma_start3A_179 = arith.constant 0 : i32
    %dma_start3A_180 = arith.constant 0 : i32
    %dma_start3A_181 = tpu.memref_slice %dma_start3A_178[%dma_start3A_179, %dma_start3A_180] : memref<200x128xf32, #tpu.memory_space<hbm>> -> memref<104x128xf32, #tpu.memory_space<hbm>>
    %dma_start3A_182 = arith.constant 0 : i32
    %dma_start3A_183 = arith.constant 0 : i32
    %dma_start3A_184 = tpu.memref_slice %arg8[%dma_start3A_182, %dma_start3A_183] : memref<200x128xf32, #tpu.memory_space<vmem>> -> memref<104x128xf32, #tpu.memory_space<vmem>>
    tpu.enqueue_dma source(%dma_start3A_184 : memref<104x128xf32, #tpu.memory_space<vmem>>) target(%dma_start3A_181 : memref<104x128xf32, #tpu.memory_space<hbm>>) target_semaphore(%arg18 : memref<!tpu.dma_semaphore, #tpu.memory_space<semaphore_mem>>)
    %dma_wait3A_185 = arith.constant 0 : i32
    %dma_wait3A_186 = arith.constant 0 : i32
    %dma_wait3A_187 = arith.constant 0 : i32
    %dma_wait3A_188 = tpu.memref_slice %arg8[%dma_wait3A_186, %dma_wait3A_187] : memref<200x128xf32, #tpu.memory_space<vmem>> -> memref<96x128xf32, #tpu.memory_space<vmem>>
    %dma_wait3A_189 = arith.constant 0 : i32
    %dma_wait3A_190 = arith.constant 0 : i32
    %dma_wait3A_191 = tpu.memref_slice %arg5[%dma_wait3A_185, %dma_wait3A_189, %dma_wait3A_190] : memref<1024x200x128xf32, #tpu.memory_space<hbm>> -> memref<1x200x128xf32, #tpu.memory_space<hbm>>
    %dma_wait3A_192 = tpu.memref_squeeze %dma_wait3A_191 : memref<1x200x128xf32, #tpu.memory_space<hbm>> -> memref<200x128xf32, #tpu.memory_space<hbm>>
    %dma_wait3A_193 = arith.constant 0 : i32
    %dma_wait3A_194 = arith.constant 0 : i32
    %dma_wait3A_195 = tpu.memref_slice %dma_wait3A_192[%dma_wait3A_193, %dma_wait3A_194] : memref<200x128xf32, #tpu.memory_space<hbm>> -> memref<96x128xf32, #tpu.memory_space<hbm>>
    %dma_wait3A_196 = arith.constant 0 : i32
    %dma_wait3A_197 = arith.constant 0 : i32
    %dma_wait3A_198 = tpu.memref_slice %arg8[%dma_wait3A_196, %dma_wait3A_197] : memref<200x128xf32, #tpu.memory_space<vmem>> -> memref<96x128xf32, #tpu.memory_space<vmem>>
    %dma_wait3A_199 = arith.constant 0 : i32
    %dma_wait3A_200 = arith.constant 0 : i32
    %dma_wait3A_201 = tpu.memref_slice %arg5[%dma_wait3A_185, %dma_wait3A_199, %dma_wait3A_200] : memref<1024x200x128xf32, #tpu.memory_space<hbm>> -> memref<1x200x128xf32, #tpu.memory_space<hbm>>
    %dma_wait3A_202 = tpu.memref_squeeze %dma_wait3A_201 : memref<1x200x128xf32, #tpu.memory_space<hbm>> -> memref<200x128xf32, #tpu.memory_space<hbm>>
    %dma_wait3A_203 = arith.constant 0 : i32
    %dma_wait3A_204 = arith.constant 0 : i32
    %dma_wait3A_205 = tpu.memref_slice %dma_wait3A_202[%dma_wait3A_203, %dma_wait3A_204] : memref<200x128xf32, #tpu.memory_space<hbm>> -> memref<96x128xf32, #tpu.memory_space<hbm>>
    tpu.wait_dma2 semaphore(%arg15 : memref<!tpu.dma_semaphore, #tpu.memory_space<semaphore_mem>>) src(%dma_wait3A_205 : memref<96x128xf32, #tpu.memory_space<hbm>>) dst(%dma_wait3A_198 : memref<96x128xf32, #tpu.memory_space<vmem>>)
    %parallel_loop3A_206 = arith.constant 104 : i32
    %parallel_loop3A_207 = arith.constant 200 : i32
    %parallel_loop3A_208 = arith.constant 1 : i32
    scf.for %parallel_loop3A_249 = %parallel_loop3A_206 to %parallel_loop3A_207 step %parallel_loop3A_208  : i32 {
      %parallel_loop3A_250 = arith.index_cast %parallel_loop3A_249 : i32 to index
      %parallel_loop3A_251 = arith.constant 0 : index
      %parallel_loop3A_252 = tpu.vector_load %arg10[%parallel_loop3A_250, %parallel_loop3A_251] {strides = array<i32>} : memref<200x128xf32, #tpu.memory_space<vmem>>, vector<1x16xf32>,
      %parallel_loop3A_253 = vector.shape_cast %parallel_loop3A_252 : vector<1x16xf32> to vector<16xf32>
      %parallel_loop3A_254 = arith.index_cast %parallel_loop3A_249 : i32 to index
      %parallel_loop3A_255 = arith.constant 0 : index
      %parallel_loop3A_256 = tpu.vector_load %arg8[%parallel_loop3A_254, %parallel_loop3A_255] {strides = array<i32>} : memref<200x128xf32, #tpu.memory_space<vmem>>, vector<1x16xf32>,
      %parallel_loop3A_257 = vector.shape_cast %parallel_loop3A_256 : vector<1x16xf32> to vector<16xf32>
      %parallel_loop3A_258 = vector.shape_cast %parallel_loop3A_253 : vector<16xf32> to vector<1x16xf32>
      tpu.vector_store %arg8[%parallel_loop3A_254, %parallel_loop3A_255], %parallel_loop3A_258 {add = true, strides = array<i32>} : memref<200x128xf32, #tpu.memory_space<vmem>>, vector<1x16xf32>,
      %parallel_loop3A_259 = arith.index_cast %parallel_loop3A_249 : i32 to index
      %parallel_loop3A_260 = arith.constant 16 : index
      %parallel_loop3A_261 = tpu.vector_load %arg10[%parallel_loop3A_259, %parallel_loop3A_260] {strides = array<i32>} : memref<200x128xf32, #tpu.memory_space<vmem>>, vector<1x16xf32>,
      %parallel_loop3A_262 = vector.shape_cast %parallel_loop3A_261 : vector<1x16xf32> to vector<16xf32>
      %parallel_loop3A_263 = arith.index_cast %parallel_loop3A_249 : i32 to index
      %parallel_loop3A_264 = arith.constant 16 : index
      %parallel_loop3A_265 = tpu.vector_load %arg8[%parallel_loop3A_263, %parallel_loop3A_264] {strides = array<i32>} : memref<200x128xf32, #tpu.memory_space<vmem>>, vector<1x16xf32>,
      %parallel_loop3A_266 = vector.shape_cast %parallel_loop3A_265 : vector<1x16xf32> to vector<16xf32>
      %parallel_loop3A_267 = vector.shape_cast %parallel_loop3A_262 : vector<16xf32> to vector<1x16xf32>
      tpu.vector_store %arg8[%parallel_loop3A_263, %parallel_loop3A_264], %parallel_loop3A_267 {add = true, strides = array<i32>} : memref<200x128xf32, #tpu.memory_space<vmem>>, vector<1x16xf32>,
      %parallel_loop3A_268 = arith.index_cast %parallel_loop3A_249 : i32 to index
      %parallel_loop3A_269 = arith.constant 32 : index
      %parallel_loop3A_270 = tpu.vector_load %arg10[%parallel_loop3A_268, %parallel_loop3A_269] {strides = array<i32>} : memref<200x128xf32, #tpu.memory_space<vmem>>, vector<1x16xf32>,
      %parallel_loop3A_271 = vector.shape_cast %parallel_loop3A_270 : vector<1x16xf32> to vector<16xf32>
      %parallel_loop3A_272 = arith.index_cast %parallel_loop3A_249 : i32 to index
      %parallel_loop3A_273 = arith.constant 32 : index
      %parallel_loop3A_274 = tpu.vector_load %arg8[%parallel_loop3A_272, %parallel_loop3A_273] {strides = array<i32>} : memref<200x128xf32, #tpu.memory_space<vmem>>, vector<1x16xf32>,
      %parallel_loop3A_275 = vector.shape_cast %parallel_loop3A_274 : vector<1x16xf32> to vector<16xf32>
      %parallel_loop3A_276 = vector.shape_cast %parallel_loop3A_271 : vector<16xf32> to vector<1x16xf32>
      tpu.vector_store %arg8[%parallel_loop3A_272, %parallel_loop3A_273], %parallel_loop3A_276 {add = true, strides = array<i32>} : memref<200x128xf32, #tpu.memory_space<vmem>>, vector<1x16xf32>,
      %parallel_loop3A_277 = arith.index_cast %parallel_loop3A_249 : i32 to index
      %parallel_loop3A_278 = arith.constant 48 : index
      %parallel_loop3A_279 = tpu.vector_load %arg10[%parallel_loop3A_277, %parallel_loop3A_278] {strides = array<i32>} : memref<200x128xf32, #tpu.memory_space<vmem>>, vector<1x16xf32>,
      %parallel_loop3A_280 = vector.shape_cast %parallel_loop3A_279 : vector<1x16xf32> to vector<16xf32>
      %parallel_loop3A_281 = arith.index_cast %parallel_loop3A_249 : i32 to index
      %parallel_loop3A_282 = arith.constant 48 : index
      %parallel_loop3A_283 = tpu.vector_load %arg8[%parallel_loop3A_281, %parallel_loop3A_282] {strides = array<i32>} : memref<200x128xf32, #tpu.memory_space<vmem>>, vector<1x16xf32>,
      %parallel_loop3A_284 = vector.shape_cast %parallel_loop3A_283 : vector<1x16xf32> to vector<16xf32>
      %parallel_loop3A_285 = vector.shape_cast %parallel_loop3A_280 : vector<16xf32> to vector<1x16xf32>
      tpu.vector_store %arg8[%parallel_loop3A_281, %parallel_loop3A_282], %parallel_loop3A_285 {add = true, strides = array<i32>} : memref<200x128xf32, #tpu.memory_space<vmem>>, vector<1x16xf32>,
      %parallel_loop3A_286 = arith.index_cast %parallel_loop3A_249 : i32 to index
      %parallel_loop3A_287 = arith.constant 64 : index
      %parallel_loop3A_288 = tpu.vector_load %arg10[%parallel_loop3A_286, %parallel_loop3A_287] {strides = array<i32>} : memref<200x128xf32, #tpu.memory_space<vmem>>, vector<1x16xf32>,
      %parallel_loop3A_289 = vector.shape_cast %parallel_loop3A_288 : vector<1x16xf32> to vector<16xf32>
      %parallel_loop3A_290 = arith.index_cast %parallel_loop3A_249 : i32 to index
      %parallel_loop3A_291 = arith.constant 64 : index
      %parallel_loop3A_292 = tpu.vector_load %arg8[%parallel_loop3A_290, %parallel_loop3A_291] {strides = array<i32>} : memref<200x128xf32, #tpu.memory_space<vmem>>, vector<1x16xf32>,
      %parallel_loop3A_293 = vector.shape_cast %parallel_loop3A_292 : vector<1x16xf32> to vector<16xf32>
      %parallel_loop3A_294 = vector.shape_cast %parallel_loop3A_289 : vector<16xf32> to vector<1x16xf32>
      tpu.vector_store %arg8[%parallel_loop3A_290, %parallel_loop3A_291], %parallel_loop3A_294 {add = true, strides = array<i32>} : memref<200x128xf32, #tpu.memory_space<vmem>>, vector<1x16xf32>,
      %parallel_loop3A_295 = arith.index_cast %parallel_loop3A_249 : i32 to index
      %parallel_loop3A_296 = arith.constant 80 : index
      %parallel_loop3A_297 = tpu.vector_load %arg10[%parallel_loop3A_295, %parallel_loop3A_296] {strides = array<i32>} : memref<200x128xf32, #tpu.memory_space<vmem>>, vector<1x16xf32>,
      %parallel_loop3A_298 = vector.shape_cast %parallel_loop3A_297 : vector<1x16xf32> to vector<16xf32>
      %parallel_loop3A_299 = arith.index_cast %parallel_loop3A_249 : i32 to index
      %parallel_loop3A_300 = arith.constant 80 : index
      %parallel_loop3A_301 = tpu.vector_load %arg8[%parallel_loop3A_299, %parallel_loop3A_300] {strides = array<i32>} : memref<200x128xf32, #tpu.memory_space<vmem>>, vector<1x16xf32>,
      %parallel_loop3A_302 = vector.shape_cast %parallel_loop3A_301 : vector<1x16xf32> to vector<16xf32>
      %parallel_loop3A_303 = vector.shape_cast %parallel_loop3A_298 : vector<16xf32> to vector<1x16xf32>
      tpu.vector_store %arg8[%parallel_loop3A_299, %parallel_loop3A_300], %parallel_loop3A_303 {add = true, strides = array<i32>} : memref<200x128xf32, #tpu.memory_space<vmem>>, vector<1x16xf32>,
      %parallel_loop3A_304 = arith.index_cast %parallel_loop3A_249 : i32 to index
      %parallel_loop3A_305 = arith.constant 96 : index
      %parallel_loop3A_306 = tpu.vector_load %arg10[%parallel_loop3A_304, %parallel_loop3A_305] {strides = array<i32>} : memref<200x128xf32, #tpu.memory_space<vmem>>, vector<1x16xf32>,
      %parallel_loop3A_307 = vector.shape_cast %parallel_loop3A_306 : vector<1x16xf32> to vector<16xf32>
      %parallel_loop3A_308 = arith.index_cast %parallel_loop3A_249 : i32 to index
      %parallel_loop3A_309 = arith.constant 96 : index
      %parallel_loop3A_310 = tpu.vector_load %arg8[%parallel_loop3A_308, %parallel_loop3A_309] {strides = array<i32>} : memref<200x128xf32, #tpu.memory_space<vmem>>, vector<1x16xf32>,
      %parallel_loop3A_311 = vector.shape_cast %parallel_loop3A_310 : vector<1x16xf32> to vector<16xf32>
      %parallel_loop3A_312 = vector.shape_cast %parallel_loop3A_307 : vector<16xf32> to vector<1x16xf32>
      tpu.vector_store %arg8[%parallel_loop3A_308, %parallel_loop3A_309], %parallel_loop3A_312 {add = true, strides = array<i32>} : memref<200x128xf32, #tpu.memory_space<vmem>>, vector<1x16xf32>,
      %parallel_loop3A_313 = arith.index_cast %parallel_loop3A_249 : i32 to index
      %parallel_loop3A_314 = arith.constant 112 : index
      %parallel_loop3A_315 = tpu.vector_load %arg10[%parallel_loop3A_313, %parallel_loop3A_314] {strides = array<i32>} : memref<200x128xf32, #tpu.memory_space<vmem>>, vector<1x16xf32>,
      %parallel_loop3A_316 = vector.shape_cast %parallel_loop3A_315 : vector<1x16xf32> to vector<16xf32>
      %parallel_loop3A_317 = arith.index_cast %parallel_loop3A_249 : i32 to index
      %parallel_loop3A_318 = arith.constant 112 : index
      %parallel_loop3A_319 = tpu.vector_load %arg8[%parallel_loop3A_317, %parallel_loop3A_318] {strides = array<i32>} : memref<200x128xf32, #tpu.memory_space<vmem>>, vector<1x16xf32>,
      %parallel_loop3A_320 = vector.shape_cast %parallel_loop3A_319 : vector<1x16xf32> to vector<16xf32>
      %parallel_loop3A_321 = vector.shape_cast %parallel_loop3A_316 : vector<16xf32> to vector<1x16xf32>
      tpu.vector_store %arg8[%parallel_loop3A_317, %parallel_loop3A_318], %parallel_loop3A_321 {add = true, strides = array<i32>} : memref<200x128xf32, #tpu.memory_space<vmem>>, vector<1x16xf32>,
    } {sc.loop_unroll_factor = 8 : i64, sc.parallel_access}
    %add3A_209 = arith.constant 31 : i32
    %add3A_210 = arith.addi %mul3A_2, %add3A_209 : i32
    %dma_start3A_211 = arith.constant 104 : i32
    %dma_start3A_212 = arith.constant 0 : i32
    %dma_start3A_213 = tpu.memref_slice %arg8[%dma_start3A_211, %dma_start3A_212] : memref<200x128xf32, #tpu.memory_space<vmem>> -> memref<96x128xf32, #tpu.memory_space<vmem>>
    %dma_start3A_214 = arith.constant 0 : i32
    %dma_start3A_215 = arith.constant 0 : i32
    %dma_start3A_216 = tpu.memref_slice %arg5[%add3A_210, %dma_start3A_214, %dma_start3A_215] : memref<1024x200x128xf32, #tpu.memory_space<hbm>> -> memref<1x200x128xf32, #tpu.memory_space<hbm>>
    %dma_start3A_217 = tpu.memref_squeeze %dma_start3A_216 : memref<1x200x128xf32, #tpu.memory_space<hbm>> -> memref<200x128xf32, #tpu.memory_space<hbm>>
    %dma_start3A_218 = arith.constant 104 : i32
    %dma_start3A_219 = arith.constant 0 : i32
    %dma_start3A_220 = tpu.memref_slice %dma_start3A_217[%dma_start3A_218, %dma_start3A_219] : memref<200x128xf32, #tpu.memory_space<hbm>> -> memref<96x128xf32, #tpu.memory_space<hbm>>
    %dma_start3A_221 = arith.constant 0 : i32
    %dma_start3A_222 = arith.constant 0 : i32
    %dma_start3A_223 = tpu.memref_slice %arg5[%add3A_210, %dma_start3A_221, %dma_start3A_222] : memref<1024x200x128xf32, #tpu.memory_space<hbm>> -> memref<1x200x128xf32, #tpu.memory_space<hbm>>
    %dma_start3A_224 = tpu.memref_squeeze %dma_start3A_223 : memref<1x200x128xf32, #tpu.memory_space<hbm>> -> memref<200x128xf32, #tpu.memory_space<hbm>>
    %dma_start3A_225 = arith.constant 104 : i32
    %dma_start3A_226 = arith.constant 0 : i32
    %dma_start3A_227 = tpu.memref_slice %dma_start3A_224[%dma_start3A_225, %dma_start3A_226] : memref<200x128xf32, #tpu.memory_space<hbm>> -> memref<96x128xf32, #tpu.memory_space<hbm>>
    %dma_start3A_228 = arith.constant 104 : i32
    %dma_start3A_229 = arith.constant 0 : i32
    %dma_start3A_230 = tpu.memref_slice %arg8[%dma_start3A_228, %dma_start3A_229] : memref<200x128xf32, #tpu.memory_space<vmem>> -> memref<96x128xf32, #tpu.memory_space<vmem>>
    tpu.enqueue_dma source(%dma_start3A_230 : memref<96x128xf32, #tpu.memory_space<vmem>>) target(%dma_start3A_227 : memref<96x128xf32, #tpu.memory_space<hbm>>) target_semaphore(%arg18 : memref<!tpu.dma_semaphore, #tpu.memory_space<semaphore_mem>>)
    %dma_wait3A_231 = arith.constant 0 : i32
    %dma_wait3A_232 = arith.constant 0 : i32
    %dma_wait3A_233 = arith.constant 0 : i32
    %dma_wait3A_234 = tpu.memref_slice %arg5[%dma_wait3A_231, %dma_wait3A_232, %dma_wait3A_233] : memref<1024x200x128xf32, #tpu.memory_space<hbm>> -> memref<1x200x128xf32, #tpu.memory_space<hbm>>
    %dma_wait3A_235 = tpu.memref_squeeze %dma_wait3A_234 : memref<1x200x128xf32, #tpu.memory_space<hbm>> -> memref<200x128xf32, #tpu.memory_space<hbm>>
    %dma_wait3A_236 = arith.constant 0 : i32
    %dma_wait3A_237 = arith.constant 0 : i32
    %dma_wait3A_238 = tpu.memref_slice %arg5[%dma_wait3A_231, %dma_wait3A_236, %dma_wait3A_237] : memref<1024x200x128xf32, #tpu.memory_space<hbm>> -> memref<1x200x128xf32, #tpu.memory_space<hbm>>
    %dma_wait3A_239 = tpu.memref_squeeze %dma_wait3A_238 : memref<1x200x128xf32, #tpu.memory_space<hbm>> -> memref<200x128xf32, #tpu.memory_space<hbm>>
    tpu.wait_dma2 semaphore(%arg17 : memref<!tpu.dma_semaphore, #tpu.memory_space<semaphore_mem>>) src(%arg7 : memref<200x128xf32, #tpu.memory_space<vmem>>) dst(%dma_wait3A_239 : memref<200x128xf32, #tpu.memory_space<hbm>>)
    %dma_wait3A_240 = arith.constant 0 : i32
    %dma_wait3A_241 = arith.constant 0 : i32
    %dma_wait3A_242 = arith.constant 0 : i32
    %dma_wait3A_243 = tpu.memref_slice %arg5[%dma_wait3A_240, %dma_wait3A_241, %dma_wait3A_242] : memref<1024x200x128xf32, #tpu.memory_space<hbm>> -> memref<1x200x128xf32, #tpu.memory_space<hbm>>
    %dma_wait3A_244 = tpu.memref_squeeze %dma_wait3A_243 : memref<1x200x128xf32, #tpu.memory_space<hbm>> -> memref<200x128xf32, #tpu.memory_space<hbm>>
    %dma_wait3A_245 = arith.constant 0 : i32
    %dma_wait3A_246 = arith.constant 0 : i32
    %dma_wait3A_247 = tpu.memref_slice %arg5[%dma_wait3A_240, %dma_wait3A_245, %dma_wait3A_246] : memref<1024x200x128xf32, #tpu.memory_space<hbm>> -> memref<1x200x128xf32, #tpu.memory_space<hbm>>
    %dma_wait3A_248 = tpu.memref_squeeze %dma_wait3A_247 : memref<1x200x128xf32, #tpu.memory_space<hbm>> -> memref<200x128xf32, #tpu.memory_space<hbm>>
    tpu.wait_dma2 semaphore(%arg18 : memref<!tpu.dma_semaphore, #tpu.memory_space<semaphore_mem>>) src(%arg8 : memref<200x128xf32, #tpu.memory_space<vmem>>) dst(%dma_wait3A_248 : memref<200x128xf32, #tpu.memory_space<hbm>>)
    return
  }
}

</mosaic_0001>

<sc_bundles>
// kernel: kernel.3.cloned.1.call-start
scs
__scs_entry_jumppad:
0x0: {  	(pc) =	sbr.rel $0x88, $3  }
0x1: {  	(tag) =	ssettag $0x0;
	lr =	simm.s32 $0x1  }
0x2: {  	[smem:$0x3F9E] =	sst lr;
	_ =	strace $0xD0000000  }
0x3: {  	_ = 	snop  }
0x4: {  	_ = 	snop  }
0x5: {  	_ = 	snop  }
0x6: {  	_ = 	snop  }
0x7: {  	_ = 	snop  }
__scs_overlays_trampoline_lowered:
0x8: {  	[smem:$0x3FAD] =	sst s0  }
0x9: {  	[smem:$0x3FAE] =	sst s1  }
0xa: {  	[smem:$0x3FAF] =	sst s2  }
0xb: {  	[smem:$0x3FB0] =	sst s3  }
0xc: {  	[smem:$0x3FB1] =	sst s4  }
0xd: {  	[smem:$0x3FB2] =	sst s5  }
0xe: {  	[smem:$0x3FB3] =	sst s6  }
0xf: {  	[smem:$0x3FB4] =	sst s7  }
0x10: {  	[smem:$0x3FB5] =	sst s8  }
0x11: {  	[smem:$0x3FB6] =	sst s9;
	s0 =	simm.s32 @!p0 $0x0  }
0x12: {  	s1 =	sld [smem:$0x3F9C];
	s0 =	simm.s32 @p0 $0x1  }
0x13: {  	[smem:$0x3FB7] =	sst s0;
	s0 =	simm.s32 @!p1 $0x0  }
0x14: {  	s2 =	sld [smem:$0x3F9B];
	s0 =	simm.s32 @p1 $0x1  }
0x15: {  	[smem:$0x3FB8] =	sst s0;
	s0 =	simm.s32 @!p2 $0x0  }
0x16: {  	s3 =	sld [smem:$0x3FDB];
	s0 =	simm.s32 @p2 $0x1  }
0x17: {  	s4 =	simm.s32 $0x1BF5;
	[smem:$0x3FBA] =	sst s0  }
0x18: {  	s0 =	sld [smem:$0x3F9D];
	_ =	swait.ge [sflag:s4], $0x0  }
0x19: {  	s7 =	sld [smem:$0x3F9E]  }
0x1a: {  	s8 =	sadd.s32 $0xFFFFE003, lr  }
0x1b: {  	s9 =	sadd.s32 $0xFFFFFEF7, lr;
	s5 =	simm.s32 $0xFFFFFFFF;
	p2 =	slt.u32 s8, $0xFFFFF086  }
0x1c: {  	p1 =	slt.u32 s9, $0xF7A;
	s5 =	simm.s32 @!p2 $0x0  }
0x1d: {  	s5 =	simm.s32 @p1 $0x1;
	p0 =	seq.s32 s7, s2  }
0x1e: {  	s7 =	smul.u32 @!p0 $0xF7A, s2;
	p2 =	seq.s32 @!p0 s5, $0x0  }
0x1f: {  	s9 =	smul.u32 $0xF7A, s1;
	s8 =	simm.s32 @!p0 $0x1BF5;
	p2 =	por !p2, p0  }
0x20: {  	[sflag:s8] =	ssyncset.s32 @!p0 $0xFFFFF086;
	s6 =	sadd.s32 @!p0 s3, s7;
	s7 =	simm.s32 @!p0 $0x108  }
0x21: {  	s3 =	sadd.s32 s3, s9;
	s6 =	sadd.s32 @!p0 $0x88, s6;
	s7 =	simm.s32 @p2 $0x1082  }
0x22: {  	[simem:s7], [sflag:s8] =	dma.local @!p0 [hbm:s6], $0xF7A  }
0x23: {  	s9 =	sor.u32 $0xD0000000, s2;
	s6 =	simm.s32 $0x108;
	_ =	swait.ge @!p0 [sflag:s8], $0x0  }
0x24: {  	s3 =	sadd.s32 $0x88, s3;
	s6 =	simm.s32 @!p1 $0x1082;
	[sflag:s4] =	ssyncset.s32 $0xFFFFF086  }
0x25: {  	[simem:s6], [sflag:s4] =	dma.local [hbm:s3], $0xF7A  }
0x26: {  	[smem:$0x3F9E] =	sst s1;
	(tag) =	ssettag s2;
	_ =	strace s9  }
0x27: {  	s1 =	sld [smem:$0x3FAE]  }
0x28: {  	s2 =	sld [smem:$0x3FAF]  }
0x29: {  	s4 =	sld [smem:$0x3FB1]  }
0x2a: {  	p0 =	seq.s32 s5, $0x0;
	s5 =	sld [smem:$0x3FB2]  }
0x2b: {  	s6 =	sld [smem:$0x3FB3]  }
0x2c: {  	s7 =	sld [smem:$0x3FB4]  }
0x2d: {  	s3 =	simm.s32 $0x108;
	s8 =	sld [smem:$0x3FB5]  }
0x2e: {  	s3 =	simm.s32 @!p0 $0x1082;
	s9 =	sld [smem:$0x3FB6]  }
0x2f: {  	lr =	sadd.s32 s0, s3;
	s0 =	sld [smem:$0x3FAD]  }
0x30: {  	s3 =	sld [smem:$0x3FB0]  }
0x31: {  	[smem:$0x3FB9] =	sst s10  }
0x32: {  	s10 =	sld [smem:$0x3FB7];
	_ =	sdelay $0x3  }
0x33: {  	p0 =	seq.s32 s10, $0x1;
	s10 =	sld [smem:$0x3FB9];
	_ =	sdelay $0x3  }
0x34: {  	[smem:$0x3FB9] =	sst s10  }
0x35: {  	s10 =	sld [smem:$0x3FB8];
	_ =	sdelay $0x3  }
0x36: {  	p1 =	seq.s32 s10, $0x1;
	s10 =	sld [smem:$0x3FB9];
	_ =	sdelay $0x3  }
0x37: {  	[smem:$0x3FB9] =	sst s10  }
0x38: {  	s10 =	sld [smem:$0x3FBA]  }
0x39: {  	_ = 	snop;
	(pc) =	sbr.ind lr, $3  }
0x3a: {  	_ = 	snop  }
0x3b: {  	_ = 	snop  }
0x3c: {  	p2 =	seq.s32 s10, $0x1;
	s10 =	sld [smem:$0x3FB9]  }
0x3d: {  	_ =	shalt  }
0x3e: {  	_ =	shalt  }
0x3f: {  	_ =	shalt  }
0x40: {  	_ =	shalt  }
0x41: {  	_ =	shalt  }
0x42: {  	_ =	shalt  }
0x43: {  	_ =	shalt  }
0x44: {  	_ =	shalt  }
0x45: {  	_ =	shalt  }
0x46: {  	_ =	shalt  }
0x47: {  	_ =	shalt  }
0x48: {  	_ =	shalt  }
0x49: {  	_ =	shalt  }
0x4a: {  	_ =	shalt  }
0x4b: {  	_ =	shalt  }
0x4c: {  	_ =	shalt  }
0x4d: {  	_ =	shalt  }
0x4e: {  	_ =	shalt  }
0x4f: {  	_ =	shalt  }
0x50: {  	_ =	shalt  }
0x51: {  	_ =	shalt  }
0x52: {  	_ =	shalt  }
0x53: {  	_ =	shalt  }
0x54: {  	_ =	shalt  }
0x55: {  	_ =	shalt  }
0x56: {  	_ =	shalt  }
0x57: {  	_ =	shalt  }
0x58: {  	_ =	shalt  }
0x59: {  	_ =	shalt  }
0x5a: {  	_ =	shalt  }
0x5b: {  	_ =	shalt  }
0x5c: {  	_ =	shalt  }
0x5d: {  	_ =	shalt  }
0x5e: {  	_ =	shalt  }
0x5f: {  	_ =	shalt  }
0x60: {  	_ =	shalt  }
0x61: {  	_ =	shalt  }
0x62: {  	_ =	shalt  }
0x63: {  	_ =	shalt  }
0x64: {  	_ =	shalt  }
0x65: {  	_ =	shalt  }
0x66: {  	_ =	shalt  }
0x67: {  	_ =	shalt  }
0x68: {  	_ =	shalt  }
0x69: {  	_ =	shalt  }
0x6a: {  	_ =	shalt  }
0x6b: {  	_ =	shalt  }
0x6c: {  	_ =	shalt  }
0x6d: {  	_ =	shalt  }
0x6e: {  	_ =	shalt  }
0x6f: {  	_ =	shalt  }
0x70: {  	_ =	shalt  }
0x71: {  	_ =	shalt  }
0x72: {  	_ =	shalt  }
0x73: {  	_ =	shalt  }
0x74: {  	_ =	shalt  }
0x75: {  	_ =	shalt  }
0x76: {  	_ =	shalt  }
0x77: {  	_ =	shalt  }
0x78: {  	_ =	shalt  }
0x79: {  	_ =	shalt  }
0x7a: {  	_ =	shalt  }
0x7b: {  	_ =	shalt  }
0x7c: {  	_ =	shalt  }
0x7d: {  	_ =	shalt  }
0x7e: {  	_ =	shalt  }
0x7f: {  	_ =	shalt  }
0x80: {  	_ =	shalt  }
0x81: {  	_ =	shalt  }
0x82: {  	_ =	shalt  }
0x83: {  	_ =	shalt  }
0x84: {  	_ =	shalt  }
0x85: {  	_ =	shalt  }
0x86: {  	_ =	shalt  }
0x87: {  	_ =	shalt  }
.Lfunc_end0:
.L_simem_size_0:
called_computation_lowered:
.L_overlay_start_0:
0x88: {  	s2 =	sld [smem:$0x3FD9]  }
0x89: {  	s3 =	sld [smem:$0x3FFE];
	_ =	sdelay $0x1  }
0x8a: {  	s1 =	srdreg.scid  }
0x8b: {  	s0 =	sand.u32 $0x1, s1  }
0x8c: {  	s17 =	sshll.u32 s0, $0xA;
	s2 =	sadd.s32 s3, s2  }
0x8d: {  	s2 =	sadd.s32 s2, s17  }
0x8e: {  	[smem:$0x3FC5] =	sst s2  }
0x8f: {  	_ = 	snop  }
0x90: {  	s2 =	sld [smem:$0x3FC8]  }
0x91: {  	s18 =	sld [smem:$0x3FC7]  }
0x92: {  	s4 =	sld [smem:$0x3FD0];
	(tm) =	ssettm $0x1  }
0x93: {  	s5 =	sld [smem:$0x3FFB];
	_ =	sdelay $0x3  }
0x94: {  	_ =	strace s5  }
0x95: {  	s5 =	sld [smem:$0x3FFC];
	_ =	sdelay $0x3  }
0x96: {  	_ =	strace s5  }
0x97: {  	s5 =	sld [smem:$0x3FFD];
	_ =	sdelay $0x3  }
0x98: {  	_ =	strace s5  }
0x99: {  	_ =	strace $0x8FFFFFFF  }
0x9a: {  	s19 =	sld [smem:$0x3FDB];
	_ =	sdelay $0x1  }
0x9b: {  	s6 =	simm.s32 $_scs_section_size  }
0x9c: {  	s7 =	simm.s32 $_size__tile_overlayer_lowered;
	s8 =	simm.s32 $_tile_overlayer_lowered  }
0x9d: {  	s22 =	simm.s32 $0x1BFF;
	s21 =	sshll.u32 s8, $0x1;
	s5 =	sadd.s32 s6, s19  }
0x9e: {  	s9 =	simm.s32 $0x0;
	s20 =	sshll.u32 s7, $0x1;
	s7 =	sadd.s32 s21, s5  }
0x9f: {  	[timem:s9], [sflag:s22] =	dma.local [hbm:s7], s20  }
0xa0: {  	_ =	swait.ge [sflag:s22], s20  }
0xa1: {  	s6 =	ssub.s32 $0x0, s20;
	[sflag:s22] =	ssyncset.done $0x0  }
0xa2: {  	[sflag:s22] =	ssyncadd.s32 s6;
	_ =	sdelay $0x1  }
0xa3: {  	s23 =	simm.s32 $0x1B8B  }
0xa4: {  	_ =	swait.ge [sflag:s23], $0x1  }
0xa5: {  	[sflag:s23] =	ssyncset.done $0x0  }
0xa6: {  	s25 =	simm.s32 $0x1B8E;
	s24 =	sld [smem:$0x3FFE];
	[sflag:s23] =	ssyncadd.s32 $0xFFFFFFFF  }
0xa7: {  	s26 =	simm.s32 $execute0_lowered;
	[smem:$0x3FD2] =	sst s25  }
0xa8: {  	s7 =	sshll.u32 s26, $0x1;
	_ =	strace $0x80000046;
	[dreg:$0x1] =	wrdreg $0xFFFFFFFF  }
0xa9: {  	s28 =	simm.s32 $_size_execute0_lowered;
	s5 =	sadd.s32 s5, s7;
	[dreg:$0x0] =	wrdreg $0x0  }
0xaa: {  	s7 =	sshll.u32 s28, $0x1;
	[dreg:$0x2] =	wrdreg s5  }
0xab: {  	[dreg:$0x3] =	wrdreg s7  }
0xac: {  	[dreg:$0x4] =	wrdreg $0xC0  }
0xad: {  	_ =	task [dreg:s9], $0x5FFFF  }
0xae: {  	[dreg:$0x1] =	wrdreg $0xFFFFFFFF  }
0xaf: {  	[dreg:$0x0] =	wrdreg $0x60  }
0xb0: {  	[dreg:$0x2] =	wrdreg s24  }
0xb1: {  	[dreg:$0x3] =	wrdreg s2  }
0xb2: {  	[dreg:$0x4] =	wrdreg s18  }
0xb3: {  	[dreg:$0x5] =	wrdreg s4  }
0xb4: {  	[dreg:$0x6] =	wrdreg $0x9  }
0xb5: {  	_ =	task.clear_ibuf [dreg:s9], $0x7FFFF;
	_ =	strace $0x90000046  }
0xb6: {  	s29 =	simm.s32 $0x9;
	_ =	strace $0x80000048  }
0xb7: {  	_ =	swait.ge [sflag:s29], $0x1  }
0xb8: {  	[sflag:s29] =	ssyncadd.s32 $0xFFFFFFFF  }
0xb9: {  	_ =	strace $0x90000048  }
0xba: {  	_ =	sfence  }
0xbb: {  	s30 =	sld [smem:$0x0];
	_ =	sdelay $0x2  }
0xbc: {  	s31 =	sshll.u32 s1, $0xD;
	s1 =	sshrl.u32 s1, $0x2  }
0xbd: {  	s3 =	sand.u32 $0x4000, s31;
	s1 =	sadd.s32 s1, s30  }
0xbe: {  	s0 =	sor.u32 s3, s0;
	s1 =	sshll.u32 s1, $0x11  }
0xbf: {  	s0 =	sor.u32 s1, s0  }
0xc0: {  	s0 =	sadd.s32 $0x8F2B, s0  }
0xc1: {  	[sflag:s0] =	ssyncadd.remote.s32 $0x1  }
0xc2: {  	_ =	sfence.sel $0xFFFF  }
0xc3: {  	[dreg:$0x0] =	wrdreg $0xFFFFFFFF;
	(pc) =	sbr.abs _section_cstart, $3  }
0xc4: {  	[dreg:$0x1] =	wrdreg $0xFFFFFFFF  }
0xc5: {  	_ =	task.clear_ibuf [dreg:s9], $0x2FFFF;
	_ =	strace $0x9FFFFFFF  }
0xc6: {  	(tm) =	ssettm $0x7FFFFFFF  }
0xc7: {  	_ =	shalt  }
tec
execute0_lowered:
.L_overlay_start_1:
0x0: {  	(tag) =	ssettag $0x1  }
0x1: {  	s0 =	rddreg [dreg:$0x0]  }
0x2: {  	s1 =	rddreg [dreg:$0x1];
	s2 =	srdreg.scid  }
0x3: {  	s3 =	stileid.u32;
	s4 =	rddreg [dreg:$0x3]  }
0x4: {  	s5 =	simm.s32 $0x0;
	s12 =	simm.s32 $0xA;
	s13 =	simm.s32 $0x68  }
0x5: {  	s14 =	simm.s32 $0x1900;
	s15 =	simm.s32 $0x60;
	s16 =	simm.s32 $0x4D00  }
0x6: {  	s17 =	simm.s32 $0x7D00;
	s18 =	simm.s32 $0xB100;
	s19 =	simm.s32 $0x1  }
0x7: {  	s20 =	simm.s32 $0x4;
	s21 =	simm.s32 $0x7;
	s22 =	simm.s32 $0xE100  }
0x8: {  	s23 =	simm.s32 $0x11500;
	s24 =	simm.s32 $0x2;
	s25 =	simm.s32 $0x5  }
0x9: {  	s26 =	simm.s32 $0x8;
	s2 =	sand.u32 $0x1, s2;
	s3 =	sshll.u32 s3, $0x1  }
0xa: {  	s28 =	simm.s32 $0x3;
	s3 =	sor.u32 s2, s3;
	s2 =	ssub.s32 $0x2, s2  }
0xb: {  	s29 =	simm.s32 $0x6;
	s7 =	smul.u32 $0x320, s3;
	s8 =	sshrl.u32 s2, $0x1  }
0xc: {  	[smem:$0x7FF] =	sst s5;
	s6 =	smul.u32 $0xC8000, s3;
	s2 =	ssub.s32 s2, s8  }
0xd: {  	_ =	strace $0x80000047;
	s0 =	sadd.s32 s7, s0;
	s31 =	smax.u32 s2, $0x1  }
0xe: {  	s6 =	sshrl.u32 s6, $0x3;
	s0 =	sadd.s32 $0x400, s0;
	[dreg:$0x6] =	wrdreg s31  }
0xf: {  	s30 =	sadd.s32 s4, s6;
	s6 =	sshll.u32 s3, $0x5;
	[dreg:$0x5] =	wrdreg s0  }
0x10: {  	s8 =	sadd.s32 $0x17700, s30;
	s9 =	sadd.s32 $0x18380, s30;
	s0 =	simm.s32 $0x0  }
.LBB2_1:
0x11: {  	s2 =	rddreg [dreg:$0x2];
	s3 =	simm.s32 $0x14500  }
0x12: {  	[tilespmem:s3], [sflag:$0xA] =	stream.linear.gather [hbm4b:s2+s5], $0x6400, $0x38;
	[tilespmem:$0x1A900] =	vst v63  }
0x13: {  	_ =	swait.ge [sflag:s12], $0x6400  }
0x14: {  	[sflag:s12] =	ssyncset.done $0x0  }
0x15: {  	s31 =	rddreg [dreg:$0x5];
	[sflag:s12] =	ssyncadd.s32 $0xFFFF9C00  }
0x16: {  	[tilespmem:s5], [sflag:$0xA] =	stream.linear.gather [hbm4b:s31+s5], $0x1900, $0x38;
	[tilespmem:$0x1A900] =	vst v63  }
0x17: {  	_ =	swait.ge [sflag:s12], $0x1900  }
0x18: {  	[sflag:s12] =	ssyncset.done $0x0  }
0x19: {  	[sflag:s12] =	ssyncadd.s32 $0xFFFFE700  }
0x1a: {  	[tilespmem:s14], [sflag:$0x1] =	stream.indirect.gather [hbm4b:s1+s13], $0x80, s5, s13, $0xb8;
	[tilespmem:$0x1A900] =	vst v63  }
0x1b: {  	s3 =	simm.s32 $0x0  }
0x1c: {  	[tilespmem:s16], [sflag:$0x4] =	stream.indirect.gather [hbm4b:s1+s15], $0x80, s13, s15, $0xb8;
	[tilespmem:$0x1A900] =	vst v63  }
.LBB2_2:
0x1d: {  	s31 =	smul.u32 $0x3, s3  }
0x1e: {  	p0 =	seq.s32 s3, $0x0  }
0x1f: {  	s2 =	simm.s32 @!p0 $0x9;
	s11 =	sadd.s32 $0x1, s31  }
0x20: {  	_ =	swait.ge @!p0 [sflag:s2], $0x6400;
	s7 =	smul.u32 $0x320, s11  }
0x21: {  	[sflag:s2] =	ssyncset.done @!p0 $0x0  }
0x22: {  	[sflag:s2] =	ssyncadd.s32 @!p0 $0xFFFF9C00;
	s30 =	sshra.s32 s7, $0x2  }
0x23: {  	[tilespmem:s17], [sflag:$0x2] =	stream.indirect.gather [hbm4b:s1+s13], $0x80, s30, s13, $0xb8;
	[tilespmem:$0x1A900] =	vst v63  }
0x24: {  	s2 =	sadd.s32 $0x68, s30  }
0x25: {  	[tilespmem:s18], [sflag:$0x5] =	stream.indirect.gather [hbm4b:s1+s15], $0x80, s2, s15, $0xb8;
	[tilespmem:$0x1A900] =	vst v63  }
0x26: {  	_ =	swait.ge [sflag:s19], $0x3400  }
0x27: {  	[sflag:s19] =	ssyncset.done $0x0  }
0x28: {  	s2 =	simm.s32 $0x0;
	[sflag:s19] =	ssyncadd.s32 $0xFFFFCC00  }
0x29: {  	v0 =	vld [tilespmem:s2+$0x148F0]  }
0x2a: {  	v1 =	vld [tilespmem:s2+$0x14500]  }
0x2b: {  	v2 =	vld [tilespmem:s2+$0x14510]  }
0x2c: {  	v3 =	vld [tilespmem:s2+$0x14520]  }
0x2d: {  	v4 =	vld [tilespmem:s2+$0x14530]  }
0x2e: {  	v5 =	vld [tilespmem:s2+$0x14540]  }
0x2f: {  	v6 =	vld [tilespmem:s2+$0x14550]  }
0x30: {  	v7 =	vld [tilespmem:s2+$0x14560]  }
0x31: {  	v8 =	vld [tilespmem:s2+$0x14570]  }
0x32: {  	v9 =	vld [tilespmem:s2+$0x14580]  }
0x33: {  	v10 =	vld [tilespmem:s2+$0x14590]  }
0x34: {  	v11 =	vld [tilespmem:s2+$0x145A0]  }
0x35: {  	v12 =	vld [tilespmem:s2+$0x145B0]  }
0x36: {  	v13 =	vld [tilespmem:s2+$0x145C0]  }
0x37: {  	v14 =	vld [tilespmem:s2+$0x145D0]  }
0x38: {  	v15 =	vld [tilespmem:s2+$0x145E0]  }
0x39: {  	v16 =	vld [tilespmem:s2+$0x145F0]  }
0x3a: {  	v17 =	vld [tilespmem:s2+$0x14600]  }
0x3b: {  	v18 =	vld [tilespmem:s2+$0x14610]  }
0x3c: {  	v19 =	vld [tilespmem:s2+$0x14620]  }
0x3d: {  	v20 =	vld [tilespmem:s2+$0x14630]  }
0x3e: {  	v21 =	vld [tilespmem:s2+$0x14640]  }
0x3f: {  	v22 =	vld [tilespmem:s2+$0x14650]  }
0x40: {  	v23 =	vld [tilespmem:s2+$0x14660]  }
0x41: {  	v24 =	vld [tilespmem:s2+$0x14670]  }
0x42: {  	v25 =	vld [tilespmem:s2+$0x14680]  }
0x43: {  	v26 =	vld [tilespmem:s2+$0x14690]  }
0x44: {  	v27 =	vld [tilespmem:s2+$0x146A0]  }
0x45: {  	v28 =	vld [tilespmem:s2+$0x146B0]  }
0x46: {  	v29 =	vld [tilespmem:s2+$0x146C0]  }
0x47: {  	v30 =	vld [tilespmem:s2+$0x146D0]  }
0x48: {  	v31 =	vld [tilespmem:s2+$0x146E0]  }
0x49: {  	v32 =	vld [tilespmem:s2+$0x146F0]  }
0x4a: {  	v33 =	vld [tilespmem:s2+$0x14700]  }
0x4b: {  	v34 =	vld [tilespmem:s2+$0x14710]  }
0x4c: {  	v35 =	vld [tilespmem:s2+$0x14720]  }
0x4d: {  	v36 =	vld [tilespmem:s2+$0x14730]  }
0x4e: {  	v37 =	vld [tilespmem:s2+$0x14740]  }
0x4f: {  	v38 =	vld [tilespmem:s2+$0x14750]  }
0x50: {  	v39 =	vld [tilespmem:s2+$0x14760]  }
0x51: {  	v40 =	vld [tilespmem:s2+$0x14770]  }
0x52: {  	v41 =	vld [tilespmem:s2+$0x14780]  }
0x53: {  	v42 =	vld [tilespmem:s2+$0x14790]  }
0x54: {  	v43 =	vld [tilespmem:s2+$0x147A0]  }
0x55: {  	v44 =	vld [tilespmem:s2+$0x147B0]  }
0x56: {  	v45 =	vld [tilespmem:s2+$0x147C0]  }
0x57: {  	v46 =	vld [tilespmem:s2+$0x147D0]  }
0x58: {  	v47 =	vld [tilespmem:s2+$0x147E0]  }
0x59: {  	v48 =	vld [tilespmem:s2+$0x147F0]  }
0x5a: {  	v49 =	vld [tilespmem:s2+$0x14800]  }
0x5b: {  	v50 =	vld [tilespmem:s2+$0x14810]  }
0x5c: {  	v51 =	vld [tilespmem:s2+$0x14820]  }
0x5d: {  	v52 =	vld [tilespmem:s2+$0x14830]  }
0x5e: {  	v53 =	vld [tilespmem:s2+$0x14840]  }
0x5f: {  	v54 =	vld [tilespmem:s2+$0x14850]  }
0x60: {  	v55 =	vld [tilespmem:s2+$0x14860]  }
0x61: {  	v56 =	vld [tilespmem:s2+$0x14870]  }
0x62: {  	v57 =	vld [tilespmem:s2+$0x14880]  }
0x63: {  	v58 =	vld [tilespmem:s2+$0x14890]  }
0x64: {  	v59 =	vld [tilespmem:s2+$0x148A0]  }
0x65: {  	v60 =	vld [tilespmem:s2+$0x148B0]  }
0x66: {  	v61 =	vld [tilespmem:s2+$0x148C0]  }
0x67: {  	v62 =	vld [tilespmem:s2+$0x148D0]  }
0x68: {  	[tilespmem:s2+$0x1CF0] =	vst.add.f32.msk $0xffff, v0  }
0x69: {  	v0 =	vld [tilespmem:s2+$0x148E0]  }
0x6a: {  	[tilespmem:s2+$0x1900] =	vst.add.f32.msk $0xffff, v1  }
0x6b: {  	[tilespmem:s2+$0x1910] =	vst.add.f32.msk $0xffff, v2  }
0x6c: {  	[tilespmem:s2+$0x1920] =	vst.add.f32.msk $0xffff, v3  }
0x6d: {  	[tilespmem:s2+$0x1930] =	vst.add.f32.msk $0xffff, v4  }
0x6e: {  	[tilespmem:s2+$0x1940] =	vst.add.f32.msk $0xffff, v5  }
0x6f: {  	[tilespmem:s2+$0x1950] =	vst.add.f32.msk $0xffff, v6  }
0x70: {  	[tilespmem:s2+$0x1960] =	vst.add.f32.msk $0xffff, v7  }
0x71: {  	[tilespmem:s2+$0x1970] =	vst.add.f32.msk $0xffff, v8  }
0x72: {  	[tilespmem:s2+$0x1980] =	vst.add.f32.msk $0xffff, v9  }
0x73: {  	[tilespmem:s2+$0x1990] =	vst.add.f32.msk $0xffff, v10  }
0x74: {  	[tilespmem:s2+$0x19A0] =	vst.add.f32.msk $0xffff, v11  }
0x75: {  	[tilespmem:s2+$0x19B0] =	vst.add.f32.msk $0xffff, v12  }
0x76: {  	[tilespmem:s2+$0x19C0] =	vst.add.f32.msk $0xffff, v13  }
0x77: {  	[tilespmem:s2+$0x19D0] =	vst.add.f32.msk $0xffff, v14  }
0x78: {  	[tilespmem:s2+$0x19E0] =	vst.add.f32.msk $0xffff, v15  }
0x79: {  	[tilespmem:s2+$0x19F0] =	vst.add.f32.msk $0xffff, v16  }
0x7a: {  	[tilespmem:s2+$0x1A00] =	vst.add.f32.msk $0xffff, v17  }
0x7b: {  	[tilespmem:s2+$0x1A10] =	vst.add.f32.msk $0xffff, v18  }
0x7c: {  	[tilespmem:s2+$0x1A20] =	vst.add.f32.msk $0xffff, v19  }
0x7d: {  	[tilespmem:s2+$0x1A30] =	vst.add.f32.msk $0xffff, v20  }
0x7e: {  	[tilespmem:s2+$0x1A40] =	vst.add.f32.msk $0xffff, v21  }
0x7f: {  	[tilespmem:s2+$0x1A50] =	vst.add.f32.msk $0xffff, v22  }
0x80: {  	[tilespmem:s2+$0x1A60] =	vst.add.f32.msk $0xffff, v23  }
0x81: {  	[tilespmem:s2+$0x1A70] =	vst.add.f32.msk $0xffff, v24  }
0x82: {  	[tilespmem:s2+$0x1A80] =	vst.add.f32.msk $0xffff, v25  }
0x83: {  	[tilespmem:s2+$0x1A90] =	vst.add.f32.msk $0xffff, v26  }
0x84: {  	[tilespmem:s2+$0x1AA0] =	vst.add.f32.msk $0xffff, v27  }
0x85: {  	[tilespmem:s2+$0x1AB0] =	vst.add.f32.msk $0xffff, v28  }
0x86: {  	[tilespmem:s2+$0x1AC0] =	vst.add.f32.msk $0xffff, v29  }
0x87: {  	[tilespmem:s2+$0x1AD0] =	vst.add.f32.msk $0xffff, v30  }
0x88: {  	[tilespmem:s2+$0x1AE0] =	vst.add.f32.msk $0xffff, v31  }
0x89: {  	[tilespmem:s2+$0x1AF0] =	vst.add.f32.msk $0xffff, v32  }
0x8a: {  	[tilespmem:s2+$0x1B00] =	vst.add.f32.msk $0xffff, v33  }
0x8b: {  	[tilespmem:s2+$0x1B10] =	vst.add.f32.msk $0xffff, v34  }
0x8c: {  	[tilespmem:s2+$0x1B20] =	vst.add.f32.msk $0xffff, v35  }
0x8d: {  	[tilespmem:s2+$0x1B30] =	vst.add.f32.msk $0xffff, v36  }
0x8e: {  	[tilespmem:s2+$0x1B40] =	vst.add.f32.msk $0xffff, v37  }
0x8f: {  	[tilespmem:s2+$0x1B50] =	vst.add.f32.msk $0xffff, v38  }
0x90: {  	[tilespmem:s2+$0x1B60] =	vst.add.f32.msk $0xffff, v39  }
0x91: {  	[tilespmem:s2+$0x1B70] =	vst.add.f32.msk $0xffff, v40  }
0x92: {  	[tilespmem:s2+$0x1B80] =	vst.add.f32.msk $0xffff, v41  }
0x93: {  	[tilespmem:s2+$0x1B90] =	vst.add.f32.msk $0xffff, v42  }
0x94: {  	[tilespmem:s2+$0x1BA0] =	vst.add.f32.msk $0xffff, v43  }
0x95: {  	[tilespmem:s2+$0x1BB0] =	vst.add.f32.msk $0xffff, v44  }
0x96: {  	[tilespmem:s2+$0x1BC0] =	vst.add.f32.msk $0xffff, v45  }
0x97: {  	[tilespmem:s2+$0x1BD0] =	vst.add.f32.msk $0xffff, v46  }
0x98: {  	[tilespmem:s2+$0x1BE0] =	vst.add.f32.msk $0xffff, v47  }
0x99: {  	[tilespmem:s2+$0x1BF0] =	vst.add.f32.msk $0xffff, v48  }
0x9a: {  	[tilespmem:s2+$0x1C00] =	vst.add.f32.msk $0xffff, v49  }
0x9b: {  	[tilespmem:s2+$0x1C10] =	vst.add.f32.msk $0xffff, v50  }
0x9c: {  	[tilespmem:s2+$0x1C20] =	vst.add.f32.msk $0xffff, v51  }
0x9d: {  	[tilespmem:s2+$0x1C30] =	vst.add.f32.msk $0xffff, v52  }
0x9e: {  	[tilespmem:s2+$0x1C40] =	vst.add.f32.msk $0xffff, v53  }
0x9f: {  	[tilespmem:s2+$0x1C50] =	vst.add.f32.msk $0xffff, v54  }
0xa0: {  	[tilespmem:s2+$0x1C60] =	vst.add.f32.msk $0xffff, v55  }
0xa1: {  	[tilespmem:s2+$0x1C70] =	vst.add.f32.msk $0xffff, v56  }
0xa2: {  	[tilespmem:s2+$0x1C80] =	vst.add.f32.msk $0xffff, v57  }
0xa3: {  	[tilespmem:s2+$0x1C90] =	vst.add.f32.msk $0xffff, v58  }
0xa4: {  	[tilespmem:s2+$0x1CA0] =	vst.add.f32.msk $0xffff, v59  }
0xa5: {  	[tilespmem:s2+$0x1CB0] =	vst.add.f32.msk $0xffff, v60  }
0xa6: {  	[tilespmem:s2+$0x1CC0] =	vst.add.f32.msk $0xffff, v61  }
0xa7: {  	s10 =	simm.s32 $0x1000;
	s7 =	simm.s32 $0x0;
	[tilespmem:s2+$0x1CD0] =	vst.add.f32.msk $0xffff, v62  }
.LBB2_3:
0xa8: {  	s7 =	sadd.s32 $0x8, s7;
	[tilespmem:s2+$0x1CE0] =	vst.add.f32.msk $0xffff, v0;
	s2 =	sshra.s32 s10, $0x2  }
0xa9: {  	v0 =	vld [tilespmem:s2+$0x148F0];
	p0 =	slt.u32 s7, $0x60  }
0xaa: {  	v1 =	vld [tilespmem:s2+$0x14500]  }
0xab: {  	v2 =	vld [tilespmem:s2+$0x14510]  }
0xac: {  	v3 =	vld [tilespmem:s2+$0x14520]  }
0xad: {  	v4 =	vld [tilespmem:s2+$0x14530]  }
0xae: {  	[tilespmem:s2+$0x1CF0] =	vst.add.f32.msk $0xffff, v0  }
0xaf: {  	v5 =	vld [tilespmem:s2+$0x14540]  }
0xb0: {  	v6 =	vld [tilespmem:s2+$0x14550]  }
0xb1: {  	v7 =	vld [tilespmem:s2+$0x14560]  }
0xb2: {  	v8 =	vld [tilespmem:s2+$0x14570]  }
0xb3: {  	v9 =	vld [tilespmem:s2+$0x14580]  }
0xb4: {  	v10 =	vld [tilespmem:s2+$0x14590]  }
0xb5: {  	v11 =	vld [tilespmem:s2+$0x145A0]  }
0xb6: {  	v12 =	vld [tilespmem:s2+$0x145B0]  }
0xb7: {  	v13 =	vld [tilespmem:s2+$0x145C0]  }
0xb8: {  	v14 =	vld [tilespmem:s2+$0x145D0]  }
0xb9: {  	v15 =	vld [tilespmem:s2+$0x145E0]  }
0xba: {  	v16 =	vld [tilespmem:s2+$0x145F0]  }
0xbb: {  	v17 =	vld [tilespmem:s2+$0x14600]  }
0xbc: {  	v18 =	vld [tilespmem:s2+$0x14610]  }
0xbd: {  	v19 =	vld [tilespmem:s2+$0x14620]  }
0xbe: {  	v20 =	vld [tilespmem:s2+$0x14630]  }
0xbf: {  	v21 =	vld [tilespmem:s2+$0x14640]  }
0xc0: {  	v22 =	vld [tilespmem:s2+$0x14650]  }
0xc1: {  	v23 =	vld [tilespmem:s2+$0x14660]  }
0xc2: {  	v24 =	vld [tilespmem:s2+$0x14670]  }
0xc3: {  	v25 =	vld [tilespmem:s2+$0x14680]  }
0xc4: {  	v26 =	vld [tilespmem:s2+$0x14690]  }
0xc5: {  	v27 =	vld [tilespmem:s2+$0x146A0]  }
0xc6: {  	v28 =	vld [tilespmem:s2+$0x146B0]  }
0xc7: {  	v29 =	vld [tilespmem:s2+$0x146C0]  }
0xc8: {  	v30 =	vld [tilespmem:s2+$0x146D0]  }
0xc9: {  	v31 =	vld [tilespmem:s2+$0x146E0]  }
0xca: {  	v32 =	vld [tilespmem:s2+$0x146F0]  }
0xcb: {  	v33 =	vld [tilespmem:s2+$0x14700]  }
0xcc: {  	v34 =	vld [tilespmem:s2+$0x14710]  }
0xcd: {  	v35 =	vld [tilespmem:s2+$0x14720]  }
0xce: {  	v36 =	vld [tilespmem:s2+$0x14730]  }
0xcf: {  	v37 =	vld [tilespmem:s2+$0x14740]  }
0xd0: {  	v38 =	vld [tilespmem:s2+$0x14750]  }
0xd1: {  	v39 =	vld [tilespmem:s2+$0x14760]  }
0xd2: {  	v40 =	vld [tilespmem:s2+$0x14770]  }
0xd3: {  	v41 =	vld [tilespmem:s2+$0x14780]  }
0xd4: {  	v42 =	vld [tilespmem:s2+$0x14790]  }
0xd5: {  	v43 =	vld [tilespmem:s2+$0x147A0]  }
0xd6: {  	v44 =	vld [tilespmem:s2+$0x147B0]  }
0xd7: {  	v45 =	vld [tilespmem:s2+$0x147C0]  }
0xd8: {  	v46 =	vld [tilespmem:s2+$0x147D0]  }
0xd9: {  	v47 =	vld [tilespmem:s2+$0x147E0]  }
0xda: {  	v48 =	vld [tilespmem:s2+$0x147F0]  }
0xdb: {  	v49 =	vld [tilespmem:s2+$0x14800]  }
0xdc: {  	v50 =	vld [tilespmem:s2+$0x14810]  }
0xdd: {  	v51 =	vld [tilespmem:s2+$0x14820]  }
0xde: {  	v52 =	vld [tilespmem:s2+$0x14830]  }
0xdf: {  	v53 =	vld [tilespmem:s2+$0x14840]  }
0xe0: {  	v54 =	vld [tilespmem:s2+$0x14850]  }
0xe1: {  	v55 =	vld [tilespmem:s2+$0x14860]  }
0xe2: {  	v56 =	vld [tilespmem:s2+$0x14870]  }
0xe3: {  	v57 =	vld [tilespmem:s2+$0x14880]  }
0xe4: {  	v58 =	vld [tilespmem:s2+$0x14890]  }
0xe5: {  	v59 =	vld [tilespmem:s2+$0x148A0]  }
0xe6: {  	v60 =	vld [tilespmem:s2+$0x148B0]  }
0xe7: {  	v61 =	vld [tilespmem:s2+$0x148C0]  }
0xe8: {  	v62 =	vld [tilespmem:s2+$0x148D0]  }
0xe9: {  	v0 =	vld [tilespmem:s2+$0x148E0]  }
0xea: {  	[tilespmem:s2+$0x1900] =	vst.add.f32.msk $0xffff, v1  }
0xeb: {  	[tilespmem:s2+$0x1910] =	vst.add.f32.msk $0xffff, v2  }
0xec: {  	[tilespmem:s2+$0x1920] =	vst.add.f32.msk $0xffff, v3  }
0xed: {  	[tilespmem:s2+$0x1930] =	vst.add.f32.msk $0xffff, v4  }
0xee: {  	[tilespmem:s2+$0x1940] =	vst.add.f32.msk $0xffff, v5  }
0xef: {  	[tilespmem:s2+$0x1950] =	vst.add.f32.msk $0xffff, v6  }
0xf0: {  	[tilespmem:s2+$0x1960] =	vst.add.f32.msk $0xffff, v7  }
0xf1: {  	[tilespmem:s2+$0x1970] =	vst.add.f32.msk $0xffff, v8  }
0xf2: {  	[tilespmem:s2+$0x1980] =	vst.add.f32.msk $0xffff, v9  }
0xf3: {  	[tilespmem:s2+$0x1990] =	vst.add.f32.msk $0xffff, v10  }
0xf4: {  	[tilespmem:s2+$0x19A0] =	vst.add.f32.msk $0xffff, v11  }
0xf5: {  	[tilespmem:s2+$0x19B0] =	vst.add.f32.msk $0xffff, v12  }
0xf6: {  	[tilespmem:s2+$0x19C0] =	vst.add.f32.msk $0xffff, v13  }
0xf7: {  	[tilespmem:s2+$0x19D0] =	vst.add.f32.msk $0xffff, v14  }
0xf8: {  	[tilespmem:s2+$0x19E0] =	vst.add.f32.msk $0xffff, v15  }
0xf9: {  	[tilespmem:s2+$0x19F0] =	vst.add.f32.msk $0xffff, v16  }
0xfa: {  	[tilespmem:s2+$0x1A00] =	vst.add.f32.msk $0xffff, v17  }
0xfb: {  	[tilespmem:s2+$0x1A10] =	vst.add.f32.msk $0xffff, v18  }
0xfc: {  	[tilespmem:s2+$0x1A20] =	vst.add.f32.msk $0xffff, v19  }
0xfd: {  	[tilespmem:s2+$0x1A30] =	vst.add.f32.msk $0xffff, v20  }
0xfe: {  	[tilespmem:s2+$0x1A40] =	vst.add.f32.msk $0xffff, v21  }
0xff: {  	[tilespmem:s2+$0x1A50] =	vst.add.f32.msk $0xffff, v22  }
0x100: {  	[tilespmem:s2+$0x1A60] =	vst.add.f32.msk $0xffff, v23  }
0x101: {  	[tilespmem:s2+$0x1A70] =	vst.add.f32.msk $0xffff, v24  }
0x102: {  	[tilespmem:s2+$0x1A80] =	vst.add.f32.msk $0xffff, v25  }
0x103: {  	[tilespmem:s2+$0x1A90] =	vst.add.f32.msk $0xffff, v26  }
0x104: {  	[tilespmem:s2+$0x1AA0] =	vst.add.f32.msk $0xffff, v27  }
0x105: {  	[tilespmem:s2+$0x1AB0] =	vst.add.f32.msk $0xffff, v28  }
0x106: {  	[tilespmem:s2+$0x1AC0] =	vst.add.f32.msk $0xffff, v29  }
0x107: {  	[tilespmem:s2+$0x1AD0] =	vst.add.f32.msk $0xffff, v30  }
0x108: {  	[tilespmem:s2+$0x1AE0] =	vst.add.f32.msk $0xffff, v31  }
0x109: {  	[tilespmem:s2+$0x1AF0] =	vst.add.f32.msk $0xffff, v32  }
0x10a: {  	[tilespmem:s2+$0x1B00] =	vst.add.f32.msk $0xffff, v33  }
0x10b: {  	[tilespmem:s2+$0x1B10] =	vst.add.f32.msk $0xffff, v34  }
0x10c: {  	[tilespmem:s2+$0x1B20] =	vst.add.f32.msk $0xffff, v35  }
0x10d: {  	[tilespmem:s2+$0x1B30] =	vst.add.f32.msk $0xffff, v36  }
0x10e: {  	[tilespmem:s2+$0x1B40] =	vst.add.f32.msk $0xffff, v37  }
0x10f: {  	[tilespmem:s2+$0x1B50] =	vst.add.f32.msk $0xffff, v38  }
0x110: {  	[tilespmem:s2+$0x1B60] =	vst.add.f32.msk $0xffff, v39  }
0x111: {  	[tilespmem:s2+$0x1B70] =	vst.add.f32.msk $0xffff, v40  }
0x112: {  	[tilespmem:s2+$0x1B80] =	vst.add.f32.msk $0xffff, v41  }
0x113: {  	[tilespmem:s2+$0x1B90] =	vst.add.f32.msk $0xffff, v42  }
0x114: {  	[tilespmem:s2+$0x1BA0] =	vst.add.f32.msk $0xffff, v43  }
0x115: {  	[tilespmem:s2+$0x1BB0] =	vst.add.f32.msk $0xffff, v44  }
0x116: {  	[tilespmem:s2+$0x1BC0] =	vst.add.f32.msk $0xffff, v45  }
0x117: {  	[tilespmem:s2+$0x1BD0] =	vst.add.f32.msk $0xffff, v46  }
0x118: {  	[tilespmem:s2+$0x1BE0] =	vst.add.f32.msk $0xffff, v47  }
0x119: {  	[tilespmem:s2+$0x1BF0] =	vst.add.f32.msk $0xffff, v48  }
0x11a: {  	[tilespmem:s2+$0x1C00] =	vst.add.f32.msk $0xffff, v49  }
0x11b: {  	[tilespmem:s2+$0x1C10] =	vst.add.f32.msk $0xffff, v50  }
0x11c: {  	[tilespmem:s2+$0x1C20] =	vst.add.f32.msk $0xffff, v51  }
0x11d: {  	[tilespmem:s2+$0x1C30] =	vst.add.f32.msk $0xffff, v52  }
0x11e: {  	[tilespmem:s2+$0x1C40] =	vst.add.f32.msk $0xffff, v53  }
0x11f: {  	[tilespmem:s2+$0x1C50] =	vst.add.f32.msk $0xffff, v54  }
0x120: {  	[tilespmem:s2+$0x1C60] =	vst.add.f32.msk $0xffff, v55  }
0x121: {  	[tilespmem:s2+$0x1C70] =	vst.add.f32.msk $0xffff, v56  }
0x122: {  	[tilespmem:s2+$0x1C80] =	vst.add.f32.msk $0xffff, v57  }
.Ltmp0:
0x123: {  	[tilespmem:s2+$0x1C90] =	vst.add.f32.msk $0xffff, v58;
	(pc) =	sbr.rel @p0 .LBB2_3-.Ltmp0, $4  }
0x124: {  	[tilespmem:s2+$0x1CA0] =	vst.add.f32.msk $0xffff, v59  }
0x125: {  	[tilespmem:s2+$0x1CB0] =	vst.add.f32.msk $0xffff, v60  }
0x126: {  	[tilespmem:s2+$0x1CC0] =	vst.add.f32.msk $0xffff, v61  }
0x127: {  	s10 =	sadd.s32 $0x1000, s10;
	[tilespmem:s2+$0x1CD0] =	vst.add.f32.msk $0xffff, v62  }
0x128: {  	s7 =	sadd.s32 s6, s31  }
0x129: {  	s7 =	smul.u32 $0xC80, s7;
	_ =	sdelay $0x1  }
0x12a: {  	[tilespmem:s2+$0x1CE0] =	vst.add.f32.msk $0xffff, v0;
	s10 =	simm.s32 $0x0;
	s2 =	sadd.s32 s4, s7  }
0x12b: {  	[hbm4b:s2+s10] =	stream.linear.scatter [tilespmem:s14], [sflag:$0x7], $0x3400, $0x38;
	[tilespmem:$0x1A900] =	vst v63  }
0x12c: {  	_ =	swait.ge [sflag:s20], $0x3000  }
0x12d: {  	[sflag:s20] =	ssyncset.done $0x0  }
0x12e: {  	s7 =	simm.s32 $0x0;
	[sflag:s20] =	ssyncadd.s32 $0xFFFFD000  }
0x12f: {  	v0 =	vld [tilespmem:s7+$0x17CF0]  }
0x130: {  	v1 =	vld [tilespmem:s7+$0x17900]  }
0x131: {  	v2 =	vld [tilespmem:s7+$0x17910]  }
0x132: {  	v3 =	vld [tilespmem:s7+$0x17920]  }
0x133: {  	v4 =	vld [tilespmem:s7+$0x17930]  }
0x134: {  	v5 =	vld [tilespmem:s7+$0x17940]  }
0x135: {  	v6 =	vld [tilespmem:s7+$0x17950]  }
0x136: {  	v7 =	vld [tilespmem:s7+$0x17960]  }
0x137: {  	v8 =	vld [tilespmem:s7+$0x17970]  }
0x138: {  	v9 =	vld [tilespmem:s7+$0x17980]  }
0x139: {  	v10 =	vld [tilespmem:s7+$0x17990]  }
0x13a: {  	v11 =	vld [tilespmem:s7+$0x179A0]  }
0x13b: {  	v12 =	vld [tilespmem:s7+$0x179B0]  }
0x13c: {  	v13 =	vld [tilespmem:s7+$0x179C0]  }
0x13d: {  	v14 =	vld [tilespmem:s7+$0x179D0]  }
0x13e: {  	v15 =	vld [tilespmem:s7+$0x179E0]  }
0x13f: {  	v16 =	vld [tilespmem:s7+$0x179F0]  }
0x140: {  	v17 =	vld [tilespmem:s7+$0x17A00]  }
0x141: {  	v18 =	vld [tilespmem:s7+$0x17A10]  }
0x142: {  	v19 =	vld [tilespmem:s7+$0x17A20]  }
0x143: {  	v20 =	vld [tilespmem:s7+$0x17A30]  }
0x144: {  	v21 =	vld [tilespmem:s7+$0x17A40]  }
0x145: {  	v22 =	vld [tilespmem:s7+$0x17A50]  }
0x146: {  	v23 =	vld [tilespmem:s7+$0x17A60]  }
0x147: {  	v24 =	vld [tilespmem:s7+$0x17A70]  }
0x148: {  	v25 =	vld [tilespmem:s7+$0x17A80]  }
0x149: {  	v26 =	vld [tilespmem:s7+$0x17A90]  }
0x14a: {  	v27 =	vld [tilespmem:s7+$0x17AA0]  }
0x14b: {  	v28 =	vld [tilespmem:s7+$0x17AB0]  }
0x14c: {  	v29 =	vld [tilespmem:s7+$0x17AC0]  }
0x14d: {  	v30 =	vld [tilespmem:s7+$0x17AD0]  }
0x14e: {  	v31 =	vld [tilespmem:s7+$0x17AE0]  }
0x14f: {  	v32 =	vld [tilespmem:s7+$0x17AF0]  }
0x150: {  	v33 =	vld [tilespmem:s7+$0x17B00]  }
0x151: {  	v34 =	vld [tilespmem:s7+$0x17B10]  }
0x152: {  	v35 =	vld [tilespmem:s7+$0x17B20]  }
0x153: {  	v36 =	vld [tilespmem:s7+$0x17B30]  }
0x154: {  	v37 =	vld [tilespmem:s7+$0x17B40]  }
0x155: {  	v38 =	vld [tilespmem:s7+$0x17B50]  }
0x156: {  	v39 =	vld [tilespmem:s7+$0x17B60]  }
0x157: {  	v40 =	vld [tilespmem:s7+$0x17B70]  }
0x158: {  	v41 =	vld [tilespmem:s7+$0x17B80]  }
0x159: {  	v42 =	vld [tilespmem:s7+$0x17B90]  }
0x15a: {  	v43 =	vld [tilespmem:s7+$0x17BA0]  }
0x15b: {  	v44 =	vld [tilespmem:s7+$0x17BB0]  }
0x15c: {  	v45 =	vld [tilespmem:s7+$0x17BC0]  }
0x15d: {  	v46 =	vld [tilespmem:s7+$0x17BD0]  }
0x15e: {  	v47 =	vld [tilespmem:s7+$0x17BE0]  }
0x15f: {  	v48 =	vld [tilespmem:s7+$0x17BF0]  }
0x160: {  	v49 =	vld [tilespmem:s7+$0x17C00]  }
0x161: {  	v50 =	vld [tilespmem:s7+$0x17C10]  }
0x162: {  	v51 =	vld [tilespmem:s7+$0x17C20]  }
0x163: {  	v52 =	vld [tilespmem:s7+$0x17C30]  }
0x164: {  	v53 =	vld [tilespmem:s7+$0x17C40]  }
0x165: {  	v54 =	vld [tilespmem:s7+$0x17C50]  }
0x166: {  	v55 =	vld [tilespmem:s7+$0x17C60]  }
0x167: {  	v56 =	vld [tilespmem:s7+$0x17C70]  }
0x168: {  	v57 =	vld [tilespmem:s7+$0x17C80]  }
0x169: {  	v58 =	vld [tilespmem:s7+$0x17C90]  }
0x16a: {  	v59 =	vld [tilespmem:s7+$0x17CA0]  }
0x16b: {  	v60 =	vld [tilespmem:s7+$0x17CB0]  }
0x16c: {  	v61 =	vld [tilespmem:s7+$0x17CC0]  }
0x16d: {  	v62 =	vld [tilespmem:s7+$0x17CD0]  }
0x16e: {  	[tilespmem:s7+$0x50F0] =	vst.add.f32.msk $0xffff, v0  }
0x16f: {  	v0 =	vld [tilespmem:s7+$0x17CE0]  }
0x170: {  	[tilespmem:s7+$0x4D00] =	vst.add.f32.msk $0xffff, v1  }
0x171: {  	[tilespmem:s7+$0x4D10] =	vst.add.f32.msk $0xffff, v2  }
0x172: {  	[tilespmem:s7+$0x4D20] =	vst.add.f32.msk $0xffff, v3  }
0x173: {  	[tilespmem:s7+$0x4D30] =	vst.add.f32.msk $0xffff, v4  }
0x174: {  	[tilespmem:s7+$0x4D40] =	vst.add.f32.msk $0xffff, v5  }
0x175: {  	[tilespmem:s7+$0x4D50] =	vst.add.f32.msk $0xffff, v6  }
0x176: {  	[tilespmem:s7+$0x4D60] =	vst.add.f32.msk $0xffff, v7  }
0x177: {  	[tilespmem:s7+$0x4D70] =	vst.add.f32.msk $0xffff, v8  }
0x178: {  	[tilespmem:s7+$0x4D80] =	vst.add.f32.msk $0xffff, v9  }
0x179: {  	[tilespmem:s7+$0x4D90] =	vst.add.f32.msk $0xffff, v10  }
0x17a: {  	[tilespmem:s7+$0x4DA0] =	vst.add.f32.msk $0xffff, v11  }
0x17b: {  	[tilespmem:s7+$0x4DB0] =	vst.add.f32.msk $0xffff, v12  }
0x17c: {  	[tilespmem:s7+$0x4DC0] =	vst.add.f32.msk $0xffff, v13  }
0x17d: {  	[tilespmem:s7+$0x4DD0] =	vst.add.f32.msk $0xffff, v14  }
0x17e: {  	[tilespmem:s7+$0x4DE0] =	vst.add.f32.msk $0xffff, v15  }
0x17f: {  	[tilespmem:s7+$0x4DF0] =	vst.add.f32.msk $0xffff, v16  }
0x180: {  	[tilespmem:s7+$0x4E00] =	vst.add.f32.msk $0xffff, v17  }
0x181: {  	[tilespmem:s7+$0x4E10] =	vst.add.f32.msk $0xffff, v18  }
0x182: {  	[tilespmem:s7+$0x4E20] =	vst.add.f32.msk $0xffff, v19  }
0x183: {  	[tilespmem:s7+$0x4E30] =	vst.add.f32.msk $0xffff, v20  }
0x184: {  	[tilespmem:s7+$0x4E40] =	vst.add.f32.msk $0xffff, v21  }
0x185: {  	[tilespmem:s7+$0x4E50] =	vst.add.f32.msk $0xffff, v22  }
0x186: {  	[tilespmem:s7+$0x4E60] =	vst.add.f32.msk $0xffff, v23  }
0x187: {  	[tilespmem:s7+$0x4E70] =	vst.add.f32.msk $0xffff, v24  }
0x188: {  	[tilespmem:s7+$0x4E80] =	vst.add.f32.msk $0xffff, v25  }
0x189: {  	[tilespmem:s7+$0x4E90] =	vst.add.f32.msk $0xffff, v26  }
0x18a: {  	[tilespmem:s7+$0x4EA0] =	vst.add.f32.msk $0xffff, v27  }
0x18b: {  	[tilespmem:s7+$0x4EB0] =	vst.add.f32.msk $0xffff, v28  }
0x18c: {  	[tilespmem:s7+$0x4EC0] =	vst.add.f32.msk $0xffff, v29  }
0x18d: {  	[tilespmem:s7+$0x4ED0] =	vst.add.f32.msk $0xffff, v30  }
0x18e: {  	[tilespmem:s7+$0x4EE0] =	vst.add.f32.msk $0xffff, v31  }
0x18f: {  	[tilespmem:s7+$0x4EF0] =	vst.add.f32.msk $0xffff, v32  }
0x190: {  	[tilespmem:s7+$0x4F00] =	vst.add.f32.msk $0xffff, v33  }
0x191: {  	[tilespmem:s7+$0x4F10] =	vst.add.f32.msk $0xffff, v34  }
0x192: {  	[tilespmem:s7+$0x4F20] =	vst.add.f32.msk $0xffff, v35  }
0x193: {  	[tilespmem:s7+$0x4F30] =	vst.add.f32.msk $0xffff, v36  }
0x194: {  	[tilespmem:s7+$0x4F40] =	vst.add.f32.msk $0xffff, v37  }
0x195: {  	[tilespmem:s7+$0x4F50] =	vst.add.f32.msk $0xffff, v38  }
0x196: {  	[tilespmem:s7+$0x4F60] =	vst.add.f32.msk $0xffff, v39  }
0x197: {  	[tilespmem:s7+$0x4F70] =	vst.add.f32.msk $0xffff, v40  }
0x198: {  	[tilespmem:s7+$0x4F80] =	vst.add.f32.msk $0xffff, v41  }
0x199: {  	[tilespmem:s7+$0x4F90] =	vst.add.f32.msk $0xffff, v42  }
0x19a: {  	[tilespmem:s7+$0x4FA0] =	vst.add.f32.msk $0xffff, v43  }
0x19b: {  	[tilespmem:s7+$0x4FB0] =	vst.add.f32.msk $0xffff, v44  }
0x19c: {  	[tilespmem:s7+$0x4FC0] =	vst.add.f32.msk $0xffff, v45  }
0x19d: {  	[tilespmem:s7+$0x4FD0] =	vst.add.f32.msk $0xffff, v46  }
0x19e: {  	[tilespmem:s7+$0x4FE0] =	vst.add.f32.msk $0xffff, v47  }
0x19f: {  	[tilespmem:s7+$0x4FF0] =	vst.add.f32.msk $0xffff, v48  }
0x1a0: {  	[tilespmem:s7+$0x5000] =	vst.add.f32.msk $0xffff, v49  }
0x1a1: {  	[tilespmem:s7+$0x5010] =	vst.add.f32.msk $0xffff, v50  }
0x1a2: {  	[tilespmem:s7+$0x5020] =	vst.add.f32.msk $0xffff, v51  }
0x1a3: {  	[tilespmem:s7+$0x5030] =	vst.add.f32.msk $0xffff, v52  }
0x1a4: {  	[tilespmem:s7+$0x5040] =	vst.add.f32.msk $0xffff, v53  }
0x1a5: {  	[tilespmem:s7+$0x5050] =	vst.add.f32.msk $0xffff, v54  }
0x1a6: {  	[tilespmem:s7+$0x5060] =	vst.add.f32.msk $0xffff, v55  }
0x1a7: {  	[tilespmem:s7+$0x5070] =	vst.add.f32.msk $0xffff, v56  }
0x1a8: {  	[tilespmem:s7+$0x5080] =	vst.add.f32.msk $0xffff, v57  }
0x1a9: {  	[tilespmem:s7+$0x5090] =	vst.add.f32.msk $0xffff, v58  }
0x1aa: {  	[tilespmem:s7+$0x50A0] =	vst.add.f32.msk $0xffff, v59  }
0x1ab: {  	[tilespmem:s7+$0x50B0] =	vst.add.f32.msk $0xffff, v60  }
0x1ac: {  	[tilespmem:s7+$0x50C0] =	vst.add.f32.msk $0xffff, v61  }
0x1ad: {  	s30 =	simm.s32 $0x1000;
	s10 =	simm.s32 $0x68;
	[tilespmem:s7+$0x50D0] =	vst.add.f32.msk $0xffff, v62  }
.LBB2_5:
0x1ae: {  	s10 =	sadd.s32 $0x8, s10;
	[tilespmem:s7+$0x50E0] =	vst.add.f32.msk $0xffff, v0;
	s7 =	sshra.s32 s30, $0x2  }
0x1af: {  	v0 =	vld [tilespmem:s7+$0x17CF0];
	p0 =	slt.u32 s10, $0xC0  }
0x1b0: {  	v1 =	vld [tilespmem:s7+$0x17900]  }
0x1b1: {  	v2 =	vld [tilespmem:s7+$0x17910]  }
0x1b2: {  	v3 =	vld [tilespmem:s7+$0x17920]  }
0x1b3: {  	v4 =	vld [tilespmem:s7+$0x17930]  }
0x1b4: {  	[tilespmem:s7+$0x50F0] =	vst.add.f32.msk $0xffff, v0  }
0x1b5: {  	v5 =	vld [tilespmem:s7+$0x17940]  }
0x1b6: {  	v6 =	vld [tilespmem:s7+$0x17950]  }
0x1b7: {  	v7 =	vld [tilespmem:s7+$0x17960]  }
0x1b8: {  	v8 =	vld [tilespmem:s7+$0x17970]  }
0x1b9: {  	v9 =	vld [tilespmem:s7+$0x17980]  }
0x1ba: {  	v10 =	vld [tilespmem:s7+$0x17990]  }
0x1bb: {  	v11 =	vld [tilespmem:s7+$0x179A0]  }
0x1bc: {  	v12 =	vld [tilespmem:s7+$0x179B0]  }
0x1bd: {  	v13 =	vld [tilespmem:s7+$0x179C0]  }
0x1be: {  	v14 =	vld [tilespmem:s7+$0x179D0]  }
0x1bf: {  	v15 =	vld [tilespmem:s7+$0x179E0]  }
0x1c0: {  	v16 =	vld [tilespmem:s7+$0x179F0]  }
0x1c1: {  	v17 =	vld [tilespmem:s7+$0x17A00]  }
0x1c2: {  	v18 =	vld [tilespmem:s7+$0x17A10]  }
0x1c3: {  	v19 =	vld [tilespmem:s7+$0x17A20]  }
0x1c4: {  	v20 =	vld [tilespmem:s7+$0x17A30]  }
0x1c5: {  	v21 =	vld [tilespmem:s7+$0x17A40]  }
0x1c6: {  	v22 =	vld [tilespmem:s7+$0x17A50]  }
0x1c7: {  	v23 =	vld [tilespmem:s7+$0x17A60]  }
0x1c8: {  	v24 =	vld [tilespmem:s7+$0x17A70]  }
0x1c9: {  	v25 =	vld [tilespmem:s7+$0x17A80]  }
0x1ca: {  	v26 =	vld [tilespmem:s7+$0x17A90]  }
0x1cb: {  	v27 =	vld [tilespmem:s7+$0x17AA0]  }
0x1cc: {  	v28 =	vld [tilespmem:s7+$0x17AB0]  }
0x1cd: {  	v29 =	vld [tilespmem:s7+$0x17AC0]  }
0x1ce: {  	v30 =	vld [tilespmem:s7+$0x17AD0]  }
0x1cf: {  	v31 =	vld [tilespmem:s7+$0x17AE0]  }
0x1d0: {  	v32 =	vld [tilespmem:s7+$0x17AF0]  }
0x1d1: {  	v33 =	vld [tilespmem:s7+$0x17B00]  }
0x1d2: {  	v34 =	vld [tilespmem:s7+$0x17B10]  }
0x1d3: {  	v35 =	vld [tilespmem:s7+$0x17B20]  }
0x1d4: {  	v36 =	vld [tilespmem:s7+$0x17B30]  }
0x1d5: {  	v37 =	vld [tilespmem:s7+$0x17B40]  }
0x1d6: {  	v38 =	vld [tilespmem:s7+$0x17B50]  }
0x1d7: {  	v39 =	vld [tilespmem:s7+$0x17B60]  }
0x1d8: {  	v40 =	vld [tilespmem:s7+$0x17B70]  }
0x1d9: {  	v41 =	vld [tilespmem:s7+$0x17B80]  }
0x1da: {  	v42 =	vld [tilespmem:s7+$0x17B90]  }
0x1db: {  	v43 =	vld [tilespmem:s7+$0x17BA0]  }
0x1dc: {  	v44 =	vld [tilespmem:s7+$0x17BB0]  }
0x1dd: {  	v45 =	vld [tilespmem:s7+$0x17BC0]  }
0x1de: {  	v46 =	vld [tilespmem:s7+$0x17BD0]  }
0x1df: {  	v47 =	vld [tilespmem:s7+$0x17BE0]  }
0x1e0: {  	v48 =	vld [tilespmem:s7+$0x17BF0]  }
0x1e1: {  	v49 =	vld [tilespmem:s7+$0x17C00]  }
0x1e2: {  	v50 =	vld [tilespmem:s7+$0x17C10]  }
0x1e3: {  	v51 =	vld [tilespmem:s7+$0x17C20]  }
0x1e4: {  	v52 =	vld [tilespmem:s7+$0x17C30]  }
0x1e5: {  	v53 =	vld [tilespmem:s7+$0x17C40]  }
0x1e6: {  	v54 =	vld [tilespmem:s7+$0x17C50]  }
0x1e7: {  	v55 =	vld [tilespmem:s7+$0x17C60]  }
0x1e8: {  	v56 =	vld [tilespmem:s7+$0x17C70]  }
0x1e9: {  	v57 =	vld [tilespmem:s7+$0x17C80]  }
0x1ea: {  	v58 =	vld [tilespmem:s7+$0x17C90]  }
0x1eb: {  	v59 =	vld [tilespmem:s7+$0x17CA0]  }
0x1ec: {  	v60 =	vld [tilespmem:s7+$0x17CB0]  }
0x1ed: {  	v61 =	vld [tilespmem:s7+$0x17CC0]  }
0x1ee: {  	v62 =	vld [tilespmem:s7+$0x17CD0]  }
0x1ef: {  	v0 =	vld [tilespmem:s7+$0x17CE0]  }
0x1f0: {  	[tilespmem:s7+$0x4D00] =	vst.add.f32.msk $0xffff, v1  }
0x1f1: {  	[tilespmem:s7+$0x4D10] =	vst.add.f32.msk $0xffff, v2  }
0x1f2: {  	[tilespmem:s7+$0x4D20] =	vst.add.f32.msk $0xffff, v3  }
0x1f3: {  	[tilespmem:s7+$0x4D30] =	vst.add.f32.msk $0xffff, v4  }
0x1f4: {  	[tilespmem:s7+$0x4D40] =	vst.add.f32.msk $0xffff, v5  }
0x1f5: {  	[tilespmem:s7+$0x4D50] =	vst.add.f32.msk $0xffff, v6  }
0x1f6: {  	[tilespmem:s7+$0x4D60] =	vst.add.f32.msk $0xffff, v7  }
0x1f7: {  	[tilespmem:s7+$0x4D70] =	vst.add.f32.msk $0xffff, v8  }
0x1f8: {  	[tilespmem:s7+$0x4D80] =	vst.add.f32.msk $0xffff, v9  }
0x1f9: {  	[tilespmem:s7+$0x4D90] =	vst.add.f32.msk $0xffff, v10  }
0x1fa: {  	[tilespmem:s7+$0x4DA0] =	vst.add.f32.msk $0xffff, v11  }
0x1fb: {  	[tilespmem:s7+$0x4DB0] =	vst.add.f32.msk $0xffff, v12  }
0x1fc: {  	[tilespmem:s7+$0x4DC0] =	vst.add.f32.msk $0xffff, v13  }
0x1fd: {  	[tilespmem:s7+$0x4DD0] =	vst.add.f32.msk $0xffff, v14  }
0x1fe: {  	[tilespmem:s7+$0x4DE0] =	vst.add.f32.msk $0xffff, v15  }
0x1ff: {  	[tilespmem:s7+$0x4DF0] =	vst.add.f32.msk $0xffff, v16  }
0x200: {  	[tilespmem:s7+$0x4E00] =	vst.add.f32.msk $0xffff, v17  }
0x201: {  	[tilespmem:s7+$0x4E10] =	vst.add.f32.msk $0xffff, v18  }
0x202: {  	[tilespmem:s7+$0x4E20] =	vst.add.f32.msk $0xffff, v19  }
0x203: {  	[tilespmem:s7+$0x4E30] =	vst.add.f32.msk $0xffff, v20  }
0x204: {  	[tilespmem:s7+$0x4E40] =	vst.add.f32.msk $0xffff, v21  }
0x205: {  	[tilespmem:s7+$0x4E50] =	vst.add.f32.msk $0xffff, v22  }
0x206: {  	[tilespmem:s7+$0x4E60] =	vst.add.f32.msk $0xffff, v23  }
0x207: {  	[tilespmem:s7+$0x4E70] =	vst.add.f32.msk $0xffff, v24  }
0x208: {  	[tilespmem:s7+$0x4E80] =	vst.add.f32.msk $0xffff, v25  }
0x209: {  	[tilespmem:s7+$0x4E90] =	vst.add.f32.msk $0xffff, v26  }
0x20a: {  	[tilespmem:s7+$0x4EA0] =	vst.add.f32.msk $0xffff, v27  }
0x20b: {  	[tilespmem:s7+$0x4EB0] =	vst.add.f32.msk $0xffff, v28  }
0x20c: {  	[tilespmem:s7+$0x4EC0] =	vst.add.f32.msk $0xffff, v29  }
0x20d: {  	[tilespmem:s7+$0x4ED0] =	vst.add.f32.msk $0xffff, v30  }
0x20e: {  	[tilespmem:s7+$0x4EE0] =	vst.add.f32.msk $0xffff, v31  }
0x20f: {  	[tilespmem:s7+$0x4EF0] =	vst.add.f32.msk $0xffff, v32  }
0x210: {  	[tilespmem:s7+$0x4F00] =	vst.add.f32.msk $0xffff, v33  }
0x211: {  	[tilespmem:s7+$0x4F10] =	vst.add.f32.msk $0xffff, v34  }
0x212: {  	[tilespmem:s7+$0x4F20] =	vst.add.f32.msk $0xffff, v35  }
0x213: {  	[tilespmem:s7+$0x4F30] =	vst.add.f32.msk $0xffff, v36  }
0x214: {  	[tilespmem:s7+$0x4F40] =	vst.add.f32.msk $0xffff, v37  }
0x215: {  	[tilespmem:s7+$0x4F50] =	vst.add.f32.msk $0xffff, v38  }
0x216: {  	[tilespmem:s7+$0x4F60] =	vst.add.f32.msk $0xffff, v39  }
0x217: {  	[tilespmem:s7+$0x4F70] =	vst.add.f32.msk $0xffff, v40  }
0x218: {  	[tilespmem:s7+$0x4F80] =	vst.add.f32.msk $0xffff, v41  }
0x219: {  	[tilespmem:s7+$0x4F90] =	vst.add.f32.msk $0xffff, v42  }
0x21a: {  	[tilespmem:s7+$0x4FA0] =	vst.add.f32.msk $0xffff, v43  }
0x21b: {  	[tilespmem:s7+$0x4FB0] =	vst.add.f32.msk $0xffff, v44  }
0x21c: {  	[tilespmem:s7+$0x4FC0] =	vst.add.f32.msk $0xffff, v45  }
0x21d: {  	[tilespmem:s7+$0x4FD0] =	vst.add.f32.msk $0xffff, v46  }
0x21e: {  	[tilespmem:s7+$0x4FE0] =	vst.add.f32.msk $0xffff, v47  }
0x21f: {  	[tilespmem:s7+$0x4FF0] =	vst.add.f32.msk $0xffff, v48  }
0x220: {  	[tilespmem:s7+$0x5000] =	vst.add.f32.msk $0xffff, v49  }
0x221: {  	[tilespmem:s7+$0x5010] =	vst.add.f32.msk $0xffff, v50  }
0x222: {  	[tilespmem:s7+$0x5020] =	vst.add.f32.msk $0xffff, v51  }
0x223: {  	[tilespmem:s7+$0x5030] =	vst.add.f32.msk $0xffff, v52  }
0x224: {  	[tilespmem:s7+$0x5040] =	vst.add.f32.msk $0xffff, v53  }
0x225: {  	[tilespmem:s7+$0x5050] =	vst.add.f32.msk $0xffff, v54  }
0x226: {  	[tilespmem:s7+$0x5060] =	vst.add.f32.msk $0xffff, v55  }
0x227: {  	[tilespmem:s7+$0x5070] =	vst.add.f32.msk $0xffff, v56  }
0x228: {  	[tilespmem:s7+$0x5080] =	vst.add.f32.msk $0xffff, v57  }
.Ltmp1:
0x229: {  	[tilespmem:s7+$0x5090] =	vst.add.f32.msk $0xffff, v58;
	(pc) =	sbr.rel @p0 .LBB2_5-.Ltmp1, $4  }
0x22a: {  	[tilespmem:s7+$0x50A0] =	vst.add.f32.msk $0xffff, v59  }
0x22b: {  	[tilespmem:s7+$0x50B0] =	vst.add.f32.msk $0xffff, v60  }
0x22c: {  	[tilespmem:s7+$0x50C0] =	vst.add.f32.msk $0xffff, v61  }
0x22d: {  	s30 =	sadd.s32 $0x1000, s30;
	[tilespmem:s7+$0x50D0] =	vst.add.f32.msk $0xffff, v62  }
0x22e: {  	[tilespmem:s7+$0x50E0] =	vst.add.f32.msk $0xffff, v0;
	s2 =	sadd.s32 $0x680, s2;
	s10 =	simm.s32 $0x0;
	s31 =	sadd.s32 $0x2, s31  }
0x22f: {  	[hbm4b:s2+s10] =	stream.linear.scatter [tilespmem:s16], [sflag:$0x7], $0x3000, $0x38;
	[tilespmem:$0x1A900] =	vst v63  }
0x230: {  	s30 =	smul.u32 $0x320, s31;
	_ =	swait.ge [sflag:s21], $0x6400  }
0x231: {  	[sflag:s21] =	ssyncset.done $0x0  }
0x232: {  	s2 =	sshra.s32 s30, $0x2;
	[sflag:s21] =	ssyncadd.s32 $0xFFFF9C00  }
0x233: {  	[tilespmem:s22], [sflag:$0x3] =	stream.indirect.gather [hbm4b:s1+s13], $0x80, s2, s13, $0xb8;
	[tilespmem:$0x1A900] =	vst v63  }
0x234: {  	s2 =	sadd.s32 $0x68, s2  }
0x235: {  	[tilespmem:s23], [sflag:$0x6] =	stream.indirect.gather [hbm4b:s1+s15], $0x80, s2, s15, $0xb8;
	[tilespmem:$0x1A900] =	vst v63  }
0x236: {  	_ =	swait.ge [sflag:s24], $0x3400  }
0x237: {  	[sflag:s24] =	ssyncset.done $0x0  }
0x238: {  	s2 =	simm.s32 $0x0;
	[sflag:s24] =	ssyncadd.s32 $0xFFFFCC00  }
0x239: {  	v0 =	vld [tilespmem:s2+$0x148F0]  }
0x23a: {  	v1 =	vld [tilespmem:s2+$0x14500]  }
0x23b: {  	v2 =	vld [tilespmem:s2+$0x14510]  }
0x23c: {  	v3 =	vld [tilespmem:s2+$0x14520]  }
0x23d: {  	v4 =	vld [tilespmem:s2+$0x14530]  }
0x23e: {  	v5 =	vld [tilespmem:s2+$0x14540]  }
0x23f: {  	v6 =	vld [tilespmem:s2+$0x14550]  }
0x240: {  	v7 =	vld [tilespmem:s2+$0x14560]  }
0x241: {  	v8 =	vld [tilespmem:s2+$0x14570]  }
0x242: {  	v9 =	vld [tilespmem:s2+$0x14580]  }
0x243: {  	v10 =	vld [tilespmem:s2+$0x14590]  }
0x244: {  	v11 =	vld [tilespmem:s2+$0x145A0]  }
0x245: {  	v12 =	vld [tilespmem:s2+$0x145B0]  }
0x246: {  	v13 =	vld [tilespmem:s2+$0x145C0]  }
0x247: {  	v14 =	vld [tilespmem:s2+$0x145D0]  }
0x248: {  	v15 =	vld [tilespmem:s2+$0x145E0]  }
0x249: {  	v16 =	vld [tilespmem:s2+$0x145F0]  }
0x24a: {  	v17 =	vld [tilespmem:s2+$0x14600]  }
0x24b: {  	v18 =	vld [tilespmem:s2+$0x14610]  }
0x24c: {  	v19 =	vld [tilespmem:s2+$0x14620]  }
0x24d: {  	v20 =	vld [tilespmem:s2+$0x14630]  }
0x24e: {  	v21 =	vld [tilespmem:s2+$0x14640]  }
0x24f: {  	v22 =	vld [tilespmem:s2+$0x14650]  }
0x250: {  	v23 =	vld [tilespmem:s2+$0x14660]  }
0x251: {  	v24 =	vld [tilespmem:s2+$0x14670]  }
0x252: {  	v25 =	vld [tilespmem:s2+$0x14680]  }
0x253: {  	v26 =	vld [tilespmem:s2+$0x14690]  }
0x254: {  	v27 =	vld [tilespmem:s2+$0x146A0]  }
0x255: {  	v28 =	vld [tilespmem:s2+$0x146B0]  }
0x256: {  	v29 =	vld [tilespmem:s2+$0x146C0]  }
0x257: {  	v30 =	vld [tilespmem:s2+$0x146D0]  }
0x258: {  	v31 =	vld [tilespmem:s2+$0x146E0]  }
0x259: {  	v32 =	vld [tilespmem:s2+$0x146F0]  }
0x25a: {  	v33 =	vld [tilespmem:s2+$0x14700]  }
0x25b: {  	v34 =	vld [tilespmem:s2+$0x14710]  }
0x25c: {  	v35 =	vld [tilespmem:s2+$0x14720]  }
0x25d: {  	v36 =	vld [tilespmem:s2+$0x14730]  }
0x25e: {  	v37 =	vld [tilespmem:s2+$0x14740]  }
0x25f: {  	v38 =	vld [tilespmem:s2+$0x14750]  }
0x260: {  	v39 =	vld [tilespmem:s2+$0x14760]  }
0x261: {  	v40 =	vld [tilespmem:s2+$0x14770]  }
0x262: {  	v41 =	vld [tilespmem:s2+$0x14780]  }
0x263: {  	v42 =	vld [tilespmem:s2+$0x14790]  }
0x264: {  	v43 =	vld [tilespmem:s2+$0x147A0]  }
0x265: {  	v44 =	vld [tilespmem:s2+$0x147B0]  }
0x266: {  	v45 =	vld [tilespmem:s2+$0x147C0]  }
0x267: {  	v46 =	vld [tilespmem:s2+$0x147D0]  }
0x268: {  	v47 =	vld [tilespmem:s2+$0x147E0]  }
0x269: {  	v48 =	vld [tilespmem:s2+$0x147F0]  }
0x26a: {  	v49 =	vld [tilespmem:s2+$0x14800]  }
0x26b: {  	v50 =	vld [tilespmem:s2+$0x14810]  }
0x26c: {  	v51 =	vld [tilespmem:s2+$0x14820]  }
0x26d: {  	v52 =	vld [tilespmem:s2+$0x14830]  }
0x26e: {  	v53 =	vld [tilespmem:s2+$0x14840]  }
0x26f: {  	v54 =	vld [tilespmem:s2+$0x14850]  }
0x270: {  	v55 =	vld [tilespmem:s2+$0x14860]  }
0x271: {  	v56 =	vld [tilespmem:s2+$0x14870]  }
0x272: {  	v57 =	vld [tilespmem:s2+$0x14880]  }
0x273: {  	v58 =	vld [tilespmem:s2+$0x14890]  }
0x274: {  	v59 =	vld [tilespmem:s2+$0x148A0]  }
0x275: {  	v60 =	vld [tilespmem:s2+$0x148B0]  }
0x276: {  	v61 =	vld [tilespmem:s2+$0x148C0]  }
0x277: {  	v62 =	vld [tilespmem:s2+$0x148D0]  }
0x278: {  	[tilespmem:s2+$0x80F0] =	vst.add.f32.msk $0xffff, v0  }
0x279: {  	v0 =	vld [tilespmem:s2+$0x148E0]  }
0x27a: {  	[tilespmem:s2+$0x7D00] =	vst.add.f32.msk $0xffff, v1  }
0x27b: {  	[tilespmem:s2+$0x7D10] =	vst.add.f32.msk $0xffff, v2  }
0x27c: {  	[tilespmem:s2+$0x7D20] =	vst.add.f32.msk $0xffff, v3  }
0x27d: {  	[tilespmem:s2+$0x7D30] =	vst.add.f32.msk $0xffff, v4  }
0x27e: {  	[tilespmem:s2+$0x7D40] =	vst.add.f32.msk $0xffff, v5  }
0x27f: {  	[tilespmem:s2+$0x7D50] =	vst.add.f32.msk $0xffff, v6  }
0x280: {  	[tilespmem:s2+$0x7D60] =	vst.add.f32.msk $0xffff, v7  }
0x281: {  	[tilespmem:s2+$0x7D70] =	vst.add.f32.msk $0xffff, v8  }
0x282: {  	[tilespmem:s2+$0x7D80] =	vst.add.f32.msk $0xffff, v9  }
0x283: {  	[tilespmem:s2+$0x7D90] =	vst.add.f32.msk $0xffff, v10  }
0x284: {  	[tilespmem:s2+$0x7DA0] =	vst.add.f32.msk $0xffff, v11  }
0x285: {  	[tilespmem:s2+$0x7DB0] =	vst.add.f32.msk $0xffff, v12  }
0x286: {  	[tilespmem:s2+$0x7DC0] =	vst.add.f32.msk $0xffff, v13  }
0x287: {  	[tilespmem:s2+$0x7DD0] =	vst.add.f32.msk $0xffff, v14  }
0x288: {  	[tilespmem:s2+$0x7DE0] =	vst.add.f32.msk $0xffff, v15  }
0x289: {  	[tilespmem:s2+$0x7DF0] =	vst.add.f32.msk $0xffff, v16  }
0x28a: {  	[tilespmem:s2+$0x7E00] =	vst.add.f32.msk $0xffff, v17  }
0x28b: {  	[tilespmem:s2+$0x7E10] =	vst.add.f32.msk $0xffff, v18  }
0x28c: {  	[tilespmem:s2+$0x7E20] =	vst.add.f32.msk $0xffff, v19  }
0x28d: {  	[tilespmem:s2+$0x7E30] =	vst.add.f32.msk $0xffff, v20  }
0x28e: {  	[tilespmem:s2+$0x7E40] =	vst.add.f32.msk $0xffff, v21  }
0x28f: {  	[tilespmem:s2+$0x7E50] =	vst.add.f32.msk $0xffff, v22  }
0x290: {  	[tilespmem:s2+$0x7E60] =	vst.add.f32.msk $0xffff, v23  }
0x291: {  	[tilespmem:s2+$0x7E70] =	vst.add.f32.msk $0xffff, v24  }
0x292: {  	[tilespmem:s2+$0x7E80] =	vst.add.f32.msk $0xffff, v25  }
0x293: {  	[tilespmem:s2+$0x7E90] =	vst.add.f32.msk $0xffff, v26  }
0x294: {  	[tilespmem:s2+$0x7EA0] =	vst.add.f32.msk $0xffff, v27  }
0x295: {  	[tilespmem:s2+$0x7EB0] =	vst.add.f32.msk $0xffff, v28  }
0x296: {  	[tilespmem:s2+$0x7EC0] =	vst.add.f32.msk $0xffff, v29  }
0x297: {  	[tilespmem:s2+$0x7ED0] =	vst.add.f32.msk $0xffff, v30  }
0x298: {  	[tilespmem:s2+$0x7EE0] =	vst.add.f32.msk $0xffff, v31  }
0x299: {  	[tilespmem:s2+$0x7EF0] =	vst.add.f32.msk $0xffff, v32  }
0x29a: {  	[tilespmem:s2+$0x7F00] =	vst.add.f32.msk $0xffff, v33  }
0x29b: {  	[tilespmem:s2+$0x7F10] =	vst.add.f32.msk $0xffff, v34  }
0x29c: {  	[tilespmem:s2+$0x7F20] =	vst.add.f32.msk $0xffff, v35  }
0x29d: {  	[tilespmem:s2+$0x7F30] =	vst.add.f32.msk $0xffff, v36  }
0x29e: {  	[tilespmem:s2+$0x7F40] =	vst.add.f32.msk $0xffff, v37  }
0x29f: {  	[tilespmem:s2+$0x7F50] =	vst.add.f32.msk $0xffff, v38  }
0x2a0: {  	[tilespmem:s2+$0x7F60] =	vst.add.f32.msk $0xffff, v39  }
0x2a1: {  	[tilespmem:s2+$0x7F70] =	vst.add.f32.msk $0xffff, v40  }
0x2a2: {  	[tilespmem:s2+$0x7F80] =	vst.add.f32.msk $0xffff, v41  }
0x2a3: {  	[tilespmem:s2+$0x7F90] =	vst.add.f32.msk $0xffff, v42  }
0x2a4: {  	[tilespmem:s2+$0x7FA0] =	vst.add.f32.msk $0xffff, v43  }
0x2a5: {  	[tilespmem:s2+$0x7FB0] =	vst.add.f32.msk $0xffff, v44  }
0x2a6: {  	[tilespmem:s2+$0x7FC0] =	vst.add.f32.msk $0xffff, v45  }
0x2a7: {  	[tilespmem:s2+$0x7FD0] =	vst.add.f32.msk $0xffff, v46  }
0x2a8: {  	[tilespmem:s2+$0x7FE0] =	vst.add.f32.msk $0xffff, v47  }
0x2a9: {  	[tilespmem:s2+$0x7FF0] =	vst.add.f32.msk $0xffff, v48  }
0x2aa: {  	[tilespmem:s2+$0x8000] =	vst.add.f32.msk $0xffff, v49  }
0x2ab: {  	[tilespmem:s2+$0x8010] =	vst.add.f32.msk $0xffff, v50  }
0x2ac: {  	[tilespmem:s2+$0x8020] =	vst.add.f32.msk $0xffff, v51  }
0x2ad: {  	[tilespmem:s2+$0x8030] =	vst.add.f32.msk $0xffff, v52  }
0x2ae: {  	[tilespmem:s2+$0x8040] =	vst.add.f32.msk $0xffff, v53  }
0x2af: {  	[tilespmem:s2+$0x8050] =	vst.add.f32.msk $0xffff, v54  }
0x2b0: {  	[tilespmem:s2+$0x8060] =	vst.add.f32.msk $0xffff, v55  }
0x2b1: {  	[tilespmem:s2+$0x8070] =	vst.add.f32.msk $0xffff, v56  }
0x2b2: {  	[tilespmem:s2+$0x8080] =	vst.add.f32.msk $0xffff, v57  }
0x2b3: {  	[tilespmem:s2+$0x8090] =	vst.add.f32.msk $0xffff, v58  }
0x2b4: {  	[tilespmem:s2+$0x80A0] =	vst.add.f32.msk $0xffff, v59  }
0x2b5: {  	[tilespmem:s2+$0x80B0] =	vst.add.f32.msk $0xffff, v60  }
0x2b6: {  	[tilespmem:s2+$0x80C0] =	vst.add.f32.msk $0xffff, v61  }
0x2b7: {  	s7 =	simm.s32 $0x0;
	s10 =	simm.s32 $0x1000;
	[tilespmem:s2+$0x80D0] =	vst.add.f32.msk $0xffff, v62  }
.LBB2_7:
0x2b8: {  	s7 =	sadd.s32 $0x8, s7;
	[tilespmem:s2+$0x80E0] =	vst.add.f32.msk $0xffff, v0;
	s2 =	sshra.s32 s10, $0x2  }
0x2b9: {  	v0 =	vld [tilespmem:s2+$0x148F0];
	p0 =	slt.u32 s7, $0x60  }
0x2ba: {  	v1 =	vld [tilespmem:s2+$0x14500]  }
0x2bb: {  	v2 =	vld [tilespmem:s2+$0x14510]  }
0x2bc: {  	v3 =	vld [tilespmem:s2+$0x14520]  }
0x2bd: {  	v4 =	vld [tilespmem:s2+$0x14530]  }
0x2be: {  	[tilespmem:s2+$0x80F0] =	vst.add.f32.msk $0xffff, v0  }
0x2bf: {  	v5 =	vld [tilespmem:s2+$0x14540]  }
0x2c0: {  	v6 =	vld [tilespmem:s2+$0x14550]  }
0x2c1: {  	v7 =	vld [tilespmem:s2+$0x14560]  }
0x2c2: {  	v8 =	vld [tilespmem:s2+$0x14570]  }
0x2c3: {  	v9 =	vld [tilespmem:s2+$0x14580]  }
0x2c4: {  	v10 =	vld [tilespmem:s2+$0x14590]  }
0x2c5: {  	v11 =	vld [tilespmem:s2+$0x145A0]  }
0x2c6: {  	v12 =	vld [tilespmem:s2+$0x145B0]  }
0x2c7: {  	v13 =	vld [tilespmem:s2+$0x145C0]  }
0x2c8: {  	v14 =	vld [tilespmem:s2+$0x145D0]  }
0x2c9: {  	v15 =	vld [tilespmem:s2+$0x145E0]  }
0x2ca: {  	v16 =	vld [tilespmem:s2+$0x145F0]  }
0x2cb: {  	v17 =	vld [tilespmem:s2+$0x14600]  }
0x2cc: {  	v18 =	vld [tilespmem:s2+$0x14610]  }
0x2cd: {  	v19 =	vld [tilespmem:s2+$0x14620]  }
0x2ce: {  	v20 =	vld [tilespmem:s2+$0x14630]  }
0x2cf: {  	v21 =	vld [tilespmem:s2+$0x14640]  }
0x2d0: {  	v22 =	vld [tilespmem:s2+$0x14650]  }
0x2d1: {  	v23 =	vld [tilespmem:s2+$0x14660]  }
0x2d2: {  	v24 =	vld [tilespmem:s2+$0x14670]  }
0x2d3: {  	v25 =	vld [tilespmem:s2+$0x14680]  }
0x2d4: {  	v26 =	vld [tilespmem:s2+$0x14690]  }
0x2d5: {  	v27 =	vld [tilespmem:s2+$0x146A0]  }
0x2d6: {  	v28 =	vld [tilespmem:s2+$0x146B0]  }
0x2d7: {  	v29 =	vld [tilespmem:s2+$0x146C0]  }
0x2d8: {  	v30 =	vld [tilespmem:s2+$0x146D0]  }
0x2d9: {  	v31 =	vld [tilespmem:s2+$0x146E0]  }
0x2da: {  	v32 =	vld [tilespmem:s2+$0x146F0]  }
0x2db: {  	v33 =	vld [tilespmem:s2+$0x14700]  }
0x2dc: {  	v34 =	vld [tilespmem:s2+$0x14710]  }
0x2dd: {  	v35 =	vld [tilespmem:s2+$0x14720]  }
0x2de: {  	v36 =	vld [tilespmem:s2+$0x14730]  }
0x2df: {  	v37 =	vld [tilespmem:s2+$0x14740]  }
0x2e0: {  	v38 =	vld [tilespmem:s2+$0x14750]  }
0x2e1: {  	v39 =	vld [tilespmem:s2+$0x14760]  }
0x2e2: {  	v40 =	vld [tilespmem:s2+$0x14770]  }
0x2e3: {  	v41 =	vld [tilespmem:s2+$0x14780]  }
0x2e4: {  	v42 =	vld [tilespmem:s2+$0x14790]  }
0x2e5: {  	v43 =	vld [tilespmem:s2+$0x147A0]  }
0x2e6: {  	v44 =	vld [tilespmem:s2+$0x147B0]  }
0x2e7: {  	v45 =	vld [tilespmem:s2+$0x147C0]  }
0x2e8: {  	v46 =	vld [tilespmem:s2+$0x147D0]  }
0x2e9: {  	v47 =	vld [tilespmem:s2+$0x147E0]  }
0x2ea: {  	v48 =	vld [tilespmem:s2+$0x147F0]  }
0x2eb: {  	v49 =	vld [tilespmem:s2+$0x14800]  }
0x2ec: {  	v50 =	vld [tilespmem:s2+$0x14810]  }
0x2ed: {  	v51 =	vld [tilespmem:s2+$0x14820]  }
0x2ee: {  	v52 =	vld [tilespmem:s2+$0x14830]  }
0x2ef: {  	v53 =	vld [tilespmem:s2+$0x14840]  }
0x2f0: {  	v54 =	vld [tilespmem:s2+$0x14850]  }
0x2f1: {  	v55 =	vld [tilespmem:s2+$0x14860]  }
0x2f2: {  	v56 =	vld [tilespmem:s2+$0x14870]  }
0x2f3: {  	v57 =	vld [tilespmem:s2+$0x14880]  }
0x2f4: {  	v58 =	vld [tilespmem:s2+$0x14890]  }
0x2f5: {  	v59 =	vld [tilespmem:s2+$0x148A0]  }
0x2f6: {  	v60 =	vld [tilespmem:s2+$0x148B0]  }
0x2f7: {  	v61 =	vld [tilespmem:s2+$0x148C0]  }
0x2f8: {  	v62 =	vld [tilespmem:s2+$0x148D0]  }
0x2f9: {  	v0 =	vld [tilespmem:s2+$0x148E0]  }
0x2fa: {  	[tilespmem:s2+$0x7D00] =	vst.add.f32.msk $0xffff, v1  }
0x2fb: {  	[tilespmem:s2+$0x7D10] =	vst.add.f32.msk $0xffff, v2  }
0x2fc: {  	[tilespmem:s2+$0x7D20] =	vst.add.f32.msk $0xffff, v3  }
0x2fd: {  	[tilespmem:s2+$0x7D30] =	vst.add.f32.msk $0xffff, v4  }
0x2fe: {  	[tilespmem:s2+$0x7D40] =	vst.add.f32.msk $0xffff, v5  }
0x2ff: {  	[tilespmem:s2+$0x7D50] =	vst.add.f32.msk $0xffff, v6  }
0x300: {  	[tilespmem:s2+$0x7D60] =	vst.add.f32.msk $0xffff, v7  }
0x301: {  	[tilespmem:s2+$0x7D70] =	vst.add.f32.msk $0xffff, v8  }
0x302: {  	[tilespmem:s2+$0x7D80] =	vst.add.f32.msk $0xffff, v9  }
0x303: {  	[tilespmem:s2+$0x7D90] =	vst.add.f32.msk $0xffff, v10  }
0x304: {  	[tilespmem:s2+$0x7DA0] =	vst.add.f32.msk $0xffff, v11  }
0x305: {  	[tilespmem:s2+$0x7DB0] =	vst.add.f32.msk $0xffff, v12  }
0x306: {  	[tilespmem:s2+$0x7DC0] =	vst.add.f32.msk $0xffff, v13  }
0x307: {  	[tilespmem:s2+$0x7DD0] =	vst.add.f32.msk $0xffff, v14  }
0x308: {  	[tilespmem:s2+$0x7DE0] =	vst.add.f32.msk $0xffff, v15  }
0x309: {  	[tilespmem:s2+$0x7DF0] =	vst.add.f32.msk $0xffff, v16  }
0x30a: {  	[tilespmem:s2+$0x7E00] =	vst.add.f32.msk $0xffff, v17  }
0x30b: {  	[tilespmem:s2+$0x7E10] =	vst.add.f32.msk $0xffff, v18  }
0x30c: {  	[tilespmem:s2+$0x7E20] =	vst.add.f32.msk $0xffff, v19  }
0x30d: {  	[tilespmem:s2+$0x7E30] =	vst.add.f32.msk $0xffff, v20  }
0x30e: {  	[tilespmem:s2+$0x7E40] =	vst.add.f32.msk $0xffff, v21  }
0x30f: {  	[tilespmem:s2+$0x7E50] =	vst.add.f32.msk $0xffff, v22  }
0x310: {  	[tilespmem:s2+$0x7E60] =	vst.add.f32.msk $0xffff, v23  }
0x311: {  	[tilespmem:s2+$0x7E70] =	vst.add.f32.msk $0xffff, v24  }
0x312: {  	[tilespmem:s2+$0x7E80] =	vst.add.f32.msk $0xffff, v25  }
0x313: {  	[tilespmem:s2+$0x7E90] =	vst.add.f32.msk $0xffff, v26  }
0x314: {  	[tilespmem:s2+$0x7EA0] =	vst.add.f32.msk $0xffff, v27  }
0x315: {  	[tilespmem:s2+$0x7EB0] =	vst.add.f32.msk $0xffff, v28  }
0x316: {  	[tilespmem:s2+$0x7EC0] =	vst.add.f32.msk $0xffff, v29  }
0x317: {  	[tilespmem:s2+$0x7ED0] =	vst.add.f32.msk $0xffff, v30  }
0x318: {  	[tilespmem:s2+$0x7EE0] =	vst.add.f32.msk $0xffff, v31  }
0x319: {  	[tilespmem:s2+$0x7EF0] =	vst.add.f32.msk $0xffff, v32  }
0x31a: {  	[tilespmem:s2+$0x7F00] =	vst.add.f32.msk $0xffff, v33  }
0x31b: {  	[tilespmem:s2+$0x7F10] =	vst.add.f32.msk $0xffff, v34  }
0x31c: {  	[tilespmem:s2+$0x7F20] =	vst.add.f32.msk $0xffff, v35  }
0x31d: {  	[tilespmem:s2+$0x7F30] =	vst.add.f32.msk $0xffff, v36  }
0x31e: {  	[tilespmem:s2+$0x7F40] =	vst.add.f32.msk $0xffff, v37  }
0x31f: {  	[tilespmem:s2+$0x7F50] =	vst.add.f32.msk $0xffff, v38  }
0x320: {  	[tilespmem:s2+$0x7F60] =	vst.add.f32.msk $0xffff, v39  }
0x321: {  	[tilespmem:s2+$0x7F70] =	vst.add.f32.msk $0xffff, v40  }
0x322: {  	[tilespmem:s2+$0x7F80] =	vst.add.f32.msk $0xffff, v41  }
0x323: {  	[tilespmem:s2+$0x7F90] =	vst.add.f32.msk $0xffff, v42  }
0x324: {  	[tilespmem:s2+$0x7FA0] =	vst.add.f32.msk $0xffff, v43  }
0x325: {  	[tilespmem:s2+$0x7FB0] =	vst.add.f32.msk $0xffff, v44  }
0x326: {  	[tilespmem:s2+$0x7FC0] =	vst.add.f32.msk $0xffff, v45  }
0x327: {  	[tilespmem:s2+$0x7FD0] =	vst.add.f32.msk $0xffff, v46  }
0x328: {  	[tilespmem:s2+$0x7FE0] =	vst.add.f32.msk $0xffff, v47  }
0x329: {  	[tilespmem:s2+$0x7FF0] =	vst.add.f32.msk $0xffff, v48  }
0x32a: {  	[tilespmem:s2+$0x8000] =	vst.add.f32.msk $0xffff, v49  }
0x32b: {  	[tilespmem:s2+$0x8010] =	vst.add.f32.msk $0xffff, v50  }
0x32c: {  	[tilespmem:s2+$0x8020] =	vst.add.f32.msk $0xffff, v51  }
0x32d: {  	[tilespmem:s2+$0x8030] =	vst.add.f32.msk $0xffff, v52  }
0x32e: {  	[tilespmem:s2+$0x8040] =	vst.add.f32.msk $0xffff, v53  }
0x32f: {  	[tilespmem:s2+$0x8050] =	vst.add.f32.msk $0xffff, v54  }
0x330: {  	[tilespmem:s2+$0x8060] =	vst.add.f32.msk $0xffff, v55  }
0x331: {  	[tilespmem:s2+$0x8070] =	vst.add.f32.msk $0xffff, v56  }
0x332: {  	[tilespmem:s2+$0x8080] =	vst.add.f32.msk $0xffff, v57  }
.Ltmp2:
0x333: {  	[tilespmem:s2+$0x8090] =	vst.add.f32.msk $0xffff, v58;
	(pc) =	sbr.rel @p0 .LBB2_7-.Ltmp2, $4  }
0x334: {  	[tilespmem:s2+$0x80A0] =	vst.add.f32.msk $0xffff, v59  }
0x335: {  	[tilespmem:s2+$0x80B0] =	vst.add.f32.msk $0xffff, v60  }
0x336: {  	[tilespmem:s2+$0x80C0] =	vst.add.f32.msk $0xffff, v61  }
0x337: {  	s10 =	sadd.s32 $0x1000, s10;
	[tilespmem:s2+$0x80D0] =	vst.add.f32.msk $0xffff, v62  }
0x338: {  	s7 =	sadd.s32 s6, s11  }
0x339: {  	s7 =	smul.u32 $0xC80, s7;
	_ =	sdelay $0x1  }
0x33a: {  	[tilespmem:s2+$0x80E0] =	vst.add.f32.msk $0xffff, v0;
	s30 =	simm.s32 $0x0;
	s2 =	sadd.s32 s4, s7  }
0x33b: {  	[hbm4b:s2+s30] =	stream.linear.scatter [tilespmem:s17], [sflag:$0x8], $0x3400, $0x38;
	[tilespmem:$0x1A900] =	vst v63  }
0x33c: {  	_ =	swait.ge [sflag:s25], $0x3000  }
0x33d: {  	[sflag:s25] =	ssyncset.done $0x0  }
0x33e: {  	s7 =	simm.s32 $0x0;
	[sflag:s25] =	ssyncadd.s32 $0xFFFFD000  }
0x33f: {  	v0 =	vld [tilespmem:s7+$0x17CF0]  }
0x340: {  	v1 =	vld [tilespmem:s7+$0x17900]  }
0x341: {  	v2 =	vld [tilespmem:s7+$0x17910]  }
0x342: {  	v3 =	vld [tilespmem:s7+$0x17920]  }
0x343: {  	v4 =	vld [tilespmem:s7+$0x17930]  }
0x344: {  	v5 =	vld [tilespmem:s7+$0x17940]  }
0x345: {  	v6 =	vld [tilespmem:s7+$0x17950]  }
0x346: {  	v7 =	vld [tilespmem:s7+$0x17960]  }
0x347: {  	v8 =	vld [tilespmem:s7+$0x17970]  }
0x348: {  	v9 =	vld [tilespmem:s7+$0x17980]  }
0x349: {  	v10 =	vld [tilespmem:s7+$0x17990]  }
0x34a: {  	v11 =	vld [tilespmem:s7+$0x179A0]  }
0x34b: {  	v12 =	vld [tilespmem:s7+$0x179B0]  }
0x34c: {  	v13 =	vld [tilespmem:s7+$0x179C0]  }
0x34d: {  	v14 =	vld [tilespmem:s7+$0x179D0]  }
0x34e: {  	v15 =	vld [tilespmem:s7+$0x179E0]  }
0x34f: {  	v16 =	vld [tilespmem:s7+$0x179F0]  }
0x350: {  	v17 =	vld [tilespmem:s7+$0x17A00]  }
0x351: {  	v18 =	vld [tilespmem:s7+$0x17A10]  }
0x352: {  	v19 =	vld [tilespmem:s7+$0x17A20]  }
0x353: {  	v20 =	vld [tilespmem:s7+$0x17A30]  }
0x354: {  	v21 =	vld [tilespmem:s7+$0x17A40]  }
0x355: {  	v22 =	vld [tilespmem:s7+$0x17A50]  }
0x356: {  	v23 =	vld [tilespmem:s7+$0x17A60]  }
0x357: {  	v24 =	vld [tilespmem:s7+$0x17A70]  }
0x358: {  	v25 =	vld [tilespmem:s7+$0x17A80]  }
0x359: {  	v26 =	vld [tilespmem:s7+$0x17A90]  }
0x35a: {  	v27 =	vld [tilespmem:s7+$0x17AA0]  }
0x35b: {  	v28 =	vld [tilespmem:s7+$0x17AB0]  }
0x35c: {  	v29 =	vld [tilespmem:s7+$0x17AC0]  }
0x35d: {  	v30 =	vld [tilespmem:s7+$0x17AD0]  }
0x35e: {  	v31 =	vld [tilespmem:s7+$0x17AE0]  }
0x35f: {  	v32 =	vld [tilespmem:s7+$0x17AF0]  }
0x360: {  	v33 =	vld [tilespmem:s7+$0x17B00]  }
0x361: {  	v34 =	vld [tilespmem:s7+$0x17B10]  }
0x362: {  	v35 =	vld [tilespmem:s7+$0x17B20]  }
0x363: {  	v36 =	vld [tilespmem:s7+$0x17B30]  }
0x364: {  	v37 =	vld [tilespmem:s7+$0x17B40]  }
0x365: {  	v38 =	vld [tilespmem:s7+$0x17B50]  }
0x366: {  	v39 =	vld [tilespmem:s7+$0x17B60]  }
0x367: {  	v40 =	vld [tilespmem:s7+$0x17B70]  }
0x368: {  	v41 =	vld [tilespmem:s7+$0x17B80]  }
0x369: {  	v42 =	vld [tilespmem:s7+$0x17B90]  }
0x36a: {  	v43 =	vld [tilespmem:s7+$0x17BA0]  }
0x36b: {  	v44 =	vld [tilespmem:s7+$0x17BB0]  }
0x36c: {  	v45 =	vld [tilespmem:s7+$0x17BC0]  }
0x36d: {  	v46 =	vld [tilespmem:s7+$0x17BD0]  }
0x36e: {  	v47 =	vld [tilespmem:s7+$0x17BE0]  }
0x36f: {  	v48 =	vld [tilespmem:s7+$0x17BF0]  }
0x370: {  	v49 =	vld [tilespmem:s7+$0x17C00]  }
0x371: {  	v50 =	vld [tilespmem:s7+$0x17C10]  }
0x372: {  	v51 =	vld [tilespmem:s7+$0x17C20]  }
0x373: {  	v52 =	vld [tilespmem:s7+$0x17C30]  }
0x374: {  	v53 =	vld [tilespmem:s7+$0x17C40]  }
0x375: {  	v54 =	vld [tilespmem:s7+$0x17C50]  }
0x376: {  	v55 =	vld [tilespmem:s7+$0x17C60]  }
0x377: {  	v56 =	vld [tilespmem:s7+$0x17C70]  }
0x378: {  	v57 =	vld [tilespmem:s7+$0x17C80]  }
0x379: {  	v58 =	vld [tilespmem:s7+$0x17C90]  }
0x37a: {  	v59 =	vld [tilespmem:s7+$0x17CA0]  }
0x37b: {  	v60 =	vld [tilespmem:s7+$0x17CB0]  }
0x37c: {  	v61 =	vld [tilespmem:s7+$0x17CC0]  }
0x37d: {  	v62 =	vld [tilespmem:s7+$0x17CD0]  }
0x37e: {  	[tilespmem:s7+$0xB4F0] =	vst.add.f32.msk $0xffff, v0  }
0x37f: {  	v0 =	vld [tilespmem:s7+$0x17CE0]  }
0x380: {  	[tilespmem:s7+$0xB100] =	vst.add.f32.msk $0xffff, v1  }
0x381: {  	[tilespmem:s7+$0xB110] =	vst.add.f32.msk $0xffff, v2  }
0x382: {  	[tilespmem:s7+$0xB120] =	vst.add.f32.msk $0xffff, v3  }
0x383: {  	[tilespmem:s7+$0xB130] =	vst.add.f32.msk $0xffff, v4  }
0x384: {  	[tilespmem:s7+$0xB140] =	vst.add.f32.msk $0xffff, v5  }
0x385: {  	[tilespmem:s7+$0xB150] =	vst.add.f32.msk $0xffff, v6  }
0x386: {  	[tilespmem:s7+$0xB160] =	vst.add.f32.msk $0xffff, v7  }
0x387: {  	[tilespmem:s7+$0xB170] =	vst.add.f32.msk $0xffff, v8  }
0x388: {  	[tilespmem:s7+$0xB180] =	vst.add.f32.msk $0xffff, v9  }
0x389: {  	[tilespmem:s7+$0xB190] =	vst.add.f32.msk $0xffff, v10  }
0x38a: {  	[tilespmem:s7+$0xB1A0] =	vst.add.f32.msk $0xffff, v11  }
0x38b: {  	[tilespmem:s7+$0xB1B0] =	vst.add.f32.msk $0xffff, v12  }
0x38c: {  	[tilespmem:s7+$0xB1C0] =	vst.add.f32.msk $0xffff, v13  }
0x38d: {  	[tilespmem:s7+$0xB1D0] =	vst.add.f32.msk $0xffff, v14  }
0x38e: {  	[tilespmem:s7+$0xB1E0] =	vst.add.f32.msk $0xffff, v15  }
0x38f: {  	[tilespmem:s7+$0xB1F0] =	vst.add.f32.msk $0xffff, v16  }
0x390: {  	[tilespmem:s7+$0xB200] =	vst.add.f32.msk $0xffff, v17  }
0x391: {  	[tilespmem:s7+$0xB210] =	vst.add.f32.msk $0xffff, v18  }
0x392: {  	[tilespmem:s7+$0xB220] =	vst.add.f32.msk $0xffff, v19  }
0x393: {  	[tilespmem:s7+$0xB230] =	vst.add.f32.msk $0xffff, v20  }
0x394: {  	[tilespmem:s7+$0xB240] =	vst.add.f32.msk $0xffff, v21  }
0x395: {  	[tilespmem:s7+$0xB250] =	vst.add.f32.msk $0xffff, v22  }
0x396: {  	[tilespmem:s7+$0xB260] =	vst.add.f32.msk $0xffff, v23  }
0x397: {  	[tilespmem:s7+$0xB270] =	vst.add.f32.msk $0xffff, v24  }
0x398: {  	[tilespmem:s7+$0xB280] =	vst.add.f32.msk $0xffff, v25  }
0x399: {  	[tilespmem:s7+$0xB290] =	vst.add.f32.msk $0xffff, v26  }
0x39a: {  	[tilespmem:s7+$0xB2A0] =	vst.add.f32.msk $0xffff, v27  }
0x39b: {  	[tilespmem:s7+$0xB2B0] =	vst.add.f32.msk $0xffff, v28  }
0x39c: {  	[tilespmem:s7+$0xB2C0] =	vst.add.f32.msk $0xffff, v29  }
0x39d: {  	[tilespmem:s7+$0xB2D0] =	vst.add.f32.msk $0xffff, v30  }
0x39e: {  	[tilespmem:s7+$0xB2E0] =	vst.add.f32.msk $0xffff, v31  }
0x39f: {  	[tilespmem:s7+$0xB2F0] =	vst.add.f32.msk $0xffff, v32  }
0x3a0: {  	[tilespmem:s7+$0xB300] =	vst.add.f32.msk $0xffff, v33  }
0x3a1: {  	[tilespmem:s7+$0xB310] =	vst.add.f32.msk $0xffff, v34  }
0x3a2: {  	[tilespmem:s7+$0xB320] =	vst.add.f32.msk $0xffff, v35  }
0x3a3: {  	[tilespmem:s7+$0xB330] =	vst.add.f32.msk $0xffff, v36  }
0x3a4: {  	[tilespmem:s7+$0xB340] =	vst.add.f32.msk $0xffff, v37  }
0x3a5: {  	[tilespmem:s7+$0xB350] =	vst.add.f32.msk $0xffff, v38  }
0x3a6: {  	[tilespmem:s7+$0xB360] =	vst.add.f32.msk $0xffff, v39  }
0x3a7: {  	[tilespmem:s7+$0xB370] =	vst.add.f32.msk $0xffff, v40  }
0x3a8: {  	[tilespmem:s7+$0xB380] =	vst.add.f32.msk $0xffff, v41  }
0x3a9: {  	[tilespmem:s7+$0xB390] =	vst.add.f32.msk $0xffff, v42  }
0x3aa: {  	[tilespmem:s7+$0xB3A0] =	vst.add.f32.msk $0xffff, v43  }
0x3ab: {  	[tilespmem:s7+$0xB3B0] =	vst.add.f32.msk $0xffff, v44  }
0x3ac: {  	[tilespmem:s7+$0xB3C0] =	vst.add.f32.msk $0xffff, v45  }
0x3ad: {  	[tilespmem:s7+$0xB3D0] =	vst.add.f32.msk $0xffff, v46  }
0x3ae: {  	[tilespmem:s7+$0xB3E0] =	vst.add.f32.msk $0xffff, v47  }
0x3af: {  	[tilespmem:s7+$0xB3F0] =	vst.add.f32.msk $0xffff, v48  }
0x3b0: {  	[tilespmem:s7+$0xB400] =	vst.add.f32.msk $0xffff, v49  }
0x3b1: {  	[tilespmem:s7+$0xB410] =	vst.add.f32.msk $0xffff, v50  }
0x3b2: {  	[tilespmem:s7+$0xB420] =	vst.add.f32.msk $0xffff, v51  }
0x3b3: {  	[tilespmem:s7+$0xB430] =	vst.add.f32.msk $0xffff, v52  }
0x3b4: {  	[tilespmem:s7+$0xB440] =	vst.add.f32.msk $0xffff, v53  }
0x3b5: {  	[tilespmem:s7+$0xB450] =	vst.add.f32.msk $0xffff, v54  }
0x3b6: {  	[tilespmem:s7+$0xB460] =	vst.add.f32.msk $0xffff, v55  }
0x3b7: {  	[tilespmem:s7+$0xB470] =	vst.add.f32.msk $0xffff, v56  }
0x3b8: {  	[tilespmem:s7+$0xB480] =	vst.add.f32.msk $0xffff, v57  }
0x3b9: {  	[tilespmem:s7+$0xB490] =	vst.add.f32.msk $0xffff, v58  }
0x3ba: {  	[tilespmem:s7+$0xB4A0] =	vst.add.f32.msk $0xffff, v59  }
0x3bb: {  	[tilespmem:s7+$0xB4B0] =	vst.add.f32.msk $0xffff, v60  }
0x3bc: {  	[tilespmem:s7+$0xB4C0] =	vst.add.f32.msk $0xffff, v61  }
0x3bd: {  	s10 =	simm.s32 $0x68;
	s11 =	simm.s32 $0x1000;
	[tilespmem:s7+$0xB4D0] =	vst.add.f32.msk $0xffff, v62  }
.LBB2_9:
0x3be: {  	s10 =	sadd.s32 $0x8, s10;
	[tilespmem:s7+$0xB4E0] =	vst.add.f32.msk $0xffff, v0;
	s7 =	sshra.s32 s11, $0x2  }
0x3bf: {  	v0 =	vld [tilespmem:s7+$0x17CF0];
	p0 =	slt.u32 s10, $0xC0  }
0x3c0: {  	v1 =	vld [tilespmem:s7+$0x17900]  }
0x3c1: {  	v2 =	vld [tilespmem:s7+$0x17910]  }
0x3c2: {  	v3 =	vld [tilespmem:s7+$0x17920]  }
0x3c3: {  	v4 =	vld [tilespmem:s7+$0x17930]  }
0x3c4: {  	[tilespmem:s7+$0xB4F0] =	vst.add.f32.msk $0xffff, v0  }
0x3c5: {  	v5 =	vld [tilespmem:s7+$0x17940]  }
0x3c6: {  	v6 =	vld [tilespmem:s7+$0x17950]  }
0x3c7: {  	v7 =	vld [tilespmem:s7+$0x17960]  }
0x3c8: {  	v8 =	vld [tilespmem:s7+$0x17970]  }
0x3c9: {  	v9 =	vld [tilespmem:s7+$0x17980]  }
0x3ca: {  	v10 =	vld [tilespmem:s7+$0x17990]  }
0x3cb: {  	v11 =	vld [tilespmem:s7+$0x179A0]  }
0x3cc: {  	v12 =	vld [tilespmem:s7+$0x179B0]  }
0x3cd: {  	v13 =	vld [tilespmem:s7+$0x179C0]  }
0x3ce: {  	v14 =	vld [tilespmem:s7+$0x179D0]  }
0x3cf: {  	v15 =	vld [tilespmem:s7+$0x179E0]  }
0x3d0: {  	v16 =	vld [tilespmem:s7+$0x179F0]  }
0x3d1: {  	v17 =	vld [tilespmem:s7+$0x17A00]  }
0x3d2: {  	v18 =	vld [tilespmem:s7+$0x17A10]  }
0x3d3: {  	v19 =	vld [tilespmem:s7+$0x17A20]  }
0x3d4: {  	v20 =	vld [tilespmem:s7+$0x17A30]  }
0x3d5: {  	v21 =	vld [tilespmem:s7+$0x17A40]  }
0x3d6: {  	v22 =	vld [tilespmem:s7+$0x17A50]  }
0x3d7: {  	v23 =	vld [tilespmem:s7+$0x17A60]  }
0x3d8: {  	v24 =	vld [tilespmem:s7+$0x17A70]  }
0x3d9: {  	v25 =	vld [tilespmem:s7+$0x17A80]  }
0x3da: {  	v26 =	vld [tilespmem:s7+$0x17A90]  }
0x3db: {  	v27 =	vld [tilespmem:s7+$0x17AA0]  }
0x3dc: {  	v28 =	vld [tilespmem:s7+$0x17AB0]  }
0x3dd: {  	v29 =	vld [tilespmem:s7+$0x17AC0]  }
0x3de: {  	v30 =	vld [tilespmem:s7+$0x17AD0]  }
0x3df: {  	v31 =	vld [tilespmem:s7+$0x17AE0]  }
0x3e0: {  	v32 =	vld [tilespmem:s7+$0x17AF0]  }
0x3e1: {  	v33 =	vld [tilespmem:s7+$0x17B00]  }
0x3e2: {  	v34 =	vld [tilespmem:s7+$0x17B10]  }
0x3e3: {  	v35 =	vld [tilespmem:s7+$0x17B20]  }
0x3e4: {  	v36 =	vld [tilespmem:s7+$0x17B30]  }
0x3e5: {  	v37 =	vld [tilespmem:s7+$0x17B40]  }
0x3e6: {  	v38 =	vld [tilespmem:s7+$0x17B50]  }
0x3e7: {  	v39 =	vld [tilespmem:s7+$0x17B60]  }
0x3e8: {  	v40 =	vld [tilespmem:s7+$0x17B70]  }
0x3e9: {  	v41 =	vld [tilespmem:s7+$0x17B80]  }
0x3ea: {  	v42 =	vld [tilespmem:s7+$0x17B90]  }
0x3eb: {  	v43 =	vld [tilespmem:s7+$0x17BA0]  }
0x3ec: {  	v44 =	vld [tilespmem:s7+$0x17BB0]  }
0x3ed: {  	v45 =	vld [tilespmem:s7+$0x17BC0]  }
0x3ee: {  	v46 =	vld [tilespmem:s7+$0x17BD0]  }
0x3ef: {  	v47 =	vld [tilespmem:s7+$0x17BE0]  }
0x3f0: {  	v48 =	vld [tilespmem:s7+$0x17BF0]  }
0x3f1: {  	v49 =	vld [tilespmem:s7+$0x17C00]  }
0x3f2: {  	v50 =	vld [tilespmem:s7+$0x17C10]  }
0x3f3: {  	v51 =	vld [tilespmem:s7+$0x17C20]  }
0x3f4: {  	v52 =	vld [tilespmem:s7+$0x17C30]  }
0x3f5: {  	v53 =	vld [tilespmem:s7+$0x17C40]  }
0x3f6: {  	v54 =	vld [tilespmem:s7+$0x17C50]  }
0x3f7: {  	v55 =	vld [tilespmem:s7+$0x17C60]  }
0x3f8: {  	v56 =	vld [tilespmem:s7+$0x17C70]  }
0x3f9: {  	v57 =	vld [tilespmem:s7+$0x17C80]  }
0x3fa: {  	v58 =	vld [tilespmem:s7+$0x17C90]  }
0x3fb: {  	v59 =	vld [tilespmem:s7+$0x17CA0]  }
0x3fc: {  	v60 =	vld [tilespmem:s7+$0x17CB0]  }
0x3fd: {  	v61 =	vld [tilespmem:s7+$0x17CC0]  }
0x3fe: {  	v62 =	vld [tilespmem:s7+$0x17CD0]  }
0x3ff: {  	v0 =	vld [tilespmem:s7+$0x17CE0]  }
0x400: {  	[tilespmem:s7+$0xB100] =	vst.add.f32.msk $0xffff, v1  }
0x401: {  	[tilespmem:s7+$0xB110] =	vst.add.f32.msk $0xffff, v2  }
0x402: {  	[tilespmem:s7+$0xB120] =	vst.add.f32.msk $0xffff, v3  }
0x403: {  	[tilespmem:s7+$0xB130] =	vst.add.f32.msk $0xffff, v4  }
0x404: {  	[tilespmem:s7+$0xB140] =	vst.add.f32.msk $0xffff, v5  }
0x405: {  	[tilespmem:s7+$0xB150] =	vst.add.f32.msk $0xffff, v6  }
0x406: {  	[tilespmem:s7+$0xB160] =	vst.add.f32.msk $0xffff, v7  }
0x407: {  	[tilespmem:s7+$0xB170] =	vst.add.f32.msk $0xffff, v8  }
0x408: {  	[tilespmem:s7+$0xB180] =	vst.add.f32.msk $0xffff, v9  }
0x409: {  	[tilespmem:s7+$0xB190] =	vst.add.f32.msk $0xffff, v10  }
0x40a: {  	[tilespmem:s7+$0xB1A0] =	vst.add.f32.msk $0xffff, v11  }
0x40b: {  	[tilespmem:s7+$0xB1B0] =	vst.add.f32.msk $0xffff, v12  }
0x40c: {  	[tilespmem:s7+$0xB1C0] =	vst.add.f32.msk $0xffff, v13  }
0x40d: {  	[tilespmem:s7+$0xB1D0] =	vst.add.f32.msk $0xffff, v14  }
0x40e: {  	[tilespmem:s7+$0xB1E0] =	vst.add.f32.msk $0xffff, v15  }
0x40f: {  	[tilespmem:s7+$0xB1F0] =	vst.add.f32.msk $0xffff, v16  }
0x410: {  	[tilespmem:s7+$0xB200] =	vst.add.f32.msk $0xffff, v17  }
0x411: {  	[tilespmem:s7+$0xB210] =	vst.add.f32.msk $0xffff, v18  }
0x412: {  	[tilespmem:s7+$0xB220] =	vst.add.f32.msk $0xffff, v19  }
0x413: {  	[tilespmem:s7+$0xB230] =	vst.add.f32.msk $0xffff, v20  }
0x414: {  	[tilespmem:s7+$0xB240] =	vst.add.f32.msk $0xffff, v21  }
0x415: {  	[tilespmem:s7+$0xB250] =	vst.add.f32.msk $0xffff, v22  }
0x416: {  	[tilespmem:s7+$0xB260] =	vst.add.f32.msk $0xffff, v23  }
0x417: {  	[tilespmem:s7+$0xB270] =	vst.add.f32.msk $0xffff, v24  }
0x418: {  	[tilespmem:s7+$0xB280] =	vst.add.f32.msk $0xffff, v25  }
0x419: {  	[tilespmem:s7+$0xB290] =	vst.add.f32.msk $0xffff, v26  }
0x41a: {  	[tilespmem:s7+$0xB2A0] =	vst.add.f32.msk $0xffff, v27  }
0x41b: {  	[tilespmem:s7+$0xB2B0] =	vst.add.f32.msk $0xffff, v28  }
0x41c: {  	[tilespmem:s7+$0xB2C0] =	vst.add.f32.msk $0xffff, v29  }
0x41d: {  	[tilespmem:s7+$0xB2D0] =	vst.add.f32.msk $0xffff, v30  }
0x41e: {  	[tilespmem:s7+$0xB2E0] =	vst.add.f32.msk $0xffff, v31  }
0x41f: {  	[tilespmem:s7+$0xB2F0] =	vst.add.f32.msk $0xffff, v32  }
0x420: {  	[tilespmem:s7+$0xB300] =	vst.add.f32.msk $0xffff, v33  }
0x421: {  	[tilespmem:s7+$0xB310] =	vst.add.f32.msk $0xffff, v34  }
0x422: {  	[tilespmem:s7+$0xB320] =	vst.add.f32.msk $0xffff, v35  }
0x423: {  	[tilespmem:s7+$0xB330] =	vst.add.f32.msk $0xffff, v36  }
0x424: {  	[tilespmem:s7+$0xB340] =	vst.add.f32.msk $0xffff, v37  }
0x425: {  	[tilespmem:s7+$0xB350] =	vst.add.f32.msk $0xffff, v38  }
0x426: {  	[tilespmem:s7+$0xB360] =	vst.add.f32.msk $0xffff, v39  }
0x427: {  	[tilespmem:s7+$0xB370] =	vst.add.f32.msk $0xffff, v40  }
0x428: {  	[tilespmem:s7+$0xB380] =	vst.add.f32.msk $0xffff, v41  }
0x429: {  	[tilespmem:s7+$0xB390] =	vst.add.f32.msk $0xffff, v42  }
0x42a: {  	[tilespmem:s7+$0xB3A0] =	vst.add.f32.msk $0xffff, v43  }
0x42b: {  	[tilespmem:s7+$0xB3B0] =	vst.add.f32.msk $0xffff, v44  }
0x42c: {  	[tilespmem:s7+$0xB3C0] =	vst.add.f32.msk $0xffff, v45  }
0x42d: {  	[tilespmem:s7+$0xB3D0] =	vst.add.f32.msk $0xffff, v46  }
0x42e: {  	[tilespmem:s7+$0xB3E0] =	vst.add.f32.msk $0xffff, v47  }
0x42f: {  	[tilespmem:s7+$0xB3F0] =	vst.add.f32.msk $0xffff, v48  }
0x430: {  	[tilespmem:s7+$0xB400] =	vst.add.f32.msk $0xffff, v49  }
0x431: {  	[tilespmem:s7+$0xB410] =	vst.add.f32.msk $0xffff, v50  }
0x432: {  	[tilespmem:s7+$0xB420] =	vst.add.f32.msk $0xffff, v51  }
0x433: {  	[tilespmem:s7+$0xB430] =	vst.add.f32.msk $0xffff, v52  }
0x434: {  	[tilespmem:s7+$0xB440] =	vst.add.f32.msk $0xffff, v53  }
0x435: {  	[tilespmem:s7+$0xB450] =	vst.add.f32.msk $0xffff, v54  }
0x436: {  	[tilespmem:s7+$0xB460] =	vst.add.f32.msk $0xffff, v55  }
0x437: {  	[tilespmem:s7+$0xB470] =	vst.add.f32.msk $0xffff, v56  }
0x438: {  	[tilespmem:s7+$0xB480] =	vst.add.f32.msk $0xffff, v57  }
.Ltmp3:
0x439: {  	[tilespmem:s7+$0xB490] =	vst.add.f32.msk $0xffff, v58;
	(pc) =	sbr.rel @p0 .LBB2_9-.Ltmp3, $4  }
0x43a: {  	[tilespmem:s7+$0xB4A0] =	vst.add.f32.msk $0xffff, v59  }
0x43b: {  	[tilespmem:s7+$0xB4B0] =	vst.add.f32.msk $0xffff, v60  }
0x43c: {  	[tilespmem:s7+$0xB4C0] =	vst.add.f32.msk $0xffff, v61  }
0x43d: {  	s11 =	sadd.s32 $0x1000, s11;
	[tilespmem:s7+$0xB4D0] =	vst.add.f32.msk $0xffff, v62  }
0x43e: {  	[tilespmem:s7+$0xB4E0] =	vst.add.f32.msk $0xffff, v0;
	s2 =	sadd.s32 $0x680, s2;
	s10 =	simm.s32 $0x0;
	s11 =	smul.u32 $0x960, s3  }
0x43f: {  	[hbm4b:s2+s10] =	stream.linear.scatter [tilespmem:s18], [sflag:$0x8], $0x3000, $0x38;
	[tilespmem:$0x1A900] =	vst v63  }
0x440: {  	_ =	swait.ge [sflag:s26], $0x6400  }
0x441: {  	s2 =	sshra.s32 s11, $0x2;
	[sflag:s26] =	ssyncset.done $0x0  }
0x442: {  	s30 =	sadd.s32 $0x258, s2;
	[sflag:s26] =	ssyncadd.s32 $0xFFFF9C00  }
0x443: {  	[tilespmem:s14], [sflag:$0x1] =	stream.indirect.gather [hbm4b:s1+s13], $0x80, s30, s13, $0xb8;
	[tilespmem:$0x1A900] =	vst v63  }
0x444: {  	s2 =	sadd.s32 $0x2C0, s2  }
0x445: {  	[tilespmem:s16], [sflag:$0x4] =	stream.indirect.gather [hbm4b:s1+s15], $0x80, s2, s15, $0xb8;
	[tilespmem:$0x1A900] =	vst v63  }
0x446: {  	_ =	swait.ge [sflag:s28], $0x3400  }
0x447: {  	[sflag:s28] =	ssyncset.done $0x0  }
0x448: {  	s2 =	simm.s32 $0x0;
	[sflag:s28] =	ssyncadd.s32 $0xFFFFCC00  }
0x449: {  	v0 =	vld [tilespmem:s2+$0x148F0]  }
0x44a: {  	v1 =	vld [tilespmem:s2+$0x14500]  }
0x44b: {  	v2 =	vld [tilespmem:s2+$0x14510]  }
0x44c: {  	v3 =	vld [tilespmem:s2+$0x14520]  }
0x44d: {  	v4 =	vld [tilespmem:s2+$0x14530]  }
0x44e: {  	v5 =	vld [tilespmem:s2+$0x14540]  }
0x44f: {  	v6 =	vld [tilespmem:s2+$0x14550]  }
0x450: {  	v7 =	vld [tilespmem:s2+$0x14560]  }
0x451: {  	v8 =	vld [tilespmem:s2+$0x14570]  }
0x452: {  	v9 =	vld [tilespmem:s2+$0x14580]  }
0x453: {  	v10 =	vld [tilespmem:s2+$0x14590]  }
0x454: {  	v11 =	vld [tilespmem:s2+$0x145A0]  }
0x455: {  	v12 =	vld [tilespmem:s2+$0x145B0]  }
0x456: {  	v13 =	vld [tilespmem:s2+$0x145C0]  }
0x457: {  	v14 =	vld [tilespmem:s2+$0x145D0]  }
0x458: {  	v15 =	vld [tilespmem:s2+$0x145E0]  }
0x459: {  	v16 =	vld [tilespmem:s2+$0x145F0]  }
0x45a: {  	v17 =	vld [tilespmem:s2+$0x14600]  }
0x45b: {  	v18 =	vld [tilespmem:s2+$0x14610]  }
0x45c: {  	v19 =	vld [tilespmem:s2+$0x14620]  }
0x45d: {  	v20 =	vld [tilespmem:s2+$0x14630]  }
0x45e: {  	v21 =	vld [tilespmem:s2+$0x14640]  }
0x45f: {  	v22 =	vld [tilespmem:s2+$0x14650]  }
0x460: {  	v23 =	vld [tilespmem:s2+$0x14660]  }
0x461: {  	v24 =	vld [tilespmem:s2+$0x14670]  }
0x462: {  	v25 =	vld [tilespmem:s2+$0x14680]  }
0x463: {  	v26 =	vld [tilespmem:s2+$0x14690]  }
0x464: {  	v27 =	vld [tilespmem:s2+$0x146A0]  }
0x465: {  	v28 =	vld [tilespmem:s2+$0x146B0]  }
0x466: {  	v29 =	vld [tilespmem:s2+$0x146C0]  }
0x467: {  	v30 =	vld [tilespmem:s2+$0x146D0]  }
0x468: {  	v31 =	vld [tilespmem:s2+$0x146E0]  }
0x469: {  	v32 =	vld [tilespmem:s2+$0x146F0]  }
0x46a: {  	v33 =	vld [tilespmem:s2+$0x14700]  }
0x46b: {  	v34 =	vld [tilespmem:s2+$0x14710]  }
0x46c: {  	v35 =	vld [tilespmem:s2+$0x14720]  }
0x46d: {  	v36 =	vld [tilespmem:s2+$0x14730]  }
0x46e: {  	v37 =	vld [tilespmem:s2+$0x14740]  }
0x46f: {  	v38 =	vld [tilespmem:s2+$0x14750]  }
0x470: {  	v39 =	vld [tilespmem:s2+$0x14760]  }
0x471: {  	v40 =	vld [tilespmem:s2+$0x14770]  }
0x472: {  	v41 =	vld [tilespmem:s2+$0x14780]  }
0x473: {  	v42 =	vld [tilespmem:s2+$0x14790]  }
0x474: {  	v43 =	vld [tilespmem:s2+$0x147A0]  }
0x475: {  	v44 =	vld [tilespmem:s2+$0x147B0]  }
0x476: {  	v45 =	vld [tilespmem:s2+$0x147C0]  }
0x477: {  	v46 =	vld [tilespmem:s2+$0x147D0]  }
0x478: {  	v47 =	vld [tilespmem:s2+$0x147E0]  }
0x479: {  	v48 =	vld [tilespmem:s2+$0x147F0]  }
0x47a: {  	v49 =	vld [tilespmem:s2+$0x14800]  }
0x47b: {  	v50 =	vld [tilespmem:s2+$0x14810]  }
0x47c: {  	v51 =	vld [tilespmem:s2+$0x14820]  }
0x47d: {  	v52 =	vld [tilespmem:s2+$0x14830]  }
0x47e: {  	v53 =	vld [tilespmem:s2+$0x14840]  }
0x47f: {  	v54 =	vld [tilespmem:s2+$0x14850]  }
0x480: {  	v55 =	vld [tilespmem:s2+$0x14860]  }
0x481: {  	v56 =	vld [tilespmem:s2+$0x14870]  }
0x482: {  	v57 =	vld [tilespmem:s2+$0x14880]  }
0x483: {  	v58 =	vld [tilespmem:s2+$0x14890]  }
0x484: {  	v59 =	vld [tilespmem:s2+$0x148A0]  }
0x485: {  	v60 =	vld [tilespmem:s2+$0x148B0]  }
0x486: {  	v61 =	vld [tilespmem:s2+$0x148C0]  }
0x487: {  	v62 =	vld [tilespmem:s2+$0x148D0]  }
0x488: {  	[tilespmem:s2+$0xE4F0] =	vst.add.f32.msk $0xffff, v0  }
0x489: {  	v0 =	vld [tilespmem:s2+$0x148E0]  }
0x48a: {  	[tilespmem:s2+$0xE100] =	vst.add.f32.msk $0xffff, v1  }
0x48b: {  	[tilespmem:s2+$0xE110] =	vst.add.f32.msk $0xffff, v2  }
0x48c: {  	[tilespmem:s2+$0xE120] =	vst.add.f32.msk $0xffff, v3  }
0x48d: {  	[tilespmem:s2+$0xE130] =	vst.add.f32.msk $0xffff, v4  }
0x48e: {  	[tilespmem:s2+$0xE140] =	vst.add.f32.msk $0xffff, v5  }
0x48f: {  	[tilespmem:s2+$0xE150] =	vst.add.f32.msk $0xffff, v6  }
0x490: {  	[tilespmem:s2+$0xE160] =	vst.add.f32.msk $0xffff, v7  }
0x491: {  	[tilespmem:s2+$0xE170] =	vst.add.f32.msk $0xffff, v8  }
0x492: {  	[tilespmem:s2+$0xE180] =	vst.add.f32.msk $0xffff, v9  }
0x493: {  	[tilespmem:s2+$0xE190] =	vst.add.f32.msk $0xffff, v10  }
0x494: {  	[tilespmem:s2+$0xE1A0] =	vst.add.f32.msk $0xffff, v11  }
0x495: {  	[tilespmem:s2+$0xE1B0] =	vst.add.f32.msk $0xffff, v12  }
0x496: {  	[tilespmem:s2+$0xE1C0] =	vst.add.f32.msk $0xffff, v13  }
0x497: {  	[tilespmem:s2+$0xE1D0] =	vst.add.f32.msk $0xffff, v14  }
0x498: {  	[tilespmem:s2+$0xE1E0] =	vst.add.f32.msk $0xffff, v15  }
0x499: {  	[tilespmem:s2+$0xE1F0] =	vst.add.f32.msk $0xffff, v16  }
0x49a: {  	[tilespmem:s2+$0xE200] =	vst.add.f32.msk $0xffff, v17  }
0x49b: {  	[tilespmem:s2+$0xE210] =	vst.add.f32.msk $0xffff, v18  }
0x49c: {  	[tilespmem:s2+$0xE220] =	vst.add.f32.msk $0xffff, v19  }
0x49d: {  	[tilespmem:s2+$0xE230] =	vst.add.f32.msk $0xffff, v20  }
0x49e: {  	[tilespmem:s2+$0xE240] =	vst.add.f32.msk $0xffff, v21  }
0x49f: {  	[tilespmem:s2+$0xE250] =	vst.add.f32.msk $0xffff, v22  }
0x4a0: {  	[tilespmem:s2+$0xE260] =	vst.add.f32.msk $0xffff, v23  }
0x4a1: {  	[tilespmem:s2+$0xE270] =	vst.add.f32.msk $0xffff, v24  }
0x4a2: {  	[tilespmem:s2+$0xE280] =	vst.add.f32.msk $0xffff, v25  }
0x4a3: {  	[tilespmem:s2+$0xE290] =	vst.add.f32.msk $0xffff, v26  }
0x4a4: {  	[tilespmem:s2+$0xE2A0] =	vst.add.f32.msk $0xffff, v27  }
0x4a5: {  	[tilespmem:s2+$0xE2B0] =	vst.add.f32.msk $0xffff, v28  }
0x4a6: {  	[tilespmem:s2+$0xE2C0] =	vst.add.f32.msk $0xffff, v29  }
0x4a7: {  	[tilespmem:s2+$0xE2D0] =	vst.add.f32.msk $0xffff, v30  }
0x4a8: {  	[tilespmem:s2+$0xE2E0] =	vst.add.f32.msk $0xffff, v31  }
0x4a9: {  	[tilespmem:s2+$0xE2F0] =	vst.add.f32.msk $0xffff, v32  }
0x4aa: {  	[tilespmem:s2+$0xE300] =	vst.add.f32.msk $0xffff, v33  }
0x4ab: {  	[tilespmem:s2+$0xE310] =	vst.add.f32.msk $0xffff, v34  }
0x4ac: {  	[tilespmem:s2+$0xE320] =	vst.add.f32.msk $0xffff, v35  }
0x4ad: {  	[tilespmem:s2+$0xE330] =	vst.add.f32.msk $0xffff, v36  }
0x4ae: {  	[tilespmem:s2+$0xE340] =	vst.add.f32.msk $0xffff, v37  }
0x4af: {  	[tilespmem:s2+$0xE350] =	vst.add.f32.msk $0xffff, v38  }
0x4b0: {  	[tilespmem:s2+$0xE360] =	vst.add.f32.msk $0xffff, v39  }
0x4b1: {  	[tilespmem:s2+$0xE370] =	vst.add.f32.msk $0xffff, v40  }
0x4b2: {  	[tilespmem:s2+$0xE380] =	vst.add.f32.msk $0xffff, v41  }
0x4b3: {  	[tilespmem:s2+$0xE390] =	vst.add.f32.msk $0xffff, v42  }
0x4b4: {  	[tilespmem:s2+$0xE3A0] =	vst.add.f32.msk $0xffff, v43  }
0x4b5: {  	[tilespmem:s2+$0xE3B0] =	vst.add.f32.msk $0xffff, v44  }
0x4b6: {  	[tilespmem:s2+$0xE3C0] =	vst.add.f32.msk $0xffff, v45  }
0x4b7: {  	[tilespmem:s2+$0xE3D0] =	vst.add.f32.msk $0xffff, v46  }
0x4b8: {  	[tilespmem:s2+$0xE3E0] =	vst.add.f32.msk $0xffff, v47  }
0x4b9: {  	[tilespmem:s2+$0xE3F0] =	vst.add.f32.msk $0xffff, v48  }
0x4ba: {  	[tilespmem:s2+$0xE400] =	vst.add.f32.msk $0xffff, v49  }
0x4bb: {  	[tilespmem:s2+$0xE410] =	vst.add.f32.msk $0xffff, v50  }
0x4bc: {  	[tilespmem:s2+$0xE420] =	vst.add.f32.msk $0xffff, v51  }
0x4bd: {  	[tilespmem:s2+$0xE430] =	vst.add.f32.msk $0xffff, v52  }
0x4be: {  	[tilespmem:s2+$0xE440] =	vst.add.f32.msk $0xffff, v53  }
0x4bf: {  	[tilespmem:s2+$0xE450] =	vst.add.f32.msk $0xffff, v54  }
0x4c0: {  	[tilespmem:s2+$0xE460] =	vst.add.f32.msk $0xffff, v55  }
0x4c1: {  	[tilespmem:s2+$0xE470] =	vst.add.f32.msk $0xffff, v56  }
0x4c2: {  	[tilespmem:s2+$0xE480] =	vst.add.f32.msk $0xffff, v57  }
0x4c3: {  	[tilespmem:s2+$0xE490] =	vst.add.f32.msk $0xffff, v58  }
0x4c4: {  	[tilespmem:s2+$0xE4A0] =	vst.add.f32.msk $0xffff, v59  }
0x4c5: {  	[tilespmem:s2+$0xE4B0] =	vst.add.f32.msk $0xffff, v60  }
0x4c6: {  	[tilespmem:s2+$0xE4C0] =	vst.add.f32.msk $0xffff, v61  }
0x4c7: {  	s7 =	simm.s32 $0x0;
	s10 =	simm.s32 $0x1000;
	[tilespmem:s2+$0xE4D0] =	vst.add.f32.msk $0xffff, v62  }
.LBB2_11:
0x4c8: {  	s7 =	sadd.s32 $0x8, s7;
	[tilespmem:s2+$0xE4E0] =	vst.add.f32.msk $0xffff, v0;
	s2 =	sshra.s32 s10, $0x2  }
0x4c9: {  	v0 =	vld [tilespmem:s2+$0x148F0];
	p0 =	slt.u32 s7, $0x60  }
0x4ca: {  	v1 =	vld [tilespmem:s2+$0x14500]  }
0x4cb: {  	v2 =	vld [tilespmem:s2+$0x14510]  }
0x4cc: {  	v3 =	vld [tilespmem:s2+$0x14520]  }
0x4cd: {  	v4 =	vld [tilespmem:s2+$0x14530]  }
0x4ce: {  	[tilespmem:s2+$0xE4F0] =	vst.add.f32.msk $0xffff, v0  }
0x4cf: {  	v5 =	vld [tilespmem:s2+$0x14540]  }
0x4d0: {  	v6 =	vld [tilespmem:s2+$0x14550]  }
0x4d1: {  	v7 =	vld [tilespmem:s2+$0x14560]  }
0x4d2: {  	v8 =	vld [tilespmem:s2+$0x14570]  }
0x4d3: {  	v9 =	vld [tilespmem:s2+$0x14580]  }
0x4d4: {  	v10 =	vld [tilespmem:s2+$0x14590]  }
0x4d5: {  	v11 =	vld [tilespmem:s2+$0x145A0]  }
0x4d6: {  	v12 =	vld [tilespmem:s2+$0x145B0]  }
0x4d7: {  	v13 =	vld [tilespmem:s2+$0x145C0]  }
0x4d8: {  	v14 =	vld [tilespmem:s2+$0x145D0]  }
0x4d9: {  	v15 =	vld [tilespmem:s2+$0x145E0]  }
0x4da: {  	v16 =	vld [tilespmem:s2+$0x145F0]  }
0x4db: {  	v17 =	vld [tilespmem:s2+$0x14600]  }
0x4dc: {  	v18 =	vld [tilespmem:s2+$0x14610]  }
0x4dd: {  	v19 =	vld [tilespmem:s2+$0x14620]  }
0x4de: {  	v20 =	vld [tilespmem:s2+$0x14630]  }
0x4df: {  	v21 =	vld [tilespmem:s2+$0x14640]  }
0x4e0: {  	v22 =	vld [tilespmem:s2+$0x14650]  }
0x4e1: {  	v23 =	vld [tilespmem:s2+$0x14660]  }
0x4e2: {  	v24 =	vld [tilespmem:s2+$0x14670]  }
0x4e3: {  	v25 =	vld [tilespmem:s2+$0x14680]  }
0x4e4: {  	v26 =	vld [tilespmem:s2+$0x14690]  }
0x4e5: {  	v27 =	vld [tilespmem:s2+$0x146A0]  }
0x4e6: {  	v28 =	vld [tilespmem:s2+$0x146B0]  }
0x4e7: {  	v29 =	vld [tilespmem:s2+$0x146C0]  }
0x4e8: {  	v30 =	vld [tilespmem:s2+$0x146D0]  }
0x4e9: {  	v31 =	vld [tilespmem:s2+$0x146E0]  }
0x4ea: {  	v32 =	vld [tilespmem:s2+$0x146F0]  }
0x4eb: {  	v33 =	vld [tilespmem:s2+$0x14700]  }
0x4ec: {  	v34 =	vld [tilespmem:s2+$0x14710]  }
0x4ed: {  	v35 =	vld [tilespmem:s2+$0x14720]  }
0x4ee: {  	v36 =	vld [tilespmem:s2+$0x14730]  }
0x4ef: {  	v37 =	vld [tilespmem:s2+$0x14740]  }
0x4f0: {  	v38 =	vld [tilespmem:s2+$0x14750]  }
0x4f1: {  	v39 =	vld [tilespmem:s2+$0x14760]  }
0x4f2: {  	v40 =	vld [tilespmem:s2+$0x14770]  }
0x4f3: {  	v41 =	vld [tilespmem:s2+$0x14780]  }
0x4f4: {  	v42 =	vld [tilespmem:s2+$0x14790]  }
0x4f5: {  	v43 =	vld [tilespmem:s2+$0x147A0]  }
0x4f6: {  	v44 =	vld [tilespmem:s2+$0x147B0]  }
0x4f7: {  	v45 =	vld [tilespmem:s2+$0x147C0]  }
0x4f8: {  	v46 =	vld [tilespmem:s2+$0x147D0]  }
0x4f9: {  	v47 =	vld [tilespmem:s2+$0x147E0]  }
0x4fa: {  	v48 =	vld [tilespmem:s2+$0x147F0]  }
0x4fb: {  	v49 =	vld [tilespmem:s2+$0x14800]  }
0x4fc: {  	v50 =	vld [tilespmem:s2+$0x14810]  }
0x4fd: {  	v51 =	vld [tilespmem:s2+$0x14820]  }
0x4fe: {  	v52 =	vld [tilespmem:s2+$0x14830]  }
0x4ff: {  	v53 =	vld [tilespmem:s2+$0x14840]  }
0x500: {  	v54 =	vld [tilespmem:s2+$0x14850]  }
0x501: {  	v55 =	vld [tilespmem:s2+$0x14860]  }
0x502: {  	v56 =	vld [tilespmem:s2+$0x14870]  }
0x503: {  	v57 =	vld [tilespmem:s2+$0x14880]  }
0x504: {  	v58 =	vld [tilespmem:s2+$0x14890]  }
0x505: {  	v59 =	vld [tilespmem:s2+$0x148A0]  }
0x506: {  	v60 =	vld [tilespmem:s2+$0x148B0]  }
0x507: {  	v61 =	vld [tilespmem:s2+$0x148C0]  }
0x508: {  	v62 =	vld [tilespmem:s2+$0x148D0]  }
0x509: {  	v0 =	vld [tilespmem:s2+$0x148E0]  }
0x50a: {  	[tilespmem:s2+$0xE100] =	vst.add.f32.msk $0xffff, v1  }
0x50b: {  	[tilespmem:s2+$0xE110] =	vst.add.f32.msk $0xffff, v2  }
0x50c: {  	[tilespmem:s2+$0xE120] =	vst.add.f32.msk $0xffff, v3  }
0x50d: {  	[tilespmem:s2+$0xE130] =	vst.add.f32.msk $0xffff, v4  }
0x50e: {  	[tilespmem:s2+$0xE140] =	vst.add.f32.msk $0xffff, v5  }
0x50f: {  	[tilespmem:s2+$0xE150] =	vst.add.f32.msk $0xffff, v6  }
0x510: {  	[tilespmem:s2+$0xE160] =	vst.add.f32.msk $0xffff, v7  }
0x511: {  	[tilespmem:s2+$0xE170] =	vst.add.f32.msk $0xffff, v8  }
0x512: {  	[tilespmem:s2+$0xE180] =	vst.add.f32.msk $0xffff, v9  }
0x513: {  	[tilespmem:s2+$0xE190] =	vst.add.f32.msk $0xffff, v10  }
0x514: {  	[tilespmem:s2+$0xE1A0] =	vst.add.f32.msk $0xffff, v11  }
0x515: {  	[tilespmem:s2+$0xE1B0] =	vst.add.f32.msk $0xffff, v12  }
0x516: {  	[tilespmem:s2+$0xE1C0] =	vst.add.f32.msk $0xffff, v13  }
0x517: {  	[tilespmem:s2+$0xE1D0] =	vst.add.f32.msk $0xffff, v14  }
0x518: {  	[tilespmem:s2+$0xE1E0] =	vst.add.f32.msk $0xffff, v15  }
0x519: {  	[tilespmem:s2+$0xE1F0] =	vst.add.f32.msk $0xffff, v16  }
0x51a: {  	[tilespmem:s2+$0xE200] =	vst.add.f32.msk $0xffff, v17  }
0x51b: {  	[tilespmem:s2+$0xE210] =	vst.add.f32.msk $0xffff, v18  }
0x51c: {  	[tilespmem:s2+$0xE220] =	vst.add.f32.msk $0xffff, v19  }
0x51d: {  	[tilespmem:s2+$0xE230] =	vst.add.f32.msk $0xffff, v20  }
0x51e: {  	[tilespmem:s2+$0xE240] =	vst.add.f32.msk $0xffff, v21  }
0x51f: {  	[tilespmem:s2+$0xE250] =	vst.add.f32.msk $0xffff, v22  }
0x520: {  	[tilespmem:s2+$0xE260] =	vst.add.f32.msk $0xffff, v23  }
0x521: {  	[tilespmem:s2+$0xE270] =	vst.add.f32.msk $0xffff, v24  }
0x522: {  	[tilespmem:s2+$0xE280] =	vst.add.f32.msk $0xffff, v25  }
0x523: {  	[tilespmem:s2+$0xE290] =	vst.add.f32.msk $0xffff, v26  }
0x524: {  	[tilespmem:s2+$0xE2A0] =	vst.add.f32.msk $0xffff, v27  }
0x525: {  	[tilespmem:s2+$0xE2B0] =	vst.add.f32.msk $0xffff, v28  }
0x526: {  	[tilespmem:s2+$0xE2C0] =	vst.add.f32.msk $0xffff, v29  }
0x527: {  	[tilespmem:s2+$0xE2D0] =	vst.add.f32.msk $0xffff, v30  }
0x528: {  	[tilespmem:s2+$0xE2E0] =	vst.add.f32.msk $0xffff, v31  }
0x529: {  	[tilespmem:s2+$0xE2F0] =	vst.add.f32.msk $0xffff, v32  }
0x52a: {  	[tilespmem:s2+$0xE300] =	vst.add.f32.msk $0xffff, v33  }
0x52b: {  	[tilespmem:s2+$0xE310] =	vst.add.f32.msk $0xffff, v34  }
0x52c: {  	[tilespmem:s2+$0xE320] =	vst.add.f32.msk $0xffff, v35  }
0x52d: {  	[tilespmem:s2+$0xE330] =	vst.add.f32.msk $0xffff, v36  }
0x52e: {  	[tilespmem:s2+$0xE340] =	vst.add.f32.msk $0xffff, v37  }
0x52f: {  	[tilespmem:s2+$0xE350] =	vst.add.f32.msk $0xffff, v38  }
0x530: {  	[tilespmem:s2+$0xE360] =	vst.add.f32.msk $0xffff, v39  }
0x531: {  	[tilespmem:s2+$0xE370] =	vst.add.f32.msk $0xffff, v40  }
0x532: {  	[tilespmem:s2+$0xE380] =	vst.add.f32.msk $0xffff, v41  }
0x533: {  	[tilespmem:s2+$0xE390] =	vst.add.f32.msk $0xffff, v42  }
0x534: {  	[tilespmem:s2+$0xE3A0] =	vst.add.f32.msk $0xffff, v43  }
0x535: {  	[tilespmem:s2+$0xE3B0] =	vst.add.f32.msk $0xffff, v44  }
0x536: {  	[tilespmem:s2+$0xE3C0] =	vst.add.f32.msk $0xffff, v45  }
0x537: {  	[tilespmem:s2+$0xE3D0] =	vst.add.f32.msk $0xffff, v46  }
0x538: {  	[tilespmem:s2+$0xE3E0] =	vst.add.f32.msk $0xffff, v47  }
0x539: {  	[tilespmem:s2+$0xE3F0] =	vst.add.f32.msk $0xffff, v48  }
0x53a: {  	[tilespmem:s2+$0xE400] =	vst.add.f32.msk $0xffff, v49  }
0x53b: {  	[tilespmem:s2+$0xE410] =	vst.add.f32.msk $0xffff, v50  }
0x53c: {  	[tilespmem:s2+$0xE420] =	vst.add.f32.msk $0xffff, v51  }
0x53d: {  	[tilespmem:s2+$0xE430] =	vst.add.f32.msk $0xffff, v52  }
0x53e: {  	[tilespmem:s2+$0xE440] =	vst.add.f32.msk $0xffff, v53  }
0x53f: {  	[tilespmem:s2+$0xE450] =	vst.add.f32.msk $0xffff, v54  }
0x540: {  	[tilespmem:s2+$0xE460] =	vst.add.f32.msk $0xffff, v55  }
0x541: {  	[tilespmem:s2+$0xE470] =	vst.add.f32.msk $0xffff, v56  }
0x542: {  	[tilespmem:s2+$0xE480] =	vst.add.f32.msk $0xffff, v57  }
.Ltmp4:
0x543: {  	[tilespmem:s2+$0xE490] =	vst.add.f32.msk $0xffff, v58;
	(pc) =	sbr.rel @p0 .LBB2_11-.Ltmp4, $4  }
0x544: {  	[tilespmem:s2+$0xE4A0] =	vst.add.f32.msk $0xffff, v59  }
0x545: {  	[tilespmem:s2+$0xE4B0] =	vst.add.f32.msk $0xffff, v60  }
0x546: {  	[tilespmem:s2+$0xE4C0] =	vst.add.f32.msk $0xffff, v61  }
0x547: {  	s10 =	sadd.s32 $0x1000, s10;
	[tilespmem:s2+$0xE4D0] =	vst.add.f32.msk $0xffff, v62  }
0x548: {  	s7 =	sadd.s32 s6, s31  }
0x549: {  	s7 =	smul.u32 $0xC80, s7;
	_ =	sdelay $0x1  }
0x54a: {  	[tilespmem:s2+$0xE4E0] =	vst.add.f32.msk $0xffff, v0;
	s31 =	simm.s32 $0x0;
	s2 =	sadd.s32 s4, s7  }
0x54b: {  	[hbm4b:s2+s31] =	stream.linear.scatter [tilespmem:s22], [sflag:$0x9], $0x3400, $0x38;
	[tilespmem:$0x1A900] =	vst v63  }
0x54c: {  	_ =	swait.ge [sflag:s29], $0x3000  }
0x54d: {  	[sflag:s29] =	ssyncset.done $0x0  }
0x54e: {  	s7 =	simm.s32 $0x0;
	[sflag:s29] =	ssyncadd.s32 $0xFFFFD000  }
0x54f: {  	v0 =	vld [tilespmem:s7+$0x17CF0]  }
0x550: {  	v1 =	vld [tilespmem:s7+$0x17900]  }
0x551: {  	v2 =	vld [tilespmem:s7+$0x17910]  }
0x552: {  	v3 =	vld [tilespmem:s7+$0x17920]  }
0x553: {  	v4 =	vld [tilespmem:s7+$0x17930]  }
0x554: {  	v5 =	vld [tilespmem:s7+$0x17940]  }
0x555: {  	v6 =	vld [tilespmem:s7+$0x17950]  }
0x556: {  	v7 =	vld [tilespmem:s7+$0x17960]  }
0x557: {  	v8 =	vld [tilespmem:s7+$0x17970]  }
0x558: {  	v9 =	vld [tilespmem:s7+$0x17980]  }
0x559: {  	v10 =	vld [tilespmem:s7+$0x17990]  }
0x55a: {  	v11 =	vld [tilespmem:s7+$0x179A0]  }
0x55b: {  	v12 =	vld [tilespmem:s7+$0x179B0]  }
0x55c: {  	v13 =	vld [tilespmem:s7+$0x179C0]  }
0x55d: {  	v14 =	vld [tilespmem:s7+$0x179D0]  }
0x55e: {  	v15 =	vld [tilespmem:s7+$0x179E0]  }
0x55f: {  	v16 =	vld [tilespmem:s7+$0x179F0]  }
0x560: {  	v17 =	vld [tilespmem:s7+$0x17A00]  }
0x561: {  	v18 =	vld [tilespmem:s7+$0x17A10]  }
0x562: {  	v19 =	vld [tilespmem:s7+$0x17A20]  }
0x563: {  	v20 =	vld [tilespmem:s7+$0x17A30]  }
0x564: {  	v21 =	vld [tilespmem:s7+$0x17A40]  }
0x565: {  	v22 =	vld [tilespmem:s7+$0x17A50]  }
0x566: {  	v23 =	vld [tilespmem:s7+$0x17A60]  }
0x567: {  	v24 =	vld [tilespmem:s7+$0x17A70]  }
0x568: {  	v25 =	vld [tilespmem:s7+$0x17A80]  }
0x569: {  	v26 =	vld [tilespmem:s7+$0x17A90]  }
0x56a: {  	v27 =	vld [tilespmem:s7+$0x17AA0]  }
0x56b: {  	v28 =	vld [tilespmem:s7+$0x17AB0]  }
0x56c: {  	v29 =	vld [tilespmem:s7+$0x17AC0]  }
0x56d: {  	v30 =	vld [tilespmem:s7+$0x17AD0]  }
0x56e: {  	v31 =	vld [tilespmem:s7+$0x17AE0]  }
0x56f: {  	v32 =	vld [tilespmem:s7+$0x17AF0]  }
0x570: {  	v33 =	vld [tilespmem:s7+$0x17B00]  }
0x571: {  	v34 =	vld [tilespmem:s7+$0x17B10]  }
0x572: {  	v35 =	vld [tilespmem:s7+$0x17B20]  }
0x573: {  	v36 =	vld [tilespmem:s7+$0x17B30]  }
0x574: {  	v37 =	vld [tilespmem:s7+$0x17B40]  }
0x575: {  	v38 =	vld [tilespmem:s7+$0x17B50]  }
0x576: {  	v39 =	vld [tilespmem:s7+$0x17B60]  }
0x577: {  	v40 =	vld [tilespmem:s7+$0x17B70]  }
0x578: {  	v41 =	vld [tilespmem:s7+$0x17B80]  }
0x579: {  	v42 =	vld [tilespmem:s7+$0x17B90]  }
0x57a: {  	v43 =	vld [tilespmem:s7+$0x17BA0]  }
0x57b: {  	v44 =	vld [tilespmem:s7+$0x17BB0]  }
0x57c: {  	v45 =	vld [tilespmem:s7+$0x17BC0]  }
0x57d: {  	v46 =	vld [tilespmem:s7+$0x17BD0]  }
0x57e: {  	v47 =	vld [tilespmem:s7+$0x17BE0]  }
0x57f: {  	v48 =	vld [tilespmem:s7+$0x17BF0]  }
0x580: {  	v49 =	vld [tilespmem:s7+$0x17C00]  }
0x581: {  	v50 =	vld [tilespmem:s7+$0x17C10]  }
0x582: {  	v51 =	vld [tilespmem:s7+$0x17C20]  }
0x583: {  	v52 =	vld [tilespmem:s7+$0x17C30]  }
0x584: {  	v53 =	vld [tilespmem:s7+$0x17C40]  }
0x585: {  	v54 =	vld [tilespmem:s7+$0x17C50]  }
0x586: {  	v55 =	vld [tilespmem:s7+$0x17C60]  }
0x587: {  	v56 =	vld [tilespmem:s7+$0x17C70]  }
0x588: {  	v57 =	vld [tilespmem:s7+$0x17C80]  }
0x589: {  	v58 =	vld [tilespmem:s7+$0x17C90]  }
0x58a: {  	v59 =	vld [tilespmem:s7+$0x17CA0]  }
0x58b: {  	v60 =	vld [tilespmem:s7+$0x17CB0]  }
0x58c: {  	v61 =	vld [tilespmem:s7+$0x17CC0]  }
0x58d: {  	v62 =	vld [tilespmem:s7+$0x17CD0]  }
0x58e: {  	[tilespmem:s7+$0x118F0] =	vst.add.f32.msk $0xffff, v0  }
0x58f: {  	v0 =	vld [tilespmem:s7+$0x17CE0]  }
0x590: {  	[tilespmem:s7+$0x11500] =	vst.add.f32.msk $0xffff, v1  }
0x591: {  	[tilespmem:s7+$0x11510] =	vst.add.f32.msk $0xffff, v2  }
0x592: {  	[tilespmem:s7+$0x11520] =	vst.add.f32.msk $0xffff, v3  }
0x593: {  	[tilespmem:s7+$0x11530] =	vst.add.f32.msk $0xffff, v4  }
0x594: {  	[tilespmem:s7+$0x11540] =	vst.add.f32.msk $0xffff, v5  }
0x595: {  	[tilespmem:s7+$0x11550] =	vst.add.f32.msk $0xffff, v6  }
0x596: {  	[tilespmem:s7+$0x11560] =	vst.add.f32.msk $0xffff, v7  }
0x597: {  	[tilespmem:s7+$0x11570] =	vst.add.f32.msk $0xffff, v8  }
0x598: {  	[tilespmem:s7+$0x11580] =	vst.add.f32.msk $0xffff, v9  }
0x599: {  	[tilespmem:s7+$0x11590] =	vst.add.f32.msk $0xffff, v10  }
0x59a: {  	[tilespmem:s7+$0x115A0] =	vst.add.f32.msk $0xffff, v11  }
0x59b: {  	[tilespmem:s7+$0x115B0] =	vst.add.f32.msk $0xffff, v12  }
0x59c: {  	[tilespmem:s7+$0x115C0] =	vst.add.f32.msk $0xffff, v13  }
0x59d: {  	[tilespmem:s7+$0x115D0] =	vst.add.f32.msk $0xffff, v14  }
0x59e: {  	[tilespmem:s7+$0x115E0] =	vst.add.f32.msk $0xffff, v15  }
0x59f: {  	[tilespmem:s7+$0x115F0] =	vst.add.f32.msk $0xffff, v16  }
0x5a0: {  	[tilespmem:s7+$0x11600] =	vst.add.f32.msk $0xffff, v17  }
0x5a1: {  	[tilespmem:s7+$0x11610] =	vst.add.f32.msk $0xffff, v18  }
0x5a2: {  	[tilespmem:s7+$0x11620] =	vst.add.f32.msk $0xffff, v19  }
0x5a3: {  	[tilespmem:s7+$0x11630] =	vst.add.f32.msk $0xffff, v20  }
0x5a4: {  	[tilespmem:s7+$0x11640] =	vst.add.f32.msk $0xffff, v21  }
0x5a5: {  	[tilespmem:s7+$0x11650] =	vst.add.f32.msk $0xffff, v22  }
0x5a6: {  	[tilespmem:s7+$0x11660] =	vst.add.f32.msk $0xffff, v23  }
0x5a7: {  	[tilespmem:s7+$0x11670] =	vst.add.f32.msk $0xffff, v24  }
0x5a8: {  	[tilespmem:s7+$0x11680] =	vst.add.f32.msk $0xffff, v25  }
0x5a9: {  	[tilespmem:s7+$0x11690] =	vst.add.f32.msk $0xffff, v26  }
0x5aa: {  	[tilespmem:s7+$0x116A0] =	vst.add.f32.msk $0xffff, v27  }
0x5ab: {  	[tilespmem:s7+$0x116B0] =	vst.add.f32.msk $0xffff, v28  }
0x5ac: {  	[tilespmem:s7+$0x116C0] =	vst.add.f32.msk $0xffff, v29  }
0x5ad: {  	[tilespmem:s7+$0x116D0] =	vst.add.f32.msk $0xffff, v30  }
0x5ae: {  	[tilespmem:s7+$0x116E0] =	vst.add.f32.msk $0xffff, v31  }
0x5af: {  	[tilespmem:s7+$0x116F0] =	vst.add.f32.msk $0xffff, v32  }
0x5b0: {  	[tilespmem:s7+$0x11700] =	vst.add.f32.msk $0xffff, v33  }
0x5b1: {  	[tilespmem:s7+$0x11710] =	vst.add.f32.msk $0xffff, v34  }
0x5b2: {  	[tilespmem:s7+$0x11720] =	vst.add.f32.msk $0xffff, v35  }
0x5b3: {  	[tilespmem:s7+$0x11730] =	vst.add.f32.msk $0xffff, v36  }
0x5b4: {  	[tilespmem:s7+$0x11740] =	vst.add.f32.msk $0xffff, v37  }
0x5b5: {  	[tilespmem:s7+$0x11750] =	vst.add.f32.msk $0xffff, v38  }
0x5b6: {  	[tilespmem:s7+$0x11760] =	vst.add.f32.msk $0xffff, v39  }
0x5b7: {  	[tilespmem:s7+$0x11770] =	vst.add.f32.msk $0xffff, v40  }
0x5b8: {  	[tilespmem:s7+$0x11780] =	vst.add.f32.msk $0xffff, v41  }
0x5b9: {  	[tilespmem:s7+$0x11790] =	vst.add.f32.msk $0xffff, v42  }
0x5ba: {  	[tilespmem:s7+$0x117A0] =	vst.add.f32.msk $0xffff, v43  }
0x5bb: {  	[tilespmem:s7+$0x117B0] =	vst.add.f32.msk $0xffff, v44  }
0x5bc: {  	[tilespmem:s7+$0x117C0] =	vst.add.f32.msk $0xffff, v45  }
0x5bd: {  	[tilespmem:s7+$0x117D0] =	vst.add.f32.msk $0xffff, v46  }
0x5be: {  	[tilespmem:s7+$0x117E0] =	vst.add.f32.msk $0xffff, v47  }
0x5bf: {  	[tilespmem:s7+$0x117F0] =	vst.add.f32.msk $0xffff, v48  }
0x5c0: {  	[tilespmem:s7+$0x11800] =	vst.add.f32.msk $0xffff, v49  }
0x5c1: {  	[tilespmem:s7+$0x11810] =	vst.add.f32.msk $0xffff, v50  }
0x5c2: {  	[tilespmem:s7+$0x11820] =	vst.add.f32.msk $0xffff, v51  }
0x5c3: {  	[tilespmem:s7+$0x11830] =	vst.add.f32.msk $0xffff, v52  }
0x5c4: {  	[tilespmem:s7+$0x11840] =	vst.add.f32.msk $0xffff, v53  }
0x5c5: {  	[tilespmem:s7+$0x11850] =	vst.add.f32.msk $0xffff, v54  }
0x5c6: {  	[tilespmem:s7+$0x11860] =	vst.add.f32.msk $0xffff, v55  }
0x5c7: {  	[tilespmem:s7+$0x11870] =	vst.add.f32.msk $0xffff, v56  }
0x5c8: {  	[tilespmem:s7+$0x11880] =	vst.add.f32.msk $0xffff, v57  }
0x5c9: {  	[tilespmem:s7+$0x11890] =	vst.add.f32.msk $0xffff, v58  }
0x5ca: {  	[tilespmem:s7+$0x118A0] =	vst.add.f32.msk $0xffff, v59  }
0x5cb: {  	[tilespmem:s7+$0x118B0] =	vst.add.f32.msk $0xffff, v60  }
0x5cc: {  	[tilespmem:s7+$0x118C0] =	vst.add.f32.msk $0xffff, v61  }
0x5cd: {  	s10 =	simm.s32 $0x68;
	s11 =	simm.s32 $0x1000;
	[tilespmem:s7+$0x118D0] =	vst.add.f32.msk $0xffff, v62  }
.LBB2_13:
0x5ce: {  	s10 =	sadd.s32 $0x8, s10;
	[tilespmem:s7+$0x118E0] =	vst.add.f32.msk $0xffff, v0;
	s7 =	sshra.s32 s11, $0x2  }
0x5cf: {  	v0 =	vld [tilespmem:s7+$0x17CF0];
	p0 =	slt.u32 s10, $0xC0  }
0x5d0: {  	v1 =	vld [tilespmem:s7+$0x17900]  }
0x5d1: {  	v2 =	vld [tilespmem:s7+$0x17910]  }
0x5d2: {  	v3 =	vld [tilespmem:s7+$0x17920]  }
0x5d3: {  	v4 =	vld [tilespmem:s7+$0x17930]  }
0x5d4: {  	[tilespmem:s7+$0x118F0] =	vst.add.f32.msk $0xffff, v0  }
0x5d5: {  	v5 =	vld [tilespmem:s7+$0x17940]  }
0x5d6: {  	v6 =	vld [tilespmem:s7+$0x17950]  }
0x5d7: {  	v7 =	vld [tilespmem:s7+$0x17960]  }
0x5d8: {  	v8 =	vld [tilespmem:s7+$0x17970]  }
0x5d9: {  	v9 =	vld [tilespmem:s7+$0x17980]  }
0x5da: {  	v10 =	vld [tilespmem:s7+$0x17990]  }
0x5db: {  	v11 =	vld [tilespmem:s7+$0x179A0]  }
0x5dc: {  	v12 =	vld [tilespmem:s7+$0x179B0]  }
0x5dd: {  	v13 =	vld [tilespmem:s7+$0x179C0]  }
0x5de: {  	v14 =	vld [tilespmem:s7+$0x179D0]  }
0x5df: {  	v15 =	vld [tilespmem:s7+$0x179E0]  }
0x5e0: {  	v16 =	vld [tilespmem:s7+$0x179F0]  }
0x5e1: {  	v17 =	vld [tilespmem:s7+$0x17A00]  }
0x5e2: {  	v18 =	vld [tilespmem:s7+$0x17A10]  }
0x5e3: {  	v19 =	vld [tilespmem:s7+$0x17A20]  }
0x5e4: {  	v20 =	vld [tilespmem:s7+$0x17A30]  }
0x5e5: {  	v21 =	vld [tilespmem:s7+$0x17A40]  }
0x5e6: {  	v22 =	vld [tilespmem:s7+$0x17A50]  }
0x5e7: {  	v23 =	vld [tilespmem:s7+$0x17A60]  }
0x5e8: {  	v24 =	vld [tilespmem:s7+$0x17A70]  }
0x5e9: {  	v25 =	vld [tilespmem:s7+$0x17A80]  }
0x5ea: {  	v26 =	vld [tilespmem:s7+$0x17A90]  }
0x5eb: {  	v27 =	vld [tilespmem:s7+$0x17AA0]  }
0x5ec: {  	v28 =	vld [tilespmem:s7+$0x17AB0]  }
0x5ed: {  	v29 =	vld [tilespmem:s7+$0x17AC0]  }
0x5ee: {  	v30 =	vld [tilespmem:s7+$0x17AD0]  }
0x5ef: {  	v31 =	vld [tilespmem:s7+$0x17AE0]  }
0x5f0: {  	v32 =	vld [tilespmem:s7+$0x17AF0]  }
0x5f1: {  	v33 =	vld [tilespmem:s7+$0x17B00]  }
0x5f2: {  	v34 =	vld [tilespmem:s7+$0x17B10]  }
0x5f3: {  	v35 =	vld [tilespmem:s7+$0x17B20]  }
0x5f4: {  	v36 =	vld [tilespmem:s7+$0x17B30]  }
0x5f5: {  	v37 =	vld [tilespmem:s7+$0x17B40]  }
0x5f6: {  	v38 =	vld [tilespmem:s7+$0x17B50]  }
0x5f7: {  	v39 =	vld [tilespmem:s7+$0x17B60]  }
0x5f8: {  	v40 =	vld [tilespmem:s7+$0x17B70]  }
0x5f9: {  	v41 =	vld [tilespmem:s7+$0x17B80]  }
0x5fa: {  	v42 =	vld [tilespmem:s7+$0x17B90]  }
0x5fb: {  	v43 =	vld [tilespmem:s7+$0x17BA0]  }
0x5fc: {  	v44 =	vld [tilespmem:s7+$0x17BB0]  }
0x5fd: {  	v45 =	vld [tilespmem:s7+$0x17BC0]  }
0x5fe: {  	v46 =	vld [tilespmem:s7+$0x17BD0]  }
0x5ff: {  	v47 =	vld [tilespmem:s7+$0x17BE0]  }
0x600: {  	v48 =	vld [tilespmem:s7+$0x17BF0]  }
0x601: {  	v49 =	vld [tilespmem:s7+$0x17C00]  }
0x602: {  	v50 =	vld [tilespmem:s7+$0x17C10]  }
0x603: {  	v51 =	vld [tilespmem:s7+$0x17C20]  }
0x604: {  	v52 =	vld [tilespmem:s7+$0x17C30]  }
0x605: {  	v53 =	vld [tilespmem:s7+$0x17C40]  }
0x606: {  	v54 =	vld [tilespmem:s7+$0x17C50]  }
0x607: {  	v55 =	vld [tilespmem:s7+$0x17C60]  }
0x608: {  	v56 =	vld [tilespmem:s7+$0x17C70]  }
0x609: {  	v57 =	vld [tilespmem:s7+$0x17C80]  }
0x60a: {  	v58 =	vld [tilespmem:s7+$0x17C90]  }
0x60b: {  	v59 =	vld [tilespmem:s7+$0x17CA0]  }
0x60c: {  	v60 =	vld [tilespmem:s7+$0x17CB0]  }
0x60d: {  	v61 =	vld [tilespmem:s7+$0x17CC0]  }
0x60e: {  	v62 =	vld [tilespmem:s7+$0x17CD0]  }
0x60f: {  	v0 =	vld [tilespmem:s7+$0x17CE0]  }
0x610: {  	[tilespmem:s7+$0x11500] =	vst.add.f32.msk $0xffff, v1  }
0x611: {  	[tilespmem:s7+$0x11510] =	vst.add.f32.msk $0xffff, v2  }
0x612: {  	[tilespmem:s7+$0x11520] =	vst.add.f32.msk $0xffff, v3  }
0x613: {  	[tilespmem:s7+$0x11530] =	vst.add.f32.msk $0xffff, v4  }
0x614: {  	[tilespmem:s7+$0x11540] =	vst.add.f32.msk $0xffff, v5  }
0x615: {  	[tilespmem:s7+$0x11550] =	vst.add.f32.msk $0xffff, v6  }
0x616: {  	[tilespmem:s7+$0x11560] =	vst.add.f32.msk $0xffff, v7  }
0x617: {  	[tilespmem:s7+$0x11570] =	vst.add.f32.msk $0xffff, v8  }
0x618: {  	[tilespmem:s7+$0x11580] =	vst.add.f32.msk $0xffff, v9  }
0x619: {  	[tilespmem:s7+$0x11590] =	vst.add.f32.msk $0xffff, v10  }
0x61a: {  	[tilespmem:s7+$0x115A0] =	vst.add.f32.msk $0xffff, v11  }
0x61b: {  	[tilespmem:s7+$0x115B0] =	vst.add.f32.msk $0xffff, v12  }
0x61c: {  	[tilespmem:s7+$0x115C0] =	vst.add.f32.msk $0xffff, v13  }
0x61d: {  	[tilespmem:s7+$0x115D0] =	vst.add.f32.msk $0xffff, v14  }
0x61e: {  	[tilespmem:s7+$0x115E0] =	vst.add.f32.msk $0xffff, v15  }
0x61f: {  	[tilespmem:s7+$0x115F0] =	vst.add.f32.msk $0xffff, v16  }
0x620: {  	[tilespmem:s7+$0x11600] =	vst.add.f32.msk $0xffff, v17  }
0x621: {  	[tilespmem:s7+$0x11610] =	vst.add.f32.msk $0xffff, v18  }
0x622: {  	[tilespmem:s7+$0x11620] =	vst.add.f32.msk $0xffff, v19  }
0x623: {  	[tilespmem:s7+$0x11630] =	vst.add.f32.msk $0xffff, v20  }
0x624: {  	[tilespmem:s7+$0x11640] =	vst.add.f32.msk $0xffff, v21  }
0x625: {  	[tilespmem:s7+$0x11650] =	vst.add.f32.msk $0xffff, v22  }
0x626: {  	[tilespmem:s7+$0x11660] =	vst.add.f32.msk $0xffff, v23  }
0x627: {  	[tilespmem:s7+$0x11670] =	vst.add.f32.msk $0xffff, v24  }
0x628: {  	[tilespmem:s7+$0x11680] =	vst.add.f32.msk $0xffff, v25  }
0x629: {  	[tilespmem:s7+$0x11690] =	vst.add.f32.msk $0xffff, v26  }
0x62a: {  	[tilespmem:s7+$0x116A0] =	vst.add.f32.msk $0xffff, v27  }
0x62b: {  	[tilespmem:s7+$0x116B0] =	vst.add.f32.msk $0xffff, v28  }
0x62c: {  	[tilespmem:s7+$0x116C0] =	vst.add.f32.msk $0xffff, v29  }
0x62d: {  	[tilespmem:s7+$0x116D0] =	vst.add.f32.msk $0xffff, v30  }
0x62e: {  	[tilespmem:s7+$0x116E0] =	vst.add.f32.msk $0xffff, v31  }
0x62f: {  	[tilespmem:s7+$0x116F0] =	vst.add.f32.msk $0xffff, v32  }
0x630: {  	[tilespmem:s7+$0x11700] =	vst.add.f32.msk $0xffff, v33  }
0x631: {  	[tilespmem:s7+$0x11710] =	vst.add.f32.msk $0xffff, v34  }
0x632: {  	[tilespmem:s7+$0x11720] =	vst.add.f32.msk $0xffff, v35  }
0x633: {  	[tilespmem:s7+$0x11730] =	vst.add.f32.msk $0xffff, v36  }
0x634: {  	[tilespmem:s7+$0x11740] =	vst.add.f32.msk $0xffff, v37  }
0x635: {  	[tilespmem:s7+$0x11750] =	vst.add.f32.msk $0xffff, v38  }
0x636: {  	[tilespmem:s7+$0x11760] =	vst.add.f32.msk $0xffff, v39  }
0x637: {  	[tilespmem:s7+$0x11770] =	vst.add.f32.msk $0xffff, v40  }
0x638: {  	[tilespmem:s7+$0x11780] =	vst.add.f32.msk $0xffff, v41  }
0x639: {  	[tilespmem:s7+$0x11790] =	vst.add.f32.msk $0xffff, v42  }
0x63a: {  	[tilespmem:s7+$0x117A0] =	vst.add.f32.msk $0xffff, v43  }
0x63b: {  	[tilespmem:s7+$0x117B0] =	vst.add.f32.msk $0xffff, v44  }
0x63c: {  	[tilespmem:s7+$0x117C0] =	vst.add.f32.msk $0xffff, v45  }
0x63d: {  	[tilespmem:s7+$0x117D0] =	vst.add.f32.msk $0xffff, v46  }
0x63e: {  	[tilespmem:s7+$0x117E0] =	vst.add.f32.msk $0xffff, v47  }
0x63f: {  	[tilespmem:s7+$0x117F0] =	vst.add.f32.msk $0xffff, v48  }
0x640: {  	[tilespmem:s7+$0x11800] =	vst.add.f32.msk $0xffff, v49  }
0x641: {  	[tilespmem:s7+$0x11810] =	vst.add.f32.msk $0xffff, v50  }
0x642: {  	[tilespmem:s7+$0x11820] =	vst.add.f32.msk $0xffff, v51  }
0x643: {  	[tilespmem:s7+$0x11830] =	vst.add.f32.msk $0xffff, v52  }
0x644: {  	[tilespmem:s7+$0x11840] =	vst.add.f32.msk $0xffff, v53  }
0x645: {  	[tilespmem:s7+$0x11850] =	vst.add.f32.msk $0xffff, v54  }
0x646: {  	[tilespmem:s7+$0x11860] =	vst.add.f32.msk $0xffff, v55  }
0x647: {  	[tilespmem:s7+$0x11870] =	vst.add.f32.msk $0xffff, v56  }
0x648: {  	[tilespmem:s7+$0x11880] =	vst.add.f32.msk $0xffff, v57  }
.Ltmp5:
0x649: {  	[tilespmem:s7+$0x11890] =	vst.add.f32.msk $0xffff, v58;
	(pc) =	sbr.rel @p0 .LBB2_13-.Ltmp5, $4  }
0x64a: {  	[tilespmem:s7+$0x118A0] =	vst.add.f32.msk $0xffff, v59  }
0x64b: {  	[tilespmem:s7+$0x118B0] =	vst.add.f32.msk $0xffff, v60  }
0x64c: {  	[tilespmem:s7+$0x118C0] =	vst.add.f32.msk $0xffff, v61  }
0x64d: {  	s11 =	sadd.s32 $0x1000, s11;
	[tilespmem:s7+$0x118D0] =	vst.add.f32.msk $0xffff, v62  }
0x64e: {  	s3 =	sadd.s32 $0x1, s3  }
0x64f: {  	p0 =	sne.s32 s3, $0xA  }
.Ltmp6:
0x650: {  	_ = 	snop;
	(pc) =	sbr.rel @p0 .LBB2_2-.Ltmp6, $3  }
0x651: {  	_ =	sdelay $0x1  }
0x652: {  	[tilespmem:s7+$0x118E0] =	vst.add.f32.msk $0xffff, v0;
	s2 =	sadd.s32 $0x680, s2  }
0x653: {  	[hbm4b:s2+s5] =	stream.linear.scatter [tilespmem:s23], [sflag:$0x9], $0x3000, $0x38;
	[tilespmem:$0x1A900] =	vst v63  }
0x654: {  	s2 =	simm.s32 $0x9  }
0x655: {  	_ =	swait.ge [sflag:s2], $0x6400  }
0x656: {  	[sflag:s2] =	ssyncset.done $0x0  }
0x657: {  	s30 =	simm.s32 $0x1838;
	[sflag:s2] =	ssyncadd.s32 $0xFFFF9C00  }
0x658: {  	[tilespmem:s17], [sflag:$0x2] =	stream.indirect.gather [hbm4b:s1+s13], $0x80, s30, s13, $0xb8;
	[tilespmem:$0x1A900] =	vst v63  }
0x659: {  	s31 =	simm.s32 $0x18A0  }
0x65a: {  	[tilespmem:s18], [sflag:$0x5] =	stream.indirect.gather [hbm4b:s1+s15], $0x80, s31, s15, $0xb8;
	[tilespmem:$0x1A900] =	vst v63  }
0x65b: {  	_ =	swait.ge [sflag:s19], $0x3400  }
0x65c: {  	[sflag:s19] =	ssyncset.done $0x0  }
0x65d: {  	s2 =	simm.s32 $0x0;
	[sflag:s19] =	ssyncadd.s32 $0xFFFFCC00  }
0x65e: {  	v0 =	vld [tilespmem:s2+$0x148F0]  }
0x65f: {  	v1 =	vld [tilespmem:s2+$0x14500]  }
0x660: {  	v2 =	vld [tilespmem:s2+$0x14510]  }
0x661: {  	v3 =	vld [tilespmem:s2+$0x14520]  }
0x662: {  	v4 =	vld [tilespmem:s2+$0x14530]  }
0x663: {  	v5 =	vld [tilespmem:s2+$0x14540]  }
0x664: {  	v6 =	vld [tilespmem:s2+$0x14550]  }
0x665: {  	v7 =	vld [tilespmem:s2+$0x14560]  }
0x666: {  	v8 =	vld [tilespmem:s2+$0x14570]  }
0x667: {  	v9 =	vld [tilespmem:s2+$0x14580]  }
0x668: {  	v10 =	vld [tilespmem:s2+$0x14590]  }
0x669: {  	v11 =	vld [tilespmem:s2+$0x145A0]  }
0x66a: {  	v12 =	vld [tilespmem:s2+$0x145B0]  }
0x66b: {  	v13 =	vld [tilespmem:s2+$0x145C0]  }
0x66c: {  	v14 =	vld [tilespmem:s2+$0x145D0]  }
0x66d: {  	v15 =	vld [tilespmem:s2+$0x145E0]  }
0x66e: {  	v16 =	vld [tilespmem:s2+$0x145F0]  }
0x66f: {  	v17 =	vld [tilespmem:s2+$0x14600]  }
0x670: {  	v18 =	vld [tilespmem:s2+$0x14610]  }
0x671: {  	v19 =	vld [tilespmem:s2+$0x14620]  }
0x672: {  	v20 =	vld [tilespmem:s2+$0x14630]  }
0x673: {  	v21 =	vld [tilespmem:s2+$0x14640]  }
0x674: {  	v22 =	vld [tilespmem:s2+$0x14650]  }
0x675: {  	v23 =	vld [tilespmem:s2+$0x14660]  }
0x676: {  	v24 =	vld [tilespmem:s2+$0x14670]  }
0x677: {  	v25 =	vld [tilespmem:s2+$0x14680]  }
0x678: {  	v26 =	vld [tilespmem:s2+$0x14690]  }
0x679: {  	v27 =	vld [tilespmem:s2+$0x146A0]  }
0x67a: {  	v28 =	vld [tilespmem:s2+$0x146B0]  }
0x67b: {  	v29 =	vld [tilespmem:s2+$0x146C0]  }
0x67c: {  	v30 =	vld [tilespmem:s2+$0x146D0]  }
0x67d: {  	v31 =	vld [tilespmem:s2+$0x146E0]  }
0x67e: {  	v32 =	vld [tilespmem:s2+$0x146F0]  }
0x67f: {  	v33 =	vld [tilespmem:s2+$0x14700]  }
0x680: {  	v34 =	vld [tilespmem:s2+$0x14710]  }
0x681: {  	v35 =	vld [tilespmem:s2+$0x14720]  }
0x682: {  	v36 =	vld [tilespmem:s2+$0x14730]  }
0x683: {  	v37 =	vld [tilespmem:s2+$0x14740]  }
0x684: {  	v38 =	vld [tilespmem:s2+$0x14750]  }
0x685: {  	v39 =	vld [tilespmem:s2+$0x14760]  }
0x686: {  	v40 =	vld [tilespmem:s2+$0x14770]  }
0x687: {  	v41 =	vld [tilespmem:s2+$0x14780]  }
0x688: {  	v42 =	vld [tilespmem:s2+$0x14790]  }
0x689: {  	v43 =	vld [tilespmem:s2+$0x147A0]  }
0x68a: {  	v44 =	vld [tilespmem:s2+$0x147B0]  }
0x68b: {  	v45 =	vld [tilespmem:s2+$0x147C0]  }
0x68c: {  	v46 =	vld [tilespmem:s2+$0x147D0]  }
0x68d: {  	v47 =	vld [tilespmem:s2+$0x147E0]  }
0x68e: {  	v48 =	vld [tilespmem:s2+$0x147F0]  }
0x68f: {  	v49 =	vld [tilespmem:s2+$0x14800]  }
0x690: {  	v50 =	vld [tilespmem:s2+$0x14810]  }
0x691: {  	v51 =	vld [tilespmem:s2+$0x14820]  }
0x692: {  	v52 =	vld [tilespmem:s2+$0x14830]  }
0x693: {  	v53 =	vld [tilespmem:s2+$0x14840]  }
0x694: {  	v54 =	vld [tilespmem:s2+$0x14850]  }
0x695: {  	v55 =	vld [tilespmem:s2+$0x14860]  }
0x696: {  	v56 =	vld [tilespmem:s2+$0x14870]  }
0x697: {  	v57 =	vld [tilespmem:s2+$0x14880]  }
0x698: {  	v58 =	vld [tilespmem:s2+$0x14890]  }
0x699: {  	v59 =	vld [tilespmem:s2+$0x148A0]  }
0x69a: {  	v60 =	vld [tilespmem:s2+$0x148B0]  }
0x69b: {  	v61 =	vld [tilespmem:s2+$0x148C0]  }
0x69c: {  	v62 =	vld [tilespmem:s2+$0x148D0]  }
0x69d: {  	[tilespmem:s2+$0x1CF0] =	vst.add.f32.msk $0xffff, v0  }
0x69e: {  	v0 =	vld [tilespmem:s2+$0x148E0]  }
0x69f: {  	[tilespmem:s2+$0x1900] =	vst.add.f32.msk $0xffff, v1  }
0x6a0: {  	[tilespmem:s2+$0x1910] =	vst.add.f32.msk $0xffff, v2  }
0x6a1: {  	[tilespmem:s2+$0x1920] =	vst.add.f32.msk $0xffff, v3  }
0x6a2: {  	[tilespmem:s2+$0x1930] =	vst.add.f32.msk $0xffff, v4  }
0x6a3: {  	[tilespmem:s2+$0x1940] =	vst.add.f32.msk $0xffff, v5  }
0x6a4: {  	[tilespmem:s2+$0x1950] =	vst.add.f32.msk $0xffff, v6  }
0x6a5: {  	[tilespmem:s2+$0x1960] =	vst.add.f32.msk $0xffff, v7  }
0x6a6: {  	[tilespmem:s2+$0x1970] =	vst.add.f32.msk $0xffff, v8  }
0x6a7: {  	[tilespmem:s2+$0x1980] =	vst.add.f32.msk $0xffff, v9  }
0x6a8: {  	[tilespmem:s2+$0x1990] =	vst.add.f32.msk $0xffff, v10  }
0x6a9: {  	[tilespmem:s2+$0x19A0] =	vst.add.f32.msk $0xffff, v11  }
0x6aa: {  	[tilespmem:s2+$0x19B0] =	vst.add.f32.msk $0xffff, v12  }
0x6ab: {  	[tilespmem:s2+$0x19C0] =	vst.add.f32.msk $0xffff, v13  }
0x6ac: {  	[tilespmem:s2+$0x19D0] =	vst.add.f32.msk $0xffff, v14  }
0x6ad: {  	[tilespmem:s2+$0x19E0] =	vst.add.f32.msk $0xffff, v15  }
0x6ae: {  	[tilespmem:s2+$0x19F0] =	vst.add.f32.msk $0xffff, v16  }
0x6af: {  	[tilespmem:s2+$0x1A00] =	vst.add.f32.msk $0xffff, v17  }
0x6b0: {  	[tilespmem:s2+$0x1A10] =	vst.add.f32.msk $0xffff, v18  }
0x6b1: {  	[tilespmem:s2+$0x1A20] =	vst.add.f32.msk $0xffff, v19  }
0x6b2: {  	[tilespmem:s2+$0x1A30] =	vst.add.f32.msk $0xffff, v20  }
0x6b3: {  	[tilespmem:s2+$0x1A40] =	vst.add.f32.msk $0xffff, v21  }
0x6b4: {  	[tilespmem:s2+$0x1A50] =	vst.add.f32.msk $0xffff, v22  }
0x6b5: {  	[tilespmem:s2+$0x1A60] =	vst.add.f32.msk $0xffff, v23  }
0x6b6: {  	[tilespmem:s2+$0x1A70] =	vst.add.f32.msk $0xffff, v24  }
0x6b7: {  	[tilespmem:s2+$0x1A80] =	vst.add.f32.msk $0xffff, v25  }
0x6b8: {  	[tilespmem:s2+$0x1A90] =	vst.add.f32.msk $0xffff, v26  }
0x6b9: {  	[tilespmem:s2+$0x1AA0] =	vst.add.f32.msk $0xffff, v27  }
0x6ba: {  	[tilespmem:s2+$0x1AB0] =	vst.add.f32.msk $0xffff, v28  }
0x6bb: {  	[tilespmem:s2+$0x1AC0] =	vst.add.f32.msk $0xffff, v29  }
0x6bc: {  	[tilespmem:s2+$0x1AD0] =	vst.add.f32.msk $0xffff, v30  }
0x6bd: {  	[tilespmem:s2+$0x1AE0] =	vst.add.f32.msk $0xffff, v31  }
0x6be: {  	[tilespmem:s2+$0x1AF0] =	vst.add.f32.msk $0xffff, v32  }
0x6bf: {  	[tilespmem:s2+$0x1B00] =	vst.add.f32.msk $0xffff, v33  }
0x6c0: {  	[tilespmem:s2+$0x1B10] =	vst.add.f32.msk $0xffff, v34  }
0x6c1: {  	[tilespmem:s2+$0x1B20] =	vst.add.f32.msk $0xffff, v35  }
0x6c2: {  	[tilespmem:s2+$0x1B30] =	vst.add.f32.msk $0xffff, v36  }
0x6c3: {  	[tilespmem:s2+$0x1B40] =	vst.add.f32.msk $0xffff, v37  }
0x6c4: {  	[tilespmem:s2+$0x1B50] =	vst.add.f32.msk $0xffff, v38  }
0x6c5: {  	[tilespmem:s2+$0x1B60] =	vst.add.f32.msk $0xffff, v39  }
0x6c6: {  	[tilespmem:s2+$0x1B70] =	vst.add.f32.msk $0xffff, v40  }
0x6c7: {  	[tilespmem:s2+$0x1B80] =	vst.add.f32.msk $0xffff, v41  }
0x6c8: {  	[tilespmem:s2+$0x1B90] =	vst.add.f32.msk $0xffff, v42  }
0x6c9: {  	[tilespmem:s2+$0x1BA0] =	vst.add.f32.msk $0xffff, v43  }
0x6ca: {  	[tilespmem:s2+$0x1BB0] =	vst.add.f32.msk $0xffff, v44  }
0x6cb: {  	[tilespmem:s2+$0x1BC0] =	vst.add.f32.msk $0xffff, v45  }
0x6cc: {  	[tilespmem:s2+$0x1BD0] =	vst.add.f32.msk $0xffff, v46  }
0x6cd: {  	[tilespmem:s2+$0x1BE0] =	vst.add.f32.msk $0xffff, v47  }
0x6ce: {  	[tilespmem:s2+$0x1BF0] =	vst.add.f32.msk $0xffff, v48  }
0x6cf: {  	[tilespmem:s2+$0x1C00] =	vst.add.f32.msk $0xffff, v49  }
0x6d0: {  	[tilespmem:s2+$0x1C10] =	vst.add.f32.msk $0xffff, v50  }
0x6d1: {  	[tilespmem:s2+$0x1C20] =	vst.add.f32.msk $0xffff, v51  }
0x6d2: {  	[tilespmem:s2+$0x1C30] =	vst.add.f32.msk $0xffff, v52  }
0x6d3: {  	[tilespmem:s2+$0x1C40] =	vst.add.f32.msk $0xffff, v53  }
0x6d4: {  	[tilespmem:s2+$0x1C50] =	vst.add.f32.msk $0xffff, v54  }
0x6d5: {  	[tilespmem:s2+$0x1C60] =	vst.add.f32.msk $0xffff, v55  }
0x6d6: {  	[tilespmem:s2+$0x1C70] =	vst.add.f32.msk $0xffff, v56  }
0x6d7: {  	[tilespmem:s2+$0x1C80] =	vst.add.f32.msk $0xffff, v57  }
0x6d8: {  	[tilespmem:s2+$0x1C90] =	vst.add.f32.msk $0xffff, v58  }
0x6d9: {  	[tilespmem:s2+$0x1CA0] =	vst.add.f32.msk $0xffff, v59  }
0x6da: {  	[tilespmem:s2+$0x1CB0] =	vst.add.f32.msk $0xffff, v60  }
0x6db: {  	[tilespmem:s2+$0x1CC0] =	vst.add.f32.msk $0xffff, v61  }
0x6dc: {  	s3 =	simm.s32 $0x0;
	s7 =	simm.s32 $0x1000;
	[tilespmem:s2+$0x1CD0] =	vst.add.f32.msk $0xffff, v62  }
.LBB2_16:
0x6dd: {  	s3 =	sadd.s32 $0x8, s3;
	[tilespmem:s2+$0x1CE0] =	vst.add.f32.msk $0xffff, v0;
	s2 =	sshra.s32 s7, $0x2  }
0x6de: {  	v0 =	vld [tilespmem:s2+$0x148F0];
	p0 =	slt.u32 s3, $0x60  }
0x6df: {  	v1 =	vld [tilespmem:s2+$0x14500]  }
0x6e0: {  	v2 =	vld [tilespmem:s2+$0x14510]  }
0x6e1: {  	v3 =	vld [tilespmem:s2+$0x14520]  }
0x6e2: {  	v4 =	vld [tilespmem:s2+$0x14530]  }
0x6e3: {  	[tilespmem:s2+$0x1CF0] =	vst.add.f32.msk $0xffff, v0  }
0x6e4: {  	v5 =	vld [tilespmem:s2+$0x14540]  }
0x6e5: {  	v6 =	vld [tilespmem:s2+$0x14550]  }
0x6e6: {  	v7 =	vld [tilespmem:s2+$0x14560]  }
0x6e7: {  	v8 =	vld [tilespmem:s2+$0x14570]  }
0x6e8: {  	v9 =	vld [tilespmem:s2+$0x14580]  }
0x6e9: {  	v10 =	vld [tilespmem:s2+$0x14590]  }
0x6ea: {  	v11 =	vld [tilespmem:s2+$0x145A0]  }
0x6eb: {  	v12 =	vld [tilespmem:s2+$0x145B0]  }
0x6ec: {  	v13 =	vld [tilespmem:s2+$0x145C0]  }
0x6ed: {  	v14 =	vld [tilespmem:s2+$0x145D0]  }
0x6ee: {  	v15 =	vld [tilespmem:s2+$0x145E0]  }
0x6ef: {  	v16 =	vld [tilespmem:s2+$0x145F0]  }
0x6f0: {  	v17 =	vld [tilespmem:s2+$0x14600]  }
0x6f1: {  	v18 =	vld [tilespmem:s2+$0x14610]  }
0x6f2: {  	v19 =	vld [tilespmem:s2+$0x14620]  }
0x6f3: {  	v20 =	vld [tilespmem:s2+$0x14630]  }
0x6f4: {  	v21 =	vld [tilespmem:s2+$0x14640]  }
0x6f5: {  	v22 =	vld [tilespmem:s2+$0x14650]  }
0x6f6: {  	v23 =	vld [tilespmem:s2+$0x14660]  }
0x6f7: {  	v24 =	vld [tilespmem:s2+$0x14670]  }
0x6f8: {  	v25 =	vld [tilespmem:s2+$0x14680]  }
0x6f9: {  	v26 =	vld [tilespmem:s2+$0x14690]  }
0x6fa: {  	v27 =	vld [tilespmem:s2+$0x146A0]  }
0x6fb: {  	v28 =	vld [tilespmem:s2+$0x146B0]  }
0x6fc: {  	v29 =	vld [tilespmem:s2+$0x146C0]  }
0x6fd: {  	v30 =	vld [tilespmem:s2+$0x146D0]  }
0x6fe: {  	v31 =	vld [tilespmem:s2+$0x146E0]  }
0x6ff: {  	v32 =	vld [tilespmem:s2+$0x146F0]  }
0x700: {  	v33 =	vld [tilespmem:s2+$0x14700]  }
0x701: {  	v34 =	vld [tilespmem:s2+$0x14710]  }
0x702: {  	v35 =	vld [tilespmem:s2+$0x14720]  }
0x703: {  	v36 =	vld [tilespmem:s2+$0x14730]  }
0x704: {  	v37 =	vld [tilespmem:s2+$0x14740]  }
0x705: {  	v38 =	vld [tilespmem:s2+$0x14750]  }
0x706: {  	v39 =	vld [tilespmem:s2+$0x14760]  }
0x707: {  	v40 =	vld [tilespmem:s2+$0x14770]  }
0x708: {  	v41 =	vld [tilespmem:s2+$0x14780]  }
0x709: {  	v42 =	vld [tilespmem:s2+$0x14790]  }
0x70a: {  	v43 =	vld [tilespmem:s2+$0x147A0]  }
0x70b: {  	v44 =	vld [tilespmem:s2+$0x147B0]  }
0x70c: {  	v45 =	vld [tilespmem:s2+$0x147C0]  }
0x70d: {  	v46 =	vld [tilespmem:s2+$0x147D0]  }
0x70e: {  	v47 =	vld [tilespmem:s2+$0x147E0]  }
0x70f: {  	v48 =	vld [tilespmem:s2+$0x147F0]  }
0x710: {  	v49 =	vld [tilespmem:s2+$0x14800]  }
0x711: {  	v50 =	vld [tilespmem:s2+$0x14810]  }
0x712: {  	v51 =	vld [tilespmem:s2+$0x14820]  }
0x713: {  	v52 =	vld [tilespmem:s2+$0x14830]  }
0x714: {  	v53 =	vld [tilespmem:s2+$0x14840]  }
0x715: {  	v54 =	vld [tilespmem:s2+$0x14850]  }
0x716: {  	v55 =	vld [tilespmem:s2+$0x14860]  }
0x717: {  	v56 =	vld [tilespmem:s2+$0x14870]  }
0x718: {  	v57 =	vld [tilespmem:s2+$0x14880]  }
0x719: {  	v58 =	vld [tilespmem:s2+$0x14890]  }
0x71a: {  	v59 =	vld [tilespmem:s2+$0x148A0]  }
0x71b: {  	v60 =	vld [tilespmem:s2+$0x148B0]  }
0x71c: {  	v61 =	vld [tilespmem:s2+$0x148C0]  }
0x71d: {  	v62 =	vld [tilespmem:s2+$0x148D0]  }
0x71e: {  	v0 =	vld [tilespmem:s2+$0x148E0]  }
0x71f: {  	[tilespmem:s2+$0x1900] =	vst.add.f32.msk $0xffff, v1  }
0x720: {  	[tilespmem:s2+$0x1910] =	vst.add.f32.msk $0xffff, v2  }
0x721: {  	[tilespmem:s2+$0x1920] =	vst.add.f32.msk $0xffff, v3  }
0x722: {  	[tilespmem:s2+$0x1930] =	vst.add.f32.msk $0xffff, v4  }
0x723: {  	[tilespmem:s2+$0x1940] =	vst.add.f32.msk $0xffff, v5  }
0x724: {  	[tilespmem:s2+$0x1950] =	vst.add.f32.msk $0xffff, v6  }
0x725: {  	[tilespmem:s2+$0x1960] =	vst.add.f32.msk $0xffff, v7  }
0x726: {  	[tilespmem:s2+$0x1970] =	vst.add.f32.msk $0xffff, v8  }
0x727: {  	[tilespmem:s2+$0x1980] =	vst.add.f32.msk $0xffff, v9  }
0x728: {  	[tilespmem:s2+$0x1990] =	vst.add.f32.msk $0xffff, v10  }
0x729: {  	[tilespmem:s2+$0x19A0] =	vst.add.f32.msk $0xffff, v11  }
0x72a: {  	[tilespmem:s2+$0x19B0] =	vst.add.f32.msk $0xffff, v12  }
0x72b: {  	[tilespmem:s2+$0x19C0] =	vst.add.f32.msk $0xffff, v13  }
0x72c: {  	[tilespmem:s2+$0x19D0] =	vst.add.f32.msk $0xffff, v14  }
0x72d: {  	[tilespmem:s2+$0x19E0] =	vst.add.f32.msk $0xffff, v15  }
0x72e: {  	[tilespmem:s2+$0x19F0] =	vst.add.f32.msk $0xffff, v16  }
0x72f: {  	[tilespmem:s2+$0x1A00] =	vst.add.f32.msk $0xffff, v17  }
0x730: {  	[tilespmem:s2+$0x1A10] =	vst.add.f32.msk $0xffff, v18  }
0x731: {  	[tilespmem:s2+$0x1A20] =	vst.add.f32.msk $0xffff, v19  }
0x732: {  	[tilespmem:s2+$0x1A30] =	vst.add.f32.msk $0xffff, v20  }
0x733: {  	[tilespmem:s2+$0x1A40] =	vst.add.f32.msk $0xffff, v21  }
0x734: {  	[tilespmem:s2+$0x1A50] =	vst.add.f32.msk $0xffff, v22  }
0x735: {  	[tilespmem:s2+$0x1A60] =	vst.add.f32.msk $0xffff, v23  }
0x736: {  	[tilespmem:s2+$0x1A70] =	vst.add.f32.msk $0xffff, v24  }
0x737: {  	[tilespmem:s2+$0x1A80] =	vst.add.f32.msk $0xffff, v25  }
0x738: {  	[tilespmem:s2+$0x1A90] =	vst.add.f32.msk $0xffff, v26  }
0x739: {  	[tilespmem:s2+$0x1AA0] =	vst.add.f32.msk $0xffff, v27  }
0x73a: {  	[tilespmem:s2+$0x1AB0] =	vst.add.f32.msk $0xffff, v28  }
0x73b: {  	[tilespmem:s2+$0x1AC0] =	vst.add.f32.msk $0xffff, v29  }
0x73c: {  	[tilespmem:s2+$0x1AD0] =	vst.add.f32.msk $0xffff, v30  }
0x73d: {  	[tilespmem:s2+$0x1AE0] =	vst.add.f32.msk $0xffff, v31  }
0x73e: {  	[tilespmem:s2+$0x1AF0] =	vst.add.f32.msk $0xffff, v32  }
0x73f: {  	[tilespmem:s2+$0x1B00] =	vst.add.f32.msk $0xffff, v33  }
0x740: {  	[tilespmem:s2+$0x1B10] =	vst.add.f32.msk $0xffff, v34  }
0x741: {  	[tilespmem:s2+$0x1B20] =	vst.add.f32.msk $0xffff, v35  }
0x742: {  	[tilespmem:s2+$0x1B30] =	vst.add.f32.msk $0xffff, v36  }
0x743: {  	[tilespmem:s2+$0x1B40] =	vst.add.f32.msk $0xffff, v37  }
0x744: {  	[tilespmem:s2+$0x1B50] =	vst.add.f32.msk $0xffff, v38  }
0x745: {  	[tilespmem:s2+$0x1B60] =	vst.add.f32.msk $0xffff, v39  }
0x746: {  	[tilespmem:s2+$0x1B70] =	vst.add.f32.msk $0xffff, v40  }
0x747: {  	[tilespmem:s2+$0x1B80] =	vst.add.f32.msk $0xffff, v41  }
0x748: {  	[tilespmem:s2+$0x1B90] =	vst.add.f32.msk $0xffff, v42  }
0x749: {  	[tilespmem:s2+$0x1BA0] =	vst.add.f32.msk $0xffff, v43  }
0x74a: {  	[tilespmem:s2+$0x1BB0] =	vst.add.f32.msk $0xffff, v44  }
0x74b: {  	[tilespmem:s2+$0x1BC0] =	vst.add.f32.msk $0xffff, v45  }
0x74c: {  	[tilespmem:s2+$0x1BD0] =	vst.add.f32.msk $0xffff, v46  }
0x74d: {  	[tilespmem:s2+$0x1BE0] =	vst.add.f32.msk $0xffff, v47  }
0x74e: {  	[tilespmem:s2+$0x1BF0] =	vst.add.f32.msk $0xffff, v48  }
0x74f: {  	[tilespmem:s2+$0x1C00] =	vst.add.f32.msk $0xffff, v49  }
0x750: {  	[tilespmem:s2+$0x1C10] =	vst.add.f32.msk $0xffff, v50  }
0x751: {  	[tilespmem:s2+$0x1C20] =	vst.add.f32.msk $0xffff, v51  }
0x752: {  	[tilespmem:s2+$0x1C30] =	vst.add.f32.msk $0xffff, v52  }
0x753: {  	[tilespmem:s2+$0x1C40] =	vst.add.f32.msk $0xffff, v53  }
0x754: {  	[tilespmem:s2+$0x1C50] =	vst.add.f32.msk $0xffff, v54  }
0x755: {  	[tilespmem:s2+$0x1C60] =	vst.add.f32.msk $0xffff, v55  }
0x756: {  	[tilespmem:s2+$0x1C70] =	vst.add.f32.msk $0xffff, v56  }
0x757: {  	[tilespmem:s2+$0x1C80] =	vst.add.f32.msk $0xffff, v57  }
.Ltmp7:
0x758: {  	[tilespmem:s2+$0x1C90] =	vst.add.f32.msk $0xffff, v58;
	(pc) =	sbr.rel @p0 .LBB2_16-.Ltmp7, $4  }
0x759: {  	[tilespmem:s2+$0x1CA0] =	vst.add.f32.msk $0xffff, v59  }
0x75a: {  	[tilespmem:s2+$0x1CB0] =	vst.add.f32.msk $0xffff, v60  }
0x75b: {  	[tilespmem:s2+$0x1CC0] =	vst.add.f32.msk $0xffff, v61  }
0x75c: {  	s7 =	sadd.s32 $0x1000, s7;
	[tilespmem:s2+$0x1CD0] =	vst.add.f32.msk $0xffff, v62  }
0x75d: {  	[tilespmem:s2+$0x1CE0] =	vst.add.f32.msk $0xffff, v0;
	s31 =	simm.s32 $0x0  }
0x75e: {  	[hbm4b:s8+s31] =	stream.linear.scatter [tilespmem:s14], [sflag:$0x7], $0x3400, $0x38;
	[tilespmem:$0x1A900] =	vst v63  }
0x75f: {  	_ =	swait.ge [sflag:s20], $0x3000  }
0x760: {  	[sflag:s20] =	ssyncset.done $0x0  }
0x761: {  	s2 =	simm.s32 $0x0;
	[sflag:s20] =	ssyncadd.s32 $0xFFFFD000  }
0x762: {  	v0 =	vld [tilespmem:s2+$0x17CF0]  }
0x763: {  	v1 =	vld [tilespmem:s2+$0x17900]  }
0x764: {  	v2 =	vld [tilespmem:s2+$0x17910]  }
0x765: {  	v3 =	vld [tilespmem:s2+$0x17920]  }
0x766: {  	v4 =	vld [tilespmem:s2+$0x17930]  }
0x767: {  	v5 =	vld [tilespmem:s2+$0x17940]  }
0x768: {  	v6 =	vld [tilespmem:s2+$0x17950]  }
0x769: {  	v7 =	vld [tilespmem:s2+$0x17960]  }
0x76a: {  	v8 =	vld [tilespmem:s2+$0x17970]  }
0x76b: {  	v9 =	vld [tilespmem:s2+$0x17980]  }
0x76c: {  	v10 =	vld [tilespmem:s2+$0x17990]  }
0x76d: {  	v11 =	vld [tilespmem:s2+$0x179A0]  }
0x76e: {  	v12 =	vld [tilespmem:s2+$0x179B0]  }
0x76f: {  	v13 =	vld [tilespmem:s2+$0x179C0]  }
0x770: {  	v14 =	vld [tilespmem:s2+$0x179D0]  }
0x771: {  	v15 =	vld [tilespmem:s2+$0x179E0]  }
0x772: {  	v16 =	vld [tilespmem:s2+$0x179F0]  }
0x773: {  	v17 =	vld [tilespmem:s2+$0x17A00]  }
0x774: {  	v18 =	vld [tilespmem:s2+$0x17A10]  }
0x775: {  	v19 =	vld [tilespmem:s2+$0x17A20]  }
0x776: {  	v20 =	vld [tilespmem:s2+$0x17A30]  }
0x777: {  	v21 =	vld [tilespmem:s2+$0x17A40]  }
0x778: {  	v22 =	vld [tilespmem:s2+$0x17A50]  }
0x779: {  	v23 =	vld [tilespmem:s2+$0x17A60]  }
0x77a: {  	v24 =	vld [tilespmem:s2+$0x17A70]  }
0x77b: {  	v25 =	vld [tilespmem:s2+$0x17A80]  }
0x77c: {  	v26 =	vld [tilespmem:s2+$0x17A90]  }
0x77d: {  	v27 =	vld [tilespmem:s2+$0x17AA0]  }
0x77e: {  	v28 =	vld [tilespmem:s2+$0x17AB0]  }
0x77f: {  	v29 =	vld [tilespmem:s2+$0x17AC0]  }
0x780: {  	v30 =	vld [tilespmem:s2+$0x17AD0]  }
0x781: {  	v31 =	vld [tilespmem:s2+$0x17AE0]  }
0x782: {  	v32 =	vld [tilespmem:s2+$0x17AF0]  }
0x783: {  	v33 =	vld [tilespmem:s2+$0x17B00]  }
0x784: {  	v34 =	vld [tilespmem:s2+$0x17B10]  }
0x785: {  	v35 =	vld [tilespmem:s2+$0x17B20]  }
0x786: {  	v36 =	vld [tilespmem:s2+$0x17B30]  }
0x787: {  	v37 =	vld [tilespmem:s2+$0x17B40]  }
0x788: {  	v38 =	vld [tilespmem:s2+$0x17B50]  }
0x789: {  	v39 =	vld [tilespmem:s2+$0x17B60]  }
0x78a: {  	v40 =	vld [tilespmem:s2+$0x17B70]  }
0x78b: {  	v41 =	vld [tilespmem:s2+$0x17B80]  }
0x78c: {  	v42 =	vld [tilespmem:s2+$0x17B90]  }
0x78d: {  	v43 =	vld [tilespmem:s2+$0x17BA0]  }
0x78e: {  	v44 =	vld [tilespmem:s2+$0x17BB0]  }
0x78f: {  	v45 =	vld [tilespmem:s2+$0x17BC0]  }
0x790: {  	v46 =	vld [tilespmem:s2+$0x17BD0]  }
0x791: {  	v47 =	vld [tilespmem:s2+$0x17BE0]  }
0x792: {  	v48 =	vld [tilespmem:s2+$0x17BF0]  }
0x793: {  	v49 =	vld [tilespmem:s2+$0x17C00]  }
0x794: {  	v50 =	vld [tilespmem:s2+$0x17C10]  }
0x795: {  	v51 =	vld [tilespmem:s2+$0x17C20]  }
0x796: {  	v52 =	vld [tilespmem:s2+$0x17C30]  }
0x797: {  	v53 =	vld [tilespmem:s2+$0x17C40]  }
0x798: {  	v54 =	vld [tilespmem:s2+$0x17C50]  }
0x799: {  	v55 =	vld [tilespmem:s2+$0x17C60]  }
0x79a: {  	v56 =	vld [tilespmem:s2+$0x17C70]  }
0x79b: {  	v57 =	vld [tilespmem:s2+$0x17C80]  }
0x79c: {  	v58 =	vld [tilespmem:s2+$0x17C90]  }
0x79d: {  	v59 =	vld [tilespmem:s2+$0x17CA0]  }
0x79e: {  	v60 =	vld [tilespmem:s2+$0x17CB0]  }
0x79f: {  	v61 =	vld [tilespmem:s2+$0x17CC0]  }
0x7a0: {  	v62 =	vld [tilespmem:s2+$0x17CD0]  }
0x7a1: {  	[tilespmem:s2+$0x50F0] =	vst.add.f32.msk $0xffff, v0  }
0x7a2: {  	v0 =	vld [tilespmem:s2+$0x17CE0]  }
0x7a3: {  	[tilespmem:s2+$0x4D00] =	vst.add.f32.msk $0xffff, v1  }
0x7a4: {  	[tilespmem:s2+$0x4D10] =	vst.add.f32.msk $0xffff, v2  }
0x7a5: {  	[tilespmem:s2+$0x4D20] =	vst.add.f32.msk $0xffff, v3  }
0x7a6: {  	[tilespmem:s2+$0x4D30] =	vst.add.f32.msk $0xffff, v4  }
0x7a7: {  	[tilespmem:s2+$0x4D40] =	vst.add.f32.msk $0xffff, v5  }
0x7a8: {  	[tilespmem:s2+$0x4D50] =	vst.add.f32.msk $0xffff, v6  }
0x7a9: {  	[tilespmem:s2+$0x4D60] =	vst.add.f32.msk $0xffff, v7  }
0x7aa: {  	[tilespmem:s2+$0x4D70] =	vst.add.f32.msk $0xffff, v8  }
0x7ab: {  	[tilespmem:s2+$0x4D80] =	vst.add.f32.msk $0xffff, v9  }
0x7ac: {  	[tilespmem:s2+$0x4D90] =	vst.add.f32.msk $0xffff, v10  }
0x7ad: {  	[tilespmem:s2+$0x4DA0] =	vst.add.f32.msk $0xffff, v11  }
0x7ae: {  	[tilespmem:s2+$0x4DB0] =	vst.add.f32.msk $0xffff, v12  }
0x7af: {  	[tilespmem:s2+$0x4DC0] =	vst.add.f32.msk $0xffff, v13  }
0x7b0: {  	[tilespmem:s2+$0x4DD0] =	vst.add.f32.msk $0xffff, v14  }
0x7b1: {  	[tilespmem:s2+$0x4DE0] =	vst.add.f32.msk $0xffff, v15  }
0x7b2: {  	[tilespmem:s2+$0x4DF0] =	vst.add.f32.msk $0xffff, v16  }
0x7b3: {  	[tilespmem:s2+$0x4E00] =	vst.add.f32.msk $0xffff, v17  }
0x7b4: {  	[tilespmem:s2+$0x4E10] =	vst.add.f32.msk $0xffff, v18  }
0x7b5: {  	[tilespmem:s2+$0x4E20] =	vst.add.f32.msk $0xffff, v19  }
0x7b6: {  	[tilespmem:s2+$0x4E30] =	vst.add.f32.msk $0xffff, v20  }
0x7b7: {  	[tilespmem:s2+$0x4E40] =	vst.add.f32.msk $0xffff, v21  }
0x7b8: {  	[tilespmem:s2+$0x4E50] =	vst.add.f32.msk $0xffff, v22  }
0x7b9: {  	[tilespmem:s2+$0x4E60] =	vst.add.f32.msk $0xffff, v23  }
0x7ba: {  	[tilespmem:s2+$0x4E70] =	vst.add.f32.msk $0xffff, v24  }
0x7bb: {  	[tilespmem:s2+$0x4E80] =	vst.add.f32.msk $0xffff, v25  }
0x7bc: {  	[tilespmem:s2+$0x4E90] =	vst.add.f32.msk $0xffff, v26  }
0x7bd: {  	[tilespmem:s2+$0x4EA0] =	vst.add.f32.msk $0xffff, v27  }
0x7be: {  	[tilespmem:s2+$0x4EB0] =	vst.add.f32.msk $0xffff, v28  }
0x7bf: {  	[tilespmem:s2+$0x4EC0] =	vst.add.f32.msk $0xffff, v29  }
0x7c0: {  	[tilespmem:s2+$0x4ED0] =	vst.add.f32.msk $0xffff, v30  }
0x7c1: {  	[tilespmem:s2+$0x4EE0] =	vst.add.f32.msk $0xffff, v31  }
0x7c2: {  	[tilespmem:s2+$0x4EF0] =	vst.add.f32.msk $0xffff, v32  }
0x7c3: {  	[tilespmem:s2+$0x4F00] =	vst.add.f32.msk $0xffff, v33  }
0x7c4: {  	[tilespmem:s2+$0x4F10] =	vst.add.f32.msk $0xffff, v34  }
0x7c5: {  	[tilespmem:s2+$0x4F20] =	vst.add.f32.msk $0xffff, v35  }
0x7c6: {  	[tilespmem:s2+$0x4F30] =	vst.add.f32.msk $0xffff, v36  }
0x7c7: {  	[tilespmem:s2+$0x4F40] =	vst.add.f32.msk $0xffff, v37  }
0x7c8: {  	[tilespmem:s2+$0x4F50] =	vst.add.f32.msk $0xffff, v38  }
0x7c9: {  	[tilespmem:s2+$0x4F60] =	vst.add.f32.msk $0xffff, v39  }
0x7ca: {  	[tilespmem:s2+$0x4F70] =	vst.add.f32.msk $0xffff, v40  }
0x7cb: {  	[tilespmem:s2+$0x4F80] =	vst.add.f32.msk $0xffff, v41  }
0x7cc: {  	[tilespmem:s2+$0x4F90] =	vst.add.f32.msk $0xffff, v42  }
0x7cd: {  	[tilespmem:s2+$0x4FA0] =	vst.add.f32.msk $0xffff, v43  }
0x7ce: {  	[tilespmem:s2+$0x4FB0] =	vst.add.f32.msk $0xffff, v44  }
0x7cf: {  	[tilespmem:s2+$0x4FC0] =	vst.add.f32.msk $0xffff, v45  }
0x7d0: {  	[tilespmem:s2+$0x4FD0] =	vst.add.f32.msk $0xffff, v46  }
0x7d1: {  	[tilespmem:s2+$0x4FE0] =	vst.add.f32.msk $0xffff, v47  }
0x7d2: {  	[tilespmem:s2+$0x4FF0] =	vst.add.f32.msk $0xffff, v48  }
0x7d3: {  	[tilespmem:s2+$0x5000] =	vst.add.f32.msk $0xffff, v49  }
0x7d4: {  	[tilespmem:s2+$0x5010] =	vst.add.f32.msk $0xffff, v50  }
0x7d5: {  	[tilespmem:s2+$0x5020] =	vst.add.f32.msk $0xffff, v51  }
0x7d6: {  	[tilespmem:s2+$0x5030] =	vst.add.f32.msk $0xffff, v52  }
0x7d7: {  	[tilespmem:s2+$0x5040] =	vst.add.f32.msk $0xffff, v53  }
0x7d8: {  	[tilespmem:s2+$0x5050] =	vst.add.f32.msk $0xffff, v54  }
0x7d9: {  	[tilespmem:s2+$0x5060] =	vst.add.f32.msk $0xffff, v55  }
0x7da: {  	[tilespmem:s2+$0x5070] =	vst.add.f32.msk $0xffff, v56  }
0x7db: {  	[tilespmem:s2+$0x5080] =	vst.add.f32.msk $0xffff, v57  }
0x7dc: {  	[tilespmem:s2+$0x5090] =	vst.add.f32.msk $0xffff, v58  }
0x7dd: {  	[tilespmem:s2+$0x50A0] =	vst.add.f32.msk $0xffff, v59  }
0x7de: {  	[tilespmem:s2+$0x50B0] =	vst.add.f32.msk $0xffff, v60  }
0x7df: {  	[tilespmem:s2+$0x50C0] =	vst.add.f32.msk $0xffff, v61  }
0x7e0: {  	s3 =	simm.s32 $0x68;
	s7 =	simm.s32 $0x1000;
	[tilespmem:s2+$0x50D0] =	vst.add.f32.msk $0xffff, v62  }
.LBB2_18:
0x7e1: {  	s3 =	sadd.s32 $0x8, s3;
	[tilespmem:s2+$0x50E0] =	vst.add.f32.msk $0xffff, v0;
	s2 =	sshra.s32 s7, $0x2  }
0x7e2: {  	v0 =	vld [tilespmem:s2+$0x17CF0];
	p0 =	slt.u32 s3, $0xC0  }
0x7e3: {  	v1 =	vld [tilespmem:s2+$0x17900]  }
0x7e4: {  	v2 =	vld [tilespmem:s2+$0x17910]  }
0x7e5: {  	v3 =	vld [tilespmem:s2+$0x17920]  }
0x7e6: {  	v4 =	vld [tilespmem:s2+$0x17930]  }
0x7e7: {  	[tilespmem:s2+$0x50F0] =	vst.add.f32.msk $0xffff, v0  }
0x7e8: {  	v5 =	vld [tilespmem:s2+$0x17940]  }
0x7e9: {  	v6 =	vld [tilespmem:s2+$0x17950]  }
0x7ea: {  	v7 =	vld [tilespmem:s2+$0x17960]  }
0x7eb: {  	v8 =	vld [tilespmem:s2+$0x17970]  }
0x7ec: {  	v9 =	vld [tilespmem:s2+$0x17980]  }
0x7ed: {  	v10 =	vld [tilespmem:s2+$0x17990]  }
0x7ee: {  	v11 =	vld [tilespmem:s2+$0x179A0]  }
0x7ef: {  	v12 =	vld [tilespmem:s2+$0x179B0]  }
0x7f0: {  	v13 =	vld [tilespmem:s2+$0x179C0]  }
0x7f1: {  	v14 =	vld [tilespmem:s2+$0x179D0]  }
0x7f2: {  	v15 =	vld [tilespmem:s2+$0x179E0]  }
0x7f3: {  	v16 =	vld [tilespmem:s2+$0x179F0]  }
0x7f4: {  	v17 =	vld [tilespmem:s2+$0x17A00]  }
0x7f5: {  	v18 =	vld [tilespmem:s2+$0x17A10]  }
0x7f6: {  	v19 =	vld [tilespmem:s2+$0x17A20]  }
0x7f7: {  	v20 =	vld [tilespmem:s2+$0x17A30]  }
0x7f8: {  	v21 =	vld [tilespmem:s2+$0x17A40]  }
0x7f9: {  	v22 =	vld [tilespmem:s2+$0x17A50]  }
0x7fa: {  	v23 =	vld [tilespmem:s2+$0x17A60]  }
0x7fb: {  	v24 =	vld [tilespmem:s2+$0x17A70]  }
0x7fc: {  	v25 =	vld [tilespmem:s2+$0x17A80]  }
0x7fd: {  	v26 =	vld [tilespmem:s2+$0x17A90]  }
0x7fe: {  	v27 =	vld [tilespmem:s2+$0x17AA0]  }
0x7ff: {  	v28 =	vld [tilespmem:s2+$0x17AB0]  }
0x800: {  	v29 =	vld [tilespmem:s2+$0x17AC0]  }
0x801: {  	v30 =	vld [tilespmem:s2+$0x17AD0]  }
0x802: {  	v31 =	vld [tilespmem:s2+$0x17AE0]  }
0x803: {  	v32 =	vld [tilespmem:s2+$0x17AF0]  }
0x804: {  	v33 =	vld [tilespmem:s2+$0x17B00]  }
0x805: {  	v34 =	vld [tilespmem:s2+$0x17B10]  }
0x806: {  	v35 =	vld [tilespmem:s2+$0x17B20]  }
0x807: {  	v36 =	vld [tilespmem:s2+$0x17B30]  }
0x808: {  	v37 =	vld [tilespmem:s2+$0x17B40]  }
0x809: {  	v38 =	vld [tilespmem:s2+$0x17B50]  }
0x80a: {  	v39 =	vld [tilespmem:s2+$0x17B60]  }
0x80b: {  	v40 =	vld [tilespmem:s2+$0x17B70]  }
0x80c: {  	v41 =	vld [tilespmem:s2+$0x17B80]  }
0x80d: {  	v42 =	vld [tilespmem:s2+$0x17B90]  }
0x80e: {  	v43 =	vld [tilespmem:s2+$0x17BA0]  }
0x80f: {  	v44 =	vld [tilespmem:s2+$0x17BB0]  }
0x810: {  	v45 =	vld [tilespmem:s2+$0x17BC0]  }
0x811: {  	v46 =	vld [tilespmem:s2+$0x17BD0]  }
0x812: {  	v47 =	vld [tilespmem:s2+$0x17BE0]  }
0x813: {  	v48 =	vld [tilespmem:s2+$0x17BF0]  }
0x814: {  	v49 =	vld [tilespmem:s2+$0x17C00]  }
0x815: {  	v50 =	vld [tilespmem:s2+$0x17C10]  }
0x816: {  	v51 =	vld [tilespmem:s2+$0x17C20]  }
0x817: {  	v52 =	vld [tilespmem:s2+$0x17C30]  }
0x818: {  	v53 =	vld [tilespmem:s2+$0x17C40]  }
0x819: {  	v54 =	vld [tilespmem:s2+$0x17C50]  }
0x81a: {  	v55 =	vld [tilespmem:s2+$0x17C60]  }
0x81b: {  	v56 =	vld [tilespmem:s2+$0x17C70]  }
0x81c: {  	v57 =	vld [tilespmem:s2+$0x17C80]  }
0x81d: {  	v58 =	vld [tilespmem:s2+$0x17C90]  }
0x81e: {  	v59 =	vld [tilespmem:s2+$0x17CA0]  }
0x81f: {  	v60 =	vld [tilespmem:s2+$0x17CB0]  }
0x820: {  	v61 =	vld [tilespmem:s2+$0x17CC0]  }
0x821: {  	v62 =	vld [tilespmem:s2+$0x17CD0]  }
0x822: {  	v0 =	vld [tilespmem:s2+$0x17CE0]  }
0x823: {  	[tilespmem:s2+$0x4D00] =	vst.add.f32.msk $0xffff, v1  }
0x824: {  	[tilespmem:s2+$0x4D10] =	vst.add.f32.msk $0xffff, v2  }
0x825: {  	[tilespmem:s2+$0x4D20] =	vst.add.f32.msk $0xffff, v3  }
0x826: {  	[tilespmem:s2+$0x4D30] =	vst.add.f32.msk $0xffff, v4  }
0x827: {  	[tilespmem:s2+$0x4D40] =	vst.add.f32.msk $0xffff, v5  }
0x828: {  	[tilespmem:s2+$0x4D50] =	vst.add.f32.msk $0xffff, v6  }
0x829: {  	[tilespmem:s2+$0x4D60] =	vst.add.f32.msk $0xffff, v7  }
0x82a: {  	[tilespmem:s2+$0x4D70] =	vst.add.f32.msk $0xffff, v8  }
0x82b: {  	[tilespmem:s2+$0x4D80] =	vst.add.f32.msk $0xffff, v9  }
0x82c: {  	[tilespmem:s2+$0x4D90] =	vst.add.f32.msk $0xffff, v10  }
0x82d: {  	[tilespmem:s2+$0x4DA0] =	vst.add.f32.msk $0xffff, v11  }
0x82e: {  	[tilespmem:s2+$0x4DB0] =	vst.add.f32.msk $0xffff, v12  }
0x82f: {  	[tilespmem:s2+$0x4DC0] =	vst.add.f32.msk $0xffff, v13  }
0x830: {  	[tilespmem:s2+$0x4DD0] =	vst.add.f32.msk $0xffff, v14  }
0x831: {  	[tilespmem:s2+$0x4DE0] =	vst.add.f32.msk $0xffff, v15  }
0x832: {  	[tilespmem:s2+$0x4DF0] =	vst.add.f32.msk $0xffff, v16  }
0x833: {  	[tilespmem:s2+$0x4E00] =	vst.add.f32.msk $0xffff, v17  }
0x834: {  	[tilespmem:s2+$0x4E10] =	vst.add.f32.msk $0xffff, v18  }
0x835: {  	[tilespmem:s2+$0x4E20] =	vst.add.f32.msk $0xffff, v19  }
0x836: {  	[tilespmem:s2+$0x4E30] =	vst.add.f32.msk $0xffff, v20  }
0x837: {  	[tilespmem:s2+$0x4E40] =	vst.add.f32.msk $0xffff, v21  }
0x838: {  	[tilespmem:s2+$0x4E50] =	vst.add.f32.msk $0xffff, v22  }
0x839: {  	[tilespmem:s2+$0x4E60] =	vst.add.f32.msk $0xffff, v23  }
0x83a: {  	[tilespmem:s2+$0x4E70] =	vst.add.f32.msk $0xffff, v24  }
0x83b: {  	[tilespmem:s2+$0x4E80] =	vst.add.f32.msk $0xffff, v25  }
0x83c: {  	[tilespmem:s2+$0x4E90] =	vst.add.f32.msk $0xffff, v26  }
0x83d: {  	[tilespmem:s2+$0x4EA0] =	vst.add.f32.msk $0xffff, v27  }
0x83e: {  	[tilespmem:s2+$0x4EB0] =	vst.add.f32.msk $0xffff, v28  }
0x83f: {  	[tilespmem:s2+$0x4EC0] =	vst.add.f32.msk $0xffff, v29  }
0x840: {  	[tilespmem:s2+$0x4ED0] =	vst.add.f32.msk $0xffff, v30  }
0x841: {  	[tilespmem:s2+$0x4EE0] =	vst.add.f32.msk $0xffff, v31  }
0x842: {  	[tilespmem:s2+$0x4EF0] =	vst.add.f32.msk $0xffff, v32  }
0x843: {  	[tilespmem:s2+$0x4F00] =	vst.add.f32.msk $0xffff, v33  }
0x844: {  	[tilespmem:s2+$0x4F10] =	vst.add.f32.msk $0xffff, v34  }
0x845: {  	[tilespmem:s2+$0x4F20] =	vst.add.f32.msk $0xffff, v35  }
0x846: {  	[tilespmem:s2+$0x4F30] =	vst.add.f32.msk $0xffff, v36  }
0x847: {  	[tilespmem:s2+$0x4F40] =	vst.add.f32.msk $0xffff, v37  }
0x848: {  	[tilespmem:s2+$0x4F50] =	vst.add.f32.msk $0xffff, v38  }
0x849: {  	[tilespmem:s2+$0x4F60] =	vst.add.f32.msk $0xffff, v39  }
0x84a: {  	[tilespmem:s2+$0x4F70] =	vst.add.f32.msk $0xffff, v40  }
0x84b: {  	[tilespmem:s2+$0x4F80] =	vst.add.f32.msk $0xffff, v41  }
0x84c: {  	[tilespmem:s2+$0x4F90] =	vst.add.f32.msk $0xffff, v42  }
0x84d: {  	[tilespmem:s2+$0x4FA0] =	vst.add.f32.msk $0xffff, v43  }
0x84e: {  	[tilespmem:s2+$0x4FB0] =	vst.add.f32.msk $0xffff, v44  }
0x84f: {  	[tilespmem:s2+$0x4FC0] =	vst.add.f32.msk $0xffff, v45  }
0x850: {  	[tilespmem:s2+$0x4FD0] =	vst.add.f32.msk $0xffff, v46  }
0x851: {  	[tilespmem:s2+$0x4FE0] =	vst.add.f32.msk $0xffff, v47  }
0x852: {  	[tilespmem:s2+$0x4FF0] =	vst.add.f32.msk $0xffff, v48  }
0x853: {  	[tilespmem:s2+$0x5000] =	vst.add.f32.msk $0xffff, v49  }
0x854: {  	[tilespmem:s2+$0x5010] =	vst.add.f32.msk $0xffff, v50  }
0x855: {  	[tilespmem:s2+$0x5020] =	vst.add.f32.msk $0xffff, v51  }
0x856: {  	[tilespmem:s2+$0x5030] =	vst.add.f32.msk $0xffff, v52  }
0x857: {  	[tilespmem:s2+$0x5040] =	vst.add.f32.msk $0xffff, v53  }
0x858: {  	[tilespmem:s2+$0x5050] =	vst.add.f32.msk $0xffff, v54  }
0x859: {  	[tilespmem:s2+$0x5060] =	vst.add.f32.msk $0xffff, v55  }
0x85a: {  	[tilespmem:s2+$0x5070] =	vst.add.f32.msk $0xffff, v56  }
0x85b: {  	[tilespmem:s2+$0x5080] =	vst.add.f32.msk $0xffff, v57  }
.Ltmp8:
0x85c: {  	[tilespmem:s2+$0x5090] =	vst.add.f32.msk $0xffff, v58;
	(pc) =	sbr.rel @p0 .LBB2_18-.Ltmp8, $4  }
0x85d: {  	[tilespmem:s2+$0x50A0] =	vst.add.f32.msk $0xffff, v59  }
0x85e: {  	[tilespmem:s2+$0x50B0] =	vst.add.f32.msk $0xffff, v60  }
0x85f: {  	[tilespmem:s2+$0x50C0] =	vst.add.f32.msk $0xffff, v61  }
0x860: {  	s7 =	sadd.s32 $0x1000, s7;
	[tilespmem:s2+$0x50D0] =	vst.add.f32.msk $0xffff, v62  }
0x861: {  	[tilespmem:s2+$0x50E0] =	vst.add.f32.msk $0xffff, v0;
	s31 =	sadd.s32 $0x680, s8;
	s3 =	simm.s32 $0x0  }
0x862: {  	[hbm4b:s31+s3] =	stream.linear.scatter [tilespmem:s16], [sflag:$0x7], $0x3000, $0x38;
	[tilespmem:$0x1A900] =	vst v63  }
0x863: {  	_ =	swait.ge [sflag:s24], $0x3400  }
0x864: {  	[sflag:s24] =	ssyncset.done $0x0  }
0x865: {  	s2 =	simm.s32 $0x0;
	[sflag:s24] =	ssyncadd.s32 $0xFFFFCC00  }
0x866: {  	v0 =	vld [tilespmem:s2+$0x148F0]  }
0x867: {  	v1 =	vld [tilespmem:s2+$0x14500]  }
0x868: {  	v2 =	vld [tilespmem:s2+$0x14510]  }
0x869: {  	v3 =	vld [tilespmem:s2+$0x14520]  }
0x86a: {  	v4 =	vld [tilespmem:s2+$0x14530]  }
0x86b: {  	v5 =	vld [tilespmem:s2+$0x14540]  }
0x86c: {  	v6 =	vld [tilespmem:s2+$0x14550]  }
0x86d: {  	v7 =	vld [tilespmem:s2+$0x14560]  }
0x86e: {  	v8 =	vld [tilespmem:s2+$0x14570]  }
0x86f: {  	v9 =	vld [tilespmem:s2+$0x14580]  }
0x870: {  	v10 =	vld [tilespmem:s2+$0x14590]  }
0x871: {  	v11 =	vld [tilespmem:s2+$0x145A0]  }
0x872: {  	v12 =	vld [tilespmem:s2+$0x145B0]  }
0x873: {  	v13 =	vld [tilespmem:s2+$0x145C0]  }
0x874: {  	v14 =	vld [tilespmem:s2+$0x145D0]  }
0x875: {  	v15 =	vld [tilespmem:s2+$0x145E0]  }
0x876: {  	v16 =	vld [tilespmem:s2+$0x145F0]  }
0x877: {  	v17 =	vld [tilespmem:s2+$0x14600]  }
0x878: {  	v18 =	vld [tilespmem:s2+$0x14610]  }
0x879: {  	v19 =	vld [tilespmem:s2+$0x14620]  }
0x87a: {  	v20 =	vld [tilespmem:s2+$0x14630]  }
0x87b: {  	v21 =	vld [tilespmem:s2+$0x14640]  }
0x87c: {  	v22 =	vld [tilespmem:s2+$0x14650]  }
0x87d: {  	v23 =	vld [tilespmem:s2+$0x14660]  }
0x87e: {  	v24 =	vld [tilespmem:s2+$0x14670]  }
0x87f: {  	v25 =	vld [tilespmem:s2+$0x14680]  }
0x880: {  	v26 =	vld [tilespmem:s2+$0x14690]  }
0x881: {  	v27 =	vld [tilespmem:s2+$0x146A0]  }
0x882: {  	v28 =	vld [tilespmem:s2+$0x146B0]  }
0x883: {  	v29 =	vld [tilespmem:s2+$0x146C0]  }
0x884: {  	v30 =	vld [tilespmem:s2+$0x146D0]  }
0x885: {  	v31 =	vld [tilespmem:s2+$0x146E0]  }
0x886: {  	v32 =	vld [tilespmem:s2+$0x146F0]  }
0x887: {  	v33 =	vld [tilespmem:s2+$0x14700]  }
0x888: {  	v34 =	vld [tilespmem:s2+$0x14710]  }
0x889: {  	v35 =	vld [tilespmem:s2+$0x14720]  }
0x88a: {  	v36 =	vld [tilespmem:s2+$0x14730]  }
0x88b: {  	v37 =	vld [tilespmem:s2+$0x14740]  }
0x88c: {  	v38 =	vld [tilespmem:s2+$0x14750]  }
0x88d: {  	v39 =	vld [tilespmem:s2+$0x14760]  }
0x88e: {  	v40 =	vld [tilespmem:s2+$0x14770]  }
0x88f: {  	v41 =	vld [tilespmem:s2+$0x14780]  }
0x890: {  	v42 =	vld [tilespmem:s2+$0x14790]  }
0x891: {  	v43 =	vld [tilespmem:s2+$0x147A0]  }
0x892: {  	v44 =	vld [tilespmem:s2+$0x147B0]  }
0x893: {  	v45 =	vld [tilespmem:s2+$0x147C0]  }
0x894: {  	v46 =	vld [tilespmem:s2+$0x147D0]  }
0x895: {  	v47 =	vld [tilespmem:s2+$0x147E0]  }
0x896: {  	v48 =	vld [tilespmem:s2+$0x147F0]  }
0x897: {  	v49 =	vld [tilespmem:s2+$0x14800]  }
0x898: {  	v50 =	vld [tilespmem:s2+$0x14810]  }
0x899: {  	v51 =	vld [tilespmem:s2+$0x14820]  }
0x89a: {  	v52 =	vld [tilespmem:s2+$0x14830]  }
0x89b: {  	v53 =	vld [tilespmem:s2+$0x14840]  }
0x89c: {  	v54 =	vld [tilespmem:s2+$0x14850]  }
0x89d: {  	v55 =	vld [tilespmem:s2+$0x14860]  }
0x89e: {  	v56 =	vld [tilespmem:s2+$0x14870]  }
0x89f: {  	v57 =	vld [tilespmem:s2+$0x14880]  }
0x8a0: {  	v58 =	vld [tilespmem:s2+$0x14890]  }
0x8a1: {  	v59 =	vld [tilespmem:s2+$0x148A0]  }
0x8a2: {  	v60 =	vld [tilespmem:s2+$0x148B0]  }
0x8a3: {  	v61 =	vld [tilespmem:s2+$0x148C0]  }
0x8a4: {  	v62 =	vld [tilespmem:s2+$0x148D0]  }
0x8a5: {  	[tilespmem:s2+$0x80F0] =	vst.add.f32.msk $0xffff, v0  }
0x8a6: {  	v0 =	vld [tilespmem:s2+$0x148E0]  }
0x8a7: {  	[tilespmem:s2+$0x7D00] =	vst.add.f32.msk $0xffff, v1  }
0x8a8: {  	[tilespmem:s2+$0x7D10] =	vst.add.f32.msk $0xffff, v2  }
0x8a9: {  	[tilespmem:s2+$0x7D20] =	vst.add.f32.msk $0xffff, v3  }
0x8aa: {  	[tilespmem:s2+$0x7D30] =	vst.add.f32.msk $0xffff, v4  }
0x8ab: {  	[tilespmem:s2+$0x7D40] =	vst.add.f32.msk $0xffff, v5  }
0x8ac: {  	[tilespmem:s2+$0x7D50] =	vst.add.f32.msk $0xffff, v6  }
0x8ad: {  	[tilespmem:s2+$0x7D60] =	vst.add.f32.msk $0xffff, v7  }
0x8ae: {  	[tilespmem:s2+$0x7D70] =	vst.add.f32.msk $0xffff, v8  }
0x8af: {  	[tilespmem:s2+$0x7D80] =	vst.add.f32.msk $0xffff, v9  }
0x8b0: {  	[tilespmem:s2+$0x7D90] =	vst.add.f32.msk $0xffff, v10  }
0x8b1: {  	[tilespmem:s2+$0x7DA0] =	vst.add.f32.msk $0xffff, v11  }
0x8b2: {  	[tilespmem:s2+$0x7DB0] =	vst.add.f32.msk $0xffff, v12  }
0x8b3: {  	[tilespmem:s2+$0x7DC0] =	vst.add.f32.msk $0xffff, v13  }
0x8b4: {  	[tilespmem:s2+$0x7DD0] =	vst.add.f32.msk $0xffff, v14  }
0x8b5: {  	[tilespmem:s2+$0x7DE0] =	vst.add.f32.msk $0xffff, v15  }
0x8b6: {  	[tilespmem:s2+$0x7DF0] =	vst.add.f32.msk $0xffff, v16  }
0x8b7: {  	[tilespmem:s2+$0x7E00] =	vst.add.f32.msk $0xffff, v17  }
0x8b8: {  	[tilespmem:s2+$0x7E10] =	vst.add.f32.msk $0xffff, v18  }
0x8b9: {  	[tilespmem:s2+$0x7E20] =	vst.add.f32.msk $0xffff, v19  }
0x8ba: {  	[tilespmem:s2+$0x7E30] =	vst.add.f32.msk $0xffff, v20  }
0x8bb: {  	[tilespmem:s2+$0x7E40] =	vst.add.f32.msk $0xffff, v21  }
0x8bc: {  	[tilespmem:s2+$0x7E50] =	vst.add.f32.msk $0xffff, v22  }
0x8bd: {  	[tilespmem:s2+$0x7E60] =	vst.add.f32.msk $0xffff, v23  }
0x8be: {  	[tilespmem:s2+$0x7E70] =	vst.add.f32.msk $0xffff, v24  }
0x8bf: {  	[tilespmem:s2+$0x7E80] =	vst.add.f32.msk $0xffff, v25  }
0x8c0: {  	[tilespmem:s2+$0x7E90] =	vst.add.f32.msk $0xffff, v26  }
0x8c1: {  	[tilespmem:s2+$0x7EA0] =	vst.add.f32.msk $0xffff, v27  }
0x8c2: {  	[tilespmem:s2+$0x7EB0] =	vst.add.f32.msk $0xffff, v28  }
0x8c3: {  	[tilespmem:s2+$0x7EC0] =	vst.add.f32.msk $0xffff, v29  }
0x8c4: {  	[tilespmem:s2+$0x7ED0] =	vst.add.f32.msk $0xffff, v30  }
0x8c5: {  	[tilespmem:s2+$0x7EE0] =	vst.add.f32.msk $0xffff, v31  }
0x8c6: {  	[tilespmem:s2+$0x7EF0] =	vst.add.f32.msk $0xffff, v32  }
0x8c7: {  	[tilespmem:s2+$0x7F00] =	vst.add.f32.msk $0xffff, v33  }
0x8c8: {  	[tilespmem:s2+$0x7F10] =	vst.add.f32.msk $0xffff, v34  }
0x8c9: {  	[tilespmem:s2+$0x7F20] =	vst.add.f32.msk $0xffff, v35  }
0x8ca: {  	[tilespmem:s2+$0x7F30] =	vst.add.f32.msk $0xffff, v36  }
0x8cb: {  	[tilespmem:s2+$0x7F40] =	vst.add.f32.msk $0xffff, v37  }
0x8cc: {  	[tilespmem:s2+$0x7F50] =	vst.add.f32.msk $0xffff, v38  }
0x8cd: {  	[tilespmem:s2+$0x7F60] =	vst.add.f32.msk $0xffff, v39  }
0x8ce: {  	[tilespmem:s2+$0x7F70] =	vst.add.f32.msk $0xffff, v40  }
0x8cf: {  	[tilespmem:s2+$0x7F80] =	vst.add.f32.msk $0xffff, v41  }
0x8d0: {  	[tilespmem:s2+$0x7F90] =	vst.add.f32.msk $0xffff, v42  }
0x8d1: {  	[tilespmem:s2+$0x7FA0] =	vst.add.f32.msk $0xffff, v43  }
0x8d2: {  	[tilespmem:s2+$0x7FB0] =	vst.add.f32.msk $0xffff, v44  }
0x8d3: {  	[tilespmem:s2+$0x7FC0] =	vst.add.f32.msk $0xffff, v45  }
0x8d4: {  	[tilespmem:s2+$0x7FD0] =	vst.add.f32.msk $0xffff, v46  }
0x8d5: {  	[tilespmem:s2+$0x7FE0] =	vst.add.f32.msk $0xffff, v47  }
0x8d6: {  	[tilespmem:s2+$0x7FF0] =	vst.add.f32.msk $0xffff, v48  }
0x8d7: {  	[tilespmem:s2+$0x8000] =	vst.add.f32.msk $0xffff, v49  }
0x8d8: {  	[tilespmem:s2+$0x8010] =	vst.add.f32.msk $0xffff, v50  }
0x8d9: {  	[tilespmem:s2+$0x8020] =	vst.add.f32.msk $0xffff, v51  }
0x8da: {  	[tilespmem:s2+$0x8030] =	vst.add.f32.msk $0xffff, v52  }
0x8db: {  	[tilespmem:s2+$0x8040] =	vst.add.f32.msk $0xffff, v53  }
0x8dc: {  	[tilespmem:s2+$0x8050] =	vst.add.f32.msk $0xffff, v54  }
0x8dd: {  	[tilespmem:s2+$0x8060] =	vst.add.f32.msk $0xffff, v55  }
0x8de: {  	[tilespmem:s2+$0x8070] =	vst.add.f32.msk $0xffff, v56  }
0x8df: {  	[tilespmem:s2+$0x8080] =	vst.add.f32.msk $0xffff, v57  }
0x8e0: {  	[tilespmem:s2+$0x8090] =	vst.add.f32.msk $0xffff, v58  }
0x8e1: {  	[tilespmem:s2+$0x80A0] =	vst.add.f32.msk $0xffff, v59  }
0x8e2: {  	[tilespmem:s2+$0x80B0] =	vst.add.f32.msk $0xffff, v60  }
0x8e3: {  	[tilespmem:s2+$0x80C0] =	vst.add.f32.msk $0xffff, v61  }
0x8e4: {  	s7 =	simm.s32 $0x1000;
	s3 =	simm.s32 $0x0;
	[tilespmem:s2+$0x80D0] =	vst.add.f32.msk $0xffff, v62  }
.LBB2_20:
0x8e5: {  	s3 =	sadd.s32 $0x8, s3;
	[tilespmem:s2+$0x80E0] =	vst.add.f32.msk $0xffff, v0;
	s2 =	sshra.s32 s7, $0x2  }
0x8e6: {  	v0 =	vld [tilespmem:s2+$0x148F0];
	p0 =	slt.u32 s3, $0x60  }
0x8e7: {  	v1 =	vld [tilespmem:s2+$0x14500]  }
0x8e8: {  	v2 =	vld [tilespmem:s2+$0x14510]  }
0x8e9: {  	v3 =	vld [tilespmem:s2+$0x14520]  }
0x8ea: {  	v4 =	vld [tilespmem:s2+$0x14530]  }
0x8eb: {  	[tilespmem:s2+$0x80F0] =	vst.add.f32.msk $0xffff, v0  }
0x8ec: {  	v5 =	vld [tilespmem:s2+$0x14540]  }
0x8ed: {  	v6 =	vld [tilespmem:s2+$0x14550]  }
0x8ee: {  	v7 =	vld [tilespmem:s2+$0x14560]  }
0x8ef: {  	v8 =	vld [tilespmem:s2+$0x14570]  }
0x8f0: {  	v9 =	vld [tilespmem:s2+$0x14580]  }
0x8f1: {  	v10 =	vld [tilespmem:s2+$0x14590]  }
0x8f2: {  	v11 =	vld [tilespmem:s2+$0x145A0]  }
0x8f3: {  	v12 =	vld [tilespmem:s2+$0x145B0]  }
0x8f4: {  	v13 =	vld [tilespmem:s2+$0x145C0]  }
0x8f5: {  	v14 =	vld [tilespmem:s2+$0x145D0]  }
0x8f6: {  	v15 =	vld [tilespmem:s2+$0x145E0]  }
0x8f7: {  	v16 =	vld [tilespmem:s2+$0x145F0]  }
0x8f8: {  	v17 =	vld [tilespmem:s2+$0x14600]  }
0x8f9: {  	v18 =	vld [tilespmem:s2+$0x14610]  }
0x8fa: {  	v19 =	vld [tilespmem:s2+$0x14620]  }
0x8fb: {  	v20 =	vld [tilespmem:s2+$0x14630]  }
0x8fc: {  	v21 =	vld [tilespmem:s2+$0x14640]  }
0x8fd: {  	v22 =	vld [tilespmem:s2+$0x14650]  }
0x8fe: {  	v23 =	vld [tilespmem:s2+$0x14660]  }
0x8ff: {  	v24 =	vld [tilespmem:s2+$0x14670]  }
0x900: {  	v25 =	vld [tilespmem:s2+$0x14680]  }
0x901: {  	v26 =	vld [tilespmem:s2+$0x14690]  }
0x902: {  	v27 =	vld [tilespmem:s2+$0x146A0]  }
0x903: {  	v28 =	vld [tilespmem:s2+$0x146B0]  }
0x904: {  	v29 =	vld [tilespmem:s2+$0x146C0]  }
0x905: {  	v30 =	vld [tilespmem:s2+$0x146D0]  }
0x906: {  	v31 =	vld [tilespmem:s2+$0x146E0]  }
0x907: {  	v32 =	vld [tilespmem:s2+$0x146F0]  }
0x908: {  	v33 =	vld [tilespmem:s2+$0x14700]  }
0x909: {  	v34 =	vld [tilespmem:s2+$0x14710]  }
0x90a: {  	v35 =	vld [tilespmem:s2+$0x14720]  }
0x90b: {  	v36 =	vld [tilespmem:s2+$0x14730]  }
0x90c: {  	v37 =	vld [tilespmem:s2+$0x14740]  }
0x90d: {  	v38 =	vld [tilespmem:s2+$0x14750]  }
0x90e: {  	v39 =	vld [tilespmem:s2+$0x14760]  }
0x90f: {  	v40 =	vld [tilespmem:s2+$0x14770]  }
0x910: {  	v41 =	vld [tilespmem:s2+$0x14780]  }
0x911: {  	v42 =	vld [tilespmem:s2+$0x14790]  }
0x912: {  	v43 =	vld [tilespmem:s2+$0x147A0]  }
0x913: {  	v44 =	vld [tilespmem:s2+$0x147B0]  }
0x914: {  	v45 =	vld [tilespmem:s2+$0x147C0]  }
0x915: {  	v46 =	vld [tilespmem:s2+$0x147D0]  }
0x916: {  	v47 =	vld [tilespmem:s2+$0x147E0]  }
0x917: {  	v48 =	vld [tilespmem:s2+$0x147F0]  }
0x918: {  	v49 =	vld [tilespmem:s2+$0x14800]  }
0x919: {  	v50 =	vld [tilespmem:s2+$0x14810]  }
0x91a: {  	v51 =	vld [tilespmem:s2+$0x14820]  }
0x91b: {  	v52 =	vld [tilespmem:s2+$0x14830]  }
0x91c: {  	v53 =	vld [tilespmem:s2+$0x14840]  }
0x91d: {  	v54 =	vld [tilespmem:s2+$0x14850]  }
0x91e: {  	v55 =	vld [tilespmem:s2+$0x14860]  }
0x91f: {  	v56 =	vld [tilespmem:s2+$0x14870]  }
0x920: {  	v57 =	vld [tilespmem:s2+$0x14880]  }
0x921: {  	v58 =	vld [tilespmem:s2+$0x14890]  }
0x922: {  	v59 =	vld [tilespmem:s2+$0x148A0]  }
0x923: {  	v60 =	vld [tilespmem:s2+$0x148B0]  }
0x924: {  	v61 =	vld [tilespmem:s2+$0x148C0]  }
0x925: {  	v62 =	vld [tilespmem:s2+$0x148D0]  }
0x926: {  	v0 =	vld [tilespmem:s2+$0x148E0]  }
0x927: {  	[tilespmem:s2+$0x7D00] =	vst.add.f32.msk $0xffff, v1  }
0x928: {  	[tilespmem:s2+$0x7D10] =	vst.add.f32.msk $0xffff, v2  }
0x929: {  	[tilespmem:s2+$0x7D20] =	vst.add.f32.msk $0xffff, v3  }
0x92a: {  	[tilespmem:s2+$0x7D30] =	vst.add.f32.msk $0xffff, v4  }
0x92b: {  	[tilespmem:s2+$0x7D40] =	vst.add.f32.msk $0xffff, v5  }
0x92c: {  	[tilespmem:s2+$0x7D50] =	vst.add.f32.msk $0xffff, v6  }
0x92d: {  	[tilespmem:s2+$0x7D60] =	vst.add.f32.msk $0xffff, v7  }
0x92e: {  	[tilespmem:s2+$0x7D70] =	vst.add.f32.msk $0xffff, v8  }
0x92f: {  	[tilespmem:s2+$0x7D80] =	vst.add.f32.msk $0xffff, v9  }
0x930: {  	[tilespmem:s2+$0x7D90] =	vst.add.f32.msk $0xffff, v10  }
0x931: {  	[tilespmem:s2+$0x7DA0] =	vst.add.f32.msk $0xffff, v11  }
0x932: {  	[tilespmem:s2+$0x7DB0] =	vst.add.f32.msk $0xffff, v12  }
0x933: {  	[tilespmem:s2+$0x7DC0] =	vst.add.f32.msk $0xffff, v13  }
0x934: {  	[tilespmem:s2+$0x7DD0] =	vst.add.f32.msk $0xffff, v14  }
0x935: {  	[tilespmem:s2+$0x7DE0] =	vst.add.f32.msk $0xffff, v15  }
0x936: {  	[tilespmem:s2+$0x7DF0] =	vst.add.f32.msk $0xffff, v16  }
0x937: {  	[tilespmem:s2+$0x7E00] =	vst.add.f32.msk $0xffff, v17  }
0x938: {  	[tilespmem:s2+$0x7E10] =	vst.add.f32.msk $0xffff, v18  }
0x939: {  	[tilespmem:s2+$0x7E20] =	vst.add.f32.msk $0xffff, v19  }
0x93a: {  	[tilespmem:s2+$0x7E30] =	vst.add.f32.msk $0xffff, v20  }
0x93b: {  	[tilespmem:s2+$0x7E40] =	vst.add.f32.msk $0xffff, v21  }
0x93c: {  	[tilespmem:s2+$0x7E50] =	vst.add.f32.msk $0xffff, v22  }
0x93d: {  	[tilespmem:s2+$0x7E60] =	vst.add.f32.msk $0xffff, v23  }
0x93e: {  	[tilespmem:s2+$0x7E70] =	vst.add.f32.msk $0xffff, v24  }
0x93f: {  	[tilespmem:s2+$0x7E80] =	vst.add.f32.msk $0xffff, v25  }
0x940: {  	[tilespmem:s2+$0x7E90] =	vst.add.f32.msk $0xffff, v26  }
0x941: {  	[tilespmem:s2+$0x7EA0] =	vst.add.f32.msk $0xffff, v27  }
0x942: {  	[tilespmem:s2+$0x7EB0] =	vst.add.f32.msk $0xffff, v28  }
0x943: {  	[tilespmem:s2+$0x7EC0] =	vst.add.f32.msk $0xffff, v29  }
0x944: {  	[tilespmem:s2+$0x7ED0] =	vst.add.f32.msk $0xffff, v30  }
0x945: {  	[tilespmem:s2+$0x7EE0] =	vst.add.f32.msk $0xffff, v31  }
0x946: {  	[tilespmem:s2+$0x7EF0] =	vst.add.f32.msk $0xffff, v32  }
0x947: {  	[tilespmem:s2+$0x7F00] =	vst.add.f32.msk $0xffff, v33  }
0x948: {  	[tilespmem:s2+$0x7F10] =	vst.add.f32.msk $0xffff, v34  }
0x949: {  	[tilespmem:s2+$0x7F20] =	vst.add.f32.msk $0xffff, v35  }
0x94a: {  	[tilespmem:s2+$0x7F30] =	vst.add.f32.msk $0xffff, v36  }
0x94b: {  	[tilespmem:s2+$0x7F40] =	vst.add.f32.msk $0xffff, v37  }
0x94c: {  	[tilespmem:s2+$0x7F50] =	vst.add.f32.msk $0xffff, v38  }
0x94d: {  	[tilespmem:s2+$0x7F60] =	vst.add.f32.msk $0xffff, v39  }
0x94e: {  	[tilespmem:s2+$0x7F70] =	vst.add.f32.msk $0xffff, v40  }
0x94f: {  	[tilespmem:s2+$0x7F80] =	vst.add.f32.msk $0xffff, v41  }
0x950: {  	[tilespmem:s2+$0x7F90] =	vst.add.f32.msk $0xffff, v42  }
0x951: {  	[tilespmem:s2+$0x7FA0] =	vst.add.f32.msk $0xffff, v43  }
0x952: {  	[tilespmem:s2+$0x7FB0] =	vst.add.f32.msk $0xffff, v44  }
0x953: {  	[tilespmem:s2+$0x7FC0] =	vst.add.f32.msk $0xffff, v45  }
0x954: {  	[tilespmem:s2+$0x7FD0] =	vst.add.f32.msk $0xffff, v46  }
0x955: {  	[tilespmem:s2+$0x7FE0] =	vst.add.f32.msk $0xffff, v47  }
0x956: {  	[tilespmem:s2+$0x7FF0] =	vst.add.f32.msk $0xffff, v48  }
0x957: {  	[tilespmem:s2+$0x8000] =	vst.add.f32.msk $0xffff, v49  }
0x958: {  	[tilespmem:s2+$0x8010] =	vst.add.f32.msk $0xffff, v50  }
0x959: {  	[tilespmem:s2+$0x8020] =	vst.add.f32.msk $0xffff, v51  }
0x95a: {  	[tilespmem:s2+$0x8030] =	vst.add.f32.msk $0xffff, v52  }
0x95b: {  	[tilespmem:s2+$0x8040] =	vst.add.f32.msk $0xffff, v53  }
0x95c: {  	[tilespmem:s2+$0x8050] =	vst.add.f32.msk $0xffff, v54  }
0x95d: {  	[tilespmem:s2+$0x8060] =	vst.add.f32.msk $0xffff, v55  }
0x95e: {  	[tilespmem:s2+$0x8070] =	vst.add.f32.msk $0xffff, v56  }
0x95f: {  	[tilespmem:s2+$0x8080] =	vst.add.f32.msk $0xffff, v57  }
.Ltmp9:
0x960: {  	[tilespmem:s2+$0x8090] =	vst.add.f32.msk $0xffff, v58;
	(pc) =	sbr.rel @p0 .LBB2_20-.Ltmp9, $4  }
0x961: {  	[tilespmem:s2+$0x80A0] =	vst.add.f32.msk $0xffff, v59  }
0x962: {  	[tilespmem:s2+$0x80B0] =	vst.add.f32.msk $0xffff, v60  }
0x963: {  	[tilespmem:s2+$0x80C0] =	vst.add.f32.msk $0xffff, v61  }
0x964: {  	s7 =	sadd.s32 $0x1000, s7;
	[tilespmem:s2+$0x80D0] =	vst.add.f32.msk $0xffff, v62  }
0x965: {  	[tilespmem:s2+$0x80E0] =	vst.add.f32.msk $0xffff, v0;
	s31 =	simm.s32 $0x0  }
0x966: {  	[hbm4b:s9+s31] =	stream.linear.scatter [tilespmem:s17], [sflag:$0x8], $0x3400, $0x38;
	[tilespmem:$0x1A900] =	vst v63  }
0x967: {  	_ =	swait.ge [sflag:s25], $0x3000  }
0x968: {  	[sflag:s25] =	ssyncset.done $0x0  }
0x969: {  	s2 =	simm.s32 $0x0;
	[sflag:s25] =	ssyncadd.s32 $0xFFFFD000  }
0x96a: {  	v0 =	vld [tilespmem:s2+$0x17CF0]  }
0x96b: {  	v1 =	vld [tilespmem:s2+$0x17900]  }
0x96c: {  	v2 =	vld [tilespmem:s2+$0x17910]  }
0x96d: {  	v3 =	vld [tilespmem:s2+$0x17920]  }
0x96e: {  	v4 =	vld [tilespmem:s2+$0x17930]  }
0x96f: {  	v5 =	vld [tilespmem:s2+$0x17940]  }
0x970: {  	v6 =	vld [tilespmem:s2+$0x17950]  }
0x971: {  	v7 =	vld [tilespmem:s2+$0x17960]  }
0x972: {  	v8 =	vld [tilespmem:s2+$0x17970]  }
0x973: {  	v9 =	vld [tilespmem:s2+$0x17980]  }
0x974: {  	v10 =	vld [tilespmem:s2+$0x17990]  }
0x975: {  	v11 =	vld [tilespmem:s2+$0x179A0]  }
0x976: {  	v12 =	vld [tilespmem:s2+$0x179B0]  }
0x977: {  	v13 =	vld [tilespmem:s2+$0x179C0]  }
0x978: {  	v14 =	vld [tilespmem:s2+$0x179D0]  }
0x979: {  	v15 =	vld [tilespmem:s2+$0x179E0]  }
0x97a: {  	v16 =	vld [tilespmem:s2+$0x179F0]  }
0x97b: {  	v17 =	vld [tilespmem:s2+$0x17A00]  }
0x97c: {  	v18 =	vld [tilespmem:s2+$0x17A10]  }
0x97d: {  	v19 =	vld [tilespmem:s2+$0x17A20]  }
0x97e: {  	v20 =	vld [tilespmem:s2+$0x17A30]  }
0x97f: {  	v21 =	vld [tilespmem:s2+$0x17A40]  }
0x980: {  	v22 =	vld [tilespmem:s2+$0x17A50]  }
0x981: {  	v23 =	vld [tilespmem:s2+$0x17A60]  }
0x982: {  	v24 =	vld [tilespmem:s2+$0x17A70]  }
0x983: {  	v25 =	vld [tilespmem:s2+$0x17A80]  }
0x984: {  	v26 =	vld [tilespmem:s2+$0x17A90]  }
0x985: {  	v27 =	vld [tilespmem:s2+$0x17AA0]  }
0x986: {  	v28 =	vld [tilespmem:s2+$0x17AB0]  }
0x987: {  	v29 =	vld [tilespmem:s2+$0x17AC0]  }
0x988: {  	v30 =	vld [tilespmem:s2+$0x17AD0]  }
0x989: {  	v31 =	vld [tilespmem:s2+$0x17AE0]  }
0x98a: {  	v32 =	vld [tilespmem:s2+$0x17AF0]  }
0x98b: {  	v33 =	vld [tilespmem:s2+$0x17B00]  }
0x98c: {  	v34 =	vld [tilespmem:s2+$0x17B10]  }
0x98d: {  	v35 =	vld [tilespmem:s2+$0x17B20]  }
0x98e: {  	v36 =	vld [tilespmem:s2+$0x17B30]  }
0x98f: {  	v37 =	vld [tilespmem:s2+$0x17B40]  }
0x990: {  	v38 =	vld [tilespmem:s2+$0x17B50]  }
0x991: {  	v39 =	vld [tilespmem:s2+$0x17B60]  }
0x992: {  	v40 =	vld [tilespmem:s2+$0x17B70]  }
0x993: {  	v41 =	vld [tilespmem:s2+$0x17B80]  }
0x994: {  	v42 =	vld [tilespmem:s2+$0x17B90]  }
0x995: {  	v43 =	vld [tilespmem:s2+$0x17BA0]  }
0x996: {  	v44 =	vld [tilespmem:s2+$0x17BB0]  }
0x997: {  	v45 =	vld [tilespmem:s2+$0x17BC0]  }
0x998: {  	v46 =	vld [tilespmem:s2+$0x17BD0]  }
0x999: {  	v47 =	vld [tilespmem:s2+$0x17BE0]  }
0x99a: {  	v48 =	vld [tilespmem:s2+$0x17BF0]  }
0x99b: {  	v49 =	vld [tilespmem:s2+$0x17C00]  }
0x99c: {  	v50 =	vld [tilespmem:s2+$0x17C10]  }
0x99d: {  	v51 =	vld [tilespmem:s2+$0x17C20]  }
0x99e: {  	v52 =	vld [tilespmem:s2+$0x17C30]  }
0x99f: {  	v53 =	vld [tilespmem:s2+$0x17C40]  }
0x9a0: {  	v54 =	vld [tilespmem:s2+$0x17C50]  }
0x9a1: {  	v55 =	vld [tilespmem:s2+$0x17C60]  }
0x9a2: {  	v56 =	vld [tilespmem:s2+$0x17C70]  }
0x9a3: {  	v57 =	vld [tilespmem:s2+$0x17C80]  }
0x9a4: {  	v58 =	vld [tilespmem:s2+$0x17C90]  }
0x9a5: {  	v59 =	vld [tilespmem:s2+$0x17CA0]  }
0x9a6: {  	v60 =	vld [tilespmem:s2+$0x17CB0]  }
0x9a7: {  	v61 =	vld [tilespmem:s2+$0x17CC0]  }
0x9a8: {  	v62 =	vld [tilespmem:s2+$0x17CD0]  }
0x9a9: {  	[tilespmem:s2+$0xB4F0] =	vst.add.f32.msk $0xffff, v0  }
0x9aa: {  	v0 =	vld [tilespmem:s2+$0x17CE0]  }
0x9ab: {  	[tilespmem:s2+$0xB100] =	vst.add.f32.msk $0xffff, v1  }
0x9ac: {  	[tilespmem:s2+$0xB110] =	vst.add.f32.msk $0xffff, v2  }
0x9ad: {  	[tilespmem:s2+$0xB120] =	vst.add.f32.msk $0xffff, v3  }
0x9ae: {  	[tilespmem:s2+$0xB130] =	vst.add.f32.msk $0xffff, v4  }
0x9af: {  	[tilespmem:s2+$0xB140] =	vst.add.f32.msk $0xffff, v5  }
0x9b0: {  	[tilespmem:s2+$0xB150] =	vst.add.f32.msk $0xffff, v6  }
0x9b1: {  	[tilespmem:s2+$0xB160] =	vst.add.f32.msk $0xffff, v7  }
0x9b2: {  	[tilespmem:s2+$0xB170] =	vst.add.f32.msk $0xffff, v8  }
0x9b3: {  	[tilespmem:s2+$0xB180] =	vst.add.f32.msk $0xffff, v9  }
0x9b4: {  	[tilespmem:s2+$0xB190] =	vst.add.f32.msk $0xffff, v10  }
0x9b5: {  	[tilespmem:s2+$0xB1A0] =	vst.add.f32.msk $0xffff, v11  }
0x9b6: {  	[tilespmem:s2+$0xB1B0] =	vst.add.f32.msk $0xffff, v12  }
0x9b7: {  	[tilespmem:s2+$0xB1C0] =	vst.add.f32.msk $0xffff, v13  }
0x9b8: {  	[tilespmem:s2+$0xB1D0] =	vst.add.f32.msk $0xffff, v14  }
0x9b9: {  	[tilespmem:s2+$0xB1E0] =	vst.add.f32.msk $0xffff, v15  }
0x9ba: {  	[tilespmem:s2+$0xB1F0] =	vst.add.f32.msk $0xffff, v16  }
0x9bb: {  	[tilespmem:s2+$0xB200] =	vst.add.f32.msk $0xffff, v17  }
0x9bc: {  	[tilespmem:s2+$0xB210] =	vst.add.f32.msk $0xffff, v18  }
0x9bd: {  	[tilespmem:s2+$0xB220] =	vst.add.f32.msk $0xffff, v19  }
0x9be: {  	[tilespmem:s2+$0xB230] =	vst.add.f32.msk $0xffff, v20  }
0x9bf: {  	[tilespmem:s2+$0xB240] =	vst.add.f32.msk $0xffff, v21  }
0x9c0: {  	[tilespmem:s2+$0xB250] =	vst.add.f32.msk $0xffff, v22  }
0x9c1: {  	[tilespmem:s2+$0xB260] =	vst.add.f32.msk $0xffff, v23  }
0x9c2: {  	[tilespmem:s2+$0xB270] =	vst.add.f32.msk $0xffff, v24  }
0x9c3: {  	[tilespmem:s2+$0xB280] =	vst.add.f32.msk $0xffff, v25  }
0x9c4: {  	[tilespmem:s2+$0xB290] =	vst.add.f32.msk $0xffff, v26  }
0x9c5: {  	[tilespmem:s2+$0xB2A0] =	vst.add.f32.msk $0xffff, v27  }
0x9c6: {  	[tilespmem:s2+$0xB2B0] =	vst.add.f32.msk $0xffff, v28  }
0x9c7: {  	[tilespmem:s2+$0xB2C0] =	vst.add.f32.msk $0xffff, v29  }
0x9c8: {  	[tilespmem:s2+$0xB2D0] =	vst.add.f32.msk $0xffff, v30  }
0x9c9: {  	[tilespmem:s2+$0xB2E0] =	vst.add.f32.msk $0xffff, v31  }
0x9ca: {  	[tilespmem:s2+$0xB2F0] =	vst.add.f32.msk $0xffff, v32  }
0x9cb: {  	[tilespmem:s2+$0xB300] =	vst.add.f32.msk $0xffff, v33  }
0x9cc: {  	[tilespmem:s2+$0xB310] =	vst.add.f32.msk $0xffff, v34  }
0x9cd: {  	[tilespmem:s2+$0xB320] =	vst.add.f32.msk $0xffff, v35  }
0x9ce: {  	[tilespmem:s2+$0xB330] =	vst.add.f32.msk $0xffff, v36  }
0x9cf: {  	[tilespmem:s2+$0xB340] =	vst.add.f32.msk $0xffff, v37  }
0x9d0: {  	[tilespmem:s2+$0xB350] =	vst.add.f32.msk $0xffff, v38  }
0x9d1: {  	[tilespmem:s2+$0xB360] =	vst.add.f32.msk $0xffff, v39  }
0x9d2: {  	[tilespmem:s2+$0xB370] =	vst.add.f32.msk $0xffff, v40  }
0x9d3: {  	[tilespmem:s2+$0xB380] =	vst.add.f32.msk $0xffff, v41  }
0x9d4: {  	[tilespmem:s2+$0xB390] =	vst.add.f32.msk $0xffff, v42  }
0x9d5: {  	[tilespmem:s2+$0xB3A0] =	vst.add.f32.msk $0xffff, v43  }
0x9d6: {  	[tilespmem:s2+$0xB3B0] =	vst.add.f32.msk $0xffff, v44  }
0x9d7: {  	[tilespmem:s2+$0xB3C0] =	vst.add.f32.msk $0xffff, v45  }
0x9d8: {  	[tilespmem:s2+$0xB3D0] =	vst.add.f32.msk $0xffff, v46  }
0x9d9: {  	[tilespmem:s2+$0xB3E0] =	vst.add.f32.msk $0xffff, v47  }
0x9da: {  	[tilespmem:s2+$0xB3F0] =	vst.add.f32.msk $0xffff, v48  }
0x9db: {  	[tilespmem:s2+$0xB400] =	vst.add.f32.msk $0xffff, v49  }
0x9dc: {  	[tilespmem:s2+$0xB410] =	vst.add.f32.msk $0xffff, v50  }
0x9dd: {  	[tilespmem:s2+$0xB420] =	vst.add.f32.msk $0xffff, v51  }
0x9de: {  	[tilespmem:s2+$0xB430] =	vst.add.f32.msk $0xffff, v52  }
0x9df: {  	[tilespmem:s2+$0xB440] =	vst.add.f32.msk $0xffff, v53  }
0x9e0: {  	[tilespmem:s2+$0xB450] =	vst.add.f32.msk $0xffff, v54  }
0x9e1: {  	[tilespmem:s2+$0xB460] =	vst.add.f32.msk $0xffff, v55  }
0x9e2: {  	[tilespmem:s2+$0xB470] =	vst.add.f32.msk $0xffff, v56  }
0x9e3: {  	[tilespmem:s2+$0xB480] =	vst.add.f32.msk $0xffff, v57  }
0x9e4: {  	[tilespmem:s2+$0xB490] =	vst.add.f32.msk $0xffff, v58  }
0x9e5: {  	[tilespmem:s2+$0xB4A0] =	vst.add.f32.msk $0xffff, v59  }
0x9e6: {  	[tilespmem:s2+$0xB4B0] =	vst.add.f32.msk $0xffff, v60  }
0x9e7: {  	[tilespmem:s2+$0xB4C0] =	vst.add.f32.msk $0xffff, v61  }
0x9e8: {  	s3 =	simm.s32 $0x68;
	s7 =	simm.s32 $0x1000;
	[tilespmem:s2+$0xB4D0] =	vst.add.f32.msk $0xffff, v62  }
.LBB2_22:
0x9e9: {  	s3 =	sadd.s32 $0x8, s3;
	[tilespmem:s2+$0xB4E0] =	vst.add.f32.msk $0xffff, v0;
	s2 =	sshra.s32 s7, $0x2  }
0x9ea: {  	v0 =	vld [tilespmem:s2+$0x17CF0];
	p0 =	slt.u32 s3, $0xC0  }
0x9eb: {  	v1 =	vld [tilespmem:s2+$0x17900]  }
0x9ec: {  	v2 =	vld [tilespmem:s2+$0x17910]  }
0x9ed: {  	v3 =	vld [tilespmem:s2+$0x17920]  }
0x9ee: {  	v4 =	vld [tilespmem:s2+$0x17930]  }
0x9ef: {  	[tilespmem:s2+$0xB4F0] =	vst.add.f32.msk $0xffff, v0  }
0x9f0: {  	v5 =	vld [tilespmem:s2+$0x17940]  }
0x9f1: {  	v6 =	vld [tilespmem:s2+$0x17950]  }
0x9f2: {  	v7 =	vld [tilespmem:s2+$0x17960]  }
0x9f3: {  	v8 =	vld [tilespmem:s2+$0x17970]  }
0x9f4: {  	v9 =	vld [tilespmem:s2+$0x17980]  }
0x9f5: {  	v10 =	vld [tilespmem:s2+$0x17990]  }
0x9f6: {  	v11 =	vld [tilespmem:s2+$0x179A0]  }
0x9f7: {  	v12 =	vld [tilespmem:s2+$0x179B0]  }
0x9f8: {  	v13 =	vld [tilespmem:s2+$0x179C0]  }
0x9f9: {  	v14 =	vld [tilespmem:s2+$0x179D0]  }
0x9fa: {  	v15 =	vld [tilespmem:s2+$0x179E0]  }
0x9fb: {  	v16 =	vld [tilespmem:s2+$0x179F0]  }
0x9fc: {  	v17 =	vld [tilespmem:s2+$0x17A00]  }
0x9fd: {  	v18 =	vld [tilespmem:s2+$0x17A10]  }
0x9fe: {  	v19 =	vld [tilespmem:s2+$0x17A20]  }
0x9ff: {  	v20 =	vld [tilespmem:s2+$0x17A30]  }
0xa00: {  	v21 =	vld [tilespmem:s2+$0x17A40]  }
0xa01: {  	v22 =	vld [tilespmem:s2+$0x17A50]  }
0xa02: {  	v23 =	vld [tilespmem:s2+$0x17A60]  }
0xa03: {  	v24 =	vld [tilespmem:s2+$0x17A70]  }
0xa04: {  	v25 =	vld [tilespmem:s2+$0x17A80]  }
0xa05: {  	v26 =	vld [tilespmem:s2+$0x17A90]  }
0xa06: {  	v27 =	vld [tilespmem:s2+$0x17AA0]  }
0xa07: {  	v28 =	vld [tilespmem:s2+$0x17AB0]  }
0xa08: {  	v29 =	vld [tilespmem:s2+$0x17AC0]  }
0xa09: {  	v30 =	vld [tilespmem:s2+$0x17AD0]  }
0xa0a: {  	v31 =	vld [tilespmem:s2+$0x17AE0]  }
0xa0b: {  	v32 =	vld [tilespmem:s2+$0x17AF0]  }
0xa0c: {  	v33 =	vld [tilespmem:s2+$0x17B00]  }
0xa0d: {  	v34 =	vld [tilespmem:s2+$0x17B10]  }
0xa0e: {  	v35 =	vld [tilespmem:s2+$0x17B20]  }
0xa0f: {  	v36 =	vld [tilespmem:s2+$0x17B30]  }
0xa10: {  	v37 =	vld [tilespmem:s2+$0x17B40]  }
0xa11: {  	v38 =	vld [tilespmem:s2+$0x17B50]  }
0xa12: {  	v39 =	vld [tilespmem:s2+$0x17B60]  }
0xa13: {  	v40 =	vld [tilespmem:s2+$0x17B70]  }
0xa14: {  	v41 =	vld [tilespmem:s2+$0x17B80]  }
0xa15: {  	v42 =	vld [tilespmem:s2+$0x17B90]  }
0xa16: {  	v43 =	vld [tilespmem:s2+$0x17BA0]  }
0xa17: {  	v44 =	vld [tilespmem:s2+$0x17BB0]  }
0xa18: {  	v45 =	vld [tilespmem:s2+$0x17BC0]  }
0xa19: {  	v46 =	vld [tilespmem:s2+$0x17BD0]  }
0xa1a: {  	v47 =	vld [tilespmem:s2+$0x17BE0]  }
0xa1b: {  	v48 =	vld [tilespmem:s2+$0x17BF0]  }
0xa1c: {  	v49 =	vld [tilespmem:s2+$0x17C00]  }
0xa1d: {  	v50 =	vld [tilespmem:s2+$0x17C10]  }
0xa1e: {  	v51 =	vld [tilespmem:s2+$0x17C20]  }
0xa1f: {  	v52 =	vld [tilespmem:s2+$0x17C30]  }
0xa20: {  	v53 =	vld [tilespmem:s2+$0x17C40]  }
0xa21: {  	v54 =	vld [tilespmem:s2+$0x17C50]  }
0xa22: {  	v55 =	vld [tilespmem:s2+$0x17C60]  }
0xa23: {  	v56 =	vld [tilespmem:s2+$0x17C70]  }
0xa24: {  	v57 =	vld [tilespmem:s2+$0x17C80]  }
0xa25: {  	v58 =	vld [tilespmem:s2+$0x17C90]  }
0xa26: {  	v59 =	vld [tilespmem:s2+$0x17CA0]  }
0xa27: {  	v60 =	vld [tilespmem:s2+$0x17CB0]  }
0xa28: {  	v61 =	vld [tilespmem:s2+$0x17CC0]  }
0xa29: {  	v62 =	vld [tilespmem:s2+$0x17CD0]  }
0xa2a: {  	v0 =	vld [tilespmem:s2+$0x17CE0]  }
0xa2b: {  	[tilespmem:s2+$0xB100] =	vst.add.f32.msk $0xffff, v1  }
0xa2c: {  	[tilespmem:s2+$0xB110] =	vst.add.f32.msk $0xffff, v2  }
0xa2d: {  	[tilespmem:s2+$0xB120] =	vst.add.f32.msk $0xffff, v3  }
0xa2e: {  	[tilespmem:s2+$0xB130] =	vst.add.f32.msk $0xffff, v4  }
0xa2f: {  	[tilespmem:s2+$0xB140] =	vst.add.f32.msk $0xffff, v5  }
0xa30: {  	[tilespmem:s2+$0xB150] =	vst.add.f32.msk $0xffff, v6  }
0xa31: {  	[tilespmem:s2+$0xB160] =	vst.add.f32.msk $0xffff, v7  }
0xa32: {  	[tilespmem:s2+$0xB170] =	vst.add.f32.msk $0xffff, v8  }
0xa33: {  	[tilespmem:s2+$0xB180] =	vst.add.f32.msk $0xffff, v9  }
0xa34: {  	[tilespmem:s2+$0xB190] =	vst.add.f32.msk $0xffff, v10  }
0xa35: {  	[tilespmem:s2+$0xB1A0] =	vst.add.f32.msk $0xffff, v11  }
0xa36: {  	[tilespmem:s2+$0xB1B0] =	vst.add.f32.msk $0xffff, v12  }
0xa37: {  	[tilespmem:s2+$0xB1C0] =	vst.add.f32.msk $0xffff, v13  }
0xa38: {  	[tilespmem:s2+$0xB1D0] =	vst.add.f32.msk $0xffff, v14  }
0xa39: {  	[tilespmem:s2+$0xB1E0] =	vst.add.f32.msk $0xffff, v15  }
0xa3a: {  	[tilespmem:s2+$0xB1F0] =	vst.add.f32.msk $0xffff, v16  }
0xa3b: {  	[tilespmem:s2+$0xB200] =	vst.add.f32.msk $0xffff, v17  }
0xa3c: {  	[tilespmem:s2+$0xB210] =	vst.add.f32.msk $0xffff, v18  }
0xa3d: {  	[tilespmem:s2+$0xB220] =	vst.add.f32.msk $0xffff, v19  }
0xa3e: {  	[tilespmem:s2+$0xB230] =	vst.add.f32.msk $0xffff, v20  }
0xa3f: {  	[tilespmem:s2+$0xB240] =	vst.add.f32.msk $0xffff, v21  }
0xa40: {  	[tilespmem:s2+$0xB250] =	vst.add.f32.msk $0xffff, v22  }
0xa41: {  	[tilespmem:s2+$0xB260] =	vst.add.f32.msk $0xffff, v23  }
0xa42: {  	[tilespmem:s2+$0xB270] =	vst.add.f32.msk $0xffff, v24  }
0xa43: {  	[tilespmem:s2+$0xB280] =	vst.add.f32.msk $0xffff, v25  }
0xa44: {  	[tilespmem:s2+$0xB290] =	vst.add.f32.msk $0xffff, v26  }
0xa45: {  	[tilespmem:s2+$0xB2A0] =	vst.add.f32.msk $0xffff, v27  }
0xa46: {  	[tilespmem:s2+$0xB2B0] =	vst.add.f32.msk $0xffff, v28  }
0xa47: {  	[tilespmem:s2+$0xB2C0] =	vst.add.f32.msk $0xffff, v29  }
0xa48: {  	[tilespmem:s2+$0xB2D0] =	vst.add.f32.msk $0xffff, v30  }
0xa49: {  	[tilespmem:s2+$0xB2E0] =	vst.add.f32.msk $0xffff, v31  }
0xa4a: {  	[tilespmem:s2+$0xB2F0] =	vst.add.f32.msk $0xffff, v32  }
0xa4b: {  	[tilespmem:s2+$0xB300] =	vst.add.f32.msk $0xffff, v33  }
0xa4c: {  	[tilespmem:s2+$0xB310] =	vst.add.f32.msk $0xffff, v34  }
0xa4d: {  	[tilespmem:s2+$0xB320] =	vst.add.f32.msk $0xffff, v35  }
0xa4e: {  	[tilespmem:s2+$0xB330] =	vst.add.f32.msk $0xffff, v36  }
0xa4f: {  	[tilespmem:s2+$0xB340] =	vst.add.f32.msk $0xffff, v37  }
0xa50: {  	[tilespmem:s2+$0xB350] =	vst.add.f32.msk $0xffff, v38  }
0xa51: {  	[tilespmem:s2+$0xB360] =	vst.add.f32.msk $0xffff, v39  }
0xa52: {  	[tilespmem:s2+$0xB370] =	vst.add.f32.msk $0xffff, v40  }
0xa53: {  	[tilespmem:s2+$0xB380] =	vst.add.f32.msk $0xffff, v41  }
0xa54: {  	[tilespmem:s2+$0xB390] =	vst.add.f32.msk $0xffff, v42  }
0xa55: {  	[tilespmem:s2+$0xB3A0] =	vst.add.f32.msk $0xffff, v43  }
0xa56: {  	[tilespmem:s2+$0xB3B0] =	vst.add.f32.msk $0xffff, v44  }
0xa57: {  	[tilespmem:s2+$0xB3C0] =	vst.add.f32.msk $0xffff, v45  }
0xa58: {  	[tilespmem:s2+$0xB3D0] =	vst.add.f32.msk $0xffff, v46  }
0xa59: {  	[tilespmem:s2+$0xB3E0] =	vst.add.f32.msk $0xffff, v47  }
0xa5a: {  	[tilespmem:s2+$0xB3F0] =	vst.add.f32.msk $0xffff, v48  }
0xa5b: {  	[tilespmem:s2+$0xB400] =	vst.add.f32.msk $0xffff, v49  }
0xa5c: {  	[tilespmem:s2+$0xB410] =	vst.add.f32.msk $0xffff, v50  }
0xa5d: {  	[tilespmem:s2+$0xB420] =	vst.add.f32.msk $0xffff, v51  }
0xa5e: {  	[tilespmem:s2+$0xB430] =	vst.add.f32.msk $0xffff, v52  }
0xa5f: {  	[tilespmem:s2+$0xB440] =	vst.add.f32.msk $0xffff, v53  }
0xa60: {  	[tilespmem:s2+$0xB450] =	vst.add.f32.msk $0xffff, v54  }
0xa61: {  	[tilespmem:s2+$0xB460] =	vst.add.f32.msk $0xffff, v55  }
0xa62: {  	[tilespmem:s2+$0xB470] =	vst.add.f32.msk $0xffff, v56  }
0xa63: {  	[tilespmem:s2+$0xB480] =	vst.add.f32.msk $0xffff, v57  }
.Ltmp10:
0xa64: {  	[tilespmem:s2+$0xB490] =	vst.add.f32.msk $0xffff, v58;
	(pc) =	sbr.rel @p0 .LBB2_22-.Ltmp10, $4  }
0xa65: {  	[tilespmem:s2+$0xB4A0] =	vst.add.f32.msk $0xffff, v59  }
0xa66: {  	[tilespmem:s2+$0xB4B0] =	vst.add.f32.msk $0xffff, v60  }
0xa67: {  	[tilespmem:s2+$0xB4C0] =	vst.add.f32.msk $0xffff, v61  }
0xa68: {  	s7 =	sadd.s32 $0x1000, s7;
	[tilespmem:s2+$0xB4D0] =	vst.add.f32.msk $0xffff, v62  }
0xa69: {  	[tilespmem:s2+$0xB4E0] =	vst.add.f32.msk $0xffff, v0;
	s30 =	sadd.s32 $0x680, s9  }
0xa6a: {  	[hbm4b:s30+s5] =	stream.linear.scatter [tilespmem:s18], [sflag:$0x8], $0x3000, $0x38;
	[tilespmem:$0x1A900] =	vst v63  }
0xa6b: {  	_ =	swait.ge [sflag:s21], $0x6400  }
0xa6c: {  	[sflag:s21] =	ssyncset.done $0x0  }
0xa6d: {  	[sflag:s21] =	ssyncadd.s32 $0xFFFF9C00  }
0xa6e: {  	_ =	swait.ge [sflag:s26], $0x6400  }
0xa6f: {  	s0 =	sadd.s32 $0x1, s0;
	s31 =	rddreg [dreg:$0x6]  }
0xa70: {  	p0 =	sne.s32 s0, s31  }
.Ltmp11:
0xa71: {  	_ = 	snop;
	(pc) =	sbr.rel @p0 .LBB2_1-.Ltmp11, $3  }
0xa72: {  	_ =	sdelay $0x1  }
0xa73: {  	[sflag:s26] =	ssyncset.done $0x0  }
0xa74: {  	[sflag:s26] =	ssyncadd.s32 $0xFFFF9C00  }
0xa75: {  	_ =	sfence.sel $0x180000  }
0xa76: {  	[bflag:$0x0] =	sbarrier.arrive $0xFFFF  }
0xa77: {  	_ =	strace $0x90000047  }
0xa78: {  	s0 =	stileid.u32;
	[bflag:$0x2] =	sbarrier.arrive $0xFFFF  }
0xa79: {  	p0 =	sne.s32 s0, $0x0;
	s0 =	rddreg [dreg:$0x4]  }
0xa7a: {  	s0 =	sadd.s32 @!p0 $0x100000, s0  }
0xa7b: {  	[sflag:s0] =	ssyncadd.tile.s32 @!p0 $0x1;
	_ =	shalt  }
.Lfunc_end2:
_tile_overlayer_lowered:
.L_overlay_start_2:
0xa7c: {  	(tag) =	ssettag $0x2  }
0xa7d: {  	s0 =	rddreg [dreg:$0x0];
	s2 =	stileid.u32  }
0xa7e: {  	s1 =	rddreg [dreg:$0x1];
	p0 =	sne.s32 s2, $0x0  }
0xa7f: {  	s3 =	rddreg [dreg:$0x2];
	[bflag:$0x3] =	sbarrier.arrive $0xFFFF;
	s2 =	simm.s32 @!p0 $0x1C0A  }
0xa80: {  	[timem:s3], [sflag:s2] =	dma.local @!p0 [hbm:s0], s1  }
0xa81: {  	s0 =	simm.s32 @!p0 $0xA  }
0xa82: {  	_ =	swait.ge @!p0 [sflag:s0], s1  }
0xa83: {  	s1 =	ssub.s32 @!p0 $0x0, s1;
	[sflag:s0] =	ssyncset.done @!p0 $0x0  }
0xa84: {  	[sflag:s0] =	ssyncadd.s32 @!p0 s1  }
0xa85: {  	[bflag:$0x3] =	sbarrier.arrive $0xFFFF  }
0xa86: {  	_ =	shalt  }

</sc_bundles>
